<compile_context>
chip_gen: v7x
topology: tpu7x:2x2x1
jax: 0.10.2.dev20260603
libtpu: 0.0.44.dev20260713+nightly
codegen_flags: <defaults>
</compile_context>

<pallas_src>
import jax
import jax.numpy as jnp
from jax import lax
from jax.experimental import pallas as pl
from jax.experimental.pallas import tpu as pltpu
from jax.experimental.pallas import tpu_sc as plsc

R = 1024
N = 100000
K = 100
G = 128
BC = 16384
NCB = 7
NGP = NCB * (BC // G)
NGS = NGP
BRA = 32
BR = 128
CAPQ = 256
CAPC = 256
SLACK = 32
NEG = -3.4e38
BIGI = 0x3FFFFFFF


def _gmax_body(preds_ref, mask_ref, gmax_ref, xmt_ref):
    j = pl.program_id(1)
    x = preds_ref[...]
    m = mask_ref[...]
    col = lax.broadcasted_iota(jnp.int32, (BRA, BC), 1) + j * BC
    valid = jnp.logical_and(m, col < N)
    xm = jnp.where(valid, x, NEG)
    x3 = xm.reshape(BRA, BC // G, G)
    gmax_ref[...] = jnp.max(x3, axis=-1)
    xmt_ref[...] = x3


def _run_gmax(preds, mask):
    return pl.pallas_call(
        _gmax_body,
        grid=(R // BRA, NCB),
        in_specs=[
            pl.BlockSpec((BRA, BC), lambda i, j: (i, j)),
            pl.BlockSpec((BRA, BC), lambda i, j: (i, j)),
        ],
        out_specs=[
            pl.BlockSpec((BRA, BC // G), lambda i, j: (i, j)),
            pl.BlockSpec((BRA, BC // G, G), lambda i, j: (i, j, 0)),
        ],
        out_shape=[
            jax.ShapeDtypeStruct((R, NGP), jnp.float32),
            jax.ShapeDtypeStruct((R, NGP, G), jnp.float32),
        ],
    )(preds, mask)


def _thr_body(gmax_ref, thr_ref):
    x = gmax_ref[...]
    b = lax.bitcast_convert_type(x, jnp.uint32)
    sign = b >> 31
    key = jnp.where(sign == 1, ~b, b | jnp.uint32(0x80000000))
    p = jnp.zeros((R, 1), jnp.uint32)
    for bit in range(31, -1, -1):
        cand = p | jnp.uint32(1 << bit)
        cnt = jnp.sum((key >= cand).astype(jnp.int32), axis=1, keepdims=True)
        p = jnp.where(cnt >= K, cand, p)
    back = jnp.where(p >= jnp.uint32(0x80000000), p ^ jnp.uint32(0x80000000), ~p)
    thr_ref[...] = lax.bitcast_convert_type(back, jnp.float32)


def _run_thr(gmax):
    return pl.pallas_call(
        _thr_body,
        out_shape=jax.ShapeDtypeStruct((R, 1), jnp.float32),
    )(gmax)


_ROWS_PER = R // 32


def _sc_body(gmax_hbm, thr_hbm, xmt_hbm,
             cv_hbm, ci_hbm,
             gmax_v, thr_v, qual_v, idx_v, ga_v, cvals_v, cidx_v, sem):
    nc = 2
    wid = lax.axis_index("s") * nc + lax.axis_index("c")
    iota = lax.broadcasted_iota(jnp.int32, (16,), 0)
    pltpu.sync_copy(thr_hbm, thr_v.at[pl.ds(0, R)])
    pltpu.sync_copy(gmax_hbm.at[pl.ds(wid * _ROWS_PER, _ROWS_PER), :], gmax_v)

    def row_step(i, _):
        r = wid * _ROWS_PER + i
        thr_r = thr_v[pl.ds(r, 16)][0]
        thr_vec = jnp.full((16,), thr_r, jnp.float32)

        def init_step(c, carry):
            qual_v[pl.ds(c * 16, 16)] = c * 16 + iota
            cvals_v[pl.ds(c * 16, 16)] = jnp.full((16,), NEG, jnp.float32)
            cidx_v[pl.ds(c * 16, 16)] = jnp.full((16,), BIGI, jnp.int32)
            return carry
        lax.fori_loop(0, (CAPC + SLACK) // 16, init_step, 0)

        def scan_step(c, cur):
            v = gmax_v[i, pl.ds(c * 16, 16)]
            m = jnp.logical_and(v >= thr_vec, cur < CAPQ)
            gids = c * 16 + iota
            plsc.store_compressed(qual_v.at[pl.ds(cur, 16)], gids, mask=m)
            return cur + jnp.sum(m.astype(jnp.int32))
        nq = lax.fori_loop(0, NGS // 16, scan_step, jnp.int32(0))

        def idx_step(c, carry):
            g = qual_v[pl.ds(c * 16, 16)]
            idx_v[pl.ds(c * 16, 16)] = r * NGP + g
            return carry
        lax.fori_loop(0, (CAPQ + SLACK) // 16, idx_step, 0)

        for c in range(CAPQ // 128):

            @pl.when(c * 128 < nq)
            def _():
                pltpu.async_copy(
                    xmt_hbm.at[idx_v.at[pl.ds(c * 128, 128)]],
                    ga_v.at[pl.ds(c * 128, 128), :], sem).wait()

        def filt_step(q, cur):
            g = qual_v[pl.ds(q, 16)][0]
            col0 = g * G
            for h in range(G // 16):
                v = ga_v[q, pl.ds(h * 16, 16)]
                cm = jnp.logical_and(v >= thr_vec, cur < CAPC)
                cols = col0 + h * 16 + iota
                plsc.store_compressed(cvals_v.at[pl.ds(cur, 16)], v, mask=cm)
                plsc.store_compressed(cidx_v.at[pl.ds(cur, 16)], cols, mask=cm)
                cur = cur + jnp.sum(cm.astype(jnp.int32))
            return cur
        lax.fori_loop(0, nq, filt_step, jnp.int32(0))

        pltpu.sync_copy(cvals_v.at[pl.ds(0, CAPC)], cv_hbm.at[r])
        pltpu.sync_copy(cidx_v.at[pl.ds(0, CAPC)], ci_hbm.at[r])
        return 0
    lax.fori_loop(0, _ROWS_PER, row_step, 0)


def _run_sc(gmax, thr, xmt2):
    mesh = plsc.VectorSubcoreMesh(core_axis_name="c", subcore_axis_name="s")
    f = pl.kernel(
        _sc_body,
        out_type=[
            jax.ShapeDtypeStruct((R, CAPC), jnp.float32),
            jax.ShapeDtypeStruct((R, CAPC), jnp.int32),
        ],
        mesh=mesh,
        scratch_types=[
            pltpu.VMEM((_ROWS_PER, NGS), jnp.float32),
            pltpu.VMEM((R + 16,), jnp.float32),
            pltpu.VMEM((CAPQ + SLACK,), jnp.int32),
            pltpu.VMEM((CAPQ + SLACK,), jnp.int32),
            pltpu.VMEM((CAPQ, G), jnp.float32),
            pltpu.VMEM((CAPC + SLACK,), jnp.float32),
            pltpu.VMEM((CAPC + SLACK,), jnp.int32),
            pltpu.SemaphoreType.DMA,
        ],
        compiler_params=pltpu.CompilerParams(needs_layout_passes=False),
    )
    return f(gmax, thr, xmt2)


def _sel_body(cv_ref, ci_ref, vals_ref, idx_ref):
    v = cv_ref[...]
    ci = ci_ref[...]
    for s in range(K):
        m = jnp.max(v, axis=1, keepdims=True)
        eq = v == m
        candi = jnp.where(eq, ci, BIGI)
        sel = jnp.min(candi, axis=1, keepdims=True)
        vals_ref[:, s:s + 1] = m
        idx_ref[:, s:s + 1] = sel
        v = jnp.where(ci == sel, NEG, v)


def _run_sel(cv, ci):
    return pl.pallas_call(
        _sel_body,
        grid=(R // BR,),
        in_specs=[
            pl.BlockSpec((BR, CAPC), lambda i: (i, 0)),
            pl.BlockSpec((BR, CAPC), lambda i: (i, 0)),
        ],
        out_specs=[
            pl.BlockSpec((BR, K), lambda i: (i, 0)),
            pl.BlockSpec((BR, K), lambda i: (i, 0)),
        ],
        out_shape=[
            jax.ShapeDtypeStruct((R, K), jnp.float32),
            jax.ShapeDtypeStruct((R, K), jnp.int32),
        ],
    )(cv, ci)


@jax.jit
def _pipeline(preds, train_mask):
    gmax, xmt = _run_gmax(preds, train_mask)
    thr = _run_thr(gmax).reshape(R)
    xmt2 = xmt.reshape(R * NGP, G)
    cv, ci = _run_sc(gmax, thr, xmt2)
    return _run_sel(cv, ci)


def kernel(preds, train_mask, k):
    values, indices = _pipeline(preds, train_mask)
    delta = jnp.asarray(k, dtype=jnp.int32) - jnp.int32(K)
    values = values + delta.astype(values.dtype)
    indices = indices + delta.astype(indices.dtype)
    return values, indices

# --- scband reference (transcript-rebuilt; emitter-appended) ---
"""Pipeline reference for scband-svdgcnsmodel-75522704933077 (READ-ONLY COPY).

The authoritative reference and input builder live on the scoring server;
editing this copy changes nothing except your own understanding.
"""

import jax, jax.numpy as jnp
import numpy as np


def setup_inputs(seed: int = 0) -> dict:
    key = jax.random.key(seed)
    k1, k2 = jax.random.split(key)
    preds = jax.random.normal(k1, (1024, 100000), dtype=jnp.float32)
    train_mask = jax.random.randint(k2, (1024, 100000), 0, 2).astype(jnp.bool_)
    return {"preds": preds, "train_mask": train_mask, "k": 100}


def reference(preds, train_mask, k):
    # Faithful translation of SVDGCNSModel.get_top_k:
    # torch.where(mask, preds, -inf) followed by torch.topk(..., k, sorted=True)
    masked = jnp.where(train_mask, preds, jnp.float32(-jnp.inf))
    k_static = 100
    values, indices = jax.lax.top_k(masked, k_static)
    delta = (jnp.asarray(k, dtype=jnp.int32) - jnp.int32(k_static))
    values = values + delta.astype(values.dtype)
    indices = indices + delta.astype(indices.dtype)
    return values, indices

if __name__ == "__main__":
    import jax
    _d = setup_inputs()
    print(jax.jit(kernel)(*tuple(_d.values())))

</pallas_src>

<mosaic_0001>
#map = affine_map<(d0, d1) -> (0, 0)>
#map1 = affine_map<(d0, d1) -> (0)>
module attributes {stable_mosaic.version = 14 : i64} {
  func.func @_sc_body(%arg0: i32, %arg1: i32, %arg2: memref<1024x896xf32, #tpu.memory_space<hbm>>, %arg3: memref<1024xf32, #tpu.memory_space<hbm>>, %arg4: memref<917504x128xf32, #tpu.memory_space<hbm>>, %arg5: memref<1024x256xf32, #tpu.memory_space<hbm>>, %arg6: memref<1024x256xi32, #tpu.memory_space<hbm>>, %arg7: memref<32x896xf32, #tpu.memory_space<vmem>>, %arg8: memref<1040xf32, #tpu.memory_space<vmem>>, %arg9: memref<288xi32, #tpu.memory_space<vmem>>, %arg10: memref<288xi32, #tpu.memory_space<vmem>>, %arg11: memref<256x128xf32, #tpu.memory_space<vmem>>, %arg12: memref<288xf32, #tpu.memory_space<vmem>>, %arg13: memref<288xi32, #tpu.memory_space<vmem>>, %arg14: memref<!tpu.dma_semaphore, #tpu.memory_space<semaphore_mem>>) attributes {dimension_semantics = [#tpu.dimension_semantics<core_parallel>, #tpu.dimension_semantics<subcore_parallel>], iteration_bounds = array<i64: 2, 16>, scalar_prefetch = 0 : i64, scratch_operands = 8 : i64, tpu.core_type = #tpu.core_type<sc_vector_subcore>, window_params = [{transform_indices = #map}, {transform_indices = #map1}, {transform_indices = #map}, {transform_indices = #map}, {transform_indices = #map}]} {
    %mul3A = arith.constant 2 : i32
    %mul3A_0 = arith.muli %arg1, %mul3A : i32
    %add3A = arith.addi %mul3A_0, %arg0 : i32
    %iota3A = tpu.iota {dimensions = array<i32: 0>} : vector<16xi32>
    "tpu.region"() ({
      %run_scoped3A = tpu.sem_alloc : memref<!tpu.dma_semaphore, #tpu.memory_space<semaphore_mem>>
      %dma_start3A = arith.constant 0 : i32
      %dma_start3A_9 = tpu.memref_slice %arg8[%dma_start3A] : memref<1040xf32, #tpu.memory_space<vmem>> -> memref<1024xf32, #tpu.memory_space<vmem>>
      %dma_start3A_10 = arith.constant 0 : i32
      %dma_start3A_11 = tpu.memref_slice %arg8[%dma_start3A_10] : memref<1040xf32, #tpu.memory_space<vmem>> -> memref<1024xf32, #tpu.memory_space<vmem>>
      tpu.enqueue_dma source(%arg3 : memref<1024xf32, #tpu.memory_space<hbm>>) target(%dma_start3A_11 : memref<1024xf32, #tpu.memory_space<vmem>>) target_semaphore(%run_scoped3A : memref<!tpu.dma_semaphore, #tpu.memory_space<semaphore_mem>>)
      %dma_wait3A = arith.constant 0 : i32
      %dma_wait3A_12 = tpu.memref_slice %arg8[%dma_wait3A] : memref<1040xf32, #tpu.memory_space<vmem>> -> memref<1024xf32, #tpu.memory_space<vmem>>
      %dma_wait3A_13 = arith.constant 0 : i32
      %dma_wait3A_14 = tpu.memref_slice %arg8[%dma_wait3A_13] : memref<1040xf32, #tpu.memory_space<vmem>> -> memref<1024xf32, #tpu.memory_space<vmem>>
      tpu.wait_dma2 semaphore(%run_scoped3A : memref<!tpu.dma_semaphore, #tpu.memory_space<semaphore_mem>>) src(%arg3 : memref<1024xf32, #tpu.memory_space<hbm>>) dst(%dma_wait3A_14 : memref<1024xf32, #tpu.memory_space<vmem>>)
      tpu.yield
    }) : () -> ()
    %mul3A_1 = arith.constant 32 : i32
    %mul3A_2 = arith.muli %add3A, %mul3A_1 : i32
    "tpu.region"() ({
      %run_scoped3A = tpu.sem_alloc : memref<!tpu.dma_semaphore, #tpu.memory_space<semaphore_mem>>
      %dma_start3A = arith.constant 0 : i32
      %dma_start3A_9 = tpu.memref_slice %arg2[%mul3A_2, %dma_start3A] : memref<1024x896xf32, #tpu.memory_space<hbm>> -> memref<32x896xf32, #tpu.memory_space<hbm>>
      %dma_start3A_10 = arith.constant 0 : i32
      %dma_start3A_11 = tpu.memref_slice %arg2[%mul3A_2, %dma_start3A_10] : memref<1024x896xf32, #tpu.memory_space<hbm>> -> memref<32x896xf32, #tpu.memory_space<hbm>>
      tpu.enqueue_dma source(%dma_start3A_11 : memref<32x896xf32, #tpu.memory_space<hbm>>) target(%arg7 : memref<32x896xf32, #tpu.memory_space<vmem>>) target_semaphore(%run_scoped3A : memref<!tpu.dma_semaphore, #tpu.memory_space<semaphore_mem>>)
      %dma_wait3A = arith.constant 0 : i32
      %dma_wait3A_12 = tpu.memref_slice %arg2[%mul3A_2, %dma_wait3A] : memref<1024x896xf32, #tpu.memory_space<hbm>> -> memref<32x896xf32, #tpu.memory_space<hbm>>
      %dma_wait3A_13 = arith.constant 0 : i32
      %dma_wait3A_14 = tpu.memref_slice %arg2[%mul3A_2, %dma_wait3A_13] : memref<1024x896xf32, #tpu.memory_space<hbm>> -> memref<32x896xf32, #tpu.memory_space<hbm>>
      tpu.wait_dma2 semaphore(%run_scoped3A : memref<!tpu.dma_semaphore, #tpu.memory_space<semaphore_mem>>) src(%dma_wait3A_14 : memref<32x896xf32, #tpu.memory_space<hbm>>) dst(%arg7 : memref<32x896xf32, #tpu.memory_space<vmem>>)
      tpu.yield
    }) : () -> ()
    %scan3A = arith.constant 0 : i32
    %scan3A_3 = arith.constant 0 : i32
    %scan3A_4 = arith.constant 32 : i32
    %scan3A_5 = arith.addi %scan3A_3, %scan3A_4 : i32
    %scan3A_6 = arith.constant 1 : i32
    %scan3A_7 = scf.for %scan3A_9 = %scan3A_3 to %scan3A_5 step %scan3A_6 iter_args(%scan3A_10 = %scan3A) -> (i32)  : i32 {
      %mul3A_11 = arith.constant 32 : i32
      %mul3A_12 = arith.muli %add3A, %mul3A_11 : i32
      %add3A_13 = arith.addi %mul3A_12, %scan3A_9 : i32
      %get3A = arith.index_cast %add3A_13 : i32 to index
      %get3A_14 = tpu.vector_load %arg8[%get3A] {strides = array<i32>} : memref<1040xf32, #tpu.memory_space<vmem>>, vector<16xf32>,
      %slice3A = vector.extract_strided_slice %get3A_14 {offsets = [0], sizes = [1], strides = [1]} : vector<16xf32> to vector<1xf32>
      %squeeze3A = vector.extract %slice3A[0] : f32 from vector<1xf32>
      %broadcast_in_dim3A = vector.broadcast %squeeze3A : f32 to vector<16xf32>
      %scan3A_15 = arith.constant 0 : i32
      %scan3A_16 = arith.constant 0 : i32
      %scan3A_17 = arith.constant 18 : i32
      %scan3A_18 = arith.addi %scan3A_16, %scan3A_17 : i32
      %scan3A_19 = arith.constant 1 : i32
      scf.for %scan3A_53 = %scan3A_16 to %scan3A_18 step %scan3A_19  : i32 {
        %mul3A_54 = arith.constant 16 : i32
        %mul3A_55 = arith.muli %scan3A_53, %mul3A_54 : i32
        %add3A_56 = vector.broadcast %mul3A_55 : i32 to vector<16xi32>
        %add3A_57 = arith.addi %add3A_56, %iota3A : vector<16xi32>
        %mul3A_58 = arith.constant 16 : i32
        %mul3A_59 = arith.muli %scan3A_53, %mul3A_58 : i32
        %swap3A = arith.index_cast %mul3A_59 : i32 to index
        %swap3A_60 = tpu.vector_load %arg9[%swap3A] {strides = array<i32>} : memref<288xi32, #tpu.memory_space<vmem>>, vector<16xi32>,
        tpu.vector_store %arg9[%swap3A], %add3A_57 {strides = array<i32>} : memref<288xi32, #tpu.memory_space<vmem>>, vector<16xi32>,
        %broadcast_in_dim3A_61 = arith.constant -3.400000e+38 : f32
        %broadcast_in_dim3A_62 = vector.broadcast %broadcast_in_dim3A_61 : f32 to vector<16xf32>
        %mul3A_63 = arith.constant 16 : i32
        %mul3A_64 = arith.muli %scan3A_53, %mul3A_63 : i32
        %swap3A_65 = arith.index_cast %mul3A_64 : i32 to index
        %swap3A_66 = tpu.vector_load %arg12[%swap3A_65] {strides = array<i32>} : memref<288xf32, #tpu.memory_space<vmem>>, vector<16xf32>,
        tpu.vector_store %arg12[%swap3A_65], %broadcast_in_dim3A_62 {strides = array<i32>} : memref<288xf32, #tpu.memory_space<vmem>>, vector<16xf32>,
        %broadcast_in_dim3A_67 = arith.constant 1073741823 : i32
        %broadcast_in_dim3A_68 = vector.broadcast %broadcast_in_dim3A_67 : i32 to vector<16xi32>
        %mul3A_69 = arith.constant 16 : i32
        %mul3A_70 = arith.muli %scan3A_53, %mul3A_69 : i32
        %swap3A_71 = arith.index_cast %mul3A_70 : i32 to index
        %swap3A_72 = tpu.vector_load %arg13[%swap3A_71] {strides = array<i32>} : memref<288xi32, #tpu.memory_space<vmem>>, vector<16xi32>,
        tpu.vector_store %arg13[%swap3A_71], %broadcast_in_dim3A_68 {strides = array<i32>} : memref<288xi32, #tpu.memory_space<vmem>>, vector<16xi32>,
      }
      %scan3A_20 = arith.constant 18 : i32
      %scan3A_21 = arith.constant 0 : i32
      %scan3A_22 = arith.constant 0 : i32
      %scan3A_23 = arith.constant 56 : i32
      %scan3A_24 = arith.addi %scan3A_22, %scan3A_23 : i32
      %scan3A_25 = arith.constant 1 : i32
      %scan3A_26 = scf.for %scan3A_53 = %scan3A_22 to %scan3A_24 step %scan3A_25 iter_args(%scan3A_54 = %scan3A_21) -> (i32)  : i32 {
        %mul3A_55 = arith.constant 16 : i32
        %mul3A_56 = arith.muli %scan3A_53, %mul3A_55 : i32
        %get3A_57 = arith.index_cast %scan3A_9 : i32 to index
        %get3A_58 = arith.index_cast %mul3A_56 : i32 to index
        %get3A_59 = tpu.vector_load %arg7[%get3A_57, %get3A_58] {strides = array<i32>} : memref<32x896xf32, #tpu.memory_space<vmem>>, vector<16xf32>,
        %ge3A = arith.cmpf oge, %get3A_59, %broadcast_in_dim3A : vector<16xf32>
        %lt3A = arith.constant 256 : i32
        %lt3A_60 = arith.cmpi slt, %scan3A_54, %lt3A : i32
        %and3A = vector.broadcast %lt3A_60 : i1 to vector<16xi1>
        %and3A_61 = arith.andi %ge3A, %and3A : vector<16xi1>
        %mul3A_62 = arith.constant 16 : i32
        %mul3A_63 = arith.muli %scan3A_53, %mul3A_62 : i32
        %add3A_64 = vector.broadcast %mul3A_63 : i32 to vector<16xi32>
        %add3A_65 = arith.addi %add3A_64, %iota3A : vector<16xi32>
        %swap3A = arith.index_cast %scan3A_54 : i32 to index
        %swap3A_66 = tpu.vector_load %arg9[%swap3A] masked %and3A_61 {strides = array<i32>} : memref<288xi32, #tpu.memory_space<vmem>>, vector<16xi32>, vector<16xi1>
        tpu.vector_store %arg9[%swap3A], %add3A_65 masked %and3A_61 {strides = array<i32>} : memref<288xi32, #tpu.memory_space<vmem>>, vector<16xi32>, vector<16xi1>
        %convert_element_type3A_67 = arith.extui %and3A_61 : vector<16xi1> to vector<16xi32>
        %reduce_sum3A = arith.constant true
        %reduce_sum3A_68 = vector.broadcast %reduce_sum3A : i1 to vector<16xi1>
        %reduce_sum3A_69 = tpu.scan <sum>, %convert_element_type3A_67 masked %reduce_sum3A_68 : vector<16xi32>, vector<16xi1> -> vector<16xi32>
        %reduce_sum3A_70 = vector.extract %reduce_sum3A_69[15] : i32 from vector<16xi32>
        %add3A_71 = arith.addi %scan3A_54, %reduce_sum3A_70 : i32
        scf.yield %add3A_71 : i32
      }
      %scan3A_27 = arith.constant 56 : i32
      %scan3A_28 = arith.constant 0 : i32
      %scan3A_29 = arith.constant 0 : i32
      %scan3A_30 = arith.constant 18 : i32
      %scan3A_31 = arith.addi %scan3A_29, %scan3A_30 : i32
      %scan3A_32 = arith.constant 1 : i32
      scf.for %scan3A_53 = %scan3A_29 to %scan3A_31 step %scan3A_32  : i32 {
        %mul3A_54 = arith.constant 16 : i32
        %mul3A_55 = arith.muli %scan3A_53, %mul3A_54 : i32
        %get3A_56 = arith.index_cast %mul3A_55 : i32 to index
        %get3A_57 = tpu.vector_load %arg9[%get3A_56] {strides = array<i32>} : memref<288xi32, #tpu.memory_space<vmem>>, vector<16xi32>,
        %mul3A_58 = arith.constant 896 : i32
        %mul3A_59 = arith.muli %add3A_13, %mul3A_58 : i32
        %add3A_60 = vector.broadcast %mul3A_59 : i32 to vector<16xi32>
        %add3A_61 = arith.addi %add3A_60, %get3A_57 : vector<16xi32>
        %mul3A_62 = arith.constant 16 : i32
        %mul3A_63 = arith.muli %scan3A_53, %mul3A_62 : i32
        %swap3A = arith.index_cast %mul3A_63 : i32 to index
        %swap3A_64 = tpu.vector_load %arg10[%swap3A] {strides = array<i32>} : memref<288xi32, #tpu.memory_space<vmem>>, vector<16xi32>,
        tpu.vector_store %arg10[%swap3A], %add3A_61 {strides = array<i32>} : memref<288xi32, #tpu.memory_space<vmem>>, vector<16xi32>,
      }
      %scan3A_33 = arith.constant 18 : i32
      %gt3A = arith.constant 0 : i32
      %gt3A_34 = arith.cmpi sgt, %scan3A_26, %gt3A : i32
      %convert_element_type3A = arith.extui %gt3A_34 : i1 to i32
      %cond3A = arith.constant 0 : i32
      %cond3A_35 = arith.cmpi ne, %convert_element_type3A, %cond3A : i32
      scf.if %cond3A_35 {
        %dma_start3A = arith.constant 0 : i32
        %dma_start3A_53 = arith.constant 0 : i32
        %dma_start3A_54 = tpu.memref_slice %arg11[%dma_start3A, %dma_start3A_53] : memref<256x128xf32, #tpu.memory_space<vmem>> -> memref<128x128xf32, #tpu.memory_space<vmem>>
        %dma_start3A_55 = arith.constant 0 : i32
        %dma_start3A_56 = tpu.memref_slice %arg10[%dma_start3A_55] : memref<288xi32, #tpu.memory_space<vmem>> -> memref<128xi32, #tpu.memory_space<vmem>>
        %dma_start3A_57 = arith.constant 0 : i32
        %dma_start3A_58 = arith.constant 0 : i32
        %dma_start3A_59 = tpu.memref_slice %arg4[%dma_start3A_57, %dma_start3A_58] : memref<917504x128xf32, #tpu.memory_space<hbm>> -> memref<917504x128xf32, #tpu.memory_space<hbm>>
        tpu.enqueue_indirect_dma source(%dma_start3A_59 : memref<917504x128xf32, #tpu.memory_space<hbm>>) target(%dma_start3A_54 : memref<128x128xf32, #tpu.memory_space<vmem>>) offsets(%dma_start3A_56 : memref<128xi32, #tpu.memory_space<vmem>>) semaphore(%arg14 : memref<!tpu.dma_semaphore, #tpu.memory_space<semaphore_mem>>)
        %dma_wait3A = arith.constant 0 : i32
        %dma_wait3A_60 = arith.constant 0 : i32
        %dma_wait3A_61 = tpu.memref_slice %arg11[%dma_wait3A, %dma_wait3A_60] : memref<256x128xf32, #tpu.memory_space<vmem>> -> memref<128x128xf32, #tpu.memory_space<vmem>>
        %dma_wait3A_62 = arith.constant 0 : i32
        %dma_wait3A_63 = tpu.memref_slice %arg10[%dma_wait3A_62] : memref<288xi32, #tpu.memory_space<vmem>> -> memref<128xi32, #tpu.memory_space<vmem>>
        %dma_wait3A_64 = arith.constant 0 : i32
        %dma_wait3A_65 = arith.constant 0 : i32
        %dma_wait3A_66 = tpu.memref_slice %arg4[%dma_wait3A_64, %dma_wait3A_65] : memref<917504x128xf32, #tpu.memory_space<hbm>> -> memref<917504x128xf32, #tpu.memory_space<hbm>>
        tpu.wait_indirect_dma semaphore(%arg14 : memref<!tpu.dma_semaphore, #tpu.memory_space<semaphore_mem>>) src(%dma_wait3A_66 : memref<917504x128xf32, #tpu.memory_space<hbm>>) dst(%dma_wait3A_61 : memref<128x128xf32, #tpu.memory_space<vmem>>)
      } else {
      }
      %gt3A_36 = arith.constant 128 : i32
      %gt3A_37 = arith.cmpi sgt, %scan3A_26, %gt3A_36 : i32
      %convert_element_type3A_38 = arith.extui %gt3A_37 : i1 to i32
      %cond3A_39 = arith.constant 0 : i32
      %cond3A_40 = arith.cmpi ne, %convert_element_type3A_38, %cond3A_39 : i32
      scf.if %cond3A_40 {
        %dma_start3A = arith.constant 128 : i32
        %dma_start3A_53 = arith.constant 0 : i32
        %dma_start3A_54 = tpu.memref_slice %arg11[%dma_start3A, %dma_start3A_53] : memref<256x128xf32, #tpu.memory_space<vmem>> -> memref<128x128xf32, #tpu.memory_space<vmem>>
        %dma_start3A_55 = arith.constant 128 : i32
        %dma_start3A_56 = tpu.memref_slice %arg10[%dma_start3A_55] : memref<288xi32, #tpu.memory_space<vmem>> -> memref<128xi32, #tpu.memory_space<vmem>>
        %dma_start3A_57 = arith.constant 0 : i32
        %dma_start3A_58 = arith.constant 0 : i32
        %dma_start3A_59 = tpu.memref_slice %arg4[%dma_start3A_57, %dma_start3A_58] : memref<917504x128xf32, #tpu.memory_space<hbm>> -> memref<917504x128xf32, #tpu.memory_space<hbm>>
        tpu.enqueue_indirect_dma source(%dma_start3A_59 : memref<917504x128xf32, #tpu.memory_space<hbm>>) target(%dma_start3A_54 : memref<128x128xf32, #tpu.memory_space<vmem>>) offsets(%dma_start3A_56 : memref<128xi32, #tpu.memory_space<vmem>>) semaphore(%arg14 : memref<!tpu.dma_semaphore, #tpu.memory_space<semaphore_mem>>)
        %dma_wait3A = arith.constant 128 : i32
        %dma_wait3A_60 = arith.constant 0 : i32
        %dma_wait3A_61 = tpu.memref_slice %arg11[%dma_wait3A, %dma_wait3A_60] : memref<256x128xf32, #tpu.memory_space<vmem>> -> memref<128x128xf32, #tpu.memory_space<vmem>>
        %dma_wait3A_62 = arith.constant 128 : i32
        %dma_wait3A_63 = tpu.memref_slice %arg10[%dma_wait3A_62] : memref<288xi32, #tpu.memory_space<vmem>> -> memref<128xi32, #tpu.memory_space<vmem>>
        %dma_wait3A_64 = arith.constant 0 : i32
        %dma_wait3A_65 = arith.constant 0 : i32
        %dma_wait3A_66 = tpu.memref_slice %arg4[%dma_wait3A_64, %dma_wait3A_65] : memref<917504x128xf32, #tpu.memory_space<hbm>> -> memref<917504x128xf32, #tpu.memory_space<hbm>>
        tpu.wait_indirect_dma semaphore(%arg14 : memref<!tpu.dma_semaphore, #tpu.memory_space<semaphore_mem>>) src(%dma_wait3A_66 : memref<917504x128xf32, #tpu.memory_space<hbm>>) dst(%dma_wait3A_61 : memref<128x128xf32, #tpu.memory_space<vmem>>)
      } else {
      }
      %while3A = arith.constant 0 : i32
      %while3A_41 = arith.constant 0 : i32
      %while3A_42 = arith.subi %scan3A_26, %while3A : i32
      %while3A_43 = arith.addi %while3A, %while3A_42 : i32
      %while3A_44 = arith.constant 1 : i32
      %while3A_45 = arith.divsi %while3A_42, %while3A_44 : i32
      %while3A_46 = arith.muli %while3A_45, %while3A_44 : i32
      %while3A_47 = arith.addi %while3A, %while3A_46 : i32
      %while3A_48 = arith.constant 1 : i32
      %while3A_49 = scf.for %while3A_53 = %while3A to %while3A_47 step %while3A_48 iter_args(%while3A_54 = %while3A_41) -> (i32)  : i32 {
        %get3A_55 = arith.index_cast %while3A_53 : i32 to index
        %get3A_56 = tpu.vector_load %arg9[%get3A_55] {strides = array<i32>} : memref<288xi32, #tpu.memory_space<vmem>>, vector<16xi32>,
        %slice3A_57 = vector.extract_strided_slice %get3A_56 {offsets = [0], sizes = [1], strides = [1]} : vector<16xi32> to vector<1xi32>
        %squeeze3A_58 = vector.extract %slice3A_57[0] : i32 from vector<1xi32>
        %mul3A_59 = arith.constant 128 : i32
        %mul3A_60 = arith.muli %squeeze3A_58, %mul3A_59 : i32
        %get3A_61 = arith.index_cast %while3A_53 : i32 to index
        %get3A_62 = arith.constant 0 : index
        %get3A_63 = tpu.vector_load %arg11[%get3A_61, %get3A_62] {strides = array<i32>} : memref<256x128xf32, #tpu.memory_space<vmem>>, vector<16xf32>,
        %ge3A = arith.cmpf oge, %get3A_63, %broadcast_in_dim3A : vector<16xf32>
        %lt3A = arith.constant 256 : i32
        %lt3A_64 = arith.cmpi slt, %while3A_54, %lt3A : i32
        %and3A = vector.broadcast %lt3A_64 : i1 to vector<16xi1>
        %and3A_65 = arith.andi %ge3A, %and3A : vector<16xi1>
        %add3A_66 = arith.constant 0 : i32
        %add3A_67 = arith.addi %mul3A_60, %add3A_66 : i32
        %add3A_68 = vector.broadcast %add3A_67 : i32 to vector<16xi32>
        %add3A_69 = arith.addi %add3A_68, %iota3A : vector<16xi32>
        %swap3A = arith.index_cast %while3A_54 : i32 to index
        %swap3A_70 = tpu.vector_load %arg12[%swap3A] masked %and3A_65 {strides = array<i32>} : memref<288xf32, #tpu.memory_space<vmem>>, vector<16xf32>, vector<16xi1>
        tpu.vector_store %arg12[%swap3A], %get3A_63 masked %and3A_65 {strides = array<i32>} : memref<288xf32, #tpu.memory_space<vmem>>, vector<16xf32>, vector<16xi1>
        %swap3A_71 = arith.index_cast %while3A_54 : i32 to index
        %swap3A_72 = tpu.vector_load %arg13[%swap3A_71] masked %and3A_65 {strides = array<i32>} : memref<288xi32, #tpu.memory_space<vmem>>, vector<16xi32>, vector<16xi1>
        tpu.vector_store %arg13[%swap3A_71], %add3A_69 masked %and3A_65 {strides = array<i32>} : memref<288xi32, #tpu.memory_space<vmem>>, vector<16xi32>, vector<16xi1>
        %convert_element_type3A_73 = arith.extui %and3A_65 : vector<16xi1> to vector<16xi32>
        %reduce_sum3A = arith.constant true
        %reduce_sum3A_74 = vector.broadcast %reduce_sum3A : i1 to vector<16xi1>
        %reduce_sum3A_75 = tpu.scan <sum>, %convert_element_type3A_73 masked %reduce_sum3A_74 : vector<16xi32>, vector<16xi1> -> vector<16xi32>
        %reduce_sum3A_76 = vector.extract %reduce_sum3A_75[15] : i32 from vector<16xi32>
        %add3A_77 = arith.addi %while3A_54, %reduce_sum3A_76 : i32
        %get3A_78 = arith.index_cast %while3A_53 : i32 to index
        %get3A_79 = arith.constant 16 : index
        %get3A_80 = tpu.vector_load %arg11[%get3A_78, %get3A_79] {strides = array<i32>} : memref<256x128xf32, #tpu.memory_space<vmem>>, vector<16xf32>,
        %ge3A_81 = arith.cmpf oge, %get3A_80, %broadcast_in_dim3A : vector<16xf32>
        %lt3A_82 = arith.constant 256 : i32
        %lt3A_83 = arith.cmpi slt, %add3A_77, %lt3A_82 : i32
        %and3A_84 = vector.broadcast %lt3A_83 : i1 to vector<16xi1>
        %and3A_85 = arith.andi %ge3A_81, %and3A_84 : vector<16xi1>
        %add3A_86 = arith.constant 16 : i32
        %add3A_87 = arith.addi %mul3A_60, %add3A_86 : i32
        %add3A_88 = vector.broadcast %add3A_87 : i32 to vector<16xi32>
        %add3A_89 = arith.addi %add3A_88, %iota3A : vector<16xi32>
        %swap3A_90 = arith.index_cast %add3A_77 : i32 to index
        %swap3A_91 = tpu.vector_load %arg12[%swap3A_90] masked %and3A_85 {strides = array<i32>} : memref<288xf32, #tpu.memory_space<vmem>>, vector<16xf32>, vector<16xi1>
        tpu.vector_store %arg12[%swap3A_90], %get3A_80 masked %and3A_85 {strides = array<i32>} : memref<288xf32, #tpu.memory_space<vmem>>, vector<16xf32>, vector<16xi1>
        %swap3A_92 = arith.index_cast %add3A_77 : i32 to index
        %swap3A_93 = tpu.vector_load %arg13[%swap3A_92] masked %and3A_85 {strides = array<i32>} : memref<288xi32, #tpu.memory_space<vmem>>, vector<16xi32>, vector<16xi1>
        tpu.vector_store %arg13[%swap3A_92], %add3A_89 masked %and3A_85 {strides = array<i32>} : memref<288xi32, #tpu.memory_space<vmem>>, vector<16xi32>, vector<16xi1>
        %convert_element_type3A_94 = arith.extui %and3A_85 : vector<16xi1> to vector<16xi32>
        %reduce_sum3A_95 = arith.constant true
        %reduce_sum3A_96 = vector.broadcast %reduce_sum3A_95 : i1 to vector<16xi1>
        %reduce_sum3A_97 = tpu.scan <sum>, %convert_element_type3A_94 masked %reduce_sum3A_96 : vector<16xi32>, vector<16xi1> -> vector<16xi32>
        %reduce_sum3A_98 = vector.extract %reduce_sum3A_97[15] : i32 from vector<16xi32>
        %add3A_99 = arith.addi %add3A_77, %reduce_sum3A_98 : i32
        %get3A_100 = arith.index_cast %while3A_53 : i32 to index
        %get3A_101 = arith.constant 32 : index
        %get3A_102 = tpu.vector_load %arg11[%get3A_100, %get3A_101] {strides = array<i32>} : memref<256x128xf32, #tpu.memory_space<vmem>>, vector<16xf32>,
        %ge3A_103 = arith.cmpf oge, %get3A_102, %broadcast_in_dim3A : vector<16xf32>
        %lt3A_104 = arith.constant 256 : i32
        %lt3A_105 = arith.cmpi slt, %add3A_99, %lt3A_104 : i32
        %and3A_106 = vector.broadcast %lt3A_105 : i1 to vector<16xi1>
        %and3A_107 = arith.andi %ge3A_103, %and3A_106 : vector<16xi1>
        %add3A_108 = arith.constant 32 : i32
        %add3A_109 = arith.addi %mul3A_60, %add3A_108 : i32
        %add3A_110 = vector.broadcast %add3A_109 : i32 to vector<16xi32>
        %add3A_111 = arith.addi %add3A_110, %iota3A : vector<16xi32>
        %swap3A_112 = arith.index_cast %add3A_99 : i32 to index
        %swap3A_113 = tpu.vector_load %arg12[%swap3A_112] masked %and3A_107 {strides = array<i32>} : memref<288xf32, #tpu.memory_space<vmem>>, vector<16xf32>, vector<16xi1>
        tpu.vector_store %arg12[%swap3A_112], %get3A_102 masked %and3A_107 {strides = array<i32>} : memref<288xf32, #tpu.memory_space<vmem>>, vector<16xf32>, vector<16xi1>
        %swap3A_114 = arith.index_cast %add3A_99 : i32 to index
        %swap3A_115 = tpu.vector_load %arg13[%swap3A_114] masked %and3A_107 {strides = array<i32>} : memref<288xi32, #tpu.memory_space<vmem>>, vector<16xi32>, vector<16xi1>
        tpu.vector_store %arg13[%swap3A_114], %add3A_111 masked %and3A_107 {strides = array<i32>} : memref<288xi32, #tpu.memory_space<vmem>>, vector<16xi32>, vector<16xi1>
        %convert_element_type3A_116 = arith.extui %and3A_107 : vector<16xi1> to vector<16xi32>
        %reduce_sum3A_117 = arith.constant true
        %reduce_sum3A_118 = vector.broadcast %reduce_sum3A_117 : i1 to vector<16xi1>
        %reduce_sum3A_119 = tpu.scan <sum>, %convert_element_type3A_116 masked %reduce_sum3A_118 : vector<16xi32>, vector<16xi1> -> vector<16xi32>
        %reduce_sum3A_120 = vector.extract %reduce_sum3A_119[15] : i32 from vector<16xi32>
        %add3A_121 = arith.addi %add3A_99, %reduce_sum3A_120 : i32
        %get3A_122 = arith.index_cast %while3A_53 : i32 to index
        %get3A_123 = arith.constant 48 : index
        %get3A_124 = tpu.vector_load %arg11[%get3A_122, %get3A_123] {strides = array<i32>} : memref<256x128xf32, #tpu.memory_space<vmem>>, vector<16xf32>,
        %ge3A_125 = arith.cmpf oge, %get3A_124, %broadcast_in_dim3A : vector<16xf32>
        %lt3A_126 = arith.constant 256 : i32
        %lt3A_127 = arith.cmpi slt, %add3A_121, %lt3A_126 : i32
        %and3A_128 = vector.broadcast %lt3A_127 : i1 to vector<16xi1>
        %and3A_129 = arith.andi %ge3A_125, %and3A_128 : vector<16xi1>
        %add3A_130 = arith.constant 48 : i32
        %add3A_131 = arith.addi %mul3A_60, %add3A_130 : i32
        %add3A_132 = vector.broadcast %add3A_131 : i32 to vector<16xi32>
        %add3A_133 = arith.addi %add3A_132, %iota3A : vector<16xi32>
        %swap3A_134 = arith.index_cast %add3A_121 : i32 to index
        %swap3A_135 = tpu.vector_load %arg12[%swap3A_134] masked %and3A_129 {strides = array<i32>} : memref<288xf32, #tpu.memory_space<vmem>>, vector<16xf32>, vector<16xi1>
        tpu.vector_store %arg12[%swap3A_134], %get3A_124 masked %and3A_129 {strides = array<i32>} : memref<288xf32, #tpu.memory_space<vmem>>, vector<16xf32>, vector<16xi1>
        %swap3A_136 = arith.index_cast %add3A_121 : i32 to index
        %swap3A_137 = tpu.vector_load %arg13[%swap3A_136] masked %and3A_129 {strides = array<i32>} : memref<288xi32, #tpu.memory_space<vmem>>, vector<16xi32>, vector<16xi1>
        tpu.vector_store %arg13[%swap3A_136], %add3A_133 masked %and3A_129 {strides = array<i32>} : memref<288xi32, #tpu.memory_space<vmem>>, vector<16xi32>, vector<16xi1>
        %convert_element_type3A_138 = arith.extui %and3A_129 : vector<16xi1> to vector<16xi32>
        %reduce_sum3A_139 = arith.constant true
        %reduce_sum3A_140 = vector.broadcast %reduce_sum3A_139 : i1 to vector<16xi1>
        %reduce_sum3A_141 = tpu.scan <sum>, %convert_element_type3A_138 masked %reduce_sum3A_140 : vector<16xi32>, vector<16xi1> -> vector<16xi32>
        %reduce_sum3A_142 = vector.extract %reduce_sum3A_141[15] : i32 from vector<16xi32>
        %add3A_143 = arith.addi %add3A_121, %reduce_sum3A_142 : i32
        %get3A_144 = arith.index_cast %while3A_53 : i32 to index
        %get3A_145 = arith.constant 64 : index
        %get3A_146 = tpu.vector_load %arg11[%get3A_144, %get3A_145] {strides = array<i32>} : memref<256x128xf32, #tpu.memory_space<vmem>>, vector<16xf32>,
        %ge3A_147 = arith.cmpf oge, %get3A_146, %broadcast_in_dim3A : vector<16xf32>
        %lt3A_148 = arith.constant 256 : i32
        %lt3A_149 = arith.cmpi slt, %add3A_143, %lt3A_148 : i32
        %and3A_150 = vector.broadcast %lt3A_149 : i1 to vector<16xi1>
        %and3A_151 = arith.andi %ge3A_147, %and3A_150 : vector<16xi1>
        %add3A_152 = arith.constant 64 : i32
        %add3A_153 = arith.addi %mul3A_60, %add3A_152 : i32
        %add3A_154 = vector.broadcast %add3A_153 : i32 to vector<16xi32>
        %add3A_155 = arith.addi %add3A_154, %iota3A : vector<16xi32>
        %swap3A_156 = arith.index_cast %add3A_143 : i32 to index
        %swap3A_157 = tpu.vector_load %arg12[%swap3A_156] masked %and3A_151 {strides = array<i32>} : memref<288xf32, #tpu.memory_space<vmem>>, vector<16xf32>, vector<16xi1>
        tpu.vector_store %arg12[%swap3A_156], %get3A_146 masked %and3A_151 {strides = array<i32>} : memref<288xf32, #tpu.memory_space<vmem>>, vector<16xf32>, vector<16xi1>
        %swap3A_158 = arith.index_cast %add3A_143 : i32 to index
        %swap3A_159 = tpu.vector_load %arg13[%swap3A_158] masked %and3A_151 {strides = array<i32>} : memref<288xi32, #tpu.memory_space<vmem>>, vector<16xi32>, vector<16xi1>
        tpu.vector_store %arg13[%swap3A_158], %add3A_155 masked %and3A_151 {strides = array<i32>} : memref<288xi32, #tpu.memory_space<vmem>>, vector<16xi32>, vector<16xi1>
        %convert_element_type3A_160 = arith.extui %and3A_151 : vector<16xi1> to vector<16xi32>
        %reduce_sum3A_161 = arith.constant true
        %reduce_sum3A_162 = vector.broadcast %reduce_sum3A_161 : i1 to vector<16xi1>
        %reduce_sum3A_163 = tpu.scan <sum>, %convert_element_type3A_160 masked %reduce_sum3A_162 : vector<16xi32>, vector<16xi1> -> vector<16xi32>
        %reduce_sum3A_164 = vector.extract %reduce_sum3A_163[15] : i32 from vector<16xi32>
        %add3A_165 = arith.addi %add3A_143, %reduce_sum3A_164 : i32
        %get3A_166 = arith.index_cast %while3A_53 : i32 to index
        %get3A_167 = arith.constant 80 : index
        %get3A_168 = tpu.vector_load %arg11[%get3A_166, %get3A_167] {strides = array<i32>} : memref<256x128xf32, #tpu.memory_space<vmem>>, vector<16xf32>,
        %ge3A_169 = arith.cmpf oge, %get3A_168, %broadcast_in_dim3A : vector<16xf32>
        %lt3A_170 = arith.constant 256 : i32
        %lt3A_171 = arith.cmpi slt, %add3A_165, %lt3A_170 : i32
        %and3A_172 = vector.broadcast %lt3A_171 : i1 to vector<16xi1>
        %and3A_173 = arith.andi %ge3A_169, %and3A_172 : vector<16xi1>
        %add3A_174 = arith.constant 80 : i32
        %add3A_175 = arith.addi %mul3A_60, %add3A_174 : i32
        %add3A_176 = vector.broadcast %add3A_175 : i32 to vector<16xi32>
        %add3A_177 = arith.addi %add3A_176, %iota3A : vector<16xi32>
        %swap3A_178 = arith.index_cast %add3A_165 : i32 to index
        %swap3A_179 = tpu.vector_load %arg12[%swap3A_178] masked %and3A_173 {strides = array<i32>} : memref<288xf32, #tpu.memory_space<vmem>>, vector<16xf32>, vector<16xi1>
        tpu.vector_store %arg12[%swap3A_178], %get3A_168 masked %and3A_173 {strides = array<i32>} : memref<288xf32, #tpu.memory_space<vmem>>, vector<16xf32>, vector<16xi1>
        %swap3A_180 = arith.index_cast %add3A_165 : i32 to index
        %swap3A_181 = tpu.vector_load %arg13[%swap3A_180] masked %and3A_173 {strides = array<i32>} : memref<288xi32, #tpu.memory_space<vmem>>, vector<16xi32>, vector<16xi1>
        tpu.vector_store %arg13[%swap3A_180], %add3A_177 masked %and3A_173 {strides = array<i32>} : memref<288xi32, #tpu.memory_space<vmem>>, vector<16xi32>, vector<16xi1>
        %convert_element_type3A_182 = arith.extui %and3A_173 : vector<16xi1> to vector<16xi32>
        %reduce_sum3A_183 = arith.constant true
        %reduce_sum3A_184 = vector.broadcast %reduce_sum3A_183 : i1 to vector<16xi1>
        %reduce_sum3A_185 = tpu.scan <sum>, %convert_element_type3A_182 masked %reduce_sum3A_184 : vector<16xi32>, vector<16xi1> -> vector<16xi32>
        %reduce_sum3A_186 = vector.extract %reduce_sum3A_185[15] : i32 from vector<16xi32>
        %add3A_187 = arith.addi %add3A_165, %reduce_sum3A_186 : i32
        %get3A_188 = arith.index_cast %while3A_53 : i32 to index
        %get3A_189 = arith.constant 96 : index
        %get3A_190 = tpu.vector_load %arg11[%get3A_188, %get3A_189] {strides = array<i32>} : memref<256x128xf32, #tpu.memory_space<vmem>>, vector<16xf32>,
        %ge3A_191 = arith.cmpf oge, %get3A_190, %broadcast_in_dim3A : vector<16xf32>
        %lt3A_192 = arith.constant 256 : i32
        %lt3A_193 = arith.cmpi slt, %add3A_187, %lt3A_192 : i32
        %and3A_194 = vector.broadcast %lt3A_193 : i1 to vector<16xi1>
        %and3A_195 = arith.andi %ge3A_191, %and3A_194 : vector<16xi1>
        %add3A_196 = arith.constant 96 : i32
        %add3A_197 = arith.addi %mul3A_60, %add3A_196 : i32
        %add3A_198 = vector.broadcast %add3A_197 : i32 to vector<16xi32>
        %add3A_199 = arith.addi %add3A_198, %iota3A : vector<16xi32>
        %swap3A_200 = arith.index_cast %add3A_187 : i32 to index
        %swap3A_201 = tpu.vector_load %arg12[%swap3A_200] masked %and3A_195 {strides = array<i32>} : memref<288xf32, #tpu.memory_space<vmem>>, vector<16xf32>, vector<16xi1>
        tpu.vector_store %arg12[%swap3A_200], %get3A_190 masked %and3A_195 {strides = array<i32>} : memref<288xf32, #tpu.memory_space<vmem>>, vector<16xf32>, vector<16xi1>
        %swap3A_202 = arith.index_cast %add3A_187 : i32 to index
        %swap3A_203 = tpu.vector_load %arg13[%swap3A_202] masked %and3A_195 {strides = array<i32>} : memref<288xi32, #tpu.memory_space<vmem>>, vector<16xi32>, vector<16xi1>
        tpu.vector_store %arg13[%swap3A_202], %add3A_199 masked %and3A_195 {strides = array<i32>} : memref<288xi32, #tpu.memory_space<vmem>>, vector<16xi32>, vector<16xi1>
        %convert_element_type3A_204 = arith.extui %and3A_195 : vector<16xi1> to vector<16xi32>
        %reduce_sum3A_205 = arith.constant true
        %reduce_sum3A_206 = vector.broadcast %reduce_sum3A_205 : i1 to vector<16xi1>
        %reduce_sum3A_207 = tpu.scan <sum>, %convert_element_type3A_204 masked %reduce_sum3A_206 : vector<16xi32>, vector<16xi1> -> vector<16xi32>
        %reduce_sum3A_208 = vector.extract %reduce_sum3A_207[15] : i32 from vector<16xi32>
        %add3A_209 = arith.addi %add3A_187, %reduce_sum3A_208 : i32
        %get3A_210 = arith.index_cast %while3A_53 : i32 to index
        %get3A_211 = arith.constant 112 : index
        %get3A_212 = tpu.vector_load %arg11[%get3A_210, %get3A_211] {strides = array<i32>} : memref<256x128xf32, #tpu.memory_space<vmem>>, vector<16xf32>,
        %ge3A_213 = arith.cmpf oge, %get3A_212, %broadcast_in_dim3A : vector<16xf32>
        %lt3A_214 = arith.constant 256 : i32
        %lt3A_215 = arith.cmpi slt, %add3A_209, %lt3A_214 : i32
        %and3A_216 = vector.broadcast %lt3A_215 : i1 to vector<16xi1>
        %and3A_217 = arith.andi %ge3A_213, %and3A_216 : vector<16xi1>
        %add3A_218 = arith.constant 112 : i32
        %add3A_219 = arith.addi %mul3A_60, %add3A_218 : i32
        %add3A_220 = vector.broadcast %add3A_219 : i32 to vector<16xi32>
        %add3A_221 = arith.addi %add3A_220, %iota3A : vector<16xi32>
        %swap3A_222 = arith.index_cast %add3A_209 : i32 to index
        %swap3A_223 = tpu.vector_load %arg12[%swap3A_222] masked %and3A_217 {strides = array<i32>} : memref<288xf32, #tpu.memory_space<vmem>>, vector<16xf32>, vector<16xi1>
        tpu.vector_store %arg12[%swap3A_222], %get3A_212 masked %and3A_217 {strides = array<i32>} : memref<288xf32, #tpu.memory_space<vmem>>, vector<16xf32>, vector<16xi1>
        %swap3A_224 = arith.index_cast %add3A_209 : i32 to index
        %swap3A_225 = tpu.vector_load %arg13[%swap3A_224] masked %and3A_217 {strides = array<i32>} : memref<288xi32, #tpu.memory_space<vmem>>, vector<16xi32>, vector<16xi1>
        tpu.vector_store %arg13[%swap3A_224], %add3A_221 masked %and3A_217 {strides = array<i32>} : memref<288xi32, #tpu.memory_space<vmem>>, vector<16xi32>, vector<16xi1>
        %convert_element_type3A_226 = arith.extui %and3A_217 : vector<16xi1> to vector<16xi32>
        %reduce_sum3A_227 = arith.constant true
        %reduce_sum3A_228 = vector.broadcast %reduce_sum3A_227 : i1 to vector<16xi1>
        %reduce_sum3A_229 = tpu.scan <sum>, %convert_element_type3A_226 masked %reduce_sum3A_228 : vector<16xi32>, vector<16xi1> -> vector<16xi32>
        %reduce_sum3A_230 = vector.extract %reduce_sum3A_229[15] : i32 from vector<16xi32>
        %add3A_231 = arith.addi %add3A_209, %reduce_sum3A_230 : i32
        scf.yield %add3A_231 : i32
      }
      %while3A_50 = arith.constant 1 : i32
      %while3A_51 = scf.for %while3A_53 = %while3A_47 to %while3A_43 step %while3A_50 iter_args(%while3A_54 = %while3A_49) -> (i32)  : i32 {
        %get3A_55 = arith.index_cast %while3A_53 : i32 to index
        %get3A_56 = tpu.vector_load %arg9[%get3A_55] {strides = array<i32>} : memref<288xi32, #tpu.memory_space<vmem>>, vector<16xi32>,
        %slice3A_57 = vector.extract_strided_slice %get3A_56 {offsets = [0], sizes = [1], strides = [1]} : vector<16xi32> to vector<1xi32>
        %squeeze3A_58 = vector.extract %slice3A_57[0] : i32 from vector<1xi32>
        %mul3A_59 = arith.constant 128 : i32
        %mul3A_60 = arith.muli %squeeze3A_58, %mul3A_59 : i32
        %get3A_61 = arith.index_cast %while3A_53 : i32 to index
        %get3A_62 = arith.constant 0 : index
        %get3A_63 = tpu.vector_load %arg11[%get3A_61, %get3A_62] {strides = array<i32>} : memref<256x128xf32, #tpu.memory_space<vmem>>, vector<16xf32>,
        %ge3A = arith.cmpf oge, %get3A_63, %broadcast_in_dim3A : vector<16xf32>
        %lt3A = arith.constant 256 : i32
        %lt3A_64 = arith.cmpi slt, %while3A_54, %lt3A : i32
        %and3A = vector.broadcast %lt3A_64 : i1 to vector<16xi1>
        %and3A_65 = arith.andi %ge3A, %and3A : vector<16xi1>
        %add3A_66 = arith.constant 0 : i32
        %add3A_67 = arith.addi %mul3A_60, %add3A_66 : i32
        %add3A_68 = vector.broadcast %add3A_67 : i32 to vector<16xi32>
        %add3A_69 = arith.addi %add3A_68, %iota3A : vector<16xi32>
        %swap3A = arith.index_cast %while3A_54 : i32 to index
        %swap3A_70 = tpu.vector_load %arg12[%swap3A] masked %and3A_65 {strides = array<i32>} : memref<288xf32, #tpu.memory_space<vmem>>, vector<16xf32>, vector<16xi1>
        tpu.vector_store %arg12[%swap3A], %get3A_63 masked %and3A_65 {strides = array<i32>} : memref<288xf32, #tpu.memory_space<vmem>>, vector<16xf32>, vector<16xi1>
        %swap3A_71 = arith.index_cast %while3A_54 : i32 to index
        %swap3A_72 = tpu.vector_load %arg13[%swap3A_71] masked %and3A_65 {strides = array<i32>} : memref<288xi32, #tpu.memory_space<vmem>>, vector<16xi32>, vector<16xi1>
        tpu.vector_store %arg13[%swap3A_71], %add3A_69 masked %and3A_65 {strides = array<i32>} : memref<288xi32, #tpu.memory_space<vmem>>, vector<16xi32>, vector<16xi1>
        %convert_element_type3A_73 = arith.extui %and3A_65 : vector<16xi1> to vector<16xi32>
        %reduce_sum3A = arith.constant true
        %reduce_sum3A_74 = vector.broadcast %reduce_sum3A : i1 to vector<16xi1>
        %reduce_sum3A_75 = tpu.scan <sum>, %convert_element_type3A_73 masked %reduce_sum3A_74 : vector<16xi32>, vector<16xi1> -> vector<16xi32>
        %reduce_sum3A_76 = vector.extract %reduce_sum3A_75[15] : i32 from vector<16xi32>
        %add3A_77 = arith.addi %while3A_54, %reduce_sum3A_76 : i32
        %get3A_78 = arith.index_cast %while3A_53 : i32 to index
        %get3A_79 = arith.constant 16 : index
        %get3A_80 = tpu.vector_load %arg11[%get3A_78, %get3A_79] {strides = array<i32>} : memref<256x128xf32, #tpu.memory_space<vmem>>, vector<16xf32>,
        %ge3A_81 = arith.cmpf oge, %get3A_80, %broadcast_in_dim3A : vector<16xf32>
        %lt3A_82 = arith.constant 256 : i32
        %lt3A_83 = arith.cmpi slt, %add3A_77, %lt3A_82 : i32
        %and3A_84 = vector.broadcast %lt3A_83 : i1 to vector<16xi1>
        %and3A_85 = arith.andi %ge3A_81, %and3A_84 : vector<16xi1>
        %add3A_86 = arith.constant 16 : i32
        %add3A_87 = arith.addi %mul3A_60, %add3A_86 : i32
        %add3A_88 = vector.broadcast %add3A_87 : i32 to vector<16xi32>
        %add3A_89 = arith.addi %add3A_88, %iota3A : vector<16xi32>
        %swap3A_90 = arith.index_cast %add3A_77 : i32 to index
        %swap3A_91 = tpu.vector_load %arg12[%swap3A_90] masked %and3A_85 {strides = array<i32>} : memref<288xf32, #tpu.memory_space<vmem>>, vector<16xf32>, vector<16xi1>
        tpu.vector_store %arg12[%swap3A_90], %get3A_80 masked %and3A_85 {strides = array<i32>} : memref<288xf32, #tpu.memory_space<vmem>>, vector<16xf32>, vector<16xi1>
        %swap3A_92 = arith.index_cast %add3A_77 : i32 to index
        %swap3A_93 = tpu.vector_load %arg13[%swap3A_92] masked %and3A_85 {strides = array<i32>} : memref<288xi32, #tpu.memory_space<vmem>>, vector<16xi32>, vector<16xi1>
        tpu.vector_store %arg13[%swap3A_92], %add3A_89 masked %and3A_85 {strides = array<i32>} : memref<288xi32, #tpu.memory_space<vmem>>, vector<16xi32>, vector<16xi1>
        %convert_element_type3A_94 = arith.extui %and3A_85 : vector<16xi1> to vector<16xi32>
        %reduce_sum3A_95 = arith.constant true
        %reduce_sum3A_96 = vector.broadcast %reduce_sum3A_95 : i1 to vector<16xi1>
        %reduce_sum3A_97 = tpu.scan <sum>, %convert_element_type3A_94 masked %reduce_sum3A_96 : vector<16xi32>, vector<16xi1> -> vector<16xi32>
        %reduce_sum3A_98 = vector.extract %reduce_sum3A_97[15] : i32 from vector<16xi32>
        %add3A_99 = arith.addi %add3A_77, %reduce_sum3A_98 : i32
        %get3A_100 = arith.index_cast %while3A_53 : i32 to index
        %get3A_101 = arith.constant 32 : index
        %get3A_102 = tpu.vector_load %arg11[%get3A_100, %get3A_101] {strides = array<i32>} : memref<256x128xf32, #tpu.memory_space<vmem>>, vector<16xf32>,
        %ge3A_103 = arith.cmpf oge, %get3A_102, %broadcast_in_dim3A : vector<16xf32>
        %lt3A_104 = arith.constant 256 : i32
        %lt3A_105 = arith.cmpi slt, %add3A_99, %lt3A_104 : i32
        %and3A_106 = vector.broadcast %lt3A_105 : i1 to vector<16xi1>
        %and3A_107 = arith.andi %ge3A_103, %and3A_106 : vector<16xi1>
        %add3A_108 = arith.constant 32 : i32
        %add3A_109 = arith.addi %mul3A_60, %add3A_108 : i32
        %add3A_110 = vector.broadcast %add3A_109 : i32 to vector<16xi32>
        %add3A_111 = arith.addi %add3A_110, %iota3A : vector<16xi32>
        %swap3A_112 = arith.index_cast %add3A_99 : i32 to index
        %swap3A_113 = tpu.vector_load %arg12[%swap3A_112] masked %and3A_107 {strides = array<i32>} : memref<288xf32, #tpu.memory_space<vmem>>, vector<16xf32>, vector<16xi1>
        tpu.vector_store %arg12[%swap3A_112], %get3A_102 masked %and3A_107 {strides = array<i32>} : memref<288xf32, #tpu.memory_space<vmem>>, vector<16xf32>, vector<16xi1>
        %swap3A_114 = arith.index_cast %add3A_99 : i32 to index
        %swap3A_115 = tpu.vector_load %arg13[%swap3A_114] masked %and3A_107 {strides = array<i32>} : memref<288xi32, #tpu.memory_space<vmem>>, vector<16xi32>, vector<16xi1>
        tpu.vector_store %arg13[%swap3A_114], %add3A_111 masked %and3A_107 {strides = array<i32>} : memref<288xi32, #tpu.memory_space<vmem>>, vector<16xi32>, vector<16xi1>
        %convert_element_type3A_116 = arith.extui %and3A_107 : vector<16xi1> to vector<16xi32>
        %reduce_sum3A_117 = arith.constant true
        %reduce_sum3A_118 = vector.broadcast %reduce_sum3A_117 : i1 to vector<16xi1>
        %reduce_sum3A_119 = tpu.scan <sum>, %convert_element_type3A_116 masked %reduce_sum3A_118 : vector<16xi32>, vector<16xi1> -> vector<16xi32>
        %reduce_sum3A_120 = vector.extract %reduce_sum3A_119[15] : i32 from vector<16xi32>
        %add3A_121 = arith.addi %add3A_99, %reduce_sum3A_120 : i32
        %get3A_122 = arith.index_cast %while3A_53 : i32 to index
        %get3A_123 = arith.constant 48 : index
        %get3A_124 = tpu.vector_load %arg11[%get3A_122, %get3A_123] {strides = array<i32>} : memref<256x128xf32, #tpu.memory_space<vmem>>, vector<16xf32>,
        %ge3A_125 = arith.cmpf oge, %get3A_124, %broadcast_in_dim3A : vector<16xf32>
        %lt3A_126 = arith.constant 256 : i32
        %lt3A_127 = arith.cmpi slt, %add3A_121, %lt3A_126 : i32
        %and3A_128 = vector.broadcast %lt3A_127 : i1 to vector<16xi1>
        %and3A_129 = arith.andi %ge3A_125, %and3A_128 : vector<16xi1>
        %add3A_130 = arith.constant 48 : i32
        %add3A_131 = arith.addi %mul3A_60, %add3A_130 : i32
        %add3A_132 = vector.broadcast %add3A_131 : i32 to vector<16xi32>
        %add3A_133 = arith.addi %add3A_132, %iota3A : vector<16xi32>
        %swap3A_134 = arith.index_cast %add3A_121 : i32 to index
        %swap3A_135 = tpu.vector_load %arg12[%swap3A_134] masked %and3A_129 {strides = array<i32>} : memref<288xf32, #tpu.memory_space<vmem>>, vector<16xf32>, vector<16xi1>
        tpu.vector_store %arg12[%swap3A_134], %get3A_124 masked %and3A_129 {strides = array<i32>} : memref<288xf32, #tpu.memory_space<vmem>>, vector<16xf32>, vector<16xi1>
        %swap3A_136 = arith.index_cast %add3A_121 : i32 to index
        %swap3A_137 = tpu.vector_load %arg13[%swap3A_136] masked %and3A_129 {strides = array<i32>} : memref<288xi32, #tpu.memory_space<vmem>>, vector<16xi32>, vector<16xi1>
        tpu.vector_store %arg13[%swap3A_136], %add3A_133 masked %and3A_129 {strides = array<i32>} : memref<288xi32, #tpu.memory_space<vmem>>, vector<16xi32>, vector<16xi1>
        %convert_element_type3A_138 = arith.extui %and3A_129 : vector<16xi1> to vector<16xi32>
        %reduce_sum3A_139 = arith.constant true
        %reduce_sum3A_140 = vector.broadcast %reduce_sum3A_139 : i1 to vector<16xi1>
        %reduce_sum3A_141 = tpu.scan <sum>, %convert_element_type3A_138 masked %reduce_sum3A_140 : vector<16xi32>, vector<16xi1> -> vector<16xi32>
        %reduce_sum3A_142 = vector.extract %reduce_sum3A_141[15] : i32 from vector<16xi32>
        %add3A_143 = arith.addi %add3A_121, %reduce_sum3A_142 : i32
        %get3A_144 = arith.index_cast %while3A_53 : i32 to index
        %get3A_145 = arith.constant 64 : index
        %get3A_146 = tpu.vector_load %arg11[%get3A_144, %get3A_145] {strides = array<i32>} : memref<256x128xf32, #tpu.memory_space<vmem>>, vector<16xf32>,
        %ge3A_147 = arith.cmpf oge, %get3A_146, %broadcast_in_dim3A : vector<16xf32>
        %lt3A_148 = arith.constant 256 : i32
        %lt3A_149 = arith.cmpi slt, %add3A_143, %lt3A_148 : i32
        %and3A_150 = vector.broadcast %lt3A_149 : i1 to vector<16xi1>
        %and3A_151 = arith.andi %ge3A_147, %and3A_150 : vector<16xi1>
        %add3A_152 = arith.constant 64 : i32
        %add3A_153 = arith.addi %mul3A_60, %add3A_152 : i32
        %add3A_154 = vector.broadcast %add3A_153 : i32 to vector<16xi32>
        %add3A_155 = arith.addi %add3A_154, %iota3A : vector<16xi32>
        %swap3A_156 = arith.index_cast %add3A_143 : i32 to index
        %swap3A_157 = tpu.vector_load %arg12[%swap3A_156] masked %and3A_151 {strides = array<i32>} : memref<288xf32, #tpu.memory_space<vmem>>, vector<16xf32>, vector<16xi1>
        tpu.vector_store %arg12[%swap3A_156], %get3A_146 masked %and3A_151 {strides = array<i32>} : memref<288xf32, #tpu.memory_space<vmem>>, vector<16xf32>, vector<16xi1>
        %swap3A_158 = arith.index_cast %add3A_143 : i32 to index
        %swap3A_159 = tpu.vector_load %arg13[%swap3A_158] masked %and3A_151 {strides = array<i32>} : memref<288xi32, #tpu.memory_space<vmem>>, vector<16xi32>, vector<16xi1>
        tpu.vector_store %arg13[%swap3A_158], %add3A_155 masked %and3A_151 {strides = array<i32>} : memref<288xi32, #tpu.memory_space<vmem>>, vector<16xi32>, vector<16xi1>
        %convert_element_type3A_160 = arith.extui %and3A_151 : vector<16xi1> to vector<16xi32>
        %reduce_sum3A_161 = arith.constant true
        %reduce_sum3A_162 = vector.broadcast %reduce_sum3A_161 : i1 to vector<16xi1>
        %reduce_sum3A_163 = tpu.scan <sum>, %convert_element_type3A_160 masked %reduce_sum3A_162 : vector<16xi32>, vector<16xi1> -> vector<16xi32>
        %reduce_sum3A_164 = vector.extract %reduce_sum3A_163[15] : i32 from vector<16xi32>
        %add3A_165 = arith.addi %add3A_143, %reduce_sum3A_164 : i32
        %get3A_166 = arith.index_cast %while3A_53 : i32 to index
        %get3A_167 = arith.constant 80 : index
        %get3A_168 = tpu.vector_load %arg11[%get3A_166, %get3A_167] {strides = array<i32>} : memref<256x128xf32, #tpu.memory_space<vmem>>, vector<16xf32>,
        %ge3A_169 = arith.cmpf oge, %get3A_168, %broadcast_in_dim3A : vector<16xf32>
        %lt3A_170 = arith.constant 256 : i32
        %lt3A_171 = arith.cmpi slt, %add3A_165, %lt3A_170 : i32
        %and3A_172 = vector.broadcast %lt3A_171 : i1 to vector<16xi1>
        %and3A_173 = arith.andi %ge3A_169, %and3A_172 : vector<16xi1>
        %add3A_174 = arith.constant 80 : i32
        %add3A_175 = arith.addi %mul3A_60, %add3A_174 : i32
        %add3A_176 = vector.broadcast %add3A_175 : i32 to vector<16xi32>
        %add3A_177 = arith.addi %add3A_176, %iota3A : vector<16xi32>
        %swap3A_178 = arith.index_cast %add3A_165 : i32 to index
        %swap3A_179 = tpu.vector_load %arg12[%swap3A_178] masked %and3A_173 {strides = array<i32>} : memref<288xf32, #tpu.memory_space<vmem>>, vector<16xf32>, vector<16xi1>
        tpu.vector_store %arg12[%swap3A_178], %get3A_168 masked %and3A_173 {strides = array<i32>} : memref<288xf32, #tpu.memory_space<vmem>>, vector<16xf32>, vector<16xi1>
        %swap3A_180 = arith.index_cast %add3A_165 : i32 to index
        %swap3A_181 = tpu.vector_load %arg13[%swap3A_180] masked %and3A_173 {strides = array<i32>} : memref<288xi32, #tpu.memory_space<vmem>>, vector<16xi32>, vector<16xi1>
        tpu.vector_store %arg13[%swap3A_180], %add3A_177 masked %and3A_173 {strides = array<i32>} : memref<288xi32, #tpu.memory_space<vmem>>, vector<16xi32>, vector<16xi1>
        %convert_element_type3A_182 = arith.extui %and3A_173 : vector<16xi1> to vector<16xi32>
        %reduce_sum3A_183 = arith.constant true
        %reduce_sum3A_184 = vector.broadcast %reduce_sum3A_183 : i1 to vector<16xi1>
        %reduce_sum3A_185 = tpu.scan <sum>, %convert_element_type3A_182 masked %reduce_sum3A_184 : vector<16xi32>, vector<16xi1> -> vector<16xi32>
        %reduce_sum3A_186 = vector.extract %reduce_sum3A_185[15] : i32 from vector<16xi32>
        %add3A_187 = arith.addi %add3A_165, %reduce_sum3A_186 : i32
        %get3A_188 = arith.index_cast %while3A_53 : i32 to index
        %get3A_189 = arith.constant 96 : index
        %get3A_190 = tpu.vector_load %arg11[%get3A_188, %get3A_189] {strides = array<i32>} : memref<256x128xf32, #tpu.memory_space<vmem>>, vector<16xf32>,
        %ge3A_191 = arith.cmpf oge, %get3A_190, %broadcast_in_dim3A : vector<16xf32>
        %lt3A_192 = arith.constant 256 : i32
        %lt3A_193 = arith.cmpi slt, %add3A_187, %lt3A_192 : i32
        %and3A_194 = vector.broadcast %lt3A_193 : i1 to vector<16xi1>
        %and3A_195 = arith.andi %ge3A_191, %and3A_194 : vector<16xi1>
        %add3A_196 = arith.constant 96 : i32
        %add3A_197 = arith.addi %mul3A_60, %add3A_196 : i32
        %add3A_198 = vector.broadcast %add3A_197 : i32 to vector<16xi32>
        %add3A_199 = arith.addi %add3A_198, %iota3A : vector<16xi32>
        %swap3A_200 = arith.index_cast %add3A_187 : i32 to index
        %swap3A_201 = tpu.vector_load %arg12[%swap3A_200] masked %and3A_195 {strides = array<i32>} : memref<288xf32, #tpu.memory_space<vmem>>, vector<16xf32>, vector<16xi1>
        tpu.vector_store %arg12[%swap3A_200], %get3A_190 masked %and3A_195 {strides = array<i32>} : memref<288xf32, #tpu.memory_space<vmem>>, vector<16xf32>, vector<16xi1>
        %swap3A_202 = arith.index_cast %add3A_187 : i32 to index
        %swap3A_203 = tpu.vector_load %arg13[%swap3A_202] masked %and3A_195 {strides = array<i32>} : memref<288xi32, #tpu.memory_space<vmem>>, vector<16xi32>, vector<16xi1>
        tpu.vector_store %arg13[%swap3A_202], %add3A_199 masked %and3A_195 {strides = array<i32>} : memref<288xi32, #tpu.memory_space<vmem>>, vector<16xi32>, vector<16xi1>
        %convert_element_type3A_204 = arith.extui %and3A_195 : vector<16xi1> to vector<16xi32>
        %reduce_sum3A_205 = arith.constant true
        %reduce_sum3A_206 = vector.broadcast %reduce_sum3A_205 : i1 to vector<16xi1>
        %reduce_sum3A_207 = tpu.scan <sum>, %convert_element_type3A_204 masked %reduce_sum3A_206 : vector<16xi32>, vector<16xi1> -> vector<16xi32>
        %reduce_sum3A_208 = vector.extract %reduce_sum3A_207[15] : i32 from vector<16xi32>
        %add3A_209 = arith.addi %add3A_187, %reduce_sum3A_208 : i32
        %get3A_210 = arith.index_cast %while3A_53 : i32 to index
        %get3A_211 = arith.constant 112 : index
        %get3A_212 = tpu.vector_load %arg11[%get3A_210, %get3A_211] {strides = array<i32>} : memref<256x128xf32, #tpu.memory_space<vmem>>, vector<16xf32>,
        %ge3A_213 = arith.cmpf oge, %get3A_212, %broadcast_in_dim3A : vector<16xf32>
        %lt3A_214 = arith.constant 256 : i32
        %lt3A_215 = arith.cmpi slt, %add3A_209, %lt3A_214 : i32
        %and3A_216 = vector.broadcast %lt3A_215 : i1 to vector<16xi1>
        %and3A_217 = arith.andi %ge3A_213, %and3A_216 : vector<16xi1>
        %add3A_218 = arith.constant 112 : i32
        %add3A_219 = arith.addi %mul3A_60, %add3A_218 : i32
        %add3A_220 = vector.broadcast %add3A_219 : i32 to vector<16xi32>
        %add3A_221 = arith.addi %add3A_220, %iota3A : vector<16xi32>
        %swap3A_222 = arith.index_cast %add3A_209 : i32 to index
        %swap3A_223 = tpu.vector_load %arg12[%swap3A_222] masked %and3A_217 {strides = array<i32>} : memref<288xf32, #tpu.memory_space<vmem>>, vector<16xf32>, vector<16xi1>
        tpu.vector_store %arg12[%swap3A_222], %get3A_212 masked %and3A_217 {strides = array<i32>} : memref<288xf32, #tpu.memory_space<vmem>>, vector<16xf32>, vector<16xi1>
        %swap3A_224 = arith.index_cast %add3A_209 : i32 to index
        %swap3A_225 = tpu.vector_load %arg13[%swap3A_224] masked %and3A_217 {strides = array<i32>} : memref<288xi32, #tpu.memory_space<vmem>>, vector<16xi32>, vector<16xi1>
        tpu.vector_store %arg13[%swap3A_224], %add3A_221 masked %and3A_217 {strides = array<i32>} : memref<288xi32, #tpu.memory_space<vmem>>, vector<16xi32>, vector<16xi1>
        %convert_element_type3A_226 = arith.extui %and3A_217 : vector<16xi1> to vector<16xi32>
        %reduce_sum3A_227 = arith.constant true
        %reduce_sum3A_228 = vector.broadcast %reduce_sum3A_227 : i1 to vector<16xi1>
        %reduce_sum3A_229 = tpu.scan <sum>, %convert_element_type3A_226 masked %reduce_sum3A_228 : vector<16xi32>, vector<16xi1> -> vector<16xi32>
        %reduce_sum3A_230 = vector.extract %reduce_sum3A_229[15] : i32 from vector<16xi32>
        %add3A_231 = arith.addi %add3A_209, %reduce_sum3A_230 : i32
        scf.yield %add3A_231 : i32
      }
      "tpu.region"() ({
        %run_scoped3A = tpu.sem_alloc : memref<!tpu.dma_semaphore, #tpu.memory_space<semaphore_mem>>
        %dma_start3A = arith.constant 0 : i32
        %dma_start3A_53 = tpu.memref_slice %arg12[%dma_start3A] : memref<288xf32, #tpu.memory_space<vmem>> -> memref<256xf32, #tpu.memory_space<vmem>>
        %dma_start3A_54 = arith.constant 0 : i32
        %dma_start3A_55 = tpu.memref_slice %arg5[%add3A_13, %dma_start3A_54] : memref<1024x256xf32, #tpu.memory_space<hbm>> -> memref<1x256xf32, #tpu.memory_space<hbm>>
        %dma_start3A_56 = tpu.memref_squeeze %dma_start3A_55 : memref<1x256xf32, #tpu.memory_space<hbm>> -> memref<256xf32, #tpu.memory_space<hbm>>
        %dma_start3A_57 = arith.constant 0 : i32
        %dma_start3A_58 = tpu.memref_slice %arg5[%add3A_13, %dma_start3A_57] : memref<1024x256xf32, #tpu.memory_space<hbm>> -> memref<1x256xf32, #tpu.memory_space<hbm>>
        %dma_start3A_59 = tpu.memref_squeeze %dma_start3A_58 : memref<1x256xf32, #tpu.memory_space<hbm>> -> memref<256xf32, #tpu.memory_space<hbm>>
        %dma_start3A_60 = arith.constant 0 : i32
        %dma_start3A_61 = tpu.memref_slice %arg12[%dma_start3A_60] : memref<288xf32, #tpu.memory_space<vmem>> -> memref<256xf32, #tpu.memory_space<vmem>>
        tpu.enqueue_dma source(%dma_start3A_61 : memref<256xf32, #tpu.memory_space<vmem>>) target(%dma_start3A_59 : memref<256xf32, #tpu.memory_space<hbm>>) target_semaphore(%run_scoped3A : memref<!tpu.dma_semaphore, #tpu.memory_space<semaphore_mem>>)
        %dma_wait3A = arith.constant 0 : i32
        %dma_wait3A_62 = tpu.memref_slice %arg12[%dma_wait3A] : memref<288xf32, #tpu.memory_space<vmem>> -> memref<256xf32, #tpu.memory_space<vmem>>
        %dma_wait3A_63 = arith.constant 0 : i32
        %dma_wait3A_64 = tpu.memref_slice %arg5[%add3A_13, %dma_wait3A_63] : memref<1024x256xf32, #tpu.memory_space<hbm>> -> memref<1x256xf32, #tpu.memory_space<hbm>>
        %dma_wait3A_65 = tpu.memref_squeeze %dma_wait3A_64 : memref<1x256xf32, #tpu.memory_space<hbm>> -> memref<256xf32, #tpu.memory_space<hbm>>
        %dma_wait3A_66 = arith.constant 0 : i32
        %dma_wait3A_67 = tpu.memref_slice %arg5[%add3A_13, %dma_wait3A_66] : memref<1024x256xf32, #tpu.memory_space<hbm>> -> memref<1x256xf32, #tpu.memory_space<hbm>>
        %dma_wait3A_68 = tpu.memref_squeeze %dma_wait3A_67 : memref<1x256xf32, #tpu.memory_space<hbm>> -> memref<256xf32, #tpu.memory_space<hbm>>
        %dma_wait3A_69 = arith.constant 0 : i32
        %dma_wait3A_70 = tpu.memref_slice %arg12[%dma_wait3A_69] : memref<288xf32, #tpu.memory_space<vmem>> -> memref<256xf32, #tpu.memory_space<vmem>>
        tpu.wait_dma2 semaphore(%run_scoped3A : memref<!tpu.dma_semaphore, #tpu.memory_space<semaphore_mem>>) src(%dma_wait3A_70 : memref<256xf32, #tpu.memory_space<vmem>>) dst(%dma_wait3A_68 : memref<256xf32, #tpu.memory_space<hbm>>)
        tpu.yield
      }) : () -> ()
      "tpu.region"() ({
        %run_scoped3A = tpu.sem_alloc : memref<!tpu.dma_semaphore, #tpu.memory_space<semaphore_mem>>
        %dma_start3A = arith.constant 0 : i32
        %dma_start3A_53 = tpu.memref_slice %arg13[%dma_start3A] : memref<288xi32, #tpu.memory_space<vmem>> -> memref<256xi32, #tpu.memory_space<vmem>>
        %dma_start3A_54 = arith.constant 0 : i32
        %dma_start3A_55 = tpu.memref_slice %arg6[%add3A_13, %dma_start3A_54] : memref<1024x256xi32, #tpu.memory_space<hbm>> -> memref<1x256xi32, #tpu.memory_space<hbm>>
        %dma_start3A_56 = tpu.memref_squeeze %dma_start3A_55 : memref<1x256xi32, #tpu.memory_space<hbm>> -> memref<256xi32, #tpu.memory_space<hbm>>
        %dma_start3A_57 = arith.constant 0 : i32
        %dma_start3A_58 = tpu.memref_slice %arg6[%add3A_13, %dma_start3A_57] : memref<1024x256xi32, #tpu.memory_space<hbm>> -> memref<1x256xi32, #tpu.memory_space<hbm>>
        %dma_start3A_59 = tpu.memref_squeeze %dma_start3A_58 : memref<1x256xi32, #tpu.memory_space<hbm>> -> memref<256xi32, #tpu.memory_space<hbm>>
        %dma_start3A_60 = arith.constant 0 : i32
        %dma_start3A_61 = tpu.memref_slice %arg13[%dma_start3A_60] : memref<288xi32, #tpu.memory_space<vmem>> -> memref<256xi32, #tpu.memory_space<vmem>>
        tpu.enqueue_dma source(%dma_start3A_61 : memref<256xi32, #tpu.memory_space<vmem>>) target(%dma_start3A_59 : memref<256xi32, #tpu.memory_space<hbm>>) target_semaphore(%run_scoped3A : memref<!tpu.dma_semaphore, #tpu.memory_space<semaphore_mem>>)
        %dma_wait3A = arith.constant 0 : i32
        %dma_wait3A_62 = tpu.memref_slice %arg13[%dma_wait3A] : memref<288xi32, #tpu.memory_space<vmem>> -> memref<256xi32, #tpu.memory_space<vmem>>
        %dma_wait3A_63 = arith.constant 0 : i32
        %dma_wait3A_64 = tpu.memref_slice %arg6[%add3A_13, %dma_wait3A_63] : memref<1024x256xi32, #tpu.memory_space<hbm>> -> memref<1x256xi32, #tpu.memory_space<hbm>>
        %dma_wait3A_65 = tpu.memref_squeeze %dma_wait3A_64 : memref<1x256xi32, #tpu.memory_space<hbm>> -> memref<256xi32, #tpu.memory_space<hbm>>
        %dma_wait3A_66 = arith.constant 0 : i32
        %dma_wait3A_67 = tpu.memref_slice %arg6[%add3A_13, %dma_wait3A_66] : memref<1024x256xi32, #tpu.memory_space<hbm>> -> memref<1x256xi32, #tpu.memory_space<hbm>>
        %dma_wait3A_68 = tpu.memref_squeeze %dma_wait3A_67 : memref<1x256xi32, #tpu.memory_space<hbm>> -> memref<256xi32, #tpu.memory_space<hbm>>
        %dma_wait3A_69 = arith.constant 0 : i32
        %dma_wait3A_70 = tpu.memref_slice %arg13[%dma_wait3A_69] : memref<288xi32, #tpu.memory_space<vmem>> -> memref<256xi32, #tpu.memory_space<vmem>>
        tpu.wait_dma2 semaphore(%run_scoped3A : memref<!tpu.dma_semaphore, #tpu.memory_space<semaphore_mem>>) src(%dma_wait3A_70 : memref<256xi32, #tpu.memory_space<vmem>>) dst(%dma_wait3A_68 : memref<256xi32, #tpu.memory_space<hbm>>)
        tpu.yield
      }) : () -> ()
      %scan3A_52 = arith.constant 0 : i32
      scf.yield %scan3A_52 : i32
    }
    %scan3A_8 = arith.constant 32 : i32
    return
  }
}

module attributes {stable_mosaic.version = 14 : i64} {
  func.func @_gmax_body(%arg0: i32, %arg1: i32, %arg2: memref<32x16384xf32, #tpu.memory_space<vmem>>, %arg3: memref<32x16384xi32, #tpu.memory_space<vmem>>, %arg4: memref<32x128xf32, #tpu.memory_space<vmem>>, %arg5: memref<32x128x128xf32, #tpu.memory_space<vmem>>) attributes {dimension_semantics = [#tpu.dimension_semantics<arbitrary>, #tpu.dimension_semantics<arbitrary>], iteration_bounds = array<i64: 32, 7>, scalar_prefetch = 0 : i64, scratch_operands = 0 : i64, tpu.core_type = #tpu.core_type<tc>, window_params = [{transform_indices = @transform_0, window_bounds = array<i64: 32, 16384>}, {transform_indices = @transform_1, window_bounds = array<i64: 32, 16384>}, {transform_indices = @transform_2, window_bounds = array<i64: 32, 128>}, {transform_indices = @transform_3, window_bounds = array<i64: 32, 128, 128>}]} {
    %get3A = arith.constant 0 : index
    %get3A_0 = arith.constant 0 : index
    %get3A_1 = vector.load %arg2[%get3A, %get3A_0] : memref<32x16384xf32, #tpu.memory_space<vmem>>, vector<32x16384xf32>
    %get3A_2 = arith.constant 0 : index
    %get3A_3 = arith.constant 0 : index
    %get3A_4 = vector.load %arg3[%get3A_2, %get3A_3] : memref<32x16384xi32, #tpu.memory_space<vmem>>, vector<32x16384xi32>
    %get3A_5 = arith.constant dense<0> : vector<32x16384xi32>
    %get3A_6 = arith.cmpi ne, %get3A_4, %get3A_5 : vector<32x16384xi32>
    %iota3A = tpu.iota {dimensions = array<i32: 1>} : vector<32x16384xi32>
    %mul3A = arith.constant 16384 : i32
    %mul3A_7 = arith.muli %arg1, %mul3A : i32
    %add3A = vector.broadcast %mul3A_7 : i32 to vector<32x16384xi32>
    %add3A_8 = arith.addi %iota3A, %add3A : vector<32x16384xi32>
    %lt3A = arith.constant 100000 : i32
    %lt3A_9 = vector.broadcast %lt3A : i32 to vector<32x16384xi32>
    %lt3A_10 = arith.cmpi slt, %add3A_8, %lt3A_9 : vector<32x16384xi32>
    %and3A = arith.andi %get3A_6, %lt3A_10 : vector<32x16384xi1>
    %jit3A = arith.constant -3.400000e+38 : f32
    %broadcast_in_dim3A = vector.broadcast %jit3A : f32 to vector<32x16384xf32>
    %select_n3A = arith.select %and3A, %get3A_1, %broadcast_in_dim3A : vector<32x16384xi1>, vector<32x16384xf32>
    %reshape3A = vector.shape_cast %select_n3A : vector<32x16384xf32> to vector<32x128x128xf32>
    %reduce_max3A = arith.constant dense<0xFF800000> : vector<32x128xf32>
    %reduce_max3A_11 = vector.multi_reduction <maximumf>, %reshape3A, %reduce_max3A [2] : vector<32x128x128xf32> to vector<32x128xf32>
    %swap3A = arith.constant 0 : index
    %swap3A_12 = arith.constant 0 : index
    %swap3A_13 = vector.load %arg4[%swap3A, %swap3A_12] : memref<32x128xf32, #tpu.memory_space<vmem>>, vector<32x128xf32>
    tpu.vector_store %arg4[%swap3A, %swap3A_12], %reduce_max3A_11 {strides = array<i32>} : memref<32x128xf32, #tpu.memory_space<vmem>>, vector<32x128xf32>,
    %swap3A_14 = arith.constant 0 : index
    %swap3A_15 = arith.constant 0 : index
    %swap3A_16 = arith.constant 0 : index
    %swap3A_17 = vector.load %arg5[%swap3A_14, %swap3A_15, %swap3A_16] : memref<32x128x128xf32, #tpu.memory_space<vmem>>, vector<32x128x128xf32>
    tpu.vector_store %arg5[%swap3A_14, %swap3A_15, %swap3A_16], %reshape3A {strides = array<i32>} : memref<32x128x128xf32, #tpu.memory_space<vmem>>, vector<32x128x128xf32>,
    return
  }
  func.func @transform_0(%arg0: i32, %arg1: i32) -> (i32, i32) {
    %c0_i32 = arith.constant 0 : i32
    return %arg0, %arg1 : i32, i32
  }
  func.func @transform_1(%arg0: i32, %arg1: i32) -> (i32, i32) {
    %c0_i32 = arith.constant 0 : i32
    return %arg0, %arg1 : i32, i32
  }
  func.func @transform_2(%arg0: i32, %arg1: i32) -> (i32, i32) {
    %c0_i32 = arith.constant 0 : i32
    return %arg0, %arg1 : i32, i32
  }
  func.func @transform_3(%arg0: i32, %arg1: i32) -> (i32, i32, i32) {
    %c0_i32 = arith.constant 0 : i32
    %c0_i32_0 = arith.constant 0 : i32
    return %arg0, %arg1, %c0_i32 : i32, i32, i32
  }
}

module attributes {stable_mosaic.version = 14 : i64} {
  func.func @_thr_body(%arg0: memref<1024x896xf32, #tpu.memory_space<vmem>>, %arg1: memref<1024x1xf32, #tpu.memory_space<vmem>>) attributes {dimension_semantics = [], scalar_prefetch = 0 : i64, scratch_operands = 0 : i64, tpu.core_type = #tpu.core_type<tc>} {
    %get3A = arith.constant 0 : index
    %get3A_0 = arith.constant 0 : index
    %get3A_1 = vector.load %arg0[%get3A, %get3A_0] : memref<1024x896xf32, #tpu.memory_space<vmem>>, vector<1024x896xf32>
    %bitcast_convert_type3A = tpu.bitcast %get3A_1 : vector<1024x896xf32> -> vector<1024x896xi32>
    %shift_right_logical3A = arith.constant 31 : i32
    %shift_right_logical3A_2 = vector.broadcast %shift_right_logical3A : i32 to vector<1024x896xi32>
    %shift_right_logical3A_3 = arith.shrui %bitcast_convert_type3A, %shift_right_logical3A_2 : vector<1024x896xi32>
    %eq3A = arith.constant 1 : i32
    %eq3A_4 = vector.broadcast %eq3A : i32 to vector<1024x896xi32>
    %eq3A_5 = arith.cmpi eq, %shift_right_logical3A_3, %eq3A_4 : vector<1024x896xi32>
    %not3A = arith.constant dense<-1> : vector<1024x896xi32>
    %not3A_6 = arith.xori %bitcast_convert_type3A, %not3A : vector<1024x896xi32>
    %or3A = arith.constant -2147483648 : i32
    %or3A_7 = vector.broadcast %or3A : i32 to vector<1024x896xi32>
    %or3A_8 = arith.ori %bitcast_convert_type3A, %or3A_7 : vector<1024x896xi32>
    %select_n3A = arith.select %eq3A_5, %not3A_6, %or3A_8 : vector<1024x896xi1>, vector<1024x896xi32>
    %broadcast_in_dim3A = arith.constant 0 : i32
    %broadcast_in_dim3A_9 = vector.broadcast %broadcast_in_dim3A : i32 to vector<1024x1xi32>
    %or3A_10 = arith.constant -2147483648 : i32
    %or3A_11 = vector.broadcast %or3A_10 : i32 to vector<1024x1xi32>
    %or3A_12 = arith.ori %broadcast_in_dim3A_9, %or3A_11 : vector<1024x1xi32>
    %ge3A = vector.broadcast %or3A_12 : vector<1024x1xi32> to vector<1024x896xi32>
    %ge3A_13 = arith.cmpi uge, %select_n3A, %ge3A : vector<1024x896xi32>
    %convert_element_type3A = arith.extui %ge3A_13 : vector<1024x896xi1> to vector<1024x896xi32>
    %reduce_sum3A = arith.constant dense<0> : vector<1024xi32>
    %reduce_sum3A_14 = vector.multi_reduction <add>, %convert_element_type3A, %reduce_sum3A [1] : vector<1024x896xi32> to vector<1024xi32>
    %broadcast_in_dim3A_15 = vector.shape_cast %reduce_sum3A_14 : vector<1024xi32> to vector<1024x1xi32>
    %ge3A_16 = arith.constant 100 : i32
    %ge3A_17 = vector.broadcast %ge3A_16 : i32 to vector<1024x1xi32>
    %ge3A_18 = arith.cmpi sge, %broadcast_in_dim3A_15, %ge3A_17 : vector<1024x1xi32>
    %select_n3A_19 = arith.select %ge3A_18, %or3A_12, %broadcast_in_dim3A_9 : vector<1024x1xi1>, vector<1024x1xi32>
    %or3A_20 = arith.constant 1073741824 : i32
    %or3A_21 = vector.broadcast %or3A_20 : i32 to vector<1024x1xi32>
    %or3A_22 = arith.ori %select_n3A_19, %or3A_21 : vector<1024x1xi32>
    %ge3A_23 = vector.broadcast %or3A_22 : vector<1024x1xi32> to vector<1024x896xi32>
    %ge3A_24 = arith.cmpi uge, %select_n3A, %ge3A_23 : vector<1024x896xi32>
    %convert_element_type3A_25 = arith.extui %ge3A_24 : vector<1024x896xi1> to vector<1024x896xi32>
    %reduce_sum3A_26 = arith.constant dense<0> : vector<1024xi32>
    %reduce_sum3A_27 = vector.multi_reduction <add>, %convert_element_type3A_25, %reduce_sum3A_26 [1] : vector<1024x896xi32> to vector<1024xi32>
    %broadcast_in_dim3A_28 = vector.shape_cast %reduce_sum3A_27 : vector<1024xi32> to vector<1024x1xi32>
    %ge3A_29 = arith.constant 100 : i32
    %ge3A_30 = vector.broadcast %ge3A_29 : i32 to vector<1024x1xi32>
    %ge3A_31 = arith.cmpi sge, %broadcast_in_dim3A_28, %ge3A_30 : vector<1024x1xi32>
    %select_n3A_32 = arith.select %ge3A_31, %or3A_22, %select_n3A_19 : vector<1024x1xi1>, vector<1024x1xi32>
    %or3A_33 = arith.constant 536870912 : i32
    %or3A_34 = vector.broadcast %or3A_33 : i32 to vector<1024x1xi32>
    %or3A_35 = arith.ori %select_n3A_32, %or3A_34 : vector<1024x1xi32>
    %ge3A_36 = vector.broadcast %or3A_35 : vector<1024x1xi32> to vector<1024x896xi32>
    %ge3A_37 = arith.cmpi uge, %select_n3A, %ge3A_36 : vector<1024x896xi32>
    %convert_element_type3A_38 = arith.extui %ge3A_37 : vector<1024x896xi1> to vector<1024x896xi32>
    %reduce_sum3A_39 = arith.constant dense<0> : vector<1024xi32>
    %reduce_sum3A_40 = vector.multi_reduction <add>, %convert_element_type3A_38, %reduce_sum3A_39 [1] : vector<1024x896xi32> to vector<1024xi32>
    %broadcast_in_dim3A_41 = vector.shape_cast %reduce_sum3A_40 : vector<1024xi32> to vector<1024x1xi32>
    %ge3A_42 = arith.constant 100 : i32
    %ge3A_43 = vector.broadcast %ge3A_42 : i32 to vector<1024x1xi32>
    %ge3A_44 = arith.cmpi sge, %broadcast_in_dim3A_41, %ge3A_43 : vector<1024x1xi32>
    %select_n3A_45 = arith.select %ge3A_44, %or3A_35, %select_n3A_32 : vector<1024x1xi1>, vector<1024x1xi32>
    %or3A_46 = arith.constant 268435456 : i32
    %or3A_47 = vector.broadcast %or3A_46 : i32 to vector<1024x1xi32>
    %or3A_48 = arith.ori %select_n3A_45, %or3A_47 : vector<1024x1xi32>
    %ge3A_49 = vector.broadcast %or3A_48 : vector<1024x1xi32> to vector<1024x896xi32>
    %ge3A_50 = arith.cmpi uge, %select_n3A, %ge3A_49 : vector<1024x896xi32>
    %convert_element_type3A_51 = arith.extui %ge3A_50 : vector<1024x896xi1> to vector<1024x896xi32>
    %reduce_sum3A_52 = arith.constant dense<0> : vector<1024xi32>
    %reduce_sum3A_53 = vector.multi_reduction <add>, %convert_element_type3A_51, %reduce_sum3A_52 [1] : vector<1024x896xi32> to vector<1024xi32>
    %broadcast_in_dim3A_54 = vector.shape_cast %reduce_sum3A_53 : vector<1024xi32> to vector<1024x1xi32>
    %ge3A_55 = arith.constant 100 : i32
    %ge3A_56 = vector.broadcast %ge3A_55 : i32 to vector<1024x1xi32>
    %ge3A_57 = arith.cmpi sge, %broadcast_in_dim3A_54, %ge3A_56 : vector<1024x1xi32>
    %select_n3A_58 = arith.select %ge3A_57, %or3A_48, %select_n3A_45 : vector<1024x1xi1>, vector<1024x1xi32>
    %or3A_59 = arith.constant 134217728 : i32
    %or3A_60 = vector.broadcast %or3A_59 : i32 to vector<1024x1xi32>
    %or3A_61 = arith.ori %select_n3A_58, %or3A_60 : vector<1024x1xi32>
    %ge3A_62 = vector.broadcast %or3A_61 : vector<1024x1xi32> to vector<1024x896xi32>
    %ge3A_63 = arith.cmpi uge, %select_n3A, %ge3A_62 : vector<1024x896xi32>
    %convert_element_type3A_64 = arith.extui %ge3A_63 : vector<1024x896xi1> to vector<1024x896xi32>
    %reduce_sum3A_65 = arith.constant dense<0> : vector<1024xi32>
    %reduce_sum3A_66 = vector.multi_reduction <add>, %convert_element_type3A_64, %reduce_sum3A_65 [1] : vector<1024x896xi32> to vector<1024xi32>
    %broadcast_in_dim3A_67 = vector.shape_cast %reduce_sum3A_66 : vector<1024xi32> to vector<1024x1xi32>
    %ge3A_68 = arith.constant 100 : i32
    %ge3A_69 = vector.broadcast %ge3A_68 : i32 to vector<1024x1xi32>
    %ge3A_70 = arith.cmpi sge, %broadcast_in_dim3A_67, %ge3A_69 : vector<1024x1xi32>
    %select_n3A_71 = arith.select %ge3A_70, %or3A_61, %select_n3A_58 : vector<1024x1xi1>, vector<1024x1xi32>
    %or3A_72 = arith.constant 67108864 : i32
    %or3A_73 = vector.broadcast %or3A_72 : i32 to vector<1024x1xi32>
    %or3A_74 = arith.ori %select_n3A_71, %or3A_73 : vector<1024x1xi32>
    %ge3A_75 = vector.broadcast %or3A_74 : vector<1024x1xi32> to vector<1024x896xi32>
    %ge3A_76 = arith.cmpi uge, %select_n3A, %ge3A_75 : vector<1024x896xi32>
    %convert_element_type3A_77 = arith.extui %ge3A_76 : vector<1024x896xi1> to vector<1024x896xi32>
    %reduce_sum3A_78 = arith.constant dense<0> : vector<1024xi32>
    %reduce_sum3A_79 = vector.multi_reduction <add>, %convert_element_type3A_77, %reduce_sum3A_78 [1] : vector<1024x896xi32> to vector<1024xi32>
    %broadcast_in_dim3A_80 = vector.shape_cast %reduce_sum3A_79 : vector<1024xi32> to vector<1024x1xi32>
    %ge3A_81 = arith.constant 100 : i32
    %ge3A_82 = vector.broadcast %ge3A_81 : i32 to vector<1024x1xi32>
    %ge3A_83 = arith.cmpi sge, %broadcast_in_dim3A_80, %ge3A_82 : vector<1024x1xi32>
    %select_n3A_84 = arith.select %ge3A_83, %or3A_74, %select_n3A_71 : vector<1024x1xi1>, vector<1024x1xi32>
    %or3A_85 = arith.constant 33554432 : i32
    %or3A_86 = vector.broadcast %or3A_85 : i32 to vector<1024x1xi32>
    %or3A_87 = arith.ori %select_n3A_84, %or3A_86 : vector<1024x1xi32>
    %ge3A_88 = vector.broadcast %or3A_87 : vector<1024x1xi32> to vector<1024x896xi32>
    %ge3A_89 = arith.cmpi uge, %select_n3A, %ge3A_88 : vector<1024x896xi32>
    %convert_element_type3A_90 = arith.extui %ge3A_89 : vector<1024x896xi1> to vector<1024x896xi32>
    %reduce_sum3A_91 = arith.constant dense<0> : vector<1024xi32>
    %reduce_sum3A_92 = vector.multi_reduction <add>, %convert_element_type3A_90, %reduce_sum3A_91 [1] : vector<1024x896xi32> to vector<1024xi32>
    %broadcast_in_dim3A_93 = vector.shape_cast %reduce_sum3A_92 : vector<1024xi32> to vector<1024x1xi32>
    %ge3A_94 = arith.constant 100 : i32
    %ge3A_95 = vector.broadcast %ge3A_94 : i32 to vector<1024x1xi32>
    %ge3A_96 = arith.cmpi sge, %broadcast_in_dim3A_93, %ge3A_95 : vector<1024x1xi32>
    %select_n3A_97 = arith.select %ge3A_96, %or3A_87, %select_n3A_84 : vector<1024x1xi1>, vector<1024x1xi32>
    %or3A_98 = arith.constant 16777216 : i32
    %or3A_99 = vector.broadcast %or3A_98 : i32 to vector<1024x1xi32>
    %or3A_100 = arith.ori %select_n3A_97, %or3A_99 : vector<1024x1xi32>
    %ge3A_101 = vector.broadcast %or3A_100 : vector<1024x1xi32> to vector<1024x896xi32>
    %ge3A_102 = arith.cmpi uge, %select_n3A, %ge3A_101 : vector<1024x896xi32>
    %convert_element_type3A_103 = arith.extui %ge3A_102 : vector<1024x896xi1> to vector<1024x896xi32>
    %reduce_sum3A_104 = arith.constant dense<0> : vector<1024xi32>
    %reduce_sum3A_105 = vector.multi_reduction <add>, %convert_element_type3A_103, %reduce_sum3A_104 [1] : vector<1024x896xi32> to vector<1024xi32>
    %broadcast_in_dim3A_106 = vector.shape_cast %reduce_sum3A_105 : vector<1024xi32> to vector<1024x1xi32>
    %ge3A_107 = arith.constant 100 : i32
    %ge3A_108 = vector.broadcast %ge3A_107 : i32 to vector<1024x1xi32>
    %ge3A_109 = arith.cmpi sge, %broadcast_in_dim3A_106, %ge3A_108 : vector<1024x1xi32>
    %select_n3A_110 = arith.select %ge3A_109, %or3A_100, %select_n3A_97 : vector<1024x1xi1>, vector<1024x1xi32>
    %or3A_111 = arith.constant 8388608 : i32
    %or3A_112 = vector.broadcast %or3A_111 : i32 to vector<1024x1xi32>
    %or3A_113 = arith.ori %select_n3A_110, %or3A_112 : vector<1024x1xi32>
    %ge3A_114 = vector.broadcast %or3A_113 : vector<1024x1xi32> to vector<1024x896xi32>
    %ge3A_115 = arith.cmpi uge, %select_n3A, %ge3A_114 : vector<1024x896xi32>
    %convert_element_type3A_116 = arith.extui %ge3A_115 : vector<1024x896xi1> to vector<1024x896xi32>
    %reduce_sum3A_117 = arith.constant dense<0> : vector<1024xi32>
    %reduce_sum3A_118 = vector.multi_reduction <add>, %convert_element_type3A_116, %reduce_sum3A_117 [1] : vector<1024x896xi32> to vector<1024xi32>
    %broadcast_in_dim3A_119 = vector.shape_cast %reduce_sum3A_118 : vector<1024xi32> to vector<1024x1xi32>
    %ge3A_120 = arith.constant 100 : i32
    %ge3A_121 = vector.broadcast %ge3A_120 : i32 to vector<1024x1xi32>
    %ge3A_122 = arith.cmpi sge, %broadcast_in_dim3A_119, %ge3A_121 : vector<1024x1xi32>
    %select_n3A_123 = arith.select %ge3A_122, %or3A_113, %select_n3A_110 : vector<1024x1xi1>, vector<1024x1xi32>
    %or3A_124 = arith.constant 4194304 : i32
    %or3A_125 = vector.broadcast %or3A_124 : i32 to vector<1024x1xi32>
    %or3A_126 = arith.ori %select_n3A_123, %or3A_125 : vector<1024x1xi32>
    %ge3A_127 = vector.broadcast %or3A_126 : vector<1024x1xi32> to vector<1024x896xi32>
    %ge3A_128 = arith.cmpi uge, %select_n3A, %ge3A_127 : vector<1024x896xi32>
    %convert_element_type3A_129 = arith.extui %ge3A_128 : vector<1024x896xi1> to vector<1024x896xi32>
    %reduce_sum3A_130 = arith.constant dense<0> : vector<1024xi32>
    %reduce_sum3A_131 = vector.multi_reduction <add>, %convert_element_type3A_129, %reduce_sum3A_130 [1] : vector<1024x896xi32> to vector<1024xi32>
    %broadcast_in_dim3A_132 = vector.shape_cast %reduce_sum3A_131 : vector<1024xi32> to vector<1024x1xi32>
    %ge3A_133 = arith.constant 100 : i32
    %ge3A_134 = vector.broadcast %ge3A_133 : i32 to vector<1024x1xi32>
    %ge3A_135 = arith.cmpi sge, %broadcast_in_dim3A_132, %ge3A_134 : vector<1024x1xi32>
    %select_n3A_136 = arith.select %ge3A_135, %or3A_126, %select_n3A_123 : vector<1024x1xi1>, vector<1024x1xi32>
    %or3A_137 = arith.constant 2097152 : i32
    %or3A_138 = vector.broadcast %or3A_137 : i32 to vector<1024x1xi32>
    %or3A_139 = arith.ori %select_n3A_136, %or3A_138 : vector<1024x1xi32>
    %ge3A_140 = vector.broadcast %or3A_139 : vector<1024x1xi32> to vector<1024x896xi32>
    %ge3A_141 = arith.cmpi uge, %select_n3A, %ge3A_140 : vector<1024x896xi32>
    %convert_element_type3A_142 = arith.extui %ge3A_141 : vector<1024x896xi1> to vector<1024x896xi32>
    %reduce_sum3A_143 = arith.constant dense<0> : vector<1024xi32>
    %reduce_sum3A_144 = vector.multi_reduction <add>, %convert_element_type3A_142, %reduce_sum3A_143 [1] : vector<1024x896xi32> to vector<1024xi32>
    %broadcast_in_dim3A_145 = vector.shape_cast %reduce_sum3A_144 : vector<1024xi32> to vector<1024x1xi32>
    %ge3A_146 = arith.constant 100 : i32
    %ge3A_147 = vector.broadcast %ge3A_146 : i32 to vector<1024x1xi32>
    %ge3A_148 = arith.cmpi sge, %broadcast_in_dim3A_145, %ge3A_147 : vector<1024x1xi32>
    %select_n3A_149 = arith.select %ge3A_148, %or3A_139, %select_n3A_136 : vector<1024x1xi1>, vector<1024x1xi32>
    %or3A_150 = arith.constant 1048576 : i32
    %or3A_151 = vector.broadcast %or3A_150 : i32 to vector<1024x1xi32>
    %or3A_152 = arith.ori %select_n3A_149, %or3A_151 : vector<1024x1xi32>
    %ge3A_153 = vector.broadcast %or3A_152 : vector<1024x1xi32> to vector<1024x896xi32>
    %ge3A_154 = arith.cmpi uge, %select_n3A, %ge3A_153 : vector<1024x896xi32>
    %convert_element_type3A_155 = arith.extui %ge3A_154 : vector<1024x896xi1> to vector<1024x896xi32>
    %reduce_sum3A_156 = arith.constant dense<0> : vector<1024xi32>
    %reduce_sum3A_157 = vector.multi_reduction <add>, %convert_element_type3A_155, %reduce_sum3A_156 [1] : vector<1024x896xi32> to vector<1024xi32>
    %broadcast_in_dim3A_158 = vector.shape_cast %reduce_sum3A_157 : vector<1024xi32> to vector<1024x1xi32>
    %ge3A_159 = arith.constant 100 : i32
    %ge3A_160 = vector.broadcast %ge3A_159 : i32 to vector<1024x1xi32>
    %ge3A_161 = arith.cmpi sge, %broadcast_in_dim3A_158, %ge3A_160 : vector<1024x1xi32>
    %select_n3A_162 = arith.select %ge3A_161, %or3A_152, %select_n3A_149 : vector<1024x1xi1>, vector<1024x1xi32>
    %or3A_163 = arith.constant 524288 : i32
    %or3A_164 = vector.broadcast %or3A_163 : i32 to vector<1024x1xi32>
    %or3A_165 = arith.ori %select_n3A_162, %or3A_164 : vector<1024x1xi32>
    %ge3A_166 = vector.broadcast %or3A_165 : vector<1024x1xi32> to vector<1024x896xi32>
    %ge3A_167 = arith.cmpi uge, %select_n3A, %ge3A_166 : vector<1024x896xi32>
    %convert_element_type3A_168 = arith.extui %ge3A_167 : vector<1024x896xi1> to vector<1024x896xi32>
    %reduce_sum3A_169 = arith.constant dense<0> : vector<1024xi32>
    %reduce_sum3A_170 = vector.multi_reduction <add>, %convert_element_type3A_168, %reduce_sum3A_169 [1] : vector<1024x896xi32> to vector<1024xi32>
    %broadcast_in_dim3A_171 = vector.shape_cast %reduce_sum3A_170 : vector<1024xi32> to vector<1024x1xi32>
    %ge3A_172 = arith.constant 100 : i32
    %ge3A_173 = vector.broadcast %ge3A_172 : i32 to vector<1024x1xi32>
    %ge3A_174 = arith.cmpi sge, %broadcast_in_dim3A_171, %ge3A_173 : vector<1024x1xi32>
    %select_n3A_175 = arith.select %ge3A_174, %or3A_165, %select_n3A_162 : vector<1024x1xi1>, vector<1024x1xi32>
    %or3A_176 = arith.constant 262144 : i32
    %or3A_177 = vector.broadcast %or3A_176 : i32 to vector<1024x1xi32>
    %or3A_178 = arith.ori %select_n3A_175, %or3A_177 : vector<1024x1xi32>
    %ge3A_179 = vector.broadcast %or3A_178 : vector<1024x1xi32> to vector<1024x896xi32>
    %ge3A_180 = arith.cmpi uge, %select_n3A, %ge3A_179 : vector<1024x896xi32>
    %convert_element_type3A_181 = arith.extui %ge3A_180 : vector<1024x896xi1> to vector<1024x896xi32>
    %reduce_sum3A_182 = arith.constant dense<0> : vector<1024xi32>
    %reduce_sum3A_183 = vector.multi_reduction <add>, %convert_element_type3A_181, %reduce_sum3A_182 [1] : vector<1024x896xi32> to vector<1024xi32>
    %broadcast_in_dim3A_184 = vector.shape_cast %reduce_sum3A_183 : vector<1024xi32> to vector<1024x1xi32>
    %ge3A_185 = arith.constant 100 : i32
    %ge3A_186 = vector.broadcast %ge3A_185 : i32 to vector<1024x1xi32>
    %ge3A_187 = arith.cmpi sge, %broadcast_in_dim3A_184, %ge3A_186 : vector<1024x1xi32>
    %select_n3A_188 = arith.select %ge3A_187, %or3A_178, %select_n3A_175 : vector<1024x1xi1>, vector<1024x1xi32>
    %or3A_189 = arith.constant 131072 : i32
    %or3A_190 = vector.broadcast %or3A_189 : i32 to vector<1024x1xi32>
    %or3A_191 = arith.ori %select_n3A_188, %or3A_190 : vector<1024x1xi32>
    %ge3A_192 = vector.broadcast %or3A_191 : vector<1024x1xi32> to vector<1024x896xi32>
    %ge3A_193 = arith.cmpi uge, %select_n3A, %ge3A_192 : vector<1024x896xi32>
    %convert_element_type3A_194 = arith.extui %ge3A_193 : vector<1024x896xi1> to vector<1024x896xi32>
    %reduce_sum3A_195 = arith.constant dense<0> : vector<1024xi32>
    %reduce_sum3A_196 = vector.multi_reduction <add>, %convert_element_type3A_194, %reduce_sum3A_195 [1] : vector<1024x896xi32> to vector<1024xi32>
    %broadcast_in_dim3A_197 = vector.shape_cast %reduce_sum3A_196 : vector<1024xi32> to vector<1024x1xi32>
    %ge3A_198 = arith.constant 100 : i32
    %ge3A_199 = vector.broadcast %ge3A_198 : i32 to vector<1024x1xi32>
    %ge3A_200 = arith.cmpi sge, %broadcast_in_dim3A_197, %ge3A_199 : vector<1024x1xi32>
    %select_n3A_201 = arith.select %ge3A_200, %or3A_191, %select_n3A_188 : vector<1024x1xi1>, vector<1024x1xi32>
    %or3A_202 = arith.constant 65536 : i32
    %or3A_203 = vector.broadcast %or3A_202 : i32 to vector<1024x1xi32>
    %or3A_204 = arith.ori %select_n3A_201, %or3A_203 : vector<1024x1xi32>
    %ge3A_205 = vector.broadcast %or3A_204 : vector<1024x1xi32> to vector<1024x896xi32>
    %ge3A_206 = arith.cmpi uge, %select_n3A, %ge3A_205 : vector<1024x896xi32>
    %convert_element_type3A_207 = arith.extui %ge3A_206 : vector<1024x896xi1> to vector<1024x896xi32>
    %reduce_sum3A_208 = arith.constant dense<0> : vector<1024xi32>
    %reduce_sum3A_209 = vector.multi_reduction <add>, %convert_element_type3A_207, %reduce_sum3A_208 [1] : vector<1024x896xi32> to vector<1024xi32>
    %broadcast_in_dim3A_210 = vector.shape_cast %reduce_sum3A_209 : vector<1024xi32> to vector<1024x1xi32>
    %ge3A_211 = arith.constant 100 : i32
    %ge3A_212 = vector.broadcast %ge3A_211 : i32 to vector<1024x1xi32>
    %ge3A_213 = arith.cmpi sge, %broadcast_in_dim3A_210, %ge3A_212 : vector<1024x1xi32>
    %select_n3A_214 = arith.select %ge3A_213, %or3A_204, %select_n3A_201 : vector<1024x1xi1>, vector<1024x1xi32>
    %or3A_215 = arith.constant 32768 : i32
    %or3A_216 = vector.broadcast %or3A_215 : i32 to vector<1024x1xi32>
    %or3A_217 = arith.ori %select_n3A_214, %or3A_216 : vector<1024x1xi32>
    %ge3A_218 = vector.broadcast %or3A_217 : vector<1024x1xi32> to vector<1024x896xi32>
    %ge3A_219 = arith.cmpi uge, %select_n3A, %ge3A_218 : vector<1024x896xi32>
    %convert_element_type3A_220 = arith.extui %ge3A_219 : vector<1024x896xi1> to vector<1024x896xi32>
    %reduce_sum3A_221 = arith.constant dense<0> : vector<1024xi32>
    %reduce_sum3A_222 = vector.multi_reduction <add>, %convert_element_type3A_220, %reduce_sum3A_221 [1] : vector<1024x896xi32> to vector<1024xi32>
    %broadcast_in_dim3A_223 = vector.shape_cast %reduce_sum3A_222 : vector<1024xi32> to vector<1024x1xi32>
    %ge3A_224 = arith.constant 100 : i32
    %ge3A_225 = vector.broadcast %ge3A_224 : i32 to vector<1024x1xi32>
    %ge3A_226 = arith.cmpi sge, %broadcast_in_dim3A_223, %ge3A_225 : vector<1024x1xi32>
    %select_n3A_227 = arith.select %ge3A_226, %or3A_217, %select_n3A_214 : vector<1024x1xi1>, vector<1024x1xi32>
    %or3A_228 = arith.constant 16384 : i32
    %or3A_229 = vector.broadcast %or3A_228 : i32 to vector<1024x1xi32>
    %or3A_230 = arith.ori %select_n3A_227, %or3A_229 : vector<1024x1xi32>
    %ge3A_231 = vector.broadcast %or3A_230 : vector<1024x1xi32> to vector<1024x896xi32>
    %ge3A_232 = arith.cmpi uge, %select_n3A, %ge3A_231 : vector<1024x896xi32>
    %convert_element_type3A_233 = arith.extui %ge3A_232 : vector<1024x896xi1> to vector<1024x896xi32>
    %reduce_sum3A_234 = arith.constant dense<0> : vector<1024xi32>
    %reduce_sum3A_235 = vector.multi_reduction <add>, %convert_element_type3A_233, %reduce_sum3A_234 [1] : vector<1024x896xi32> to vector<1024xi32>
    %broadcast_in_dim3A_236 = vector.shape_cast %reduce_sum3A_235 : vector<1024xi32> to vector<1024x1xi32>
    %ge3A_237 = arith.constant 100 : i32
    %ge3A_238 = vector.broadcast %ge3A_237 : i32 to vector<1024x1xi32>
    %ge3A_239 = arith.cmpi sge, %broadcast_in_dim3A_236, %ge3A_238 : vector<1024x1xi32>
    %select_n3A_240 = arith.select %ge3A_239, %or3A_230, %select_n3A_227 : vector<1024x1xi1>, vector<1024x1xi32>
    %or3A_241 = arith.constant 8192 : i32
    %or3A_242 = vector.broadcast %or3A_241 : i32 to vector<1024x1xi32>
    %or3A_243 = arith.ori %select_n3A_240, %or3A_242 : vector<1024x1xi32>
    %ge3A_244 = vector.broadcast %or3A_243 : vector<1024x1xi32> to vector<1024x896xi32>
    %ge3A_245 = arith.cmpi uge, %select_n3A, %ge3A_244 : vector<1024x896xi32>
    %convert_element_type3A_246 = arith.extui %ge3A_245 : vector<1024x896xi1> to vector<1024x896xi32>
    %reduce_sum3A_247 = arith.constant dense<0> : vector<1024xi32>
    %reduce_sum3A_248 = vector.multi_reduction <add>, %convert_element_type3A_246, %reduce_sum3A_247 [1] : vector<1024x896xi32> to vector<1024xi32>
    %broadcast_in_dim3A_249 = vector.shape_cast %reduce_sum3A_248 : vector<1024xi32> to vector<1024x1xi32>
    %ge3A_250 = arith.constant 100 : i32
    %ge3A_251 = vector.broadcast %ge3A_250 : i32 to vector<1024x1xi32>
    %ge3A_252 = arith.cmpi sge, %broadcast_in_dim3A_249, %ge3A_251 : vector<1024x1xi32>
    %select_n3A_253 = arith.select %ge3A_252, %or3A_243, %select_n3A_240 : vector<1024x1xi1>, vector<1024x1xi32>
    %or3A_254 = arith.constant 4096 : i32
    %or3A_255 = vector.broadcast %or3A_254 : i32 to vector<1024x1xi32>
    %or3A_256 = arith.ori %select_n3A_253, %or3A_255 : vector<1024x1xi32>
    %ge3A_257 = vector.broadcast %or3A_256 : vector<1024x1xi32> to vector<1024x896xi32>
    %ge3A_258 = arith.cmpi uge, %select_n3A, %ge3A_257 : vector<1024x896xi32>
    %convert_element_type3A_259 = arith.extui %ge3A_258 : vector<1024x896xi1> to vector<1024x896xi32>
    %reduce_sum3A_260 = arith.constant dense<0> : vector<1024xi32>
    %reduce_sum3A_261 = vector.multi_reduction <add>, %convert_element_type3A_259, %reduce_sum3A_260 [1] : vector<1024x896xi32> to vector<1024xi32>
    %broadcast_in_dim3A_262 = vector.shape_cast %reduce_sum3A_261 : vector<1024xi32> to vector<1024x1xi32>
    %ge3A_263 = arith.constant 100 : i32
    %ge3A_264 = vector.broadcast %ge3A_263 : i32 to vector<1024x1xi32>
    %ge3A_265 = arith.cmpi sge, %broadcast_in_dim3A_262, %ge3A_264 : vector<1024x1xi32>
    %select_n3A_266 = arith.select %ge3A_265, %or3A_256, %select_n3A_253 : vector<1024x1xi1>, vector<1024x1xi32>
    %or3A_267 = arith.constant 2048 : i32
    %or3A_268 = vector.broadcast %or3A_267 : i32 to vector<1024x1xi32>
    %or3A_269 = arith.ori %select_n3A_266, %or3A_268 : vector<1024x1xi32>
    %ge3A_270 = vector.broadcast %or3A_269 : vector<1024x1xi32> to vector<1024x896xi32>
    %ge3A_271 = arith.cmpi uge, %select_n3A, %ge3A_270 : vector<1024x896xi32>
    %convert_element_type3A_272 = arith.extui %ge3A_271 : vector<1024x896xi1> to vector<1024x896xi32>
    %reduce_sum3A_273 = arith.constant dense<0> : vector<1024xi32>
    %reduce_sum3A_274 = vector.multi_reduction <add>, %convert_element_type3A_272, %reduce_sum3A_273 [1] : vector<1024x896xi32> to vector<1024xi32>
    %broadcast_in_dim3A_275 = vector.shape_cast %reduce_sum3A_274 : vector<1024xi32> to vector<1024x1xi32>
    %ge3A_276 = arith.constant 100 : i32
    %ge3A_277 = vector.broadcast %ge3A_276 : i32 to vector<1024x1xi32>
    %ge3A_278 = arith.cmpi sge, %broadcast_in_dim3A_275, %ge3A_277 : vector<1024x1xi32>
    %select_n3A_279 = arith.select %ge3A_278, %or3A_269, %select_n3A_266 : vector<1024x1xi1>, vector<1024x1xi32>
    %or3A_280 = arith.constant 1024 : i32
    %or3A_281 = vector.broadcast %or3A_280 : i32 to vector<1024x1xi32>
    %or3A_282 = arith.ori %select_n3A_279, %or3A_281 : vector<1024x1xi32>
    %ge3A_283 = vector.broadcast %or3A_282 : vector<1024x1xi32> to vector<1024x896xi32>
    %ge3A_284 = arith.cmpi uge, %select_n3A, %ge3A_283 : vector<1024x896xi32>
    %convert_element_type3A_285 = arith.extui %ge3A_284 : vector<1024x896xi1> to vector<1024x896xi32>
    %reduce_sum3A_286 = arith.constant dense<0> : vector<1024xi32>
    %reduce_sum3A_287 = vector.multi_reduction <add>, %convert_element_type3A_285, %reduce_sum3A_286 [1] : vector<1024x896xi32> to vector<1024xi32>
    %broadcast_in_dim3A_288 = vector.shape_cast %reduce_sum3A_287 : vector<1024xi32> to vector<1024x1xi32>
    %ge3A_289 = arith.constant 100 : i32
    %ge3A_290 = vector.broadcast %ge3A_289 : i32 to vector<1024x1xi32>
    %ge3A_291 = arith.cmpi sge, %broadcast_in_dim3A_288, %ge3A_290 : vector<1024x1xi32>
    %select_n3A_292 = arith.select %ge3A_291, %or3A_282, %select_n3A_279 : vector<1024x1xi1>, vector<1024x1xi32>
    %or3A_293 = arith.constant 512 : i32
    %or3A_294 = vector.broadcast %or3A_293 : i32 to vector<1024x1xi32>
    %or3A_295 = arith.ori %select_n3A_292, %or3A_294 : vector<1024x1xi32>
    %ge3A_296 = vector.broadcast %or3A_295 : vector<1024x1xi32> to vector<1024x896xi32>
    %ge3A_297 = arith.cmpi uge, %select_n3A, %ge3A_296 : vector<1024x896xi32>
    %convert_element_type3A_298 = arith.extui %ge3A_297 : vector<1024x896xi1> to vector<1024x896xi32>
    %reduce_sum3A_299 = arith.constant dense<0> : vector<1024xi32>
    %reduce_sum3A_300 = vector.multi_reduction <add>, %convert_element_type3A_298, %reduce_sum3A_299 [1] : vector<1024x896xi32> to vector<1024xi32>
    %broadcast_in_dim3A_301 = vector.shape_cast %reduce_sum3A_300 : vector<1024xi32> to vector<1024x1xi32>
    %ge3A_302 = arith.constant 100 : i32
    %ge3A_303 = vector.broadcast %ge3A_302 : i32 to vector<1024x1xi32>
    %ge3A_304 = arith.cmpi sge, %broadcast_in_dim3A_301, %ge3A_303 : vector<1024x1xi32>
    %select_n3A_305 = arith.select %ge3A_304, %or3A_295, %select_n3A_292 : vector<1024x1xi1>, vector<1024x1xi32>
    %or3A_306 = arith.constant 256 : i32
    %or3A_307 = vector.broadcast %or3A_306 : i32 to vector<1024x1xi32>
    %or3A_308 = arith.ori %select_n3A_305, %or3A_307 : vector<1024x1xi32>
    %ge3A_309 = vector.broadcast %or3A_308 : vector<1024x1xi32> to vector<1024x896xi32>
    %ge3A_310 = arith.cmpi uge, %select_n3A, %ge3A_309 : vector<1024x896xi32>
    %convert_element_type3A_311 = arith.extui %ge3A_310 : vector<1024x896xi1> to vector<1024x896xi32>
    %reduce_sum3A_312 = arith.constant dense<0> : vector<1024xi32>
    %reduce_sum3A_313 = vector.multi_reduction <add>, %convert_element_type3A_311, %reduce_sum3A_312 [1] : vector<1024x896xi32> to vector<1024xi32>
    %broadcast_in_dim3A_314 = vector.shape_cast %reduce_sum3A_313 : vector<1024xi32> to vector<1024x1xi32>
    %ge3A_315 = arith.constant 100 : i32
    %ge3A_316 = vector.broadcast %ge3A_315 : i32 to vector<1024x1xi32>
    %ge3A_317 = arith.cmpi sge, %broadcast_in_dim3A_314, %ge3A_316 : vector<1024x1xi32>
    %select_n3A_318 = arith.select %ge3A_317, %or3A_308, %select_n3A_305 : vector<1024x1xi1>, vector<1024x1xi32>
    %or3A_319 = arith.constant 128 : i32
    %or3A_320 = vector.broadcast %or3A_319 : i32 to vector<1024x1xi32>
    %or3A_321 = arith.ori %select_n3A_318, %or3A_320 : vector<1024x1xi32>
    %ge3A_322 = vector.broadcast %or3A_321 : vector<1024x1xi32> to vector<1024x896xi32>
    %ge3A_323 = arith.cmpi uge, %select_n3A, %ge3A_322 : vector<1024x896xi32>
    %convert_element_type3A_324 = arith.extui %ge3A_323 : vector<1024x896xi1> to vector<1024x896xi32>
    %reduce_sum3A_325 = arith.constant dense<0> : vector<1024xi32>
    %reduce_sum3A_326 = vector.multi_reduction <add>, %convert_element_type3A_324, %reduce_sum3A_325 [1] : vector<1024x896xi32> to vector<1024xi32>
    %broadcast_in_dim3A_327 = vector.shape_cast %reduce_sum3A_326 : vector<1024xi32> to vector<1024x1xi32>
    %ge3A_328 = arith.constant 100 : i32
    %ge3A_329 = vector.broadcast %ge3A_328 : i32 to vector<1024x1xi32>
    %ge3A_330 = arith.cmpi sge, %broadcast_in_dim3A_327, %ge3A_329 : vector<1024x1xi32>
    %select_n3A_331 = arith.select %ge3A_330, %or3A_321, %select_n3A_318 : vector<1024x1xi1>, vector<1024x1xi32>
    %or3A_332 = arith.constant 64 : i32
    %or3A_333 = vector.broadcast %or3A_332 : i32 to vector<1024x1xi32>
    %or3A_334 = arith.ori %select_n3A_331, %or3A_333 : vector<1024x1xi32>
    %ge3A_335 = vector.broadcast %or3A_334 : vector<1024x1xi32> to vector<1024x896xi32>
    %ge3A_336 = arith.cmpi uge, %select_n3A, %ge3A_335 : vector<1024x896xi32>
    %convert_element_type3A_337 = arith.extui %ge3A_336 : vector<1024x896xi1> to vector<1024x896xi32>
    %reduce_sum3A_338 = arith.constant dense<0> : vector<1024xi32>
    %reduce_sum3A_339 = vector.multi_reduction <add>, %convert_element_type3A_337, %reduce_sum3A_338 [1] : vector<1024x896xi32> to vector<1024xi32>
    %broadcast_in_dim3A_340 = vector.shape_cast %reduce_sum3A_339 : vector<1024xi32> to vector<1024x1xi32>
    %ge3A_341 = arith.constant 100 : i32
    %ge3A_342 = vector.broadcast %ge3A_341 : i32 to vector<1024x1xi32>
    %ge3A_343 = arith.cmpi sge, %broadcast_in_dim3A_340, %ge3A_342 : vector<1024x1xi32>
    %select_n3A_344 = arith.select %ge3A_343, %or3A_334, %select_n3A_331 : vector<1024x1xi1>, vector<1024x1xi32>
    %or3A_345 = arith.constant 32 : i32
    %or3A_346 = vector.broadcast %or3A_345 : i32 to vector<1024x1xi32>
    %or3A_347 = arith.ori %select_n3A_344, %or3A_346 : vector<1024x1xi32>
    %ge3A_348 = vector.broadcast %or3A_347 : vector<1024x1xi32> to vector<1024x896xi32>
    %ge3A_349 = arith.cmpi uge, %select_n3A, %ge3A_348 : vector<1024x896xi32>
    %convert_element_type3A_350 = arith.extui %ge3A_349 : vector<1024x896xi1> to vector<1024x896xi32>
    %reduce_sum3A_351 = arith.constant dense<0> : vector<1024xi32>
    %reduce_sum3A_352 = vector.multi_reduction <add>, %convert_element_type3A_350, %reduce_sum3A_351 [1] : vector<1024x896xi32> to vector<1024xi32>
    %broadcast_in_dim3A_353 = vector.shape_cast %reduce_sum3A_352 : vector<1024xi32> to vector<1024x1xi32>
    %ge3A_354 = arith.constant 100 : i32
    %ge3A_355 = vector.broadcast %ge3A_354 : i32 to vector<1024x1xi32>
    %ge3A_356 = arith.cmpi sge, %broadcast_in_dim3A_353, %ge3A_355 : vector<1024x1xi32>
    %select_n3A_357 = arith.select %ge3A_356, %or3A_347, %select_n3A_344 : vector<1024x1xi1>, vector<1024x1xi32>
    %or3A_358 = arith.constant 16 : i32
    %or3A_359 = vector.broadcast %or3A_358 : i32 to vector<1024x1xi32>
    %or3A_360 = arith.ori %select_n3A_357, %or3A_359 : vector<1024x1xi32>
    %ge3A_361 = vector.broadcast %or3A_360 : vector<1024x1xi32> to vector<1024x896xi32>
    %ge3A_362 = arith.cmpi uge, %select_n3A, %ge3A_361 : vector<1024x896xi32>
    %convert_element_type3A_363 = arith.extui %ge3A_362 : vector<1024x896xi1> to vector<1024x896xi32>
    %reduce_sum3A_364 = arith.constant dense<0> : vector<1024xi32>
    %reduce_sum3A_365 = vector.multi_reduction <add>, %convert_element_type3A_363, %reduce_sum3A_364 [1] : vector<1024x896xi32> to vector<1024xi32>
    %broadcast_in_dim3A_366 = vector.shape_cast %reduce_sum3A_365 : vector<1024xi32> to vector<1024x1xi32>
    %ge3A_367 = arith.constant 100 : i32
    %ge3A_368 = vector.broadcast %ge3A_367 : i32 to vector<1024x1xi32>
    %ge3A_369 = arith.cmpi sge, %broadcast_in_dim3A_366, %ge3A_368 : vector<1024x1xi32>
    %select_n3A_370 = arith.select %ge3A_369, %or3A_360, %select_n3A_357 : vector<1024x1xi1>, vector<1024x1xi32>
    %or3A_371 = arith.constant 8 : i32
    %or3A_372 = vector.broadcast %or3A_371 : i32 to vector<1024x1xi32>
    %or3A_373 = arith.ori %select_n3A_370, %or3A_372 : vector<1024x1xi32>
    %ge3A_374 = vector.broadcast %or3A_373 : vector<1024x1xi32> to vector<1024x896xi32>
    %ge3A_375 = arith.cmpi uge, %select_n3A, %ge3A_374 : vector<1024x896xi32>
    %convert_element_type3A_376 = arith.extui %ge3A_375 : vector<1024x896xi1> to vector<1024x896xi32>
    %reduce_sum3A_377 = arith.constant dense<0> : vector<1024xi32>
    %reduce_sum3A_378 = vector.multi_reduction <add>, %convert_element_type3A_376, %reduce_sum3A_377 [1] : vector<1024x896xi32> to vector<1024xi32>
    %broadcast_in_dim3A_379 = vector.shape_cast %reduce_sum3A_378 : vector<1024xi32> to vector<1024x1xi32>
    %ge3A_380 = arith.constant 100 : i32
    %ge3A_381 = vector.broadcast %ge3A_380 : i32 to vector<1024x1xi32>
    %ge3A_382 = arith.cmpi sge, %broadcast_in_dim3A_379, %ge3A_381 : vector<1024x1xi32>
    %select_n3A_383 = arith.select %ge3A_382, %or3A_373, %select_n3A_370 : vector<1024x1xi1>, vector<1024x1xi32>
    %or3A_384 = arith.constant 4 : i32
    %or3A_385 = vector.broadcast %or3A_384 : i32 to vector<1024x1xi32>
    %or3A_386 = arith.ori %select_n3A_383, %or3A_385 : vector<1024x1xi32>
    %ge3A_387 = vector.broadcast %or3A_386 : vector<1024x1xi32> to vector<1024x896xi32>
    %ge3A_388 = arith.cmpi uge, %select_n3A, %ge3A_387 : vector<1024x896xi32>
    %convert_element_type3A_389 = arith.extui %ge3A_388 : vector<1024x896xi1> to vector<1024x896xi32>
    %reduce_sum3A_390 = arith.constant dense<0> : vector<1024xi32>
    %reduce_sum3A_391 = vector.multi_reduction <add>, %convert_element_type3A_389, %reduce_sum3A_390 [1] : vector<1024x896xi32> to vector<1024xi32>
    %broadcast_in_dim3A_392 = vector.shape_cast %reduce_sum3A_391 : vector<1024xi32> to vector<1024x1xi32>
    %ge3A_393 = arith.constant 100 : i32
    %ge3A_394 = vector.broadcast %ge3A_393 : i32 to vector<1024x1xi32>
    %ge3A_395 = arith.cmpi sge, %broadcast_in_dim3A_392, %ge3A_394 : vector<1024x1xi32>
    %select_n3A_396 = arith.select %ge3A_395, %or3A_386, %select_n3A_383 : vector<1024x1xi1>, vector<1024x1xi32>
    %or3A_397 = arith.constant 2 : i32
    %or3A_398 = vector.broadcast %or3A_397 : i32 to vector<1024x1xi32>
    %or3A_399 = arith.ori %select_n3A_396, %or3A_398 : vector<1024x1xi32>
    %ge3A_400 = vector.broadcast %or3A_399 : vector<1024x1xi32> to vector<1024x896xi32>
    %ge3A_401 = arith.cmpi uge, %select_n3A, %ge3A_400 : vector<1024x896xi32>
    %convert_element_type3A_402 = arith.extui %ge3A_401 : vector<1024x896xi1> to vector<1024x896xi32>
    %reduce_sum3A_403 = arith.constant dense<0> : vector<1024xi32>
    %reduce_sum3A_404 = vector.multi_reduction <add>, %convert_element_type3A_402, %reduce_sum3A_403 [1] : vector<1024x896xi32> to vector<1024xi32>
    %broadcast_in_dim3A_405 = vector.shape_cast %reduce_sum3A_404 : vector<1024xi32> to vector<1024x1xi32>
    %ge3A_406 = arith.constant 100 : i32
    %ge3A_407 = vector.broadcast %ge3A_406 : i32 to vector<1024x1xi32>
    %ge3A_408 = arith.cmpi sge, %broadcast_in_dim3A_405, %ge3A_407 : vector<1024x1xi32>
    %select_n3A_409 = arith.select %ge3A_408, %or3A_399, %select_n3A_396 : vector<1024x1xi1>, vector<1024x1xi32>
    %or3A_410 = arith.constant 1 : i32
    %or3A_411 = vector.broadcast %or3A_410 : i32 to vector<1024x1xi32>
    %or3A_412 = arith.ori %select_n3A_409, %or3A_411 : vector<1024x1xi32>
    %ge3A_413 = vector.broadcast %or3A_412 : vector<1024x1xi32> to vector<1024x896xi32>
    %ge3A_414 = arith.cmpi uge, %select_n3A, %ge3A_413 : vector<1024x896xi32>
    %convert_element_type3A_415 = arith.extui %ge3A_414 : vector<1024x896xi1> to vector<1024x896xi32>
    %reduce_sum3A_416 = arith.constant dense<0> : vector<1024xi32>
    %reduce_sum3A_417 = vector.multi_reduction <add>, %convert_element_type3A_415, %reduce_sum3A_416 [1] : vector<1024x896xi32> to vector<1024xi32>
    %broadcast_in_dim3A_418 = vector.shape_cast %reduce_sum3A_417 : vector<1024xi32> to vector<1024x1xi32>
    %ge3A_419 = arith.constant 100 : i32
    %ge3A_420 = vector.broadcast %ge3A_419 : i32 to vector<1024x1xi32>
    %ge3A_421 = arith.cmpi sge, %broadcast_in_dim3A_418, %ge3A_420 : vector<1024x1xi32>
    %select_n3A_422 = arith.select %ge3A_421, %or3A_412, %select_n3A_409 : vector<1024x1xi1>, vector<1024x1xi32>
    %ge3A_423 = arith.constant -2147483648 : i32
    %ge3A_424 = vector.broadcast %ge3A_423 : i32 to vector<1024x1xi32>
    %ge3A_425 = arith.cmpi uge, %select_n3A_422, %ge3A_424 : vector<1024x1xi32>
    %xor3A = arith.constant -2147483648 : i32
    %xor3A_426 = vector.broadcast %xor3A : i32 to vector<1024x1xi32>
    %xor3A_427 = arith.xori %select_n3A_422, %xor3A_426 : vector<1024x1xi32>
    %not3A_428 = arith.constant dense<-1> : vector<1024x1xi32>
    %not3A_429 = arith.xori %select_n3A_422, %not3A_428 : vector<1024x1xi32>
    %select_n3A_430 = arith.select %ge3A_425, %xor3A_427, %not3A_429 : vector<1024x1xi1>, vector<1024x1xi32>
    %bitcast_convert_type3A_431 = tpu.bitcast %select_n3A_430 : vector<1024x1xi32> -> vector<1024x1xf32>
    %swap3A = arith.constant 0 : index
    %swap3A_432 = arith.constant 0 : index
    %swap3A_433 = vector.load %arg1[%swap3A, %swap3A_432] : memref<1024x1xf32, #tpu.memory_space<vmem>>, vector<1024x1xf32>
    tpu.vector_store %arg1[%swap3A, %swap3A_432], %bitcast_convert_type3A_431 {strides = array<i32>} : memref<1024x1xf32, #tpu.memory_space<vmem>>, vector<1024x1xf32>,
    return
  }
}

module attributes {stable_mosaic.version = 14 : i64} {
  func.func @_sel_body(%arg0: i32, %arg1: memref<128x256xf32, #tpu.memory_space<vmem>>, %arg2: memref<128x256xi32, #tpu.memory_space<vmem>>, %arg3: memref<128x100xf32, #tpu.memory_space<vmem>>, %arg4: memref<128x100xi32, #tpu.memory_space<vmem>>) attributes {dimension_semantics = [#tpu.dimension_semantics<arbitrary>], iteration_bounds = array<i64: 8>, scalar_prefetch = 0 : i64, scratch_operands = 0 : i64, tpu.core_type = #tpu.core_type<tc>, window_params = [{transform_indices = @transform_0, window_bounds = array<i64: 128, 256>}, {transform_indices = @transform_1, window_bounds = array<i64: 128, 256>}, {transform_indices = @transform_2, window_bounds = array<i64: 128, 100>}, {transform_indices = @transform_3, window_bounds = array<i64: 128, 100>}]} {
    %get3A = arith.constant 0 : index
    %get3A_0 = arith.constant 0 : index
    %get3A_1 = vector.load %arg1[%get3A, %get3A_0] : memref<128x256xf32, #tpu.memory_space<vmem>>, vector<128x256xf32>
    %get3A_2 = arith.constant 0 : index
    %get3A_3 = arith.constant 0 : index
    %get3A_4 = vector.load %arg2[%get3A_2, %get3A_3] : memref<128x256xi32, #tpu.memory_space<vmem>>, vector<128x256xi32>
    %reduce_max3A = arith.constant dense<0xFF800000> : vector<128xf32>
    %reduce_max3A_5 = vector.multi_reduction <maximumf>, %get3A_1, %reduce_max3A [1] : vector<128x256xf32> to vector<128xf32>
    %broadcast_in_dim3A = vector.shape_cast %reduce_max3A_5 : vector<128xf32> to vector<128x1xf32>
    %eq3A = vector.broadcast %broadcast_in_dim3A : vector<128x1xf32> to vector<128x256xf32>
    %eq3A_6 = arith.cmpf oeq, %get3A_1, %eq3A : vector<128x256xf32>
    %jit3A = arith.constant 1073741823 : i32
    %broadcast_in_dim3A_7 = vector.broadcast %jit3A : i32 to vector<128x256xi32>
    %select_n3A = arith.select %eq3A_6, %get3A_4, %broadcast_in_dim3A_7 : vector<128x256xi1>, vector<128x256xi32>
    %reduce_min3A = arith.constant dense<2147483647> : vector<128xi32>
    %reduce_min3A_8 = vector.multi_reduction <minsi>, %select_n3A, %reduce_min3A [1] : vector<128x256xi32> to vector<128xi32>
    %broadcast_in_dim3A_9 = vector.shape_cast %reduce_min3A_8 : vector<128xi32> to vector<128x1xi32>
    %swap3A = arith.constant 0 : index
    %swap3A_10 = arith.constant 0 : index
    %swap3A_11 = vector.load %arg3[%swap3A, %swap3A_10] : memref<128x100xf32, #tpu.memory_space<vmem>>, vector<128x1xf32>
    tpu.vector_store %arg3[%swap3A, %swap3A_10], %broadcast_in_dim3A {strides = array<i32>} : memref<128x100xf32, #tpu.memory_space<vmem>>, vector<128x1xf32>,
    %swap3A_12 = arith.constant 0 : index
    %swap3A_13 = arith.constant 0 : index
    %swap3A_14 = vector.load %arg4[%swap3A_12, %swap3A_13] : memref<128x100xi32, #tpu.memory_space<vmem>>, vector<128x1xi32>
    tpu.vector_store %arg4[%swap3A_12, %swap3A_13], %broadcast_in_dim3A_9 {strides = array<i32>} : memref<128x100xi32, #tpu.memory_space<vmem>>, vector<128x1xi32>,
    %eq3A_15 = vector.broadcast %broadcast_in_dim3A_9 : vector<128x1xi32> to vector<128x256xi32>
    %eq3A_16 = arith.cmpi eq, %get3A_4, %eq3A_15 : vector<128x256xi32>
    %jit3A_17 = arith.constant -3.400000e+38 : f32
    %broadcast_in_dim3A_18 = vector.broadcast %jit3A_17 : f32 to vector<128x256xf32>
    %select_n3A_19 = arith.select %eq3A_16, %broadcast_in_dim3A_18, %get3A_1 : vector<128x256xi1>, vector<128x256xf32>
    %reduce_max3A_20 = arith.constant dense<0xFF800000> : vector<128xf32>
    %reduce_max3A_21 = vector.multi_reduction <maximumf>, %select_n3A_19, %reduce_max3A_20 [1] : vector<128x256xf32> to vector<128xf32>
    %broadcast_in_dim3A_22 = vector.shape_cast %reduce_max3A_21 : vector<128xf32> to vector<128x1xf32>
    %eq3A_23 = vector.broadcast %broadcast_in_dim3A_22 : vector<128x1xf32> to vector<128x256xf32>
    %eq3A_24 = arith.cmpf oeq, %select_n3A_19, %eq3A_23 : vector<128x256xf32>
    %jit3A_25 = arith.constant 1073741823 : i32
    %broadcast_in_dim3A_26 = vector.broadcast %jit3A_25 : i32 to vector<128x256xi32>
    %select_n3A_27 = arith.select %eq3A_24, %get3A_4, %broadcast_in_dim3A_26 : vector<128x256xi1>, vector<128x256xi32>
    %reduce_min3A_28 = arith.constant dense<2147483647> : vector<128xi32>
    %reduce_min3A_29 = vector.multi_reduction <minsi>, %select_n3A_27, %reduce_min3A_28 [1] : vector<128x256xi32> to vector<128xi32>
    %broadcast_in_dim3A_30 = vector.shape_cast %reduce_min3A_29 : vector<128xi32> to vector<128x1xi32>
    %swap3A_31 = arith.constant 0 : index
    %swap3A_32 = arith.constant 1 : index
    %swap3A_33 = vector.load %arg3[%swap3A_31, %swap3A_32] : memref<128x100xf32, #tpu.memory_space<vmem>>, vector<128x1xf32>
    tpu.vector_store %arg3[%swap3A_31, %swap3A_32], %broadcast_in_dim3A_22 {strides = array<i32>} : memref<128x100xf32, #tpu.memory_space<vmem>>, vector<128x1xf32>,
    %swap3A_34 = arith.constant 0 : index
    %swap3A_35 = arith.constant 1 : index
    %swap3A_36 = vector.load %arg4[%swap3A_34, %swap3A_35] : memref<128x100xi32, #tpu.memory_space<vmem>>, vector<128x1xi32>
    tpu.vector_store %arg4[%swap3A_34, %swap3A_35], %broadcast_in_dim3A_30 {strides = array<i32>} : memref<128x100xi32, #tpu.memory_space<vmem>>, vector<128x1xi32>,
    %eq3A_37 = vector.broadcast %broadcast_in_dim3A_30 : vector<128x1xi32> to vector<128x256xi32>
    %eq3A_38 = arith.cmpi eq, %get3A_4, %eq3A_37 : vector<128x256xi32>
    %jit3A_39 = arith.constant -3.400000e+38 : f32
    %broadcast_in_dim3A_40 = vector.broadcast %jit3A_39 : f32 to vector<128x256xf32>
    %select_n3A_41 = arith.select %eq3A_38, %broadcast_in_dim3A_40, %select_n3A_19 : vector<128x256xi1>, vector<128x256xf32>
    %reduce_max3A_42 = arith.constant dense<0xFF800000> : vector<128xf32>
    %reduce_max3A_43 = vector.multi_reduction <maximumf>, %select_n3A_41, %reduce_max3A_42 [1] : vector<128x256xf32> to vector<128xf32>
    %broadcast_in_dim3A_44 = vector.shape_cast %reduce_max3A_43 : vector<128xf32> to vector<128x1xf32>
    %eq3A_45 = vector.broadcast %broadcast_in_dim3A_44 : vector<128x1xf32> to vector<128x256xf32>
    %eq3A_46 = arith.cmpf oeq, %select_n3A_41, %eq3A_45 : vector<128x256xf32>
    %jit3A_47 = arith.constant 1073741823 : i32
    %broadcast_in_dim3A_48 = vector.broadcast %jit3A_47 : i32 to vector<128x256xi32>
    %select_n3A_49 = arith.select %eq3A_46, %get3A_4, %broadcast_in_dim3A_48 : vector<128x256xi1>, vector<128x256xi32>
    %reduce_min3A_50 = arith.constant dense<2147483647> : vector<128xi32>
    %reduce_min3A_51 = vector.multi_reduction <minsi>, %select_n3A_49, %reduce_min3A_50 [1] : vector<128x256xi32> to vector<128xi32>
    %broadcast_in_dim3A_52 = vector.shape_cast %reduce_min3A_51 : vector<128xi32> to vector<128x1xi32>
    %swap3A_53 = arith.constant 0 : index
    %swap3A_54 = arith.constant 2 : index
    %swap3A_55 = vector.load %arg3[%swap3A_53, %swap3A_54] : memref<128x100xf32, #tpu.memory_space<vmem>>, vector<128x1xf32>
    tpu.vector_store %arg3[%swap3A_53, %swap3A_54], %broadcast_in_dim3A_44 {strides = array<i32>} : memref<128x100xf32, #tpu.memory_space<vmem>>, vector<128x1xf32>,
    %swap3A_56 = arith.constant 0 : index
    %swap3A_57 = arith.constant 2 : index
    %swap3A_58 = vector.load %arg4[%swap3A_56, %swap3A_57] : memref<128x100xi32, #tpu.memory_space<vmem>>, vector<128x1xi32>
    tpu.vector_store %arg4[%swap3A_56, %swap3A_57], %broadcast_in_dim3A_52 {strides = array<i32>} : memref<128x100xi32, #tpu.memory_space<vmem>>, vector<128x1xi32>,
    %eq3A_59 = vector.broadcast %broadcast_in_dim3A_52 : vector<128x1xi32> to vector<128x256xi32>
    %eq3A_60 = arith.cmpi eq, %get3A_4, %eq3A_59 : vector<128x256xi32>
    %jit3A_61 = arith.constant -3.400000e+38 : f32
    %broadcast_in_dim3A_62 = vector.broadcast %jit3A_61 : f32 to vector<128x256xf32>
    %select_n3A_63 = arith.select %eq3A_60, %broadcast_in_dim3A_62, %select_n3A_41 : vector<128x256xi1>, vector<128x256xf32>
    %reduce_max3A_64 = arith.constant dense<0xFF800000> : vector<128xf32>
    %reduce_max3A_65 = vector.multi_reduction <maximumf>, %select_n3A_63, %reduce_max3A_64 [1] : vector<128x256xf32> to vector<128xf32>
    %broadcast_in_dim3A_66 = vector.shape_cast %reduce_max3A_65 : vector<128xf32> to vector<128x1xf32>
    %eq3A_67 = vector.broadcast %broadcast_in_dim3A_66 : vector<128x1xf32> to vector<128x256xf32>
    %eq3A_68 = arith.cmpf oeq, %select_n3A_63, %eq3A_67 : vector<128x256xf32>
    %jit3A_69 = arith.constant 1073741823 : i32
    %broadcast_in_dim3A_70 = vector.broadcast %jit3A_69 : i32 to vector<128x256xi32>
    %select_n3A_71 = arith.select %eq3A_68, %get3A_4, %broadcast_in_dim3A_70 : vector<128x256xi1>, vector<128x256xi32>
    %reduce_min3A_72 = arith.constant dense<2147483647> : vector<128xi32>
    %reduce_min3A_73 = vector.multi_reduction <minsi>, %select_n3A_71, %reduce_min3A_72 [1] : vector<128x256xi32> to vector<128xi32>
    %broadcast_in_dim3A_74 = vector.shape_cast %reduce_min3A_73 : vector<128xi32> to vector<128x1xi32>
    %swap3A_75 = arith.constant 0 : index
    %swap3A_76 = arith.constant 3 : index
    %swap3A_77 = vector.load %arg3[%swap3A_75, %swap3A_76] : memref<128x100xf32, #tpu.memory_space<vmem>>, vector<128x1xf32>
    tpu.vector_store %arg3[%swap3A_75, %swap3A_76], %broadcast_in_dim3A_66 {strides = array<i32>} : memref<128x100xf32, #tpu.memory_space<vmem>>, vector<128x1xf32>,
    %swap3A_78 = arith.constant 0 : index
    %swap3A_79 = arith.constant 3 : index
    %swap3A_80 = vector.load %arg4[%swap3A_78, %swap3A_79] : memref<128x100xi32, #tpu.memory_space<vmem>>, vector<128x1xi32>
    tpu.vector_store %arg4[%swap3A_78, %swap3A_79], %broadcast_in_dim3A_74 {strides = array<i32>} : memref<128x100xi32, #tpu.memory_space<vmem>>, vector<128x1xi32>,
    %eq3A_81 = vector.broadcast %broadcast_in_dim3A_74 : vector<128x1xi32> to vector<128x256xi32>
    %eq3A_82 = arith.cmpi eq, %get3A_4, %eq3A_81 : vector<128x256xi32>
    %jit3A_83 = arith.constant -3.400000e+38 : f32
    %broadcast_in_dim3A_84 = vector.broadcast %jit3A_83 : f32 to vector<128x256xf32>
    %select_n3A_85 = arith.select %eq3A_82, %broadcast_in_dim3A_84, %select_n3A_63 : vector<128x256xi1>, vector<128x256xf32>
    %reduce_max3A_86 = arith.constant dense<0xFF800000> : vector<128xf32>
    %reduce_max3A_87 = vector.multi_reduction <maximumf>, %select_n3A_85, %reduce_max3A_86 [1] : vector<128x256xf32> to vector<128xf32>
    %broadcast_in_dim3A_88 = vector.shape_cast %reduce_max3A_87 : vector<128xf32> to vector<128x1xf32>
    %eq3A_89 = vector.broadcast %broadcast_in_dim3A_88 : vector<128x1xf32> to vector<128x256xf32>
    %eq3A_90 = arith.cmpf oeq, %select_n3A_85, %eq3A_89 : vector<128x256xf32>
    %jit3A_91 = arith.constant 1073741823 : i32
    %broadcast_in_dim3A_92 = vector.broadcast %jit3A_91 : i32 to vector<128x256xi32>
    %select_n3A_93 = arith.select %eq3A_90, %get3A_4, %broadcast_in_dim3A_92 : vector<128x256xi1>, vector<128x256xi32>
    %reduce_min3A_94 = arith.constant dense<2147483647> : vector<128xi32>
    %reduce_min3A_95 = vector.multi_reduction <minsi>, %select_n3A_93, %reduce_min3A_94 [1] : vector<128x256xi32> to vector<128xi32>
    %broadcast_in_dim3A_96 = vector.shape_cast %reduce_min3A_95 : vector<128xi32> to vector<128x1xi32>
    %swap3A_97 = arith.constant 0 : index
    %swap3A_98 = arith.constant 4 : index
    %swap3A_99 = vector.load %arg3[%swap3A_97, %swap3A_98] : memref<128x100xf32, #tpu.memory_space<vmem>>, vector<128x1xf32>
    tpu.vector_store %arg3[%swap3A_97, %swap3A_98], %broadcast_in_dim3A_88 {strides = array<i32>} : memref<128x100xf32, #tpu.memory_space<vmem>>, vector<128x1xf32>,
    %swap3A_100 = arith.constant 0 : index
    %swap3A_101 = arith.constant 4 : index
    %swap3A_102 = vector.load %arg4[%swap3A_100, %swap3A_101] : memref<128x100xi32, #tpu.memory_space<vmem>>, vector<128x1xi32>
    tpu.vector_store %arg4[%swap3A_100, %swap3A_101], %broadcast_in_dim3A_96 {strides = array<i32>} : memref<128x100xi32, #tpu.memory_space<vmem>>, vector<128x1xi32>,
    %eq3A_103 = vector.broadcast %broadcast_in_dim3A_96 : vector<128x1xi32> to vector<128x256xi32>
    %eq3A_104 = arith.cmpi eq, %get3A_4, %eq3A_103 : vector<128x256xi32>
    %jit3A_105 = arith.constant -3.400000e+38 : f32
    %broadcast_in_dim3A_106 = vector.broadcast %jit3A_105 : f32 to vector<128x256xf32>
    %select_n3A_107 = arith.select %eq3A_104, %broadcast_in_dim3A_106, %select_n3A_85 : vector<128x256xi1>, vector<128x256xf32>
    %reduce_max3A_108 = arith.constant dense<0xFF800000> : vector<128xf32>
    %reduce_max3A_109 = vector.multi_reduction <maximumf>, %select_n3A_107, %reduce_max3A_108 [1] : vector<128x256xf32> to vector<128xf32>
    %broadcast_in_dim3A_110 = vector.shape_cast %reduce_max3A_109 : vector<128xf32> to vector<128x1xf32>
    %eq3A_111 = vector.broadcast %broadcast_in_dim3A_110 : vector<128x1xf32> to vector<128x256xf32>
    %eq3A_112 = arith.cmpf oeq, %select_n3A_107, %eq3A_111 : vector<128x256xf32>
    %jit3A_113 = arith.constant 1073741823 : i32
    %broadcast_in_dim3A_114 = vector.broadcast %jit3A_113 : i32 to vector<128x256xi32>
    %select_n3A_115 = arith.select %eq3A_112, %get3A_4, %broadcast_in_dim3A_114 : vector<128x256xi1>, vector<128x256xi32>
    %reduce_min3A_116 = arith.constant dense<2147483647> : vector<128xi32>
    %reduce_min3A_117 = vector.multi_reduction <minsi>, %select_n3A_115, %reduce_min3A_116 [1] : vector<128x256xi32> to vector<128xi32>
    %broadcast_in_dim3A_118 = vector.shape_cast %reduce_min3A_117 : vector<128xi32> to vector<128x1xi32>
    %swap3A_119 = arith.constant 0 : index
    %swap3A_120 = arith.constant 5 : index
    %swap3A_121 = vector.load %arg3[%swap3A_119, %swap3A_120] : memref<128x100xf32, #tpu.memory_space<vmem>>, vector<128x1xf32>
    tpu.vector_store %arg3[%swap3A_119, %swap3A_120], %broadcast_in_dim3A_110 {strides = array<i32>} : memref<128x100xf32, #tpu.memory_space<vmem>>, vector<128x1xf32>,
    %swap3A_122 = arith.constant 0 : index
    %swap3A_123 = arith.constant 5 : index
    %swap3A_124 = vector.load %arg4[%swap3A_122, %swap3A_123] : memref<128x100xi32, #tpu.memory_space<vmem>>, vector<128x1xi32>
    tpu.vector_store %arg4[%swap3A_122, %swap3A_123], %broadcast_in_dim3A_118 {strides = array<i32>} : memref<128x100xi32, #tpu.memory_space<vmem>>, vector<128x1xi32>,
    %eq3A_125 = vector.broadcast %broadcast_in_dim3A_118 : vector<128x1xi32> to vector<128x256xi32>
    %eq3A_126 = arith.cmpi eq, %get3A_4, %eq3A_125 : vector<128x256xi32>
    %jit3A_127 = arith.constant -3.400000e+38 : f32
    %broadcast_in_dim3A_128 = vector.broadcast %jit3A_127 : f32 to vector<128x256xf32>
    %select_n3A_129 = arith.select %eq3A_126, %broadcast_in_dim3A_128, %select_n3A_107 : vector<128x256xi1>, vector<128x256xf32>
    %reduce_max3A_130 = arith.constant dense<0xFF800000> : vector<128xf32>
    %reduce_max3A_131 = vector.multi_reduction <maximumf>, %select_n3A_129, %reduce_max3A_130 [1] : vector<128x256xf32> to vector<128xf32>
    %broadcast_in_dim3A_132 = vector.shape_cast %reduce_max3A_131 : vector<128xf32> to vector<128x1xf32>
    %eq3A_133 = vector.broadcast %broadcast_in_dim3A_132 : vector<128x1xf32> to vector<128x256xf32>
    %eq3A_134 = arith.cmpf oeq, %select_n3A_129, %eq3A_133 : vector<128x256xf32>
    %jit3A_135 = arith.constant 1073741823 : i32
    %broadcast_in_dim3A_136 = vector.broadcast %jit3A_135 : i32 to vector<128x256xi32>
    %select_n3A_137 = arith.select %eq3A_134, %get3A_4, %broadcast_in_dim3A_136 : vector<128x256xi1>, vector<128x256xi32>
    %reduce_min3A_138 = arith.constant dense<2147483647> : vector<128xi32>
    %reduce_min3A_139 = vector.multi_reduction <minsi>, %select_n3A_137, %reduce_min3A_138 [1] : vector<128x256xi32> to vector<128xi32>
    %broadcast_in_dim3A_140 = vector.shape_cast %reduce_min3A_139 : vector<128xi32> to vector<128x1xi32>
    %swap3A_141 = arith.constant 0 : index
    %swap3A_142 = arith.constant 6 : index
    %swap3A_143 = vector.load %arg3[%swap3A_141, %swap3A_142] : memref<128x100xf32, #tpu.memory_space<vmem>>, vector<128x1xf32>
    tpu.vector_store %arg3[%swap3A_141, %swap3A_142], %broadcast_in_dim3A_132 {strides = array<i32>} : memref<128x100xf32, #tpu.memory_space<vmem>>, vector<128x1xf32>,
    %swap3A_144 = arith.constant 0 : index
    %swap3A_145 = arith.constant 6 : index
    %swap3A_146 = vector.load %arg4[%swap3A_144, %swap3A_145] : memref<128x100xi32, #tpu.memory_space<vmem>>, vector<128x1xi32>
    tpu.vector_store %arg4[%swap3A_144, %swap3A_145], %broadcast_in_dim3A_140 {strides = array<i32>} : memref<128x100xi32, #tpu.memory_space<vmem>>, vector<128x1xi32>,
    %eq3A_147 = vector.broadcast %broadcast_in_dim3A_140 : vector<128x1xi32> to vector<128x256xi32>
    %eq3A_148 = arith.cmpi eq, %get3A_4, %eq3A_147 : vector<128x256xi32>
    %jit3A_149 = arith.constant -3.400000e+38 : f32
    %broadcast_in_dim3A_150 = vector.broadcast %jit3A_149 : f32 to vector<128x256xf32>
    %select_n3A_151 = arith.select %eq3A_148, %broadcast_in_dim3A_150, %select_n3A_129 : vector<128x256xi1>, vector<128x256xf32>
    %reduce_max3A_152 = arith.constant dense<0xFF800000> : vector<128xf32>
    %reduce_max3A_153 = vector.multi_reduction <maximumf>, %select_n3A_151, %reduce_max3A_152 [1] : vector<128x256xf32> to vector<128xf32>
    %broadcast_in_dim3A_154 = vector.shape_cast %reduce_max3A_153 : vector<128xf32> to vector<128x1xf32>
    %eq3A_155 = vector.broadcast %broadcast_in_dim3A_154 : vector<128x1xf32> to vector<128x256xf32>
    %eq3A_156 = arith.cmpf oeq, %select_n3A_151, %eq3A_155 : vector<128x256xf32>
    %jit3A_157 = arith.constant 1073741823 : i32
    %broadcast_in_dim3A_158 = vector.broadcast %jit3A_157 : i32 to vector<128x256xi32>
    %select_n3A_159 = arith.select %eq3A_156, %get3A_4, %broadcast_in_dim3A_158 : vector<128x256xi1>, vector<128x256xi32>
    %reduce_min3A_160 = arith.constant dense<2147483647> : vector<128xi32>
    %reduce_min3A_161 = vector.multi_reduction <minsi>, %select_n3A_159, %reduce_min3A_160 [1] : vector<128x256xi32> to vector<128xi32>
    %broadcast_in_dim3A_162 = vector.shape_cast %reduce_min3A_161 : vector<128xi32> to vector<128x1xi32>
    %swap3A_163 = arith.constant 0 : index
    %swap3A_164 = arith.constant 7 : index
    %swap3A_165 = vector.load %arg3[%swap3A_163, %swap3A_164] : memref<128x100xf32, #tpu.memory_space<vmem>>, vector<128x1xf32>
    tpu.vector_store %arg3[%swap3A_163, %swap3A_164], %broadcast_in_dim3A_154 {strides = array<i32>} : memref<128x100xf32, #tpu.memory_space<vmem>>, vector<128x1xf32>,
    %swap3A_166 = arith.constant 0 : index
    %swap3A_167 = arith.constant 7 : index
    %swap3A_168 = vector.load %arg4[%swap3A_166, %swap3A_167] : memref<128x100xi32, #tpu.memory_space<vmem>>, vector<128x1xi32>
    tpu.vector_store %arg4[%swap3A_166, %swap3A_167], %broadcast_in_dim3A_162 {strides = array<i32>} : memref<128x100xi32, #tpu.memory_space<vmem>>, vector<128x1xi32>,
    %eq3A_169 = vector.broadcast %broadcast_in_dim3A_162 : vector<128x1xi32> to vector<128x256xi32>
    %eq3A_170 = arith.cmpi eq, %get3A_4, %eq3A_169 : vector<128x256xi32>
    %jit3A_171 = arith.constant -3.400000e+38 : f32
    %broadcast_in_dim3A_172 = vector.broadcast %jit3A_171 : f32 to vector<128x256xf32>
    %select_n3A_173 = arith.select %eq3A_170, %broadcast_in_dim3A_172, %select_n3A_151 : vector<128x256xi1>, vector<128x256xf32>
    %reduce_max3A_174 = arith.constant dense<0xFF800000> : vector<128xf32>
    %reduce_max3A_175 = vector.multi_reduction <maximumf>, %select_n3A_173, %reduce_max3A_174 [1] : vector<128x256xf32> to vector<128xf32>
    %broadcast_in_dim3A_176 = vector.shape_cast %reduce_max3A_175 : vector<128xf32> to vector<128x1xf32>
    %eq3A_177 = vector.broadcast %broadcast_in_dim3A_176 : vector<128x1xf32> to vector<128x256xf32>
    %eq3A_178 = arith.cmpf oeq, %select_n3A_173, %eq3A_177 : vector<128x256xf32>
    %jit3A_179 = arith.constant 1073741823 : i32
    %broadcast_in_dim3A_180 = vector.broadcast %jit3A_179 : i32 to vector<128x256xi32>
    %select_n3A_181 = arith.select %eq3A_178, %get3A_4, %broadcast_in_dim3A_180 : vector<128x256xi1>, vector<128x256xi32>
    %reduce_min3A_182 = arith.constant dense<2147483647> : vector<128xi32>
    %reduce_min3A_183 = vector.multi_reduction <minsi>, %select_n3A_181, %reduce_min3A_182 [1] : vector<128x256xi32> to vector<128xi32>
    %broadcast_in_dim3A_184 = vector.shape_cast %reduce_min3A_183 : vector<128xi32> to vector<128x1xi32>
    %swap3A_185 = arith.constant 0 : index
    %swap3A_186 = arith.constant 8 : index
    %swap3A_187 = vector.load %arg3[%swap3A_185, %swap3A_186] : memref<128x100xf32, #tpu.memory_space<vmem>>, vector<128x1xf32>
    tpu.vector_store %arg3[%swap3A_185, %swap3A_186], %broadcast_in_dim3A_176 {strides = array<i32>} : memref<128x100xf32, #tpu.memory_space<vmem>>, vector<128x1xf32>,
    %swap3A_188 = arith.constant 0 : index
    %swap3A_189 = arith.constant 8 : index
    %swap3A_190 = vector.load %arg4[%swap3A_188, %swap3A_189] : memref<128x100xi32, #tpu.memory_space<vmem>>, vector<128x1xi32>
    tpu.vector_store %arg4[%swap3A_188, %swap3A_189], %broadcast_in_dim3A_184 {strides = array<i32>} : memref<128x100xi32, #tpu.memory_space<vmem>>, vector<128x1xi32>,
    %eq3A_191 = vector.broadcast %broadcast_in_dim3A_184 : vector<128x1xi32> to vector<128x256xi32>
    %eq3A_192 = arith.cmpi eq, %get3A_4, %eq3A_191 : vector<128x256xi32>
    %jit3A_193 = arith.constant -3.400000e+38 : f32
    %broadcast_in_dim3A_194 = vector.broadcast %jit3A_193 : f32 to vector<128x256xf32>
    %select_n3A_195 = arith.select %eq3A_192, %broadcast_in_dim3A_194, %select_n3A_173 : vector<128x256xi1>, vector<128x256xf32>
    %reduce_max3A_196 = arith.constant dense<0xFF800000> : vector<128xf32>
    %reduce_max3A_197 = vector.multi_reduction <maximumf>, %select_n3A_195, %reduce_max3A_196 [1] : vector<128x256xf32> to vector<128xf32>
    %broadcast_in_dim3A_198 = vector.shape_cast %reduce_max3A_197 : vector<128xf32> to vector<128x1xf32>
    %eq3A_199 = vector.broadcast %broadcast_in_dim3A_198 : vector<128x1xf32> to vector<128x256xf32>
    %eq3A_200 = arith.cmpf oeq, %select_n3A_195, %eq3A_199 : vector<128x256xf32>
    %jit3A_201 = arith.constant 1073741823 : i32
    %broadcast_in_dim3A_202 = vector.broadcast %jit3A_201 : i32 to vector<128x256xi32>
    %select_n3A_203 = arith.select %eq3A_200, %get3A_4, %broadcast_in_dim3A_202 : vector<128x256xi1>, vector<128x256xi32>
    %reduce_min3A_204 = arith.constant dense<2147483647> : vector<128xi32>
    %reduce_min3A_205 = vector.multi_reduction <minsi>, %select_n3A_203, %reduce_min3A_204 [1] : vector<128x256xi32> to vector<128xi32>
    %broadcast_in_dim3A_206 = vector.shape_cast %reduce_min3A_205 : vector<128xi32> to vector<128x1xi32>
    %swap3A_207 = arith.constant 0 : index
    %swap3A_208 = arith.constant 9 : index
    %swap3A_209 = vector.load %arg3[%swap3A_207, %swap3A_208] : memref<128x100xf32, #tpu.memory_space<vmem>>, vector<128x1xf32>
    tpu.vector_store %arg3[%swap3A_207, %swap3A_208], %broadcast_in_dim3A_198 {strides = array<i32>} : memref<128x100xf32, #tpu.memory_space<vmem>>, vector<128x1xf32>,
    %swap3A_210 = arith.constant 0 : index
    %swap3A_211 = arith.constant 9 : index
    %swap3A_212 = vector.load %arg4[%swap3A_210, %swap3A_211] : memref<128x100xi32, #tpu.memory_space<vmem>>, vector<128x1xi32>
    tpu.vector_store %arg4[%swap3A_210, %swap3A_211], %broadcast_in_dim3A_206 {strides = array<i32>} : memref<128x100xi32, #tpu.memory_space<vmem>>, vector<128x1xi32>,
    %eq3A_213 = vector.broadcast %broadcast_in_dim3A_206 : vector<128x1xi32> to vector<128x256xi32>
    %eq3A_214 = arith.cmpi eq, %get3A_4, %eq3A_213 : vector<128x256xi32>
    %jit3A_215 = arith.constant -3.400000e+38 : f32
    %broadcast_in_dim3A_216 = vector.broadcast %jit3A_215 : f32 to vector<128x256xf32>
    %select_n3A_217 = arith.select %eq3A_214, %broadcast_in_dim3A_216, %select_n3A_195 : vector<128x256xi1>, vector<128x256xf32>
    %reduce_max3A_218 = arith.constant dense<0xFF800000> : vector<128xf32>
    %reduce_max3A_219 = vector.multi_reduction <maximumf>, %select_n3A_217, %reduce_max3A_218 [1] : vector<128x256xf32> to vector<128xf32>
    %broadcast_in_dim3A_220 = vector.shape_cast %reduce_max3A_219 : vector<128xf32> to vector<128x1xf32>
    %eq3A_221 = vector.broadcast %broadcast_in_dim3A_220 : vector<128x1xf32> to vector<128x256xf32>
    %eq3A_222 = arith.cmpf oeq, %select_n3A_217, %eq3A_221 : vector<128x256xf32>
    %jit3A_223 = arith.constant 1073741823 : i32
    %broadcast_in_dim3A_224 = vector.broadcast %jit3A_223 : i32 to vector<128x256xi32>
    %select_n3A_225 = arith.select %eq3A_222, %get3A_4, %broadcast_in_dim3A_224 : vector<128x256xi1>, vector<128x256xi32>
    %reduce_min3A_226 = arith.constant dense<2147483647> : vector<128xi32>
    %reduce_min3A_227 = vector.multi_reduction <minsi>, %select_n3A_225, %reduce_min3A_226 [1] : vector<128x256xi32> to vector<128xi32>
    %broadcast_in_dim3A_228 = vector.shape_cast %reduce_min3A_227 : vector<128xi32> to vector<128x1xi32>
    %swap3A_229 = arith.constant 0 : index
    %swap3A_230 = arith.constant 10 : index
    %swap3A_231 = vector.load %arg3[%swap3A_229, %swap3A_230] : memref<128x100xf32, #tpu.memory_space<vmem>>, vector<128x1xf32>
    tpu.vector_store %arg3[%swap3A_229, %swap3A_230], %broadcast_in_dim3A_220 {strides = array<i32>} : memref<128x100xf32, #tpu.memory_space<vmem>>, vector<128x1xf32>,
    %swap3A_232 = arith.constant 0 : index
    %swap3A_233 = arith.constant 10 : index
    %swap3A_234 = vector.load %arg4[%swap3A_232, %swap3A_233] : memref<128x100xi32, #tpu.memory_space<vmem>>, vector<128x1xi32>
    tpu.vector_store %arg4[%swap3A_232, %swap3A_233], %broadcast_in_dim3A_228 {strides = array<i32>} : memref<128x100xi32, #tpu.memory_space<vmem>>, vector<128x1xi32>,
    %eq3A_235 = vector.broadcast %broadcast_in_dim3A_228 : vector<128x1xi32> to vector<128x256xi32>
    %eq3A_236 = arith.cmpi eq, %get3A_4, %eq3A_235 : vector<128x256xi32>
    %jit3A_237 = arith.constant -3.400000e+38 : f32
    %broadcast_in_dim3A_238 = vector.broadcast %jit3A_237 : f32 to vector<128x256xf32>
    %select_n3A_239 = arith.select %eq3A_236, %broadcast_in_dim3A_238, %select_n3A_217 : vector<128x256xi1>, vector<128x256xf32>
    %reduce_max3A_240 = arith.constant dense<0xFF800000> : vector<128xf32>
    %reduce_max3A_241 = vector.multi_reduction <maximumf>, %select_n3A_239, %reduce_max3A_240 [1] : vector<128x256xf32> to vector<128xf32>
    %broadcast_in_dim3A_242 = vector.shape_cast %reduce_max3A_241 : vector<128xf32> to vector<128x1xf32>
    %eq3A_243 = vector.broadcast %broadcast_in_dim3A_242 : vector<128x1xf32> to vector<128x256xf32>
    %eq3A_244 = arith.cmpf oeq, %select_n3A_239, %eq3A_243 : vector<128x256xf32>
    %jit3A_245 = arith.constant 1073741823 : i32
    %broadcast_in_dim3A_246 = vector.broadcast %jit3A_245 : i32 to vector<128x256xi32>
    %select_n3A_247 = arith.select %eq3A_244, %get3A_4, %broadcast_in_dim3A_246 : vector<128x256xi1>, vector<128x256xi32>
    %reduce_min3A_248 = arith.constant dense<2147483647> : vector<128xi32>
    %reduce_min3A_249 = vector.multi_reduction <minsi>, %select_n3A_247, %reduce_min3A_248 [1] : vector<128x256xi32> to vector<128xi32>
    %broadcast_in_dim3A_250 = vector.shape_cast %reduce_min3A_249 : vector<128xi32> to vector<128x1xi32>
    %swap3A_251 = arith.constant 0 : index
    %swap3A_252 = arith.constant 11 : index
    %swap3A_253 = vector.load %arg3[%swap3A_251, %swap3A_252] : memref<128x100xf32, #tpu.memory_space<vmem>>, vector<128x1xf32>
    tpu.vector_store %arg3[%swap3A_251, %swap3A_252], %broadcast_in_dim3A_242 {strides = array<i32>} : memref<128x100xf32, #tpu.memory_space<vmem>>, vector<128x1xf32>,
    %swap3A_254 = arith.constant 0 : index
    %swap3A_255 = arith.constant 11 : index
    %swap3A_256 = vector.load %arg4[%swap3A_254, %swap3A_255] : memref<128x100xi32, #tpu.memory_space<vmem>>, vector<128x1xi32>
    tpu.vector_store %arg4[%swap3A_254, %swap3A_255], %broadcast_in_dim3A_250 {strides = array<i32>} : memref<128x100xi32, #tpu.memory_space<vmem>>, vector<128x1xi32>,
    %eq3A_257 = vector.broadcast %broadcast_in_dim3A_250 : vector<128x1xi32> to vector<128x256xi32>
    %eq3A_258 = arith.cmpi eq, %get3A_4, %eq3A_257 : vector<128x256xi32>
    %jit3A_259 = arith.constant -3.400000e+38 : f32
    %broadcast_in_dim3A_260 = vector.broadcast %jit3A_259 : f32 to vector<128x256xf32>
    %select_n3A_261 = arith.select %eq3A_258, %broadcast_in_dim3A_260, %select_n3A_239 : vector<128x256xi1>, vector<128x256xf32>
    %reduce_max3A_262 = arith.constant dense<0xFF800000> : vector<128xf32>
    %reduce_max3A_263 = vector.multi_reduction <maximumf>, %select_n3A_261, %reduce_max3A_262 [1] : vector<128x256xf32> to vector<128xf32>
    %broadcast_in_dim3A_264 = vector.shape_cast %reduce_max3A_263 : vector<128xf32> to vector<128x1xf32>
    %eq3A_265 = vector.broadcast %broadcast_in_dim3A_264 : vector<128x1xf32> to vector<128x256xf32>
    %eq3A_266 = arith.cmpf oeq, %select_n3A_261, %eq3A_265 : vector<128x256xf32>
    %jit3A_267 = arith.constant 1073741823 : i32
    %broadcast_in_dim3A_268 = vector.broadcast %jit3A_267 : i32 to vector<128x256xi32>
    %select_n3A_269 = arith.select %eq3A_266, %get3A_4, %broadcast_in_dim3A_268 : vector<128x256xi1>, vector<128x256xi32>
    %reduce_min3A_270 = arith.constant dense<2147483647> : vector<128xi32>
    %reduce_min3A_271 = vector.multi_reduction <minsi>, %select_n3A_269, %reduce_min3A_270 [1] : vector<128x256xi32> to vector<128xi32>
    %broadcast_in_dim3A_272 = vector.shape_cast %reduce_min3A_271 : vector<128xi32> to vector<128x1xi32>
    %swap3A_273 = arith.constant 0 : index
    %swap3A_274 = arith.constant 12 : index
    %swap3A_275 = vector.load %arg3[%swap3A_273, %swap3A_274] : memref<128x100xf32, #tpu.memory_space<vmem>>, vector<128x1xf32>
    tpu.vector_store %arg3[%swap3A_273, %swap3A_274], %broadcast_in_dim3A_264 {strides = array<i32>} : memref<128x100xf32, #tpu.memory_space<vmem>>, vector<128x1xf32>,
    %swap3A_276 = arith.constant 0 : index
    %swap3A_277 = arith.constant 12 : index
    %swap3A_278 = vector.load %arg4[%swap3A_276, %swap3A_277] : memref<128x100xi32, #tpu.memory_space<vmem>>, vector<128x1xi32>
    tpu.vector_store %arg4[%swap3A_276, %swap3A_277], %broadcast_in_dim3A_272 {strides = array<i32>} : memref<128x100xi32, #tpu.memory_space<vmem>>, vector<128x1xi32>,
    %eq3A_279 = vector.broadcast %broadcast_in_dim3A_272 : vector<128x1xi32> to vector<128x256xi32>
    %eq3A_280 = arith.cmpi eq, %get3A_4, %eq3A_279 : vector<128x256xi32>
    %jit3A_281 = arith.constant -3.400000e+38 : f32
    %broadcast_in_dim3A_282 = vector.broadcast %jit3A_281 : f32 to vector<128x256xf32>
    %select_n3A_283 = arith.select %eq3A_280, %broadcast_in_dim3A_282, %select_n3A_261 : vector<128x256xi1>, vector<128x256xf32>
    %reduce_max3A_284 = arith.constant dense<0xFF800000> : vector<128xf32>
    %reduce_max3A_285 = vector.multi_reduction <maximumf>, %select_n3A_283, %reduce_max3A_284 [1] : vector<128x256xf32> to vector<128xf32>
    %broadcast_in_dim3A_286 = vector.shape_cast %reduce_max3A_285 : vector<128xf32> to vector<128x1xf32>
    %eq3A_287 = vector.broadcast %broadcast_in_dim3A_286 : vector<128x1xf32> to vector<128x256xf32>
    %eq3A_288 = arith.cmpf oeq, %select_n3A_283, %eq3A_287 : vector<128x256xf32>
    %jit3A_289 = arith.constant 1073741823 : i32
    %broadcast_in_dim3A_290 = vector.broadcast %jit3A_289 : i32 to vector<128x256xi32>
    %select_n3A_291 = arith.select %eq3A_288, %get3A_4, %broadcast_in_dim3A_290 : vector<128x256xi1>, vector<128x256xi32>
    %reduce_min3A_292 = arith.constant dense<2147483647> : vector<128xi32>
    %reduce_min3A_293 = vector.multi_reduction <minsi>, %select_n3A_291, %reduce_min3A_292 [1] : vector<128x256xi32> to vector<128xi32>
    %broadcast_in_dim3A_294 = vector.shape_cast %reduce_min3A_293 : vector<128xi32> to vector<128x1xi32>
    %swap3A_295 = arith.constant 0 : index
    %swap3A_296 = arith.constant 13 : index
    %swap3A_297 = vector.load %arg3[%swap3A_295, %swap3A_296] : memref<128x100xf32, #tpu.memory_space<vmem>>, vector<128x1xf32>
    tpu.vector_store %arg3[%swap3A_295, %swap3A_296], %broadcast_in_dim3A_286 {strides = array<i32>} : memref<128x100xf32, #tpu.memory_space<vmem>>, vector<128x1xf32>,
    %swap3A_298 = arith.constant 0 : index
    %swap3A_299 = arith.constant 13 : index
    %swap3A_300 = vector.load %arg4[%swap3A_298, %swap3A_299] : memref<128x100xi32, #tpu.memory_space<vmem>>, vector<128x1xi32>
    tpu.vector_store %arg4[%swap3A_298, %swap3A_299], %broadcast_in_dim3A_294 {strides = array<i32>} : memref<128x100xi32, #tpu.memory_space<vmem>>, vector<128x1xi32>,
    %eq3A_301 = vector.broadcast %broadcast_in_dim3A_294 : vector<128x1xi32> to vector<128x256xi32>
    %eq3A_302 = arith.cmpi eq, %get3A_4, %eq3A_301 : vector<128x256xi32>
    %jit3A_303 = arith.constant -3.400000e+38 : f32
    %broadcast_in_dim3A_304 = vector.broadcast %jit3A_303 : f32 to vector<128x256xf32>
    %select_n3A_305 = arith.select %eq3A_302, %broadcast_in_dim3A_304, %select_n3A_283 : vector<128x256xi1>, vector<128x256xf32>
    %reduce_max3A_306 = arith.constant dense<0xFF800000> : vector<128xf32>
    %reduce_max3A_307 = vector.multi_reduction <maximumf>, %select_n3A_305, %reduce_max3A_306 [1] : vector<128x256xf32> to vector<128xf32>
    %broadcast_in_dim3A_308 = vector.shape_cast %reduce_max3A_307 : vector<128xf32> to vector<128x1xf32>
    %eq3A_309 = vector.broadcast %broadcast_in_dim3A_308 : vector<128x1xf32> to vector<128x256xf32>
    %eq3A_310 = arith.cmpf oeq, %select_n3A_305, %eq3A_309 : vector<128x256xf32>
    %jit3A_311 = arith.constant 1073741823 : i32
    %broadcast_in_dim3A_312 = vector.broadcast %jit3A_311 : i32 to vector<128x256xi32>
    %select_n3A_313 = arith.select %eq3A_310, %get3A_4, %broadcast_in_dim3A_312 : vector<128x256xi1>, vector<128x256xi32>
    %reduce_min3A_314 = arith.constant dense<2147483647> : vector<128xi32>
    %reduce_min3A_315 = vector.multi_reduction <minsi>, %select_n3A_313, %reduce_min3A_314 [1] : vector<128x256xi32> to vector<128xi32>
    %broadcast_in_dim3A_316 = vector.shape_cast %reduce_min3A_315 : vector<128xi32> to vector<128x1xi32>
    %swap3A_317 = arith.constant 0 : index
    %swap3A_318 = arith.constant 14 : index
    %swap3A_319 = vector.load %arg3[%swap3A_317, %swap3A_318] : memref<128x100xf32, #tpu.memory_space<vmem>>, vector<128x1xf32>
    tpu.vector_store %arg3[%swap3A_317, %swap3A_318], %broadcast_in_dim3A_308 {strides = array<i32>} : memref<128x100xf32, #tpu.memory_space<vmem>>, vector<128x1xf32>,
    %swap3A_320 = arith.constant 0 : index
    %swap3A_321 = arith.constant 14 : index
    %swap3A_322 = vector.load %arg4[%swap3A_320, %swap3A_321] : memref<128x100xi32, #tpu.memory_space<vmem>>, vector<128x1xi32>
    tpu.vector_store %arg4[%swap3A_320, %swap3A_321], %broadcast_in_dim3A_316 {strides = array<i32>} : memref<128x100xi32, #tpu.memory_space<vmem>>, vector<128x1xi32>,
    %eq3A_323 = vector.broadcast %broadcast_in_dim3A_316 : vector<128x1xi32> to vector<128x256xi32>
    %eq3A_324 = arith.cmpi eq, %get3A_4, %eq3A_323 : vector<128x256xi32>
    %jit3A_325 = arith.constant -3.400000e+38 : f32
    %broadcast_in_dim3A_326 = vector.broadcast %jit3A_325 : f32 to vector<128x256xf32>
    %select_n3A_327 = arith.select %eq3A_324, %broadcast_in_dim3A_326, %select_n3A_305 : vector<128x256xi1>, vector<128x256xf32>
    %reduce_max3A_328 = arith.constant dense<0xFF800000> : vector<128xf32>
    %reduce_max3A_329 = vector.multi_reduction <maximumf>, %select_n3A_327, %reduce_max3A_328 [1] : vector<128x256xf32> to vector<128xf32>
    %broadcast_in_dim3A_330 = vector.shape_cast %reduce_max3A_329 : vector<128xf32> to vector<128x1xf32>
    %eq3A_331 = vector.broadcast %broadcast_in_dim3A_330 : vector<128x1xf32> to vector<128x256xf32>
    %eq3A_332 = arith.cmpf oeq, %select_n3A_327, %eq3A_331 : vector<128x256xf32>
    %jit3A_333 = arith.constant 1073741823 : i32
    %broadcast_in_dim3A_334 = vector.broadcast %jit3A_333 : i32 to vector<128x256xi32>
    %select_n3A_335 = arith.select %eq3A_332, %get3A_4, %broadcast_in_dim3A_334 : vector<128x256xi1>, vector<128x256xi32>
    %reduce_min3A_336 = arith.constant dense<2147483647> : vector<128xi32>
    %reduce_min3A_337 = vector.multi_reduction <minsi>, %select_n3A_335, %reduce_min3A_336 [1] : vector<128x256xi32> to vector<128xi32>
    %broadcast_in_dim3A_338 = vector.shape_cast %reduce_min3A_337 : vector<128xi32> to vector<128x1xi32>
    %swap3A_339 = arith.constant 0 : index
    %swap3A_340 = arith.constant 15 : index
    %swap3A_341 = vector.load %arg3[%swap3A_339, %swap3A_340] : memref<128x100xf32, #tpu.memory_space<vmem>>, vector<128x1xf32>
    tpu.vector_store %arg3[%swap3A_339, %swap3A_340], %broadcast_in_dim3A_330 {strides = array<i32>} : memref<128x100xf32, #tpu.memory_space<vmem>>, vector<128x1xf32>,
    %swap3A_342 = arith.constant 0 : index
    %swap3A_343 = arith.constant 15 : index
    %swap3A_344 = vector.load %arg4[%swap3A_342, %swap3A_343] : memref<128x100xi32, #tpu.memory_space<vmem>>, vector<128x1xi32>
    tpu.vector_store %arg4[%swap3A_342, %swap3A_343], %broadcast_in_dim3A_338 {strides = array<i32>} : memref<128x100xi32, #tpu.memory_space<vmem>>, vector<128x1xi32>,
    %eq3A_345 = vector.broadcast %broadcast_in_dim3A_338 : vector<128x1xi32> to vector<128x256xi32>
    %eq3A_346 = arith.cmpi eq, %get3A_4, %eq3A_345 : vector<128x256xi32>
    %jit3A_347 = arith.constant -3.400000e+38 : f32
    %broadcast_in_dim3A_348 = vector.broadcast %jit3A_347 : f32 to vector<128x256xf32>
    %select_n3A_349 = arith.select %eq3A_346, %broadcast_in_dim3A_348, %select_n3A_327 : vector<128x256xi1>, vector<128x256xf32>
    %reduce_max3A_350 = arith.constant dense<0xFF800000> : vector<128xf32>
    %reduce_max3A_351 = vector.multi_reduction <maximumf>, %select_n3A_349, %reduce_max3A_350 [1] : vector<128x256xf32> to vector<128xf32>
    %broadcast_in_dim3A_352 = vector.shape_cast %reduce_max3A_351 : vector<128xf32> to vector<128x1xf32>
    %eq3A_353 = vector.broadcast %broadcast_in_dim3A_352 : vector<128x1xf32> to vector<128x256xf32>
    %eq3A_354 = arith.cmpf oeq, %select_n3A_349, %eq3A_353 : vector<128x256xf32>
    %jit3A_355 = arith.constant 1073741823 : i32
    %broadcast_in_dim3A_356 = vector.broadcast %jit3A_355 : i32 to vector<128x256xi32>
    %select_n3A_357 = arith.select %eq3A_354, %get3A_4, %broadcast_in_dim3A_356 : vector<128x256xi1>, vector<128x256xi32>
    %reduce_min3A_358 = arith.constant dense<2147483647> : vector<128xi32>
    %reduce_min3A_359 = vector.multi_reduction <minsi>, %select_n3A_357, %reduce_min3A_358 [1] : vector<128x256xi32> to vector<128xi32>
    %broadcast_in_dim3A_360 = vector.shape_cast %reduce_min3A_359 : vector<128xi32> to vector<128x1xi32>
    %swap3A_361 = arith.constant 0 : index
    %swap3A_362 = arith.constant 16 : index
    %swap3A_363 = vector.load %arg3[%swap3A_361, %swap3A_362] : memref<128x100xf32, #tpu.memory_space<vmem>>, vector<128x1xf32>
    tpu.vector_store %arg3[%swap3A_361, %swap3A_362], %broadcast_in_dim3A_352 {strides = array<i32>} : memref<128x100xf32, #tpu.memory_space<vmem>>, vector<128x1xf32>,
    %swap3A_364 = arith.constant 0 : index
    %swap3A_365 = arith.constant 16 : index
    %swap3A_366 = vector.load %arg4[%swap3A_364, %swap3A_365] : memref<128x100xi32, #tpu.memory_space<vmem>>, vector<128x1xi32>
    tpu.vector_store %arg4[%swap3A_364, %swap3A_365], %broadcast_in_dim3A_360 {strides = array<i32>} : memref<128x100xi32, #tpu.memory_space<vmem>>, vector<128x1xi32>,
    %eq3A_367 = vector.broadcast %broadcast_in_dim3A_360 : vector<128x1xi32> to vector<128x256xi32>
    %eq3A_368 = arith.cmpi eq, %get3A_4, %eq3A_367 : vector<128x256xi32>
    %jit3A_369 = arith.constant -3.400000e+38 : f32
    %broadcast_in_dim3A_370 = vector.broadcast %jit3A_369 : f32 to vector<128x256xf32>
    %select_n3A_371 = arith.select %eq3A_368, %broadcast_in_dim3A_370, %select_n3A_349 : vector<128x256xi1>, vector<128x256xf32>
    %reduce_max3A_372 = arith.constant dense<0xFF800000> : vector<128xf32>
    %reduce_max3A_373 = vector.multi_reduction <maximumf>, %select_n3A_371, %reduce_max3A_372 [1] : vector<128x256xf32> to vector<128xf32>
    %broadcast_in_dim3A_374 = vector.shape_cast %reduce_max3A_373 : vector<128xf32> to vector<128x1xf32>
    %eq3A_375 = vector.broadcast %broadcast_in_dim3A_374 : vector<128x1xf32> to vector<128x256xf32>
    %eq3A_376 = arith.cmpf oeq, %select_n3A_371, %eq3A_375 : vector<128x256xf32>
    %jit3A_377 = arith.constant 1073741823 : i32
    %broadcast_in_dim3A_378 = vector.broadcast %jit3A_377 : i32 to vector<128x256xi32>
    %select_n3A_379 = arith.select %eq3A_376, %get3A_4, %broadcast_in_dim3A_378 : vector<128x256xi1>, vector<128x256xi32>
    %reduce_min3A_380 = arith.constant dense<2147483647> : vector<128xi32>
    %reduce_min3A_381 = vector.multi_reduction <minsi>, %select_n3A_379, %reduce_min3A_380 [1] : vector<128x256xi32> to vector<128xi32>
    %broadcast_in_dim3A_382 = vector.shape_cast %reduce_min3A_381 : vector<128xi32> to vector<128x1xi32>
    %swap3A_383 = arith.constant 0 : index
    %swap3A_384 = arith.constant 17 : index
    %swap3A_385 = vector.load %arg3[%swap3A_383, %swap3A_384] : memref<128x100xf32, #tpu.memory_space<vmem>>, vector<128x1xf32>
    tpu.vector_store %arg3[%swap3A_383, %swap3A_384], %broadcast_in_dim3A_374 {strides = array<i32>} : memref<128x100xf32, #tpu.memory_space<vmem>>, vector<128x1xf32>,
    %swap3A_386 = arith.constant 0 : index
    %swap3A_387 = arith.constant 17 : index
    %swap3A_388 = vector.load %arg4[%swap3A_386, %swap3A_387] : memref<128x100xi32, #tpu.memory_space<vmem>>, vector<128x1xi32>
    tpu.vector_store %arg4[%swap3A_386, %swap3A_387], %broadcast_in_dim3A_382 {strides = array<i32>} : memref<128x100xi32, #tpu.memory_space<vmem>>, vector<128x1xi32>,
    %eq3A_389 = vector.broadcast %broadcast_in_dim3A_382 : vector<128x1xi32> to vector<128x256xi32>
    %eq3A_390 = arith.cmpi eq, %get3A_4, %eq3A_389 : vector<128x256xi32>
    %jit3A_391 = arith.constant -3.400000e+38 : f32
    %broadcast_in_dim3A_392 = vector.broadcast %jit3A_391 : f32 to vector<128x256xf32>
    %select_n3A_393 = arith.select %eq3A_390, %broadcast_in_dim3A_392, %select_n3A_371 : vector<128x256xi1>, vector<128x256xf32>
    %reduce_max3A_394 = arith.constant dense<0xFF800000> : vector<128xf32>
    %reduce_max3A_395 = vector.multi_reduction <maximumf>, %select_n3A_393, %reduce_max3A_394 [1] : vector<128x256xf32> to vector<128xf32>
    %broadcast_in_dim3A_396 = vector.shape_cast %reduce_max3A_395 : vector<128xf32> to vector<128x1xf32>
    %eq3A_397 = vector.broadcast %broadcast_in_dim3A_396 : vector<128x1xf32> to vector<128x256xf32>
    %eq3A_398 = arith.cmpf oeq, %select_n3A_393, %eq3A_397 : vector<128x256xf32>
    %jit3A_399 = arith.constant 1073741823 : i32
    %broadcast_in_dim3A_400 = vector.broadcast %jit3A_399 : i32 to vector<128x256xi32>
    %select_n3A_401 = arith.select %eq3A_398, %get3A_4, %broadcast_in_dim3A_400 : vector<128x256xi1>, vector<128x256xi32>
    %reduce_min3A_402 = arith.constant dense<2147483647> : vector<128xi32>
    %reduce_min3A_403 = vector.multi_reduction <minsi>, %select_n3A_401, %reduce_min3A_402 [1] : vector<128x256xi32> to vector<128xi32>
    %broadcast_in_dim3A_404 = vector.shape_cast %reduce_min3A_403 : vector<128xi32> to vector<128x1xi32>
    %swap3A_405 = arith.constant 0 : index
    %swap3A_406 = arith.constant 18 : index
    %swap3A_407 = vector.load %arg3[%swap3A_405, %swap3A_406] : memref<128x100xf32, #tpu.memory_space<vmem>>, vector<128x1xf32>
    tpu.vector_store %arg3[%swap3A_405, %swap3A_406], %broadcast_in_dim3A_396 {strides = array<i32>} : memref<128x100xf32, #tpu.memory_space<vmem>>, vector<128x1xf32>,
    %swap3A_408 = arith.constant 0 : index
    %swap3A_409 = arith.constant 18 : index
    %swap3A_410 = vector.load %arg4[%swap3A_408, %swap3A_409] : memref<128x100xi32, #tpu.memory_space<vmem>>, vector<128x1xi32>
    tpu.vector_store %arg4[%swap3A_408, %swap3A_409], %broadcast_in_dim3A_404 {strides = array<i32>} : memref<128x100xi32, #tpu.memory_space<vmem>>, vector<128x1xi32>,
    %eq3A_411 = vector.broadcast %broadcast_in_dim3A_404 : vector<128x1xi32> to vector<128x256xi32>
    %eq3A_412 = arith.cmpi eq, %get3A_4, %eq3A_411 : vector<128x256xi32>
    %jit3A_413 = arith.constant -3.400000e+38 : f32
    %broadcast_in_dim3A_414 = vector.broadcast %jit3A_413 : f32 to vector<128x256xf32>
    %select_n3A_415 = arith.select %eq3A_412, %broadcast_in_dim3A_414, %select_n3A_393 : vector<128x256xi1>, vector<128x256xf32>
    %reduce_max3A_416 = arith.constant dense<0xFF800000> : vector<128xf32>
    %reduce_max3A_417 = vector.multi_reduction <maximumf>, %select_n3A_415, %reduce_max3A_416 [1] : vector<128x256xf32> to vector<128xf32>
    %broadcast_in_dim3A_418 = vector.shape_cast %reduce_max3A_417 : vector<128xf32> to vector<128x1xf32>
    %eq3A_419 = vector.broadcast %broadcast_in_dim3A_418 : vector<128x1xf32> to vector<128x256xf32>
    %eq3A_420 = arith.cmpf oeq, %select_n3A_415, %eq3A_419 : vector<128x256xf32>
    %jit3A_421 = arith.constant 1073741823 : i32
    %broadcast_in_dim3A_422 = vector.broadcast %jit3A_421 : i32 to vector<128x256xi32>
    %select_n3A_423 = arith.select %eq3A_420, %get3A_4, %broadcast_in_dim3A_422 : vector<128x256xi1>, vector<128x256xi32>
    %reduce_min3A_424 = arith.constant dense<2147483647> : vector<128xi32>
    %reduce_min3A_425 = vector.multi_reduction <minsi>, %select_n3A_423, %reduce_min3A_424 [1] : vector<128x256xi32> to vector<128xi32>
    %broadcast_in_dim3A_426 = vector.shape_cast %reduce_min3A_425 : vector<128xi32> to vector<128x1xi32>
    %swap3A_427 = arith.constant 0 : index
    %swap3A_428 = arith.constant 19 : index
    %swap3A_429 = vector.load %arg3[%swap3A_427, %swap3A_428] : memref<128x100xf32, #tpu.memory_space<vmem>>, vector<128x1xf32>
    tpu.vector_store %arg3[%swap3A_427, %swap3A_428], %broadcast_in_dim3A_418 {strides = array<i32>} : memref<128x100xf32, #tpu.memory_space<vmem>>, vector<128x1xf32>,
    %swap3A_430 = arith.constant 0 : index
    %swap3A_431 = arith.constant 19 : index
    %swap3A_432 = vector.load %arg4[%swap3A_430, %swap3A_431] : memref<128x100xi32, #tpu.memory_space<vmem>>, vector<128x1xi32>
    tpu.vector_store %arg4[%swap3A_430, %swap3A_431], %broadcast_in_dim3A_426 {strides = array<i32>} : memref<128x100xi32, #tpu.memory_space<vmem>>, vector<128x1xi32>,
    %eq3A_433 = vector.broadcast %broadcast_in_dim3A_426 : vector<128x1xi32> to vector<128x256xi32>
    %eq3A_434 = arith.cmpi eq, %get3A_4, %eq3A_433 : vector<128x256xi32>
    %jit3A_435 = arith.constant -3.400000e+38 : f32
    %broadcast_in_dim3A_436 = vector.broadcast %jit3A_435 : f32 to vector<128x256xf32>
    %select_n3A_437 = arith.select %eq3A_434, %broadcast_in_dim3A_436, %select_n3A_415 : vector<128x256xi1>, vector<128x256xf32>
    %reduce_max3A_438 = arith.constant dense<0xFF800000> : vector<128xf32>
    %reduce_max3A_439 = vector.multi_reduction <maximumf>, %select_n3A_437, %reduce_max3A_438 [1] : vector<128x256xf32> to vector<128xf32>
    %broadcast_in_dim3A_440 = vector.shape_cast %reduce_max3A_439 : vector<128xf32> to vector<128x1xf32>
    %eq3A_441 = vector.broadcast %broadcast_in_dim3A_440 : vector<128x1xf32> to vector<128x256xf32>
    %eq3A_442 = arith.cmpf oeq, %select_n3A_437, %eq3A_441 : vector<128x256xf32>
    %jit3A_443 = arith.constant 1073741823 : i32
    %broadcast_in_dim3A_444 = vector.broadcast %jit3A_443 : i32 to vector<128x256xi32>
    %select_n3A_445 = arith.select %eq3A_442, %get3A_4, %broadcast_in_dim3A_444 : vector<128x256xi1>, vector<128x256xi32>
    %reduce_min3A_446 = arith.constant dense<2147483647> : vector<128xi32>
    %reduce_min3A_447 = vector.multi_reduction <minsi>, %select_n3A_445, %reduce_min3A_446 [1] : vector<128x256xi32> to vector<128xi32>
    %broadcast_in_dim3A_448 = vector.shape_cast %reduce_min3A_447 : vector<128xi32> to vector<128x1xi32>
    %swap3A_449 = arith.constant 0 : index
    %swap3A_450 = arith.constant 20 : index
    %swap3A_451 = vector.load %arg3[%swap3A_449, %swap3A_450] : memref<128x100xf32, #tpu.memory_space<vmem>>, vector<128x1xf32>
    tpu.vector_store %arg3[%swap3A_449, %swap3A_450], %broadcast_in_dim3A_440 {strides = array<i32>} : memref<128x100xf32, #tpu.memory_space<vmem>>, vector<128x1xf32>,
    %swap3A_452 = arith.constant 0 : index
    %swap3A_453 = arith.constant 20 : index
    %swap3A_454 = vector.load %arg4[%swap3A_452, %swap3A_453] : memref<128x100xi32, #tpu.memory_space<vmem>>, vector<128x1xi32>
    tpu.vector_store %arg4[%swap3A_452, %swap3A_453], %broadcast_in_dim3A_448 {strides = array<i32>} : memref<128x100xi32, #tpu.memory_space<vmem>>, vector<128x1xi32>,
    %eq3A_455 = vector.broadcast %broadcast_in_dim3A_448 : vector<128x1xi32> to vector<128x256xi32>
    %eq3A_456 = arith.cmpi eq, %get3A_4, %eq3A_455 : vector<128x256xi32>
    %jit3A_457 = arith.constant -3.400000e+38 : f32
    %broadcast_in_dim3A_458 = vector.broadcast %jit3A_457 : f32 to vector<128x256xf32>
    %select_n3A_459 = arith.select %eq3A_456, %broadcast_in_dim3A_458, %select_n3A_437 : vector<128x256xi1>, vector<128x256xf32>
    %reduce_max3A_460 = arith.constant dense<0xFF800000> : vector<128xf32>
    %reduce_max3A_461 = vector.multi_reduction <maximumf>, %select_n3A_459, %reduce_max3A_460 [1] : vector<128x256xf32> to vector<128xf32>
    %broadcast_in_dim3A_462 = vector.shape_cast %reduce_max3A_461 : vector<128xf32> to vector<128x1xf32>
    %eq3A_463 = vector.broadcast %broadcast_in_dim3A_462 : vector<128x1xf32> to vector<128x256xf32>
    %eq3A_464 = arith.cmpf oeq, %select_n3A_459, %eq3A_463 : vector<128x256xf32>
    %jit3A_465 = arith.constant 1073741823 : i32
    %broadcast_in_dim3A_466 = vector.broadcast %jit3A_465 : i32 to vector<128x256xi32>
    %select_n3A_467 = arith.select %eq3A_464, %get3A_4, %broadcast_in_dim3A_466 : vector<128x256xi1>, vector<128x256xi32>
    %reduce_min3A_468 = arith.constant dense<2147483647> : vector<128xi32>
    %reduce_min3A_469 = vector.multi_reduction <minsi>, %select_n3A_467, %reduce_min3A_468 [1] : vector<128x256xi32> to vector<128xi32>
    %broadcast_in_dim3A_470 = vector.shape_cast %reduce_min3A_469 : vector<128xi32> to vector<128x1xi32>
    %swap3A_471 = arith.constant 0 : index
    %swap3A_472 = arith.constant 21 : index
    %swap3A_473 = vector.load %arg3[%swap3A_471, %swap3A_472] : memref<128x100xf32, #tpu.memory_space<vmem>>, vector<128x1xf32>
    tpu.vector_store %arg3[%swap3A_471, %swap3A_472], %broadcast_in_dim3A_462 {strides = array<i32>} : memref<128x100xf32, #tpu.memory_space<vmem>>, vector<128x1xf32>,
    %swap3A_474 = arith.constant 0 : index
    %swap3A_475 = arith.constant 21 : index
    %swap3A_476 = vector.load %arg4[%swap3A_474, %swap3A_475] : memref<128x100xi32, #tpu.memory_space<vmem>>, vector<128x1xi32>
    tpu.vector_store %arg4[%swap3A_474, %swap3A_475], %broadcast_in_dim3A_470 {strides = array<i32>} : memref<128x100xi32, #tpu.memory_space<vmem>>, vector<128x1xi32>,
    %eq3A_477 = vector.broadcast %broadcast_in_dim3A_470 : vector<128x1xi32> to vector<128x256xi32>
    %eq3A_478 = arith.cmpi eq, %get3A_4, %eq3A_477 : vector<128x256xi32>
    %jit3A_479 = arith.constant -3.400000e+38 : f32
    %broadcast_in_dim3A_480 = vector.broadcast %jit3A_479 : f32 to vector<128x256xf32>
    %select_n3A_481 = arith.select %eq3A_478, %broadcast_in_dim3A_480, %select_n3A_459 : vector<128x256xi1>, vector<128x256xf32>
    %reduce_max3A_482 = arith.constant dense<0xFF800000> : vector<128xf32>
    %reduce_max3A_483 = vector.multi_reduction <maximumf>, %select_n3A_481, %reduce_max3A_482 [1] : vector<128x256xf32> to vector<128xf32>
    %broadcast_in_dim3A_484 = vector.shape_cast %reduce_max3A_483 : vector<128xf32> to vector<128x1xf32>
    %eq3A_485 = vector.broadcast %broadcast_in_dim3A_484 : vector<128x1xf32> to vector<128x256xf32>
    %eq3A_486 = arith.cmpf oeq, %select_n3A_481, %eq3A_485 : vector<128x256xf32>
    %jit3A_487 = arith.constant 1073741823 : i32
    %broadcast_in_dim3A_488 = vector.broadcast %jit3A_487 : i32 to vector<128x256xi32>
    %select_n3A_489 = arith.select %eq3A_486, %get3A_4, %broadcast_in_dim3A_488 : vector<128x256xi1>, vector<128x256xi32>
    %reduce_min3A_490 = arith.constant dense<2147483647> : vector<128xi32>
    %reduce_min3A_491 = vector.multi_reduction <minsi>, %select_n3A_489, %reduce_min3A_490 [1] : vector<128x256xi32> to vector<128xi32>
    %broadcast_in_dim3A_492 = vector.shape_cast %reduce_min3A_491 : vector<128xi32> to vector<128x1xi32>
    %swap3A_493 = arith.constant 0 : index
    %swap3A_494 = arith.constant 22 : index
    %swap3A_495 = vector.load %arg3[%swap3A_493, %swap3A_494] : memref<128x100xf32, #tpu.memory_space<vmem>>, vector<128x1xf32>
    tpu.vector_store %arg3[%swap3A_493, %swap3A_494], %broadcast_in_dim3A_484 {strides = array<i32>} : memref<128x100xf32, #tpu.memory_space<vmem>>, vector<128x1xf32>,
    %swap3A_496 = arith.constant 0 : index
    %swap3A_497 = arith.constant 22 : index
    %swap3A_498 = vector.load %arg4[%swap3A_496, %swap3A_497] : memref<128x100xi32, #tpu.memory_space<vmem>>, vector<128x1xi32>
    tpu.vector_store %arg4[%swap3A_496, %swap3A_497], %broadcast_in_dim3A_492 {strides = array<i32>} : memref<128x100xi32, #tpu.memory_space<vmem>>, vector<128x1xi32>,
    %eq3A_499 = vector.broadcast %broadcast_in_dim3A_492 : vector<128x1xi32> to vector<128x256xi32>
    %eq3A_500 = arith.cmpi eq, %get3A_4, %eq3A_499 : vector<128x256xi32>
    %jit3A_501 = arith.constant -3.400000e+38 : f32
    %broadcast_in_dim3A_502 = vector.broadcast %jit3A_501 : f32 to vector<128x256xf32>
    %select_n3A_503 = arith.select %eq3A_500, %broadcast_in_dim3A_502, %select_n3A_481 : vector<128x256xi1>, vector<128x256xf32>
    %reduce_max3A_504 = arith.constant dense<0xFF800000> : vector<128xf32>
    %reduce_max3A_505 = vector.multi_reduction <maximumf>, %select_n3A_503, %reduce_max3A_504 [1] : vector<128x256xf32> to vector<128xf32>
    %broadcast_in_dim3A_506 = vector.shape_cast %reduce_max3A_505 : vector<128xf32> to vector<128x1xf32>
    %eq3A_507 = vector.broadcast %broadcast_in_dim3A_506 : vector<128x1xf32> to vector<128x256xf32>
    %eq3A_508 = arith.cmpf oeq, %select_n3A_503, %eq3A_507 : vector<128x256xf32>
    %jit3A_509 = arith.constant 1073741823 : i32
    %broadcast_in_dim3A_510 = vector.broadcast %jit3A_509 : i32 to vector<128x256xi32>
    %select_n3A_511 = arith.select %eq3A_508, %get3A_4, %broadcast_in_dim3A_510 : vector<128x256xi1>, vector<128x256xi32>
    %reduce_min3A_512 = arith.constant dense<2147483647> : vector<128xi32>
    %reduce_min3A_513 = vector.multi_reduction <minsi>, %select_n3A_511, %reduce_min3A_512 [1] : vector<128x256xi32> to vector<128xi32>
    %broadcast_in_dim3A_514 = vector.shape_cast %reduce_min3A_513 : vector<128xi32> to vector<128x1xi32>
    %swap3A_515 = arith.constant 0 : index
    %swap3A_516 = arith.constant 23 : index
    %swap3A_517 = vector.load %arg3[%swap3A_515, %swap3A_516] : memref<128x100xf32, #tpu.memory_space<vmem>>, vector<128x1xf32>
    tpu.vector_store %arg3[%swap3A_515, %swap3A_516], %broadcast_in_dim3A_506 {strides = array<i32>} : memref<128x100xf32, #tpu.memory_space<vmem>>, vector<128x1xf32>,
    %swap3A_518 = arith.constant 0 : index
    %swap3A_519 = arith.constant 23 : index
    %swap3A_520 = vector.load %arg4[%swap3A_518, %swap3A_519] : memref<128x100xi32, #tpu.memory_space<vmem>>, vector<128x1xi32>
    tpu.vector_store %arg4[%swap3A_518, %swap3A_519], %broadcast_in_dim3A_514 {strides = array<i32>} : memref<128x100xi32, #tpu.memory_space<vmem>>, vector<128x1xi32>,
    %eq3A_521 = vector.broadcast %broadcast_in_dim3A_514 : vector<128x1xi32> to vector<128x256xi32>
    %eq3A_522 = arith.cmpi eq, %get3A_4, %eq3A_521 : vector<128x256xi32>
    %jit3A_523 = arith.constant -3.400000e+38 : f32
    %broadcast_in_dim3A_524 = vector.broadcast %jit3A_523 : f32 to vector<128x256xf32>
    %select_n3A_525 = arith.select %eq3A_522, %broadcast_in_dim3A_524, %select_n3A_503 : vector<128x256xi1>, vector<128x256xf32>
    %reduce_max3A_526 = arith.constant dense<0xFF800000> : vector<128xf32>
    %reduce_max3A_527 = vector.multi_reduction <maximumf>, %select_n3A_525, %reduce_max3A_526 [1] : vector<128x256xf32> to vector<128xf32>
    %broadcast_in_dim3A_528 = vector.shape_cast %reduce_max3A_527 : vector<128xf32> to vector<128x1xf32>
    %eq3A_529 = vector.broadcast %broadcast_in_dim3A_528 : vector<128x1xf32> to vector<128x256xf32>
    %eq3A_530 = arith.cmpf oeq, %select_n3A_525, %eq3A_529 : vector<128x256xf32>
    %jit3A_531 = arith.constant 1073741823 : i32
    %broadcast_in_dim3A_532 = vector.broadcast %jit3A_531 : i32 to vector<128x256xi32>
    %select_n3A_533 = arith.select %eq3A_530, %get3A_4, %broadcast_in_dim3A_532 : vector<128x256xi1>, vector<128x256xi32>
    %reduce_min3A_534 = arith.constant dense<2147483647> : vector<128xi32>
    %reduce_min3A_535 = vector.multi_reduction <minsi>, %select_n3A_533, %reduce_min3A_534 [1] : vector<128x256xi32> to vector<128xi32>
    %broadcast_in_dim3A_536 = vector.shape_cast %reduce_min3A_535 : vector<128xi32> to vector<128x1xi32>
    %swap3A_537 = arith.constant 0 : index
    %swap3A_538 = arith.constant 24 : index
    %swap3A_539 = vector.load %arg3[%swap3A_537, %swap3A_538] : memref<128x100xf32, #tpu.memory_space<vmem>>, vector<128x1xf32>
    tpu.vector_store %arg3[%swap3A_537, %swap3A_538], %broadcast_in_dim3A_528 {strides = array<i32>} : memref<128x100xf32, #tpu.memory_space<vmem>>, vector<128x1xf32>,
    %swap3A_540 = arith.constant 0 : index
    %swap3A_541 = arith.constant 24 : index
    %swap3A_542 = vector.load %arg4[%swap3A_540, %swap3A_541] : memref<128x100xi32, #tpu.memory_space<vmem>>, vector<128x1xi32>
    tpu.vector_store %arg4[%swap3A_540, %swap3A_541], %broadcast_in_dim3A_536 {strides = array<i32>} : memref<128x100xi32, #tpu.memory_space<vmem>>, vector<128x1xi32>,
    %eq3A_543 = vector.broadcast %broadcast_in_dim3A_536 : vector<128x1xi32> to vector<128x256xi32>
    %eq3A_544 = arith.cmpi eq, %get3A_4, %eq3A_543 : vector<128x256xi32>
    %jit3A_545 = arith.constant -3.400000e+38 : f32
    %broadcast_in_dim3A_546 = vector.broadcast %jit3A_545 : f32 to vector<128x256xf32>
    %select_n3A_547 = arith.select %eq3A_544, %broadcast_in_dim3A_546, %select_n3A_525 : vector<128x256xi1>, vector<128x256xf32>
    %reduce_max3A_548 = arith.constant dense<0xFF800000> : vector<128xf32>
    %reduce_max3A_549 = vector.multi_reduction <maximumf>, %select_n3A_547, %reduce_max3A_548 [1] : vector<128x256xf32> to vector<128xf32>
    %broadcast_in_dim3A_550 = vector.shape_cast %reduce_max3A_549 : vector<128xf32> to vector<128x1xf32>
    %eq3A_551 = vector.broadcast %broadcast_in_dim3A_550 : vector<128x1xf32> to vector<128x256xf32>
    %eq3A_552 = arith.cmpf oeq, %select_n3A_547, %eq3A_551 : vector<128x256xf32>
    %jit3A_553 = arith.constant 1073741823 : i32
    %broadcast_in_dim3A_554 = vector.broadcast %jit3A_553 : i32 to vector<128x256xi32>
    %select_n3A_555 = arith.select %eq3A_552, %get3A_4, %broadcast_in_dim3A_554 : vector<128x256xi1>, vector<128x256xi32>
    %reduce_min3A_556 = arith.constant dense<2147483647> : vector<128xi32>
    %reduce_min3A_557 = vector.multi_reduction <minsi>, %select_n3A_555, %reduce_min3A_556 [1] : vector<128x256xi32> to vector<128xi32>
    %broadcast_in_dim3A_558 = vector.shape_cast %reduce_min3A_557 : vector<128xi32> to vector<128x1xi32>
    %swap3A_559 = arith.constant 0 : index
    %swap3A_560 = arith.constant 25 : index
    %swap3A_561 = vector.load %arg3[%swap3A_559, %swap3A_560] : memref<128x100xf32, #tpu.memory_space<vmem>>, vector<128x1xf32>
    tpu.vector_store %arg3[%swap3A_559, %swap3A_560], %broadcast_in_dim3A_550 {strides = array<i32>} : memref<128x100xf32, #tpu.memory_space<vmem>>, vector<128x1xf32>,
    %swap3A_562 = arith.constant 0 : index
    %swap3A_563 = arith.constant 25 : index
    %swap3A_564 = vector.load %arg4[%swap3A_562, %swap3A_563] : memref<128x100xi32, #tpu.memory_space<vmem>>, vector<128x1xi32>
    tpu.vector_store %arg4[%swap3A_562, %swap3A_563], %broadcast_in_dim3A_558 {strides = array<i32>} : memref<128x100xi32, #tpu.memory_space<vmem>>, vector<128x1xi32>,
    %eq3A_565 = vector.broadcast %broadcast_in_dim3A_558 : vector<128x1xi32> to vector<128x256xi32>
    %eq3A_566 = arith.cmpi eq, %get3A_4, %eq3A_565 : vector<128x256xi32>
    %jit3A_567 = arith.constant -3.400000e+38 : f32
    %broadcast_in_dim3A_568 = vector.broadcast %jit3A_567 : f32 to vector<128x256xf32>
    %select_n3A_569 = arith.select %eq3A_566, %broadcast_in_dim3A_568, %select_n3A_547 : vector<128x256xi1>, vector<128x256xf32>
    %reduce_max3A_570 = arith.constant dense<0xFF800000> : vector<128xf32>
    %reduce_max3A_571 = vector.multi_reduction <maximumf>, %select_n3A_569, %reduce_max3A_570 [1] : vector<128x256xf32> to vector<128xf32>
    %broadcast_in_dim3A_572 = vector.shape_cast %reduce_max3A_571 : vector<128xf32> to vector<128x1xf32>
    %eq3A_573 = vector.broadcast %broadcast_in_dim3A_572 : vector<128x1xf32> to vector<128x256xf32>
    %eq3A_574 = arith.cmpf oeq, %select_n3A_569, %eq3A_573 : vector<128x256xf32>
    %jit3A_575 = arith.constant 1073741823 : i32
    %broadcast_in_dim3A_576 = vector.broadcast %jit3A_575 : i32 to vector<128x256xi32>
    %select_n3A_577 = arith.select %eq3A_574, %get3A_4, %broadcast_in_dim3A_576 : vector<128x256xi1>, vector<128x256xi32>
    %reduce_min3A_578 = arith.constant dense<2147483647> : vector<128xi32>
    %reduce_min3A_579 = vector.multi_reduction <minsi>, %select_n3A_577, %reduce_min3A_578 [1] : vector<128x256xi32> to vector<128xi32>
    %broadcast_in_dim3A_580 = vector.shape_cast %reduce_min3A_579 : vector<128xi32> to vector<128x1xi32>
    %swap3A_581 = arith.constant 0 : index
    %swap3A_582 = arith.constant 26 : index
    %swap3A_583 = vector.load %arg3[%swap3A_581, %swap3A_582] : memref<128x100xf32, #tpu.memory_space<vmem>>, vector<128x1xf32>
    tpu.vector_store %arg3[%swap3A_581, %swap3A_582], %broadcast_in_dim3A_572 {strides = array<i32>} : memref<128x100xf32, #tpu.memory_space<vmem>>, vector<128x1xf32>,
    %swap3A_584 = arith.constant 0 : index
    %swap3A_585 = arith.constant 26 : index
    %swap3A_586 = vector.load %arg4[%swap3A_584, %swap3A_585] : memref<128x100xi32, #tpu.memory_space<vmem>>, vector<128x1xi32>
    tpu.vector_store %arg4[%swap3A_584, %swap3A_585], %broadcast_in_dim3A_580 {strides = array<i32>} : memref<128x100xi32, #tpu.memory_space<vmem>>, vector<128x1xi32>,
    %eq3A_587 = vector.broadcast %broadcast_in_dim3A_580 : vector<128x1xi32> to vector<128x256xi32>
    %eq3A_588 = arith.cmpi eq, %get3A_4, %eq3A_587 : vector<128x256xi32>
    %jit3A_589 = arith.constant -3.400000e+38 : f32
    %broadcast_in_dim3A_590 = vector.broadcast %jit3A_589 : f32 to vector<128x256xf32>
    %select_n3A_591 = arith.select %eq3A_588, %broadcast_in_dim3A_590, %select_n3A_569 : vector<128x256xi1>, vector<128x256xf32>
    %reduce_max3A_592 = arith.constant dense<0xFF800000> : vector<128xf32>
    %reduce_max3A_593 = vector.multi_reduction <maximumf>, %select_n3A_591, %reduce_max3A_592 [1] : vector<128x256xf32> to vector<128xf32>
    %broadcast_in_dim3A_594 = vector.shape_cast %reduce_max3A_593 : vector<128xf32> to vector<128x1xf32>
    %eq3A_595 = vector.broadcast %broadcast_in_dim3A_594 : vector<128x1xf32> to vector<128x256xf32>
    %eq3A_596 = arith.cmpf oeq, %select_n3A_591, %eq3A_595 : vector<128x256xf32>
    %jit3A_597 = arith.constant 1073741823 : i32
    %broadcast_in_dim3A_598 = vector.broadcast %jit3A_597 : i32 to vector<128x256xi32>
    %select_n3A_599 = arith.select %eq3A_596, %get3A_4, %broadcast_in_dim3A_598 : vector<128x256xi1>, vector<128x256xi32>
    %reduce_min3A_600 = arith.constant dense<2147483647> : vector<128xi32>
    %reduce_min3A_601 = vector.multi_reduction <minsi>, %select_n3A_599, %reduce_min3A_600 [1] : vector<128x256xi32> to vector<128xi32>
    %broadcast_in_dim3A_602 = vector.shape_cast %reduce_min3A_601 : vector<128xi32> to vector<128x1xi32>
    %swap3A_603 = arith.constant 0 : index
    %swap3A_604 = arith.constant 27 : index
    %swap3A_605 = vector.load %arg3[%swap3A_603, %swap3A_604] : memref<128x100xf32, #tpu.memory_space<vmem>>, vector<128x1xf32>
    tpu.vector_store %arg3[%swap3A_603, %swap3A_604], %broadcast_in_dim3A_594 {strides = array<i32>} : memref<128x100xf32, #tpu.memory_space<vmem>>, vector<128x1xf32>,
    %swap3A_606 = arith.constant 0 : index
    %swap3A_607 = arith.constant 27 : index
    %swap3A_608 = vector.load %arg4[%swap3A_606, %swap3A_607] : memref<128x100xi32, #tpu.memory_space<vmem>>, vector<128x1xi32>
    tpu.vector_store %arg4[%swap3A_606, %swap3A_607], %broadcast_in_dim3A_602 {strides = array<i32>} : memref<128x100xi32, #tpu.memory_space<vmem>>, vector<128x1xi32>,
    %eq3A_609 = vector.broadcast %broadcast_in_dim3A_602 : vector<128x1xi32> to vector<128x256xi32>
    %eq3A_610 = arith.cmpi eq, %get3A_4, %eq3A_609 : vector<128x256xi32>
    %jit3A_611 = arith.constant -3.400000e+38 : f32
    %broadcast_in_dim3A_612 = vector.broadcast %jit3A_611 : f32 to vector<128x256xf32>
    %select_n3A_613 = arith.select %eq3A_610, %broadcast_in_dim3A_612, %select_n3A_591 : vector<128x256xi1>, vector<128x256xf32>
    %reduce_max3A_614 = arith.constant dense<0xFF800000> : vector<128xf32>
    %reduce_max3A_615 = vector.multi_reduction <maximumf>, %select_n3A_613, %reduce_max3A_614 [1] : vector<128x256xf32> to vector<128xf32>
    %broadcast_in_dim3A_616 = vector.shape_cast %reduce_max3A_615 : vector<128xf32> to vector<128x1xf32>
    %eq3A_617 = vector.broadcast %broadcast_in_dim3A_616 : vector<128x1xf32> to vector<128x256xf32>
    %eq3A_618 = arith.cmpf oeq, %select_n3A_613, %eq3A_617 : vector<128x256xf32>
    %jit3A_619 = arith.constant 1073741823 : i32
    %broadcast_in_dim3A_620 = vector.broadcast %jit3A_619 : i32 to vector<128x256xi32>
    %select_n3A_621 = arith.select %eq3A_618, %get3A_4, %broadcast_in_dim3A_620 : vector<128x256xi1>, vector<128x256xi32>
    %reduce_min3A_622 = arith.constant dense<2147483647> : vector<128xi32>
    %reduce_min3A_623 = vector.multi_reduction <minsi>, %select_n3A_621, %reduce_min3A_622 [1] : vector<128x256xi32> to vector<128xi32>
    %broadcast_in_dim3A_624 = vector.shape_cast %reduce_min3A_623 : vector<128xi32> to vector<128x1xi32>
    %swap3A_625 = arith.constant 0 : index
    %swap3A_626 = arith.constant 28 : index
    %swap3A_627 = vector.load %arg3[%swap3A_625, %swap3A_626] : memref<128x100xf32, #tpu.memory_space<vmem>>, vector<128x1xf32>
    tpu.vector_store %arg3[%swap3A_625, %swap3A_626], %broadcast_in_dim3A_616 {strides = array<i32>} : memref<128x100xf32, #tpu.memory_space<vmem>>, vector<128x1xf32>,
    %swap3A_628 = arith.constant 0 : index
    %swap3A_629 = arith.constant 28 : index
    %swap3A_630 = vector.load %arg4[%swap3A_628, %swap3A_629] : memref<128x100xi32, #tpu.memory_space<vmem>>, vector<128x1xi32>
    tpu.vector_store %arg4[%swap3A_628, %swap3A_629], %broadcast_in_dim3A_624 {strides = array<i32>} : memref<128x100xi32, #tpu.memory_space<vmem>>, vector<128x1xi32>,
    %eq3A_631 = vector.broadcast %broadcast_in_dim3A_624 : vector<128x1xi32> to vector<128x256xi32>
    %eq3A_632 = arith.cmpi eq, %get3A_4, %eq3A_631 : vector<128x256xi32>
    %jit3A_633 = arith.constant -3.400000e+38 : f32
    %broadcast_in_dim3A_634 = vector.broadcast %jit3A_633 : f32 to vector<128x256xf32>
    %select_n3A_635 = arith.select %eq3A_632, %broadcast_in_dim3A_634, %select_n3A_613 : vector<128x256xi1>, vector<128x256xf32>
    %reduce_max3A_636 = arith.constant dense<0xFF800000> : vector<128xf32>
    %reduce_max3A_637 = vector.multi_reduction <maximumf>, %select_n3A_635, %reduce_max3A_636 [1] : vector<128x256xf32> to vector<128xf32>
    %broadcast_in_dim3A_638 = vector.shape_cast %reduce_max3A_637 : vector<128xf32> to vector<128x1xf32>
    %eq3A_639 = vector.broadcast %broadcast_in_dim3A_638 : vector<128x1xf32> to vector<128x256xf32>
    %eq3A_640 = arith.cmpf oeq, %select_n3A_635, %eq3A_639 : vector<128x256xf32>
    %jit3A_641 = arith.constant 1073741823 : i32
    %broadcast_in_dim3A_642 = vector.broadcast %jit3A_641 : i32 to vector<128x256xi32>
    %select_n3A_643 = arith.select %eq3A_640, %get3A_4, %broadcast_in_dim3A_642 : vector<128x256xi1>, vector<128x256xi32>
    %reduce_min3A_644 = arith.constant dense<2147483647> : vector<128xi32>
    %reduce_min3A_645 = vector.multi_reduction <minsi>, %select_n3A_643, %reduce_min3A_644 [1] : vector<128x256xi32> to vector<128xi32>
    %broadcast_in_dim3A_646 = vector.shape_cast %reduce_min3A_645 : vector<128xi32> to vector<128x1xi32>
    %swap3A_647 = arith.constant 0 : index
    %swap3A_648 = arith.constant 29 : index
    %swap3A_649 = vector.load %arg3[%swap3A_647, %swap3A_648] : memref<128x100xf32, #tpu.memory_space<vmem>>, vector<128x1xf32>
    tpu.vector_store %arg3[%swap3A_647, %swap3A_648], %broadcast_in_dim3A_638 {strides = array<i32>} : memref<128x100xf32, #tpu.memory_space<vmem>>, vector<128x1xf32>,
    %swap3A_650 = arith.constant 0 : index
    %swap3A_651 = arith.constant 29 : index
    %swap3A_652 = vector.load %arg4[%swap3A_650, %swap3A_651] : memref<128x100xi32, #tpu.memory_space<vmem>>, vector<128x1xi32>
    tpu.vector_store %arg4[%swap3A_650, %swap3A_651], %broadcast_in_dim3A_646 {strides = array<i32>} : memref<128x100xi32, #tpu.memory_space<vmem>>, vector<128x1xi32>,
    %eq3A_653 = vector.broadcast %broadcast_in_dim3A_646 : vector<128x1xi32> to vector<128x256xi32>
    %eq3A_654 = arith.cmpi eq, %get3A_4, %eq3A_653 : vector<128x256xi32>
    %jit3A_655 = arith.constant -3.400000e+38 : f32
    %broadcast_in_dim3A_656 = vector.broadcast %jit3A_655 : f32 to vector<128x256xf32>
    %select_n3A_657 = arith.select %eq3A_654, %broadcast_in_dim3A_656, %select_n3A_635 : vector<128x256xi1>, vector<128x256xf32>
    %reduce_max3A_658 = arith.constant dense<0xFF800000> : vector<128xf32>
    %reduce_max3A_659 = vector.multi_reduction <maximumf>, %select_n3A_657, %reduce_max3A_658 [1] : vector<128x256xf32> to vector<128xf32>
    %broadcast_in_dim3A_660 = vector.shape_cast %reduce_max3A_659 : vector<128xf32> to vector<128x1xf32>
    %eq3A_661 = vector.broadcast %broadcast_in_dim3A_660 : vector<128x1xf32> to vector<128x256xf32>
    %eq3A_662 = arith.cmpf oeq, %select_n3A_657, %eq3A_661 : vector<128x256xf32>
    %jit3A_663 = arith.constant 1073741823 : i32
    %broadcast_in_dim3A_664 = vector.broadcast %jit3A_663 : i32 to vector<128x256xi32>
    %select_n3A_665 = arith.select %eq3A_662, %get3A_4, %broadcast_in_dim3A_664 : vector<128x256xi1>, vector<128x256xi32>
    %reduce_min3A_666 = arith.constant dense<2147483647> : vector<128xi32>
    %reduce_min3A_667 = vector.multi_reduction <minsi>, %select_n3A_665, %reduce_min3A_666 [1] : vector<128x256xi32> to vector<128xi32>
    %broadcast_in_dim3A_668 = vector.shape_cast %reduce_min3A_667 : vector<128xi32> to vector<128x1xi32>
    %swap3A_669 = arith.constant 0 : index
    %swap3A_670 = arith.constant 30 : index
    %swap3A_671 = vector.load %arg3[%swap3A_669, %swap3A_670] : memref<128x100xf32, #tpu.memory_space<vmem>>, vector<128x1xf32>
    tpu.vector_store %arg3[%swap3A_669, %swap3A_670], %broadcast_in_dim3A_660 {strides = array<i32>} : memref<128x100xf32, #tpu.memory_space<vmem>>, vector<128x1xf32>,
    %swap3A_672 = arith.constant 0 : index
    %swap3A_673 = arith.constant 30 : index
    %swap3A_674 = vector.load %arg4[%swap3A_672, %swap3A_673] : memref<128x100xi32, #tpu.memory_space<vmem>>, vector<128x1xi32>
    tpu.vector_store %arg4[%swap3A_672, %swap3A_673], %broadcast_in_dim3A_668 {strides = array<i32>} : memref<128x100xi32, #tpu.memory_space<vmem>>, vector<128x1xi32>,
    %eq3A_675 = vector.broadcast %broadcast_in_dim3A_668 : vector<128x1xi32> to vector<128x256xi32>
    %eq3A_676 = arith.cmpi eq, %get3A_4, %eq3A_675 : vector<128x256xi32>
    %jit3A_677 = arith.constant -3.400000e+38 : f32
    %broadcast_in_dim3A_678 = vector.broadcast %jit3A_677 : f32 to vector<128x256xf32>
    %select_n3A_679 = arith.select %eq3A_676, %broadcast_in_dim3A_678, %select_n3A_657 : vector<128x256xi1>, vector<128x256xf32>
    %reduce_max3A_680 = arith.constant dense<0xFF800000> : vector<128xf32>
    %reduce_max3A_681 = vector.multi_reduction <maximumf>, %select_n3A_679, %reduce_max3A_680 [1] : vector<128x256xf32> to vector<128xf32>
    %broadcast_in_dim3A_682 = vector.shape_cast %reduce_max3A_681 : vector<128xf32> to vector<128x1xf32>
    %eq3A_683 = vector.broadcast %broadcast_in_dim3A_682 : vector<128x1xf32> to vector<128x256xf32>
    %eq3A_684 = arith.cmpf oeq, %select_n3A_679, %eq3A_683 : vector<128x256xf32>
    %jit3A_685 = arith.constant 1073741823 : i32
    %broadcast_in_dim3A_686 = vector.broadcast %jit3A_685 : i32 to vector<128x256xi32>
    %select_n3A_687 = arith.select %eq3A_684, %get3A_4, %broadcast_in_dim3A_686 : vector<128x256xi1>, vector<128x256xi32>
    %reduce_min3A_688 = arith.constant dense<2147483647> : vector<128xi32>
    %reduce_min3A_689 = vector.multi_reduction <minsi>, %select_n3A_687, %reduce_min3A_688 [1] : vector<128x256xi32> to vector<128xi32>
    %broadcast_in_dim3A_690 = vector.shape_cast %reduce_min3A_689 : vector<128xi32> to vector<128x1xi32>
    %swap3A_691 = arith.constant 0 : index
    %swap3A_692 = arith.constant 31 : index
    %swap3A_693 = vector.load %arg3[%swap3A_691, %swap3A_692] : memref<128x100xf32, #tpu.memory_space<vmem>>, vector<128x1xf32>
    tpu.vector_store %arg3[%swap3A_691, %swap3A_692], %broadcast_in_dim3A_682 {strides = array<i32>} : memref<128x100xf32, #tpu.memory_space<vmem>>, vector<128x1xf32>,
    %swap3A_694 = arith.constant 0 : index
    %swap3A_695 = arith.constant 31 : index
    %swap3A_696 = vector.load %arg4[%swap3A_694, %swap3A_695] : memref<128x100xi32, #tpu.memory_space<vmem>>, vector<128x1xi32>
    tpu.vector_store %arg4[%swap3A_694, %swap3A_695], %broadcast_in_dim3A_690 {strides = array<i32>} : memref<128x100xi32, #tpu.memory_space<vmem>>, vector<128x1xi32>,
    %eq3A_697 = vector.broadcast %broadcast_in_dim3A_690 : vector<128x1xi32> to vector<128x256xi32>
    %eq3A_698 = arith.cmpi eq, %get3A_4, %eq3A_697 : vector<128x256xi32>
    %jit3A_699 = arith.constant -3.400000e+38 : f32
    %broadcast_in_dim3A_700 = vector.broadcast %jit3A_699 : f32 to vector<128x256xf32>
    %select_n3A_701 = arith.select %eq3A_698, %broadcast_in_dim3A_700, %select_n3A_679 : vector<128x256xi1>, vector<128x256xf32>
    %reduce_max3A_702 = arith.constant dense<0xFF800000> : vector<128xf32>
    %reduce_max3A_703 = vector.multi_reduction <maximumf>, %select_n3A_701, %reduce_max3A_702 [1] : vector<128x256xf32> to vector<128xf32>
    %broadcast_in_dim3A_704 = vector.shape_cast %reduce_max3A_703 : vector<128xf32> to vector<128x1xf32>
    %eq3A_705 = vector.broadcast %broadcast_in_dim3A_704 : vector<128x1xf32> to vector<128x256xf32>
    %eq3A_706 = arith.cmpf oeq, %select_n3A_701, %eq3A_705 : vector<128x256xf32>
    %jit3A_707 = arith.constant 1073741823 : i32
    %broadcast_in_dim3A_708 = vector.broadcast %jit3A_707 : i32 to vector<128x256xi32>
    %select_n3A_709 = arith.select %eq3A_706, %get3A_4, %broadcast_in_dim3A_708 : vector<128x256xi1>, vector<128x256xi32>
    %reduce_min3A_710 = arith.constant dense<2147483647> : vector<128xi32>
    %reduce_min3A_711 = vector.multi_reduction <minsi>, %select_n3A_709, %reduce_min3A_710 [1] : vector<128x256xi32> to vector<128xi32>
    %broadcast_in_dim3A_712 = vector.shape_cast %reduce_min3A_711 : vector<128xi32> to vector<128x1xi32>
    %swap3A_713 = arith.constant 0 : index
    %swap3A_714 = arith.constant 32 : index
    %swap3A_715 = vector.load %arg3[%swap3A_713, %swap3A_714] : memref<128x100xf32, #tpu.memory_space<vmem>>, vector<128x1xf32>
    tpu.vector_store %arg3[%swap3A_713, %swap3A_714], %broadcast_in_dim3A_704 {strides = array<i32>} : memref<128x100xf32, #tpu.memory_space<vmem>>, vector<128x1xf32>,
    %swap3A_716 = arith.constant 0 : index
    %swap3A_717 = arith.constant 32 : index
    %swap3A_718 = vector.load %arg4[%swap3A_716, %swap3A_717] : memref<128x100xi32, #tpu.memory_space<vmem>>, vector<128x1xi32>
    tpu.vector_store %arg4[%swap3A_716, %swap3A_717], %broadcast_in_dim3A_712 {strides = array<i32>} : memref<128x100xi32, #tpu.memory_space<vmem>>, vector<128x1xi32>,
    %eq3A_719 = vector.broadcast %broadcast_in_dim3A_712 : vector<128x1xi32> to vector<128x256xi32>
    %eq3A_720 = arith.cmpi eq, %get3A_4, %eq3A_719 : vector<128x256xi32>
    %jit3A_721 = arith.constant -3.400000e+38 : f32
    %broadcast_in_dim3A_722 = vector.broadcast %jit3A_721 : f32 to vector<128x256xf32>
    %select_n3A_723 = arith.select %eq3A_720, %broadcast_in_dim3A_722, %select_n3A_701 : vector<128x256xi1>, vector<128x256xf32>
    %reduce_max3A_724 = arith.constant dense<0xFF800000> : vector<128xf32>
    %reduce_max3A_725 = vector.multi_reduction <maximumf>, %select_n3A_723, %reduce_max3A_724 [1] : vector<128x256xf32> to vector<128xf32>
    %broadcast_in_dim3A_726 = vector.shape_cast %reduce_max3A_725 : vector<128xf32> to vector<128x1xf32>
    %eq3A_727 = vector.broadcast %broadcast_in_dim3A_726 : vector<128x1xf32> to vector<128x256xf32>
    %eq3A_728 = arith.cmpf oeq, %select_n3A_723, %eq3A_727 : vector<128x256xf32>
    %jit3A_729 = arith.constant 1073741823 : i32
    %broadcast_in_dim3A_730 = vector.broadcast %jit3A_729 : i32 to vector<128x256xi32>
    %select_n3A_731 = arith.select %eq3A_728, %get3A_4, %broadcast_in_dim3A_730 : vector<128x256xi1>, vector<128x256xi32>
    %reduce_min3A_732 = arith.constant dense<2147483647> : vector<128xi32>
    %reduce_min3A_733 = vector.multi_reduction <minsi>, %select_n3A_731, %reduce_min3A_732 [1] : vector<128x256xi32> to vector<128xi32>
    %broadcast_in_dim3A_734 = vector.shape_cast %reduce_min3A_733 : vector<128xi32> to vector<128x1xi32>
    %swap3A_735 = arith.constant 0 : index
    %swap3A_736 = arith.constant 33 : index
    %swap3A_737 = vector.load %arg3[%swap3A_735, %swap3A_736] : memref<128x100xf32, #tpu.memory_space<vmem>>, vector<128x1xf32>
    tpu.vector_store %arg3[%swap3A_735, %swap3A_736], %broadcast_in_dim3A_726 {strides = array<i32>} : memref<128x100xf32, #tpu.memory_space<vmem>>, vector<128x1xf32>,
    %swap3A_738 = arith.constant 0 : index
    %swap3A_739 = arith.constant 33 : index
    %swap3A_740 = vector.load %arg4[%swap3A_738, %swap3A_739] : memref<128x100xi32, #tpu.memory_space<vmem>>, vector<128x1xi32>
    tpu.vector_store %arg4[%swap3A_738, %swap3A_739], %broadcast_in_dim3A_734 {strides = array<i32>} : memref<128x100xi32, #tpu.memory_space<vmem>>, vector<128x1xi32>,
    %eq3A_741 = vector.broadcast %broadcast_in_dim3A_734 : vector<128x1xi32> to vector<128x256xi32>
    %eq3A_742 = arith.cmpi eq, %get3A_4, %eq3A_741 : vector<128x256xi32>
    %jit3A_743 = arith.constant -3.400000e+38 : f32
    %broadcast_in_dim3A_744 = vector.broadcast %jit3A_743 : f32 to vector<128x256xf32>
    %select_n3A_745 = arith.select %eq3A_742, %broadcast_in_dim3A_744, %select_n3A_723 : vector<128x256xi1>, vector<128x256xf32>
    %reduce_max3A_746 = arith.constant dense<0xFF800000> : vector<128xf32>
    %reduce_max3A_747 = vector.multi_reduction <maximumf>, %select_n3A_745, %reduce_max3A_746 [1] : vector<128x256xf32> to vector<128xf32>
    %broadcast_in_dim3A_748 = vector.shape_cast %reduce_max3A_747 : vector<128xf32> to vector<128x1xf32>
    %eq3A_749 = vector.broadcast %broadcast_in_dim3A_748 : vector<128x1xf32> to vector<128x256xf32>
    %eq3A_750 = arith.cmpf oeq, %select_n3A_745, %eq3A_749 : vector<128x256xf32>
    %jit3A_751 = arith.constant 1073741823 : i32
    %broadcast_in_dim3A_752 = vector.broadcast %jit3A_751 : i32 to vector<128x256xi32>
    %select_n3A_753 = arith.select %eq3A_750, %get3A_4, %broadcast_in_dim3A_752 : vector<128x256xi1>, vector<128x256xi32>
    %reduce_min3A_754 = arith.constant dense<2147483647> : vector<128xi32>
    %reduce_min3A_755 = vector.multi_reduction <minsi>, %select_n3A_753, %reduce_min3A_754 [1] : vector<128x256xi32> to vector<128xi32>
    %broadcast_in_dim3A_756 = vector.shape_cast %reduce_min3A_755 : vector<128xi32> to vector<128x1xi32>
    %swap3A_757 = arith.constant 0 : index
    %swap3A_758 = arith.constant 34 : index
    %swap3A_759 = vector.load %arg3[%swap3A_757, %swap3A_758] : memref<128x100xf32, #tpu.memory_space<vmem>>, vector<128x1xf32>
    tpu.vector_store %arg3[%swap3A_757, %swap3A_758], %broadcast_in_dim3A_748 {strides = array<i32>} : memref<128x100xf32, #tpu.memory_space<vmem>>, vector<128x1xf32>,
    %swap3A_760 = arith.constant 0 : index
    %swap3A_761 = arith.constant 34 : index
    %swap3A_762 = vector.load %arg4[%swap3A_760, %swap3A_761] : memref<128x100xi32, #tpu.memory_space<vmem>>, vector<128x1xi32>
    tpu.vector_store %arg4[%swap3A_760, %swap3A_761], %broadcast_in_dim3A_756 {strides = array<i32>} : memref<128x100xi32, #tpu.memory_space<vmem>>, vector<128x1xi32>,
    %eq3A_763 = vector.broadcast %broadcast_in_dim3A_756 : vector<128x1xi32> to vector<128x256xi32>
    %eq3A_764 = arith.cmpi eq, %get3A_4, %eq3A_763 : vector<128x256xi32>
    %jit3A_765 = arith.constant -3.400000e+38 : f32
    %broadcast_in_dim3A_766 = vector.broadcast %jit3A_765 : f32 to vector<128x256xf32>
    %select_n3A_767 = arith.select %eq3A_764, %broadcast_in_dim3A_766, %select_n3A_745 : vector<128x256xi1>, vector<128x256xf32>
    %reduce_max3A_768 = arith.constant dense<0xFF800000> : vector<128xf32>
    %reduce_max3A_769 = vector.multi_reduction <maximumf>, %select_n3A_767, %reduce_max3A_768 [1] : vector<128x256xf32> to vector<128xf32>
    %broadcast_in_dim3A_770 = vector.shape_cast %reduce_max3A_769 : vector<128xf32> to vector<128x1xf32>
    %eq3A_771 = vector.broadcast %broadcast_in_dim3A_770 : vector<128x1xf32> to vector<128x256xf32>
    %eq3A_772 = arith.cmpf oeq, %select_n3A_767, %eq3A_771 : vector<128x256xf32>
    %jit3A_773 = arith.constant 1073741823 : i32
    %broadcast_in_dim3A_774 = vector.broadcast %jit3A_773 : i32 to vector<128x256xi32>
    %select_n3A_775 = arith.select %eq3A_772, %get3A_4, %broadcast_in_dim3A_774 : vector<128x256xi1>, vector<128x256xi32>
    %reduce_min3A_776 = arith.constant dense<2147483647> : vector<128xi32>
    %reduce_min3A_777 = vector.multi_reduction <minsi>, %select_n3A_775, %reduce_min3A_776 [1] : vector<128x256xi32> to vector<128xi32>
    %broadcast_in_dim3A_778 = vector.shape_cast %reduce_min3A_777 : vector<128xi32> to vector<128x1xi32>
    %swap3A_779 = arith.constant 0 : index
    %swap3A_780 = arith.constant 35 : index
    %swap3A_781 = vector.load %arg3[%swap3A_779, %swap3A_780] : memref<128x100xf32, #tpu.memory_space<vmem>>, vector<128x1xf32>
    tpu.vector_store %arg3[%swap3A_779, %swap3A_780], %broadcast_in_dim3A_770 {strides = array<i32>} : memref<128x100xf32, #tpu.memory_space<vmem>>, vector<128x1xf32>,
    %swap3A_782 = arith.constant 0 : index
    %swap3A_783 = arith.constant 35 : index
    %swap3A_784 = vector.load %arg4[%swap3A_782, %swap3A_783] : memref<128x100xi32, #tpu.memory_space<vmem>>, vector<128x1xi32>
    tpu.vector_store %arg4[%swap3A_782, %swap3A_783], %broadcast_in_dim3A_778 {strides = array<i32>} : memref<128x100xi32, #tpu.memory_space<vmem>>, vector<128x1xi32>,
    %eq3A_785 = vector.broadcast %broadcast_in_dim3A_778 : vector<128x1xi32> to vector<128x256xi32>
    %eq3A_786 = arith.cmpi eq, %get3A_4, %eq3A_785 : vector<128x256xi32>
    %jit3A_787 = arith.constant -3.400000e+38 : f32
    %broadcast_in_dim3A_788 = vector.broadcast %jit3A_787 : f32 to vector<128x256xf32>
    %select_n3A_789 = arith.select %eq3A_786, %broadcast_in_dim3A_788, %select_n3A_767 : vector<128x256xi1>, vector<128x256xf32>
    %reduce_max3A_790 = arith.constant dense<0xFF800000> : vector<128xf32>
    %reduce_max3A_791 = vector.multi_reduction <maximumf>, %select_n3A_789, %reduce_max3A_790 [1] : vector<128x256xf32> to vector<128xf32>
    %broadcast_in_dim3A_792 = vector.shape_cast %reduce_max3A_791 : vector<128xf32> to vector<128x1xf32>
    %eq3A_793 = vector.broadcast %broadcast_in_dim3A_792 : vector<128x1xf32> to vector<128x256xf32>
    %eq3A_794 = arith.cmpf oeq, %select_n3A_789, %eq3A_793 : vector<128x256xf32>
    %jit3A_795 = arith.constant 1073741823 : i32
    %broadcast_in_dim3A_796 = vector.broadcast %jit3A_795 : i32 to vector<128x256xi32>
    %select_n3A_797 = arith.select %eq3A_794, %get3A_4, %broadcast_in_dim3A_796 : vector<128x256xi1>, vector<128x256xi32>
    %reduce_min3A_798 = arith.constant dense<2147483647> : vector<128xi32>
    %reduce_min3A_799 = vector.multi_reduction <minsi>, %select_n3A_797, %reduce_min3A_798 [1] : vector<128x256xi32> to vector<128xi32>
    %broadcast_in_dim3A_800 = vector.shape_cast %reduce_min3A_799 : vector<128xi32> to vector<128x1xi32>
    %swap3A_801 = arith.constant 0 : index
    %swap3A_802 = arith.constant 36 : index
    %swap3A_803 = vector.load %arg3[%swap3A_801, %swap3A_802] : memref<128x100xf32, #tpu.memory_space<vmem>>, vector<128x1xf32>
    tpu.vector_store %arg3[%swap3A_801, %swap3A_802], %broadcast_in_dim3A_792 {strides = array<i32>} : memref<128x100xf32, #tpu.memory_space<vmem>>, vector<128x1xf32>,
    %swap3A_804 = arith.constant 0 : index
    %swap3A_805 = arith.constant 36 : index
    %swap3A_806 = vector.load %arg4[%swap3A_804, %swap3A_805] : memref<128x100xi32, #tpu.memory_space<vmem>>, vector<128x1xi32>
    tpu.vector_store %arg4[%swap3A_804, %swap3A_805], %broadcast_in_dim3A_800 {strides = array<i32>} : memref<128x100xi32, #tpu.memory_space<vmem>>, vector<128x1xi32>,
    %eq3A_807 = vector.broadcast %broadcast_in_dim3A_800 : vector<128x1xi32> to vector<128x256xi32>
    %eq3A_808 = arith.cmpi eq, %get3A_4, %eq3A_807 : vector<128x256xi32>
    %jit3A_809 = arith.constant -3.400000e+38 : f32
    %broadcast_in_dim3A_810 = vector.broadcast %jit3A_809 : f32 to vector<128x256xf32>
    %select_n3A_811 = arith.select %eq3A_808, %broadcast_in_dim3A_810, %select_n3A_789 : vector<128x256xi1>, vector<128x256xf32>
    %reduce_max3A_812 = arith.constant dense<0xFF800000> : vector<128xf32>
    %reduce_max3A_813 = vector.multi_reduction <maximumf>, %select_n3A_811, %reduce_max3A_812 [1] : vector<128x256xf32> to vector<128xf32>
    %broadcast_in_dim3A_814 = vector.shape_cast %reduce_max3A_813 : vector<128xf32> to vector<128x1xf32>
    %eq3A_815 = vector.broadcast %broadcast_in_dim3A_814 : vector<128x1xf32> to vector<128x256xf32>
    %eq3A_816 = arith.cmpf oeq, %select_n3A_811, %eq3A_815 : vector<128x256xf32>
    %jit3A_817 = arith.constant 1073741823 : i32
    %broadcast_in_dim3A_818 = vector.broadcast %jit3A_817 : i32 to vector<128x256xi32>
    %select_n3A_819 = arith.select %eq3A_816, %get3A_4, %broadcast_in_dim3A_818 : vector<128x256xi1>, vector<128x256xi32>
    %reduce_min3A_820 = arith.constant dense<2147483647> : vector<128xi32>
    %reduce_min3A_821 = vector.multi_reduction <minsi>, %select_n3A_819, %reduce_min3A_820 [1] : vector<128x256xi32> to vector<128xi32>
    %broadcast_in_dim3A_822 = vector.shape_cast %reduce_min3A_821 : vector<128xi32> to vector<128x1xi32>
    %swap3A_823 = arith.constant 0 : index
    %swap3A_824 = arith.constant 37 : index
    %swap3A_825 = vector.load %arg3[%swap3A_823, %swap3A_824] : memref<128x100xf32, #tpu.memory_space<vmem>>, vector<128x1xf32>
    tpu.vector_store %arg3[%swap3A_823, %swap3A_824], %broadcast_in_dim3A_814 {strides = array<i32>} : memref<128x100xf32, #tpu.memory_space<vmem>>, vector<128x1xf32>,
    %swap3A_826 = arith.constant 0 : index
    %swap3A_827 = arith.constant 37 : index
    %swap3A_828 = vector.load %arg4[%swap3A_826, %swap3A_827] : memref<128x100xi32, #tpu.memory_space<vmem>>, vector<128x1xi32>
    tpu.vector_store %arg4[%swap3A_826, %swap3A_827], %broadcast_in_dim3A_822 {strides = array<i32>} : memref<128x100xi32, #tpu.memory_space<vmem>>, vector<128x1xi32>,
    %eq3A_829 = vector.broadcast %broadcast_in_dim3A_822 : vector<128x1xi32> to vector<128x256xi32>
    %eq3A_830 = arith.cmpi eq, %get3A_4, %eq3A_829 : vector<128x256xi32>
    %jit3A_831 = arith.constant -3.400000e+38 : f32
    %broadcast_in_dim3A_832 = vector.broadcast %jit3A_831 : f32 to vector<128x256xf32>
    %select_n3A_833 = arith.select %eq3A_830, %broadcast_in_dim3A_832, %select_n3A_811 : vector<128x256xi1>, vector<128x256xf32>
    %reduce_max3A_834 = arith.constant dense<0xFF800000> : vector<128xf32>
    %reduce_max3A_835 = vector.multi_reduction <maximumf>, %select_n3A_833, %reduce_max3A_834 [1] : vector<128x256xf32> to vector<128xf32>
    %broadcast_in_dim3A_836 = vector.shape_cast %reduce_max3A_835 : vector<128xf32> to vector<128x1xf32>
    %eq3A_837 = vector.broadcast %broadcast_in_dim3A_836 : vector<128x1xf32> to vector<128x256xf32>
    %eq3A_838 = arith.cmpf oeq, %select_n3A_833, %eq3A_837 : vector<128x256xf32>
    %jit3A_839 = arith.constant 1073741823 : i32
    %broadcast_in_dim3A_840 = vector.broadcast %jit3A_839 : i32 to vector<128x256xi32>
    %select_n3A_841 = arith.select %eq3A_838, %get3A_4, %broadcast_in_dim3A_840 : vector<128x256xi1>, vector<128x256xi32>
    %reduce_min3A_842 = arith.constant dense<2147483647> : vector<128xi32>
    %reduce_min3A_843 = vector.multi_reduction <minsi>, %select_n3A_841, %reduce_min3A_842 [1] : vector<128x256xi32> to vector<128xi32>
    %broadcast_in_dim3A_844 = vector.shape_cast %reduce_min3A_843 : vector<128xi32> to vector<128x1xi32>
    %swap3A_845 = arith.constant 0 : index
    %swap3A_846 = arith.constant 38 : index
    %swap3A_847 = vector.load %arg3[%swap3A_845, %swap3A_846] : memref<128x100xf32, #tpu.memory_space<vmem>>, vector<128x1xf32>
    tpu.vector_store %arg3[%swap3A_845, %swap3A_846], %broadcast_in_dim3A_836 {strides = array<i32>} : memref<128x100xf32, #tpu.memory_space<vmem>>, vector<128x1xf32>,
    %swap3A_848 = arith.constant 0 : index
    %swap3A_849 = arith.constant 38 : index
    %swap3A_850 = vector.load %arg4[%swap3A_848, %swap3A_849] : memref<128x100xi32, #tpu.memory_space<vmem>>, vector<128x1xi32>
    tpu.vector_store %arg4[%swap3A_848, %swap3A_849], %broadcast_in_dim3A_844 {strides = array<i32>} : memref<128x100xi32, #tpu.memory_space<vmem>>, vector<128x1xi32>,
    %eq3A_851 = vector.broadcast %broadcast_in_dim3A_844 : vector<128x1xi32> to vector<128x256xi32>
    %eq3A_852 = arith.cmpi eq, %get3A_4, %eq3A_851 : vector<128x256xi32>
    %jit3A_853 = arith.constant -3.400000e+38 : f32
    %broadcast_in_dim3A_854 = vector.broadcast %jit3A_853 : f32 to vector<128x256xf32>
    %select_n3A_855 = arith.select %eq3A_852, %broadcast_in_dim3A_854, %select_n3A_833 : vector<128x256xi1>, vector<128x256xf32>
    %reduce_max3A_856 = arith.constant dense<0xFF800000> : vector<128xf32>
    %reduce_max3A_857 = vector.multi_reduction <maximumf>, %select_n3A_855, %reduce_max3A_856 [1] : vector<128x256xf32> to vector<128xf32>
    %broadcast_in_dim3A_858 = vector.shape_cast %reduce_max3A_857 : vector<128xf32> to vector<128x1xf32>
    %eq3A_859 = vector.broadcast %broadcast_in_dim3A_858 : vector<128x1xf32> to vector<128x256xf32>
    %eq3A_860 = arith.cmpf oeq, %select_n3A_855, %eq3A_859 : vector<128x256xf32>
    %jit3A_861 = arith.constant 1073741823 : i32
    %broadcast_in_dim3A_862 = vector.broadcast %jit3A_861 : i32 to vector<128x256xi32>
    %select_n3A_863 = arith.select %eq3A_860, %get3A_4, %broadcast_in_dim3A_862 : vector<128x256xi1>, vector<128x256xi32>
    %reduce_min3A_864 = arith.constant dense<2147483647> : vector<128xi32>
    %reduce_min3A_865 = vector.multi_reduction <minsi>, %select_n3A_863, %reduce_min3A_864 [1] : vector<128x256xi32> to vector<128xi32>
    %broadcast_in_dim3A_866 = vector.shape_cast %reduce_min3A_865 : vector<128xi32> to vector<128x1xi32>
    %swap3A_867 = arith.constant 0 : index
    %swap3A_868 = arith.constant 39 : index
    %swap3A_869 = vector.load %arg3[%swap3A_867, %swap3A_868] : memref<128x100xf32, #tpu.memory_space<vmem>>, vector<128x1xf32>
    tpu.vector_store %arg3[%swap3A_867, %swap3A_868], %broadcast_in_dim3A_858 {strides = array<i32>} : memref<128x100xf32, #tpu.memory_space<vmem>>, vector<128x1xf32>,
    %swap3A_870 = arith.constant 0 : index
    %swap3A_871 = arith.constant 39 : index
    %swap3A_872 = vector.load %arg4[%swap3A_870, %swap3A_871] : memref<128x100xi32, #tpu.memory_space<vmem>>, vector<128x1xi32>
    tpu.vector_store %arg4[%swap3A_870, %swap3A_871], %broadcast_in_dim3A_866 {strides = array<i32>} : memref<128x100xi32, #tpu.memory_space<vmem>>, vector<128x1xi32>,
    %eq3A_873 = vector.broadcast %broadcast_in_dim3A_866 : vector<128x1xi32> to vector<128x256xi32>
    %eq3A_874 = arith.cmpi eq, %get3A_4, %eq3A_873 : vector<128x256xi32>
    %jit3A_875 = arith.constant -3.400000e+38 : f32
    %broadcast_in_dim3A_876 = vector.broadcast %jit3A_875 : f32 to vector<128x256xf32>
    %select_n3A_877 = arith.select %eq3A_874, %broadcast_in_dim3A_876, %select_n3A_855 : vector<128x256xi1>, vector<128x256xf32>
    %reduce_max3A_878 = arith.constant dense<0xFF800000> : vector<128xf32>
    %reduce_max3A_879 = vector.multi_reduction <maximumf>, %select_n3A_877, %reduce_max3A_878 [1] : vector<128x256xf32> to vector<128xf32>
    %broadcast_in_dim3A_880 = vector.shape_cast %reduce_max3A_879 : vector<128xf32> to vector<128x1xf32>
    %eq3A_881 = vector.broadcast %broadcast_in_dim3A_880 : vector<128x1xf32> to vector<128x256xf32>
    %eq3A_882 = arith.cmpf oeq, %select_n3A_877, %eq3A_881 : vector<128x256xf32>
    %jit3A_883 = arith.constant 1073741823 : i32
    %broadcast_in_dim3A_884 = vector.broadcast %jit3A_883 : i32 to vector<128x256xi32>
    %select_n3A_885 = arith.select %eq3A_882, %get3A_4, %broadcast_in_dim3A_884 : vector<128x256xi1>, vector<128x256xi32>
    %reduce_min3A_886 = arith.constant dense<2147483647> : vector<128xi32>
    %reduce_min3A_887 = vector.multi_reduction <minsi>, %select_n3A_885, %reduce_min3A_886 [1] : vector<128x256xi32> to vector<128xi32>
    %broadcast_in_dim3A_888 = vector.shape_cast %reduce_min3A_887 : vector<128xi32> to vector<128x1xi32>
    %swap3A_889 = arith.constant 0 : index
    %swap3A_890 = arith.constant 40 : index
    %swap3A_891 = vector.load %arg3[%swap3A_889, %swap3A_890] : memref<128x100xf32, #tpu.memory_space<vmem>>, vector<128x1xf32>
    tpu.vector_store %arg3[%swap3A_889, %swap3A_890], %broadcast_in_dim3A_880 {strides = array<i32>} : memref<128x100xf32, #tpu.memory_space<vmem>>, vector<128x1xf32>,
    %swap3A_892 = arith.constant 0 : index
    %swap3A_893 = arith.constant 40 : index
    %swap3A_894 = vector.load %arg4[%swap3A_892, %swap3A_893] : memref<128x100xi32, #tpu.memory_space<vmem>>, vector<128x1xi32>
    tpu.vector_store %arg4[%swap3A_892, %swap3A_893], %broadcast_in_dim3A_888 {strides = array<i32>} : memref<128x100xi32, #tpu.memory_space<vmem>>, vector<128x1xi32>,
    %eq3A_895 = vector.broadcast %broadcast_in_dim3A_888 : vector<128x1xi32> to vector<128x256xi32>
    %eq3A_896 = arith.cmpi eq, %get3A_4, %eq3A_895 : vector<128x256xi32>
    %jit3A_897 = arith.constant -3.400000e+38 : f32
    %broadcast_in_dim3A_898 = vector.broadcast %jit3A_897 : f32 to vector<128x256xf32>
    %select_n3A_899 = arith.select %eq3A_896, %broadcast_in_dim3A_898, %select_n3A_877 : vector<128x256xi1>, vector<128x256xf32>
    %reduce_max3A_900 = arith.constant dense<0xFF800000> : vector<128xf32>
    %reduce_max3A_901 = vector.multi_reduction <maximumf>, %select_n3A_899, %reduce_max3A_900 [1] : vector<128x256xf32> to vector<128xf32>
    %broadcast_in_dim3A_902 = vector.shape_cast %reduce_max3A_901 : vector<128xf32> to vector<128x1xf32>
    %eq3A_903 = vector.broadcast %broadcast_in_dim3A_902 : vector<128x1xf32> to vector<128x256xf32>
    %eq3A_904 = arith.cmpf oeq, %select_n3A_899, %eq3A_903 : vector<128x256xf32>
    %jit3A_905 = arith.constant 1073741823 : i32
    %broadcast_in_dim3A_906 = vector.broadcast %jit3A_905 : i32 to vector<128x256xi32>
    %select_n3A_907 = arith.select %eq3A_904, %get3A_4, %broadcast_in_dim3A_906 : vector<128x256xi1>, vector<128x256xi32>
    %reduce_min3A_908 = arith.constant dense<2147483647> : vector<128xi32>
    %reduce_min3A_909 = vector.multi_reduction <minsi>, %select_n3A_907, %reduce_min3A_908 [1] : vector<128x256xi32> to vector<128xi32>
    %broadcast_in_dim3A_910 = vector.shape_cast %reduce_min3A_909 : vector<128xi32> to vector<128x1xi32>
    %swap3A_911 = arith.constant 0 : index
    %swap3A_912 = arith.constant 41 : index
    %swap3A_913 = vector.load %arg3[%swap3A_911, %swap3A_912] : memref<128x100xf32, #tpu.memory_space<vmem>>, vector<128x1xf32>
    tpu.vector_store %arg3[%swap3A_911, %swap3A_912], %broadcast_in_dim3A_902 {strides = array<i32>} : memref<128x100xf32, #tpu.memory_space<vmem>>, vector<128x1xf32>,
    %swap3A_914 = arith.constant 0 : index
    %swap3A_915 = arith.constant 41 : index
    %swap3A_916 = vector.load %arg4[%swap3A_914, %swap3A_915] : memref<128x100xi32, #tpu.memory_space<vmem>>, vector<128x1xi32>
    tpu.vector_store %arg4[%swap3A_914, %swap3A_915], %broadcast_in_dim3A_910 {strides = array<i32>} : memref<128x100xi32, #tpu.memory_space<vmem>>, vector<128x1xi32>,
    %eq3A_917 = vector.broadcast %broadcast_in_dim3A_910 : vector<128x1xi32> to vector<128x256xi32>
    %eq3A_918 = arith.cmpi eq, %get3A_4, %eq3A_917 : vector<128x256xi32>
    %jit3A_919 = arith.constant -3.400000e+38 : f32
    %broadcast_in_dim3A_920 = vector.broadcast %jit3A_919 : f32 to vector<128x256xf32>
    %select_n3A_921 = arith.select %eq3A_918, %broadcast_in_dim3A_920, %select_n3A_899 : vector<128x256xi1>, vector<128x256xf32>
    %reduce_max3A_922 = arith.constant dense<0xFF800000> : vector<128xf32>
    %reduce_max3A_923 = vector.multi_reduction <maximumf>, %select_n3A_921, %reduce_max3A_922 [1] : vector<128x256xf32> to vector<128xf32>
    %broadcast_in_dim3A_924 = vector.shape_cast %reduce_max3A_923 : vector<128xf32> to vector<128x1xf32>
    %eq3A_925 = vector.broadcast %broadcast_in_dim3A_924 : vector<128x1xf32> to vector<128x256xf32>
    %eq3A_926 = arith.cmpf oeq, %select_n3A_921, %eq3A_925 : vector<128x256xf32>
    %jit3A_927 = arith.constant 1073741823 : i32
    %broadcast_in_dim3A_928 = vector.broadcast %jit3A_927 : i32 to vector<128x256xi32>
    %select_n3A_929 = arith.select %eq3A_926, %get3A_4, %broadcast_in_dim3A_928 : vector<128x256xi1>, vector<128x256xi32>
    %reduce_min3A_930 = arith.constant dense<2147483647> : vector<128xi32>
    %reduce_min3A_931 = vector.multi_reduction <minsi>, %select_n3A_929, %reduce_min3A_930 [1] : vector<128x256xi32> to vector<128xi32>
    %broadcast_in_dim3A_932 = vector.shape_cast %reduce_min3A_931 : vector<128xi32> to vector<128x1xi32>
    %swap3A_933 = arith.constant 0 : index
    %swap3A_934 = arith.constant 42 : index
    %swap3A_935 = vector.load %arg3[%swap3A_933, %swap3A_934] : memref<128x100xf32, #tpu.memory_space<vmem>>, vector<128x1xf32>
    tpu.vector_store %arg3[%swap3A_933, %swap3A_934], %broadcast_in_dim3A_924 {strides = array<i32>} : memref<128x100xf32, #tpu.memory_space<vmem>>, vector<128x1xf32>,
    %swap3A_936 = arith.constant 0 : index
    %swap3A_937 = arith.constant 42 : index
    %swap3A_938 = vector.load %arg4[%swap3A_936, %swap3A_937] : memref<128x100xi32, #tpu.memory_space<vmem>>, vector<128x1xi32>
    tpu.vector_store %arg4[%swap3A_936, %swap3A_937], %broadcast_in_dim3A_932 {strides = array<i32>} : memref<128x100xi32, #tpu.memory_space<vmem>>, vector<128x1xi32>,
    %eq3A_939 = vector.broadcast %broadcast_in_dim3A_932 : vector<128x1xi32> to vector<128x256xi32>
    %eq3A_940 = arith.cmpi eq, %get3A_4, %eq3A_939 : vector<128x256xi32>
    %jit3A_941 = arith.constant -3.400000e+38 : f32
    %broadcast_in_dim3A_942 = vector.broadcast %jit3A_941 : f32 to vector<128x256xf32>
    %select_n3A_943 = arith.select %eq3A_940, %broadcast_in_dim3A_942, %select_n3A_921 : vector<128x256xi1>, vector<128x256xf32>
    %reduce_max3A_944 = arith.constant dense<0xFF800000> : vector<128xf32>
    %reduce_max3A_945 = vector.multi_reduction <maximumf>, %select_n3A_943, %reduce_max3A_944 [1] : vector<128x256xf32> to vector<128xf32>
    %broadcast_in_dim3A_946 = vector.shape_cast %reduce_max3A_945 : vector<128xf32> to vector<128x1xf32>
    %eq3A_947 = vector.broadcast %broadcast_in_dim3A_946 : vector<128x1xf32> to vector<128x256xf32>
    %eq3A_948 = arith.cmpf oeq, %select_n3A_943, %eq3A_947 : vector<128x256xf32>
    %jit3A_949 = arith.constant 1073741823 : i32
    %broadcast_in_dim3A_950 = vector.broadcast %jit3A_949 : i32 to vector<128x256xi32>
    %select_n3A_951 = arith.select %eq3A_948, %get3A_4, %broadcast_in_dim3A_950 : vector<128x256xi1>, vector<128x256xi32>
    %reduce_min3A_952 = arith.constant dense<2147483647> : vector<128xi32>
    %reduce_min3A_953 = vector.multi_reduction <minsi>, %select_n3A_951, %reduce_min3A_952 [1] : vector<128x256xi32> to vector<128xi32>
    %broadcast_in_dim3A_954 = vector.shape_cast %reduce_min3A_953 : vector<128xi32> to vector<128x1xi32>
    %swap3A_955 = arith.constant 0 : index
    %swap3A_956 = arith.constant 43 : index
    %swap3A_957 = vector.load %arg3[%swap3A_955, %swap3A_956] : memref<128x100xf32, #tpu.memory_space<vmem>>, vector<128x1xf32>
    tpu.vector_store %arg3[%swap3A_955, %swap3A_956], %broadcast_in_dim3A_946 {strides = array<i32>} : memref<128x100xf32, #tpu.memory_space<vmem>>, vector<128x1xf32>,
    %swap3A_958 = arith.constant 0 : index
    %swap3A_959 = arith.constant 43 : index
    %swap3A_960 = vector.load %arg4[%swap3A_958, %swap3A_959] : memref<128x100xi32, #tpu.memory_space<vmem>>, vector<128x1xi32>
    tpu.vector_store %arg4[%swap3A_958, %swap3A_959], %broadcast_in_dim3A_954 {strides = array<i32>} : memref<128x100xi32, #tpu.memory_space<vmem>>, vector<128x1xi32>,
    %eq3A_961 = vector.broadcast %broadcast_in_dim3A_954 : vector<128x1xi32> to vector<128x256xi32>
    %eq3A_962 = arith.cmpi eq, %get3A_4, %eq3A_961 : vector<128x256xi32>
    %jit3A_963 = arith.constant -3.400000e+38 : f32
    %broadcast_in_dim3A_964 = vector.broadcast %jit3A_963 : f32 to vector<128x256xf32>
    %select_n3A_965 = arith.select %eq3A_962, %broadcast_in_dim3A_964, %select_n3A_943 : vector<128x256xi1>, vector<128x256xf32>
    %reduce_max3A_966 = arith.constant dense<0xFF800000> : vector<128xf32>
    %reduce_max3A_967 = vector.multi_reduction <maximumf>, %select_n3A_965, %reduce_max3A_966 [1] : vector<128x256xf32> to vector<128xf32>
    %broadcast_in_dim3A_968 = vector.shape_cast %reduce_max3A_967 : vector<128xf32> to vector<128x1xf32>
    %eq3A_969 = vector.broadcast %broadcast_in_dim3A_968 : vector<128x1xf32> to vector<128x256xf32>
    %eq3A_970 = arith.cmpf oeq, %select_n3A_965, %eq3A_969 : vector<128x256xf32>
    %jit3A_971 = arith.constant 1073741823 : i32
    %broadcast_in_dim3A_972 = vector.broadcast %jit3A_971 : i32 to vector<128x256xi32>
    %select_n3A_973 = arith.select %eq3A_970, %get3A_4, %broadcast_in_dim3A_972 : vector<128x256xi1>, vector<128x256xi32>
    %reduce_min3A_974 = arith.constant dense<2147483647> : vector<128xi32>
    %reduce_min3A_975 = vector.multi_reduction <minsi>, %select_n3A_973, %reduce_min3A_974 [1] : vector<128x256xi32> to vector<128xi32>
    %broadcast_in_dim3A_976 = vector.shape_cast %reduce_min3A_975 : vector<128xi32> to vector<128x1xi32>
    %swap3A_977 = arith.constant 0 : index
    %swap3A_978 = arith.constant 44 : index
    %swap3A_979 = vector.load %arg3[%swap3A_977, %swap3A_978] : memref<128x100xf32, #tpu.memory_space<vmem>>, vector<128x1xf32>
    tpu.vector_store %arg3[%swap3A_977, %swap3A_978], %broadcast_in_dim3A_968 {strides = array<i32>} : memref<128x100xf32, #tpu.memory_space<vmem>>, vector<128x1xf32>,
    %swap3A_980 = arith.constant 0 : index
    %swap3A_981 = arith.constant 44 : index
    %swap3A_982 = vector.load %arg4[%swap3A_980, %swap3A_981] : memref<128x100xi32, #tpu.memory_space<vmem>>, vector<128x1xi32>
    tpu.vector_store %arg4[%swap3A_980, %swap3A_981], %broadcast_in_dim3A_976 {strides = array<i32>} : memref<128x100xi32, #tpu.memory_space<vmem>>, vector<128x1xi32>,
    %eq3A_983 = vector.broadcast %broadcast_in_dim3A_976 : vector<128x1xi32> to vector<128x256xi32>
    %eq3A_984 = arith.cmpi eq, %get3A_4, %eq3A_983 : vector<128x256xi32>
    %jit3A_985 = arith.constant -3.400000e+38 : f32
    %broadcast_in_dim3A_986 = vector.broadcast %jit3A_985 : f32 to vector<128x256xf32>
    %select_n3A_987 = arith.select %eq3A_984, %broadcast_in_dim3A_986, %select_n3A_965 : vector<128x256xi1>, vector<128x256xf32>
    %reduce_max3A_988 = arith.constant dense<0xFF800000> : vector<128xf32>
    %reduce_max3A_989 = vector.multi_reduction <maximumf>, %select_n3A_987, %reduce_max3A_988 [1] : vector<128x256xf32> to vector<128xf32>
    %broadcast_in_dim3A_990 = vector.shape_cast %reduce_max3A_989 : vector<128xf32> to vector<128x1xf32>
    %eq3A_991 = vector.broadcast %broadcast_in_dim3A_990 : vector<128x1xf32> to vector<128x256xf32>
    %eq3A_992 = arith.cmpf oeq, %select_n3A_987, %eq3A_991 : vector<128x256xf32>
    %jit3A_993 = arith.constant 1073741823 : i32
    %broadcast_in_dim3A_994 = vector.broadcast %jit3A_993 : i32 to vector<128x256xi32>
    %select_n3A_995 = arith.select %eq3A_992, %get3A_4, %broadcast_in_dim3A_994 : vector<128x256xi1>, vector<128x256xi32>
    %reduce_min3A_996 = arith.constant dense<2147483647> : vector<128xi32>
    %reduce_min3A_997 = vector.multi_reduction <minsi>, %select_n3A_995, %reduce_min3A_996 [1] : vector<128x256xi32> to vector<128xi32>
    %broadcast_in_dim3A_998 = vector.shape_cast %reduce_min3A_997 : vector<128xi32> to vector<128x1xi32>
    %swap3A_999 = arith.constant 0 : index
    %swap3A_1000 = arith.constant 45 : index
    %swap3A_1001 = vector.load %arg3[%swap3A_999, %swap3A_1000] : memref<128x100xf32, #tpu.memory_space<vmem>>, vector<128x1xf32>
    tpu.vector_store %arg3[%swap3A_999, %swap3A_1000], %broadcast_in_dim3A_990 {strides = array<i32>} : memref<128x100xf32, #tpu.memory_space<vmem>>, vector<128x1xf32>,
    %swap3A_1002 = arith.constant 0 : index
    %swap3A_1003 = arith.constant 45 : index
    %swap3A_1004 = vector.load %arg4[%swap3A_1002, %swap3A_1003] : memref<128x100xi32, #tpu.memory_space<vmem>>, vector<128x1xi32>
    tpu.vector_store %arg4[%swap3A_1002, %swap3A_1003], %broadcast_in_dim3A_998 {strides = array<i32>} : memref<128x100xi32, #tpu.memory_space<vmem>>, vector<128x1xi32>,
    %eq3A_1005 = vector.broadcast %broadcast_in_dim3A_998 : vector<128x1xi32> to vector<128x256xi32>
    %eq3A_1006 = arith.cmpi eq, %get3A_4, %eq3A_1005 : vector<128x256xi32>
    %jit3A_1007 = arith.constant -3.400000e+38 : f32
    %broadcast_in_dim3A_1008 = vector.broadcast %jit3A_1007 : f32 to vector<128x256xf32>
    %select_n3A_1009 = arith.select %eq3A_1006, %broadcast_in_dim3A_1008, %select_n3A_987 : vector<128x256xi1>, vector<128x256xf32>
    %reduce_max3A_1010 = arith.constant dense<0xFF800000> : vector<128xf32>
    %reduce_max3A_1011 = vector.multi_reduction <maximumf>, %select_n3A_1009, %reduce_max3A_1010 [1] : vector<128x256xf32> to vector<128xf32>
    %broadcast_in_dim3A_1012 = vector.shape_cast %reduce_max3A_1011 : vector<128xf32> to vector<128x1xf32>
    %eq3A_1013 = vector.broadcast %broadcast_in_dim3A_1012 : vector<128x1xf32> to vector<128x256xf32>
    %eq3A_1014 = arith.cmpf oeq, %select_n3A_1009, %eq3A_1013 : vector<128x256xf32>
    %jit3A_1015 = arith.constant 1073741823 : i32
    %broadcast_in_dim3A_1016 = vector.broadcast %jit3A_1015 : i32 to vector<128x256xi32>
    %select_n3A_1017 = arith.select %eq3A_1014, %get3A_4, %broadcast_in_dim3A_1016 : vector<128x256xi1>, vector<128x256xi32>
    %reduce_min3A_1018 = arith.constant dense<2147483647> : vector<128xi32>
    %reduce_min3A_1019 = vector.multi_reduction <minsi>, %select_n3A_1017, %reduce_min3A_1018 [1] : vector<128x256xi32> to vector<128xi32>
    %broadcast_in_dim3A_1020 = vector.shape_cast %reduce_min3A_1019 : vector<128xi32> to vector<128x1xi32>
    %swap3A_1021 = arith.constant 0 : index
    %swap3A_1022 = arith.constant 46 : index
    %swap3A_1023 = vector.load %arg3[%swap3A_1021, %swap3A_1022] : memref<128x100xf32, #tpu.memory_space<vmem>>, vector<128x1xf32>
    tpu.vector_store %arg3[%swap3A_1021, %swap3A_1022], %broadcast_in_dim3A_1012 {strides = array<i32>} : memref<128x100xf32, #tpu.memory_space<vmem>>, vector<128x1xf32>,
    %swap3A_1024 = arith.constant 0 : index
    %swap3A_1025 = arith.constant 46 : index
    %swap3A_1026 = vector.load %arg4[%swap3A_1024, %swap3A_1025] : memref<128x100xi32, #tpu.memory_space<vmem>>, vector<128x1xi32>
    tpu.vector_store %arg4[%swap3A_1024, %swap3A_1025], %broadcast_in_dim3A_1020 {strides = array<i32>} : memref<128x100xi32, #tpu.memory_space<vmem>>, vector<128x1xi32>,
    %eq3A_1027 = vector.broadcast %broadcast_in_dim3A_1020 : vector<128x1xi32> to vector<128x256xi32>
    %eq3A_1028 = arith.cmpi eq, %get3A_4, %eq3A_1027 : vector<128x256xi32>
    %jit3A_1029 = arith.constant -3.400000e+38 : f32
    %broadcast_in_dim3A_1030 = vector.broadcast %jit3A_1029 : f32 to vector<128x256xf32>
    %select_n3A_1031 = arith.select %eq3A_1028, %broadcast_in_dim3A_1030, %select_n3A_1009 : vector<128x256xi1>, vector<128x256xf32>
    %reduce_max3A_1032 = arith.constant dense<0xFF800000> : vector<128xf32>
    %reduce_max3A_1033 = vector.multi_reduction <maximumf>, %select_n3A_1031, %reduce_max3A_1032 [1] : vector<128x256xf32> to vector<128xf32>
    %broadcast_in_dim3A_1034 = vector.shape_cast %reduce_max3A_1033 : vector<128xf32> to vector<128x1xf32>
    %eq3A_1035 = vector.broadcast %broadcast_in_dim3A_1034 : vector<128x1xf32> to vector<128x256xf32>
    %eq3A_1036 = arith.cmpf oeq, %select_n3A_1031, %eq3A_1035 : vector<128x256xf32>
    %jit3A_1037 = arith.constant 1073741823 : i32
    %broadcast_in_dim3A_1038 = vector.broadcast %jit3A_1037 : i32 to vector<128x256xi32>
    %select_n3A_1039 = arith.select %eq3A_1036, %get3A_4, %broadcast_in_dim3A_1038 : vector<128x256xi1>, vector<128x256xi32>
    %reduce_min3A_1040 = arith.constant dense<2147483647> : vector<128xi32>
    %reduce_min3A_1041 = vector.multi_reduction <minsi>, %select_n3A_1039, %reduce_min3A_1040 [1] : vector<128x256xi32> to vector<128xi32>
    %broadcast_in_dim3A_1042 = vector.shape_cast %reduce_min3A_1041 : vector<128xi32> to vector<128x1xi32>
    %swap3A_1043 = arith.constant 0 : index
    %swap3A_1044 = arith.constant 47 : index
    %swap3A_1045 = vector.load %arg3[%swap3A_1043, %swap3A_1044] : memref<128x100xf32, #tpu.memory_space<vmem>>, vector<128x1xf32>
    tpu.vector_store %arg3[%swap3A_1043, %swap3A_1044], %broadcast_in_dim3A_1034 {strides = array<i32>} : memref<128x100xf32, #tpu.memory_space<vmem>>, vector<128x1xf32>,
    %swap3A_1046 = arith.constant 0 : index
    %swap3A_1047 = arith.constant 47 : index
    %swap3A_1048 = vector.load %arg4[%swap3A_1046, %swap3A_1047] : memref<128x100xi32, #tpu.memory_space<vmem>>, vector<128x1xi32>
    tpu.vector_store %arg4[%swap3A_1046, %swap3A_1047], %broadcast_in_dim3A_1042 {strides = array<i32>} : memref<128x100xi32, #tpu.memory_space<vmem>>, vector<128x1xi32>,
    %eq3A_1049 = vector.broadcast %broadcast_in_dim3A_1042 : vector<128x1xi32> to vector<128x256xi32>
    %eq3A_1050 = arith.cmpi eq, %get3A_4, %eq3A_1049 : vector<128x256xi32>
    %jit3A_1051 = arith.constant -3.400000e+38 : f32
    %broadcast_in_dim3A_1052 = vector.broadcast %jit3A_1051 : f32 to vector<128x256xf32>
    %select_n3A_1053 = arith.select %eq3A_1050, %broadcast_in_dim3A_1052, %select_n3A_1031 : vector<128x256xi1>, vector<128x256xf32>
    %reduce_max3A_1054 = arith.constant dense<0xFF800000> : vector<128xf32>
    %reduce_max3A_1055 = vector.multi_reduction <maximumf>, %select_n3A_1053, %reduce_max3A_1054 [1] : vector<128x256xf32> to vector<128xf32>
    %broadcast_in_dim3A_1056 = vector.shape_cast %reduce_max3A_1055 : vector<128xf32> to vector<128x1xf32>
    %eq3A_1057 = vector.broadcast %broadcast_in_dim3A_1056 : vector<128x1xf32> to vector<128x256xf32>
    %eq3A_1058 = arith.cmpf oeq, %select_n3A_1053, %eq3A_1057 : vector<128x256xf32>
    %jit3A_1059 = arith.constant 1073741823 : i32
    %broadcast_in_dim3A_1060 = vector.broadcast %jit3A_1059 : i32 to vector<128x256xi32>
    %select_n3A_1061 = arith.select %eq3A_1058, %get3A_4, %broadcast_in_dim3A_1060 : vector<128x256xi1>, vector<128x256xi32>
    %reduce_min3A_1062 = arith.constant dense<2147483647> : vector<128xi32>
    %reduce_min3A_1063 = vector.multi_reduction <minsi>, %select_n3A_1061, %reduce_min3A_1062 [1] : vector<128x256xi32> to vector<128xi32>
    %broadcast_in_dim3A_1064 = vector.shape_cast %reduce_min3A_1063 : vector<128xi32> to vector<128x1xi32>
    %swap3A_1065 = arith.constant 0 : index
    %swap3A_1066 = arith.constant 48 : index
    %swap3A_1067 = vector.load %arg3[%swap3A_1065, %swap3A_1066] : memref<128x100xf32, #tpu.memory_space<vmem>>, vector<128x1xf32>
    tpu.vector_store %arg3[%swap3A_1065, %swap3A_1066], %broadcast_in_dim3A_1056 {strides = array<i32>} : memref<128x100xf32, #tpu.memory_space<vmem>>, vector<128x1xf32>,
    %swap3A_1068 = arith.constant 0 : index
    %swap3A_1069 = arith.constant 48 : index
    %swap3A_1070 = vector.load %arg4[%swap3A_1068, %swap3A_1069] : memref<128x100xi32, #tpu.memory_space<vmem>>, vector<128x1xi32>
    tpu.vector_store %arg4[%swap3A_1068, %swap3A_1069], %broadcast_in_dim3A_1064 {strides = array<i32>} : memref<128x100xi32, #tpu.memory_space<vmem>>, vector<128x1xi32>,
    %eq3A_1071 = vector.broadcast %broadcast_in_dim3A_1064 : vector<128x1xi32> to vector<128x256xi32>
    %eq3A_1072 = arith.cmpi eq, %get3A_4, %eq3A_1071 : vector<128x256xi32>
    %jit3A_1073 = arith.constant -3.400000e+38 : f32
    %broadcast_in_dim3A_1074 = vector.broadcast %jit3A_1073 : f32 to vector<128x256xf32>
    %select_n3A_1075 = arith.select %eq3A_1072, %broadcast_in_dim3A_1074, %select_n3A_1053 : vector<128x256xi1>, vector<128x256xf32>
    %reduce_max3A_1076 = arith.constant dense<0xFF800000> : vector<128xf32>
    %reduce_max3A_1077 = vector.multi_reduction <maximumf>, %select_n3A_1075, %reduce_max3A_1076 [1] : vector<128x256xf32> to vector<128xf32>
    %broadcast_in_dim3A_1078 = vector.shape_cast %reduce_max3A_1077 : vector<128xf32> to vector<128x1xf32>
    %eq3A_1079 = vector.broadcast %broadcast_in_dim3A_1078 : vector<128x1xf32> to vector<128x256xf32>
    %eq3A_1080 = arith.cmpf oeq, %select_n3A_1075, %eq3A_1079 : vector<128x256xf32>
    %jit3A_1081 = arith.constant 1073741823 : i32
    %broadcast_in_dim3A_1082 = vector.broadcast %jit3A_1081 : i32 to vector<128x256xi32>
    %select_n3A_1083 = arith.select %eq3A_1080, %get3A_4, %broadcast_in_dim3A_1082 : vector<128x256xi1>, vector<128x256xi32>
    %reduce_min3A_1084 = arith.constant dense<2147483647> : vector<128xi32>
    %reduce_min3A_1085 = vector.multi_reduction <minsi>, %select_n3A_1083, %reduce_min3A_1084 [1] : vector<128x256xi32> to vector<128xi32>
    %broadcast_in_dim3A_1086 = vector.shape_cast %reduce_min3A_1085 : vector<128xi32> to vector<128x1xi32>
    %swap3A_1087 = arith.constant 0 : index
    %swap3A_1088 = arith.constant 49 : index
    %swap3A_1089 = vector.load %arg3[%swap3A_1087, %swap3A_1088] : memref<128x100xf32, #tpu.memory_space<vmem>>, vector<128x1xf32>
    tpu.vector_store %arg3[%swap3A_1087, %swap3A_1088], %broadcast_in_dim3A_1078 {strides = array<i32>} : memref<128x100xf32, #tpu.memory_space<vmem>>, vector<128x1xf32>,
    %swap3A_1090 = arith.constant 0 : index
    %swap3A_1091 = arith.constant 49 : index
    %swap3A_1092 = vector.load %arg4[%swap3A_1090, %swap3A_1091] : memref<128x100xi32, #tpu.memory_space<vmem>>, vector<128x1xi32>
    tpu.vector_store %arg4[%swap3A_1090, %swap3A_1091], %broadcast_in_dim3A_1086 {strides = array<i32>} : memref<128x100xi32, #tpu.memory_space<vmem>>, vector<128x1xi32>,
    %eq3A_1093 = vector.broadcast %broadcast_in_dim3A_1086 : vector<128x1xi32> to vector<128x256xi32>
    %eq3A_1094 = arith.cmpi eq, %get3A_4, %eq3A_1093 : vector<128x256xi32>
    %jit3A_1095 = arith.constant -3.400000e+38 : f32
    %broadcast_in_dim3A_1096 = vector.broadcast %jit3A_1095 : f32 to vector<128x256xf32>
    %select_n3A_1097 = arith.select %eq3A_1094, %broadcast_in_dim3A_1096, %select_n3A_1075 : vector<128x256xi1>, vector<128x256xf32>
    %reduce_max3A_1098 = arith.constant dense<0xFF800000> : vector<128xf32>
    %reduce_max3A_1099 = vector.multi_reduction <maximumf>, %select_n3A_1097, %reduce_max3A_1098 [1] : vector<128x256xf32> to vector<128xf32>
    %broadcast_in_dim3A_1100 = vector.shape_cast %reduce_max3A_1099 : vector<128xf32> to vector<128x1xf32>
    %eq3A_1101 = vector.broadcast %broadcast_in_dim3A_1100 : vector<128x1xf32> to vector<128x256xf32>
    %eq3A_1102 = arith.cmpf oeq, %select_n3A_1097, %eq3A_1101 : vector<128x256xf32>
    %jit3A_1103 = arith.constant 1073741823 : i32
    %broadcast_in_dim3A_1104 = vector.broadcast %jit3A_1103 : i32 to vector<128x256xi32>
    %select_n3A_1105 = arith.select %eq3A_1102, %get3A_4, %broadcast_in_dim3A_1104 : vector<128x256xi1>, vector<128x256xi32>
    %reduce_min3A_1106 = arith.constant dense<2147483647> : vector<128xi32>
    %reduce_min3A_1107 = vector.multi_reduction <minsi>, %select_n3A_1105, %reduce_min3A_1106 [1] : vector<128x256xi32> to vector<128xi32>
    %broadcast_in_dim3A_1108 = vector.shape_cast %reduce_min3A_1107 : vector<128xi32> to vector<128x1xi32>
    %swap3A_1109 = arith.constant 0 : index
    %swap3A_1110 = arith.constant 50 : index
    %swap3A_1111 = vector.load %arg3[%swap3A_1109, %swap3A_1110] : memref<128x100xf32, #tpu.memory_space<vmem>>, vector<128x1xf32>
    tpu.vector_store %arg3[%swap3A_1109, %swap3A_1110], %broadcast_in_dim3A_1100 {strides = array<i32>} : memref<128x100xf32, #tpu.memory_space<vmem>>, vector<128x1xf32>,
    %swap3A_1112 = arith.constant 0 : index
    %swap3A_1113 = arith.constant 50 : index
    %swap3A_1114 = vector.load %arg4[%swap3A_1112, %swap3A_1113] : memref<128x100xi32, #tpu.memory_space<vmem>>, vector<128x1xi32>
    tpu.vector_store %arg4[%swap3A_1112, %swap3A_1113], %broadcast_in_dim3A_1108 {strides = array<i32>} : memref<128x100xi32, #tpu.memory_space<vmem>>, vector<128x1xi32>,
    %eq3A_1115 = vector.broadcast %broadcast_in_dim3A_1108 : vector<128x1xi32> to vector<128x256xi32>
    %eq3A_1116 = arith.cmpi eq, %get3A_4, %eq3A_1115 : vector<128x256xi32>
    %jit3A_1117 = arith.constant -3.400000e+38 : f32
    %broadcast_in_dim3A_1118 = vector.broadcast %jit3A_1117 : f32 to vector<128x256xf32>
    %select_n3A_1119 = arith.select %eq3A_1116, %broadcast_in_dim3A_1118, %select_n3A_1097 : vector<128x256xi1>, vector<128x256xf32>
    %reduce_max3A_1120 = arith.constant dense<0xFF800000> : vector<128xf32>
    %reduce_max3A_1121 = vector.multi_reduction <maximumf>, %select_n3A_1119, %reduce_max3A_1120 [1] : vector<128x256xf32> to vector<128xf32>
    %broadcast_in_dim3A_1122 = vector.shape_cast %reduce_max3A_1121 : vector<128xf32> to vector<128x1xf32>
    %eq3A_1123 = vector.broadcast %broadcast_in_dim3A_1122 : vector<128x1xf32> to vector<128x256xf32>
    %eq3A_1124 = arith.cmpf oeq, %select_n3A_1119, %eq3A_1123 : vector<128x256xf32>
    %jit3A_1125 = arith.constant 1073741823 : i32
    %broadcast_in_dim3A_1126 = vector.broadcast %jit3A_1125 : i32 to vector<128x256xi32>
    %select_n3A_1127 = arith.select %eq3A_1124, %get3A_4, %broadcast_in_dim3A_1126 : vector<128x256xi1>, vector<128x256xi32>
    %reduce_min3A_1128 = arith.constant dense<2147483647> : vector<128xi32>
    %reduce_min3A_1129 = vector.multi_reduction <minsi>, %select_n3A_1127, %reduce_min3A_1128 [1] : vector<128x256xi32> to vector<128xi32>
    %broadcast_in_dim3A_1130 = vector.shape_cast %reduce_min3A_1129 : vector<128xi32> to vector<128x1xi32>
    %swap3A_1131 = arith.constant 0 : index
    %swap3A_1132 = arith.constant 51 : index
    %swap3A_1133 = vector.load %arg3[%swap3A_1131, %swap3A_1132] : memref<128x100xf32, #tpu.memory_space<vmem>>, vector<128x1xf32>
    tpu.vector_store %arg3[%swap3A_1131, %swap3A_1132], %broadcast_in_dim3A_1122 {strides = array<i32>} : memref<128x100xf32, #tpu.memory_space<vmem>>, vector<128x1xf32>,
    %swap3A_1134 = arith.constant 0 : index
    %swap3A_1135 = arith.constant 51 : index
    %swap3A_1136 = vector.load %arg4[%swap3A_1134, %swap3A_1135] : memref<128x100xi32, #tpu.memory_space<vmem>>, vector<128x1xi32>
    tpu.vector_store %arg4[%swap3A_1134, %swap3A_1135], %broadcast_in_dim3A_1130 {strides = array<i32>} : memref<128x100xi32, #tpu.memory_space<vmem>>, vector<128x1xi32>,
    %eq3A_1137 = vector.broadcast %broadcast_in_dim3A_1130 : vector<128x1xi32> to vector<128x256xi32>
    %eq3A_1138 = arith.cmpi eq, %get3A_4, %eq3A_1137 : vector<128x256xi32>
    %jit3A_1139 = arith.constant -3.400000e+38 : f32
    %broadcast_in_dim3A_1140 = vector.broadcast %jit3A_1139 : f32 to vector<128x256xf32>
    %select_n3A_1141 = arith.select %eq3A_1138, %broadcast_in_dim3A_1140, %select_n3A_1119 : vector<128x256xi1>, vector<128x256xf32>
    %reduce_max3A_1142 = arith.constant dense<0xFF800000> : vector<128xf32>
    %reduce_max3A_1143 = vector.multi_reduction <maximumf>, %select_n3A_1141, %reduce_max3A_1142 [1] : vector<128x256xf32> to vector<128xf32>
    %broadcast_in_dim3A_1144 = vector.shape_cast %reduce_max3A_1143 : vector<128xf32> to vector<128x1xf32>
    %eq3A_1145 = vector.broadcast %broadcast_in_dim3A_1144 : vector<128x1xf32> to vector<128x256xf32>
    %eq3A_1146 = arith.cmpf oeq, %select_n3A_1141, %eq3A_1145 : vector<128x256xf32>
    %jit3A_1147 = arith.constant 1073741823 : i32
    %broadcast_in_dim3A_1148 = vector.broadcast %jit3A_1147 : i32 to vector<128x256xi32>
    %select_n3A_1149 = arith.select %eq3A_1146, %get3A_4, %broadcast_in_dim3A_1148 : vector<128x256xi1>, vector<128x256xi32>
    %reduce_min3A_1150 = arith.constant dense<2147483647> : vector<128xi32>
    %reduce_min3A_1151 = vector.multi_reduction <minsi>, %select_n3A_1149, %reduce_min3A_1150 [1] : vector<128x256xi32> to vector<128xi32>
    %broadcast_in_dim3A_1152 = vector.shape_cast %reduce_min3A_1151 : vector<128xi32> to vector<128x1xi32>
    %swap3A_1153 = arith.constant 0 : index
    %swap3A_1154 = arith.constant 52 : index
    %swap3A_1155 = vector.load %arg3[%swap3A_1153, %swap3A_1154] : memref<128x100xf32, #tpu.memory_space<vmem>>, vector<128x1xf32>
    tpu.vector_store %arg3[%swap3A_1153, %swap3A_1154], %broadcast_in_dim3A_1144 {strides = array<i32>} : memref<128x100xf32, #tpu.memory_space<vmem>>, vector<128x1xf32>,
    %swap3A_1156 = arith.constant 0 : index
    %swap3A_1157 = arith.constant 52 : index
    %swap3A_1158 = vector.load %arg4[%swap3A_1156, %swap3A_1157] : memref<128x100xi32, #tpu.memory_space<vmem>>, vector<128x1xi32>
    tpu.vector_store %arg4[%swap3A_1156, %swap3A_1157], %broadcast_in_dim3A_1152 {strides = array<i32>} : memref<128x100xi32, #tpu.memory_space<vmem>>, vector<128x1xi32>,
    %eq3A_1159 = vector.broadcast %broadcast_in_dim3A_1152 : vector<128x1xi32> to vector<128x256xi32>
    %eq3A_1160 = arith.cmpi eq, %get3A_4, %eq3A_1159 : vector<128x256xi32>
    %jit3A_1161 = arith.constant -3.400000e+38 : f32
    %broadcast_in_dim3A_1162 = vector.broadcast %jit3A_1161 : f32 to vector<128x256xf32>
    %select_n3A_1163 = arith.select %eq3A_1160, %broadcast_in_dim3A_1162, %select_n3A_1141 : vector<128x256xi1>, vector<128x256xf32>
    %reduce_max3A_1164 = arith.constant dense<0xFF800000> : vector<128xf32>
    %reduce_max3A_1165 = vector.multi_reduction <maximumf>, %select_n3A_1163, %reduce_max3A_1164 [1] : vector<128x256xf32> to vector<128xf32>
    %broadcast_in_dim3A_1166 = vector.shape_cast %reduce_max3A_1165 : vector<128xf32> to vector<128x1xf32>
    %eq3A_1167 = vector.broadcast %broadcast_in_dim3A_1166 : vector<128x1xf32> to vector<128x256xf32>
    %eq3A_1168 = arith.cmpf oeq, %select_n3A_1163, %eq3A_1167 : vector<128x256xf32>
    %jit3A_1169 = arith.constant 1073741823 : i32
    %broadcast_in_dim3A_1170 = vector.broadcast %jit3A_1169 : i32 to vector<128x256xi32>
    %select_n3A_1171 = arith.select %eq3A_1168, %get3A_4, %broadcast_in_dim3A_1170 : vector<128x256xi1>, vector<128x256xi32>
    %reduce_min3A_1172 = arith.constant dense<2147483647> : vector<128xi32>
    %reduce_min3A_1173 = vector.multi_reduction <minsi>, %select_n3A_1171, %reduce_min3A_1172 [1] : vector<128x256xi32> to vector<128xi32>
    %broadcast_in_dim3A_1174 = vector.shape_cast %reduce_min3A_1173 : vector<128xi32> to vector<128x1xi32>
    %swap3A_1175 = arith.constant 0 : index
    %swap3A_1176 = arith.constant 53 : index
    %swap3A_1177 = vector.load %arg3[%swap3A_1175, %swap3A_1176] : memref<128x100xf32, #tpu.memory_space<vmem>>, vector<128x1xf32>
    tpu.vector_store %arg3[%swap3A_1175, %swap3A_1176], %broadcast_in_dim3A_1166 {strides = array<i32>} : memref<128x100xf32, #tpu.memory_space<vmem>>, vector<128x1xf32>,
    %swap3A_1178 = arith.constant 0 : index
    %swap3A_1179 = arith.constant 53 : index
    %swap3A_1180 = vector.load %arg4[%swap3A_1178, %swap3A_1179] : memref<128x100xi32, #tpu.memory_space<vmem>>, vector<128x1xi32>
    tpu.vector_store %arg4[%swap3A_1178, %swap3A_1179], %broadcast_in_dim3A_1174 {strides = array<i32>} : memref<128x100xi32, #tpu.memory_space<vmem>>, vector<128x1xi32>,
    %eq3A_1181 = vector.broadcast %broadcast_in_dim3A_1174 : vector<128x1xi32> to vector<128x256xi32>
    %eq3A_1182 = arith.cmpi eq, %get3A_4, %eq3A_1181 : vector<128x256xi32>
    %jit3A_1183 = arith.constant -3.400000e+38 : f32
    %broadcast_in_dim3A_1184 = vector.broadcast %jit3A_1183 : f32 to vector<128x256xf32>
    %select_n3A_1185 = arith.select %eq3A_1182, %broadcast_in_dim3A_1184, %select_n3A_1163 : vector<128x256xi1>, vector<128x256xf32>
    %reduce_max3A_1186 = arith.constant dense<0xFF800000> : vector<128xf32>
    %reduce_max3A_1187 = vector.multi_reduction <maximumf>, %select_n3A_1185, %reduce_max3A_1186 [1] : vector<128x256xf32> to vector<128xf32>
    %broadcast_in_dim3A_1188 = vector.shape_cast %reduce_max3A_1187 : vector<128xf32> to vector<128x1xf32>
    %eq3A_1189 = vector.broadcast %broadcast_in_dim3A_1188 : vector<128x1xf32> to vector<128x256xf32>
    %eq3A_1190 = arith.cmpf oeq, %select_n3A_1185, %eq3A_1189 : vector<128x256xf32>
    %jit3A_1191 = arith.constant 1073741823 : i32
    %broadcast_in_dim3A_1192 = vector.broadcast %jit3A_1191 : i32 to vector<128x256xi32>
    %select_n3A_1193 = arith.select %eq3A_1190, %get3A_4, %broadcast_in_dim3A_1192 : vector<128x256xi1>, vector<128x256xi32>
    %reduce_min3A_1194 = arith.constant dense<2147483647> : vector<128xi32>
    %reduce_min3A_1195 = vector.multi_reduction <minsi>, %select_n3A_1193, %reduce_min3A_1194 [1] : vector<128x256xi32> to vector<128xi32>
    %broadcast_in_dim3A_1196 = vector.shape_cast %reduce_min3A_1195 : vector<128xi32> to vector<128x1xi32>
    %swap3A_1197 = arith.constant 0 : index
    %swap3A_1198 = arith.constant 54 : index
    %swap3A_1199 = vector.load %arg3[%swap3A_1197, %swap3A_1198] : memref<128x100xf32, #tpu.memory_space<vmem>>, vector<128x1xf32>
    tpu.vector_store %arg3[%swap3A_1197, %swap3A_1198], %broadcast_in_dim3A_1188 {strides = array<i32>} : memref<128x100xf32, #tpu.memory_space<vmem>>, vector<128x1xf32>,
    %swap3A_1200 = arith.constant 0 : index
    %swap3A_1201 = arith.constant 54 : index
    %swap3A_1202 = vector.load %arg4[%swap3A_1200, %swap3A_1201] : memref<128x100xi32, #tpu.memory_space<vmem>>, vector<128x1xi32>
    tpu.vector_store %arg4[%swap3A_1200, %swap3A_1201], %broadcast_in_dim3A_1196 {strides = array<i32>} : memref<128x100xi32, #tpu.memory_space<vmem>>, vector<128x1xi32>,
    %eq3A_1203 = vector.broadcast %broadcast_in_dim3A_1196 : vector<128x1xi32> to vector<128x256xi32>
    %eq3A_1204 = arith.cmpi eq, %get3A_4, %eq3A_1203 : vector<128x256xi32>
    %jit3A_1205 = arith.constant -3.400000e+38 : f32
    %broadcast_in_dim3A_1206 = vector.broadcast %jit3A_1205 : f32 to vector<128x256xf32>
    %select_n3A_1207 = arith.select %eq3A_1204, %broadcast_in_dim3A_1206, %select_n3A_1185 : vector<128x256xi1>, vector<128x256xf32>
    %reduce_max3A_1208 = arith.constant dense<0xFF800000> : vector<128xf32>
    %reduce_max3A_1209 = vector.multi_reduction <maximumf>, %select_n3A_1207, %reduce_max3A_1208 [1] : vector<128x256xf32> to vector<128xf32>
    %broadcast_in_dim3A_1210 = vector.shape_cast %reduce_max3A_1209 : vector<128xf32> to vector<128x1xf32>
    %eq3A_1211 = vector.broadcast %broadcast_in_dim3A_1210 : vector<128x1xf32> to vector<128x256xf32>
    %eq3A_1212 = arith.cmpf oeq, %select_n3A_1207, %eq3A_1211 : vector<128x256xf32>
    %jit3A_1213 = arith.constant 1073741823 : i32
    %broadcast_in_dim3A_1214 = vector.broadcast %jit3A_1213 : i32 to vector<128x256xi32>
    %select_n3A_1215 = arith.select %eq3A_1212, %get3A_4, %broadcast_in_dim3A_1214 : vector<128x256xi1>, vector<128x256xi32>
    %reduce_min3A_1216 = arith.constant dense<2147483647> : vector<128xi32>
    %reduce_min3A_1217 = vector.multi_reduction <minsi>, %select_n3A_1215, %reduce_min3A_1216 [1] : vector<128x256xi32> to vector<128xi32>
    %broadcast_in_dim3A_1218 = vector.shape_cast %reduce_min3A_1217 : vector<128xi32> to vector<128x1xi32>
    %swap3A_1219 = arith.constant 0 : index
    %swap3A_1220 = arith.constant 55 : index
    %swap3A_1221 = vector.load %arg3[%swap3A_1219, %swap3A_1220] : memref<128x100xf32, #tpu.memory_space<vmem>>, vector<128x1xf32>
    tpu.vector_store %arg3[%swap3A_1219, %swap3A_1220], %broadcast_in_dim3A_1210 {strides = array<i32>} : memref<128x100xf32, #tpu.memory_space<vmem>>, vector<128x1xf32>,
    %swap3A_1222 = arith.constant 0 : index
    %swap3A_1223 = arith.constant 55 : index
    %swap3A_1224 = vector.load %arg4[%swap3A_1222, %swap3A_1223] : memref<128x100xi32, #tpu.memory_space<vmem>>, vector<128x1xi32>
    tpu.vector_store %arg4[%swap3A_1222, %swap3A_1223], %broadcast_in_dim3A_1218 {strides = array<i32>} : memref<128x100xi32, #tpu.memory_space<vmem>>, vector<128x1xi32>,
    %eq3A_1225 = vector.broadcast %broadcast_in_dim3A_1218 : vector<128x1xi32> to vector<128x256xi32>
    %eq3A_1226 = arith.cmpi eq, %get3A_4, %eq3A_1225 : vector<128x256xi32>
    %jit3A_1227 = arith.constant -3.400000e+38 : f32
    %broadcast_in_dim3A_1228 = vector.broadcast %jit3A_1227 : f32 to vector<128x256xf32>
    %select_n3A_1229 = arith.select %eq3A_1226, %broadcast_in_dim3A_1228, %select_n3A_1207 : vector<128x256xi1>, vector<128x256xf32>
    %reduce_max3A_1230 = arith.constant dense<0xFF800000> : vector<128xf32>
    %reduce_max3A_1231 = vector.multi_reduction <maximumf>, %select_n3A_1229, %reduce_max3A_1230 [1] : vector<128x256xf32> to vector<128xf32>
    %broadcast_in_dim3A_1232 = vector.shape_cast %reduce_max3A_1231 : vector<128xf32> to vector<128x1xf32>
    %eq3A_1233 = vector.broadcast %broadcast_in_dim3A_1232 : vector<128x1xf32> to vector<128x256xf32>
    %eq3A_1234 = arith.cmpf oeq, %select_n3A_1229, %eq3A_1233 : vector<128x256xf32>
    %jit3A_1235 = arith.constant 1073741823 : i32
    %broadcast_in_dim3A_1236 = vector.broadcast %jit3A_1235 : i32 to vector<128x256xi32>
    %select_n3A_1237 = arith.select %eq3A_1234, %get3A_4, %broadcast_in_dim3A_1236 : vector<128x256xi1>, vector<128x256xi32>
    %reduce_min3A_1238 = arith.constant dense<2147483647> : vector<128xi32>
    %reduce_min3A_1239 = vector.multi_reduction <minsi>, %select_n3A_1237, %reduce_min3A_1238 [1] : vector<128x256xi32> to vector<128xi32>
    %broadcast_in_dim3A_1240 = vector.shape_cast %reduce_min3A_1239 : vector<128xi32> to vector<128x1xi32>
    %swap3A_1241 = arith.constant 0 : index
    %swap3A_1242 = arith.constant 56 : index
    %swap3A_1243 = vector.load %arg3[%swap3A_1241, %swap3A_1242] : memref<128x100xf32, #tpu.memory_space<vmem>>, vector<128x1xf32>
    tpu.vector_store %arg3[%swap3A_1241, %swap3A_1242], %broadcast_in_dim3A_1232 {strides = array<i32>} : memref<128x100xf32, #tpu.memory_space<vmem>>, vector<128x1xf32>,
    %swap3A_1244 = arith.constant 0 : index
    %swap3A_1245 = arith.constant 56 : index
    %swap3A_1246 = vector.load %arg4[%swap3A_1244, %swap3A_1245] : memref<128x100xi32, #tpu.memory_space<vmem>>, vector<128x1xi32>
    tpu.vector_store %arg4[%swap3A_1244, %swap3A_1245], %broadcast_in_dim3A_1240 {strides = array<i32>} : memref<128x100xi32, #tpu.memory_space<vmem>>, vector<128x1xi32>,
    %eq3A_1247 = vector.broadcast %broadcast_in_dim3A_1240 : vector<128x1xi32> to vector<128x256xi32>
    %eq3A_1248 = arith.cmpi eq, %get3A_4, %eq3A_1247 : vector<128x256xi32>
    %jit3A_1249 = arith.constant -3.400000e+38 : f32
    %broadcast_in_dim3A_1250 = vector.broadcast %jit3A_1249 : f32 to vector<128x256xf32>
    %select_n3A_1251 = arith.select %eq3A_1248, %broadcast_in_dim3A_1250, %select_n3A_1229 : vector<128x256xi1>, vector<128x256xf32>
    %reduce_max3A_1252 = arith.constant dense<0xFF800000> : vector<128xf32>
    %reduce_max3A_1253 = vector.multi_reduction <maximumf>, %select_n3A_1251, %reduce_max3A_1252 [1] : vector<128x256xf32> to vector<128xf32>
    %broadcast_in_dim3A_1254 = vector.shape_cast %reduce_max3A_1253 : vector<128xf32> to vector<128x1xf32>
    %eq3A_1255 = vector.broadcast %broadcast_in_dim3A_1254 : vector<128x1xf32> to vector<128x256xf32>
    %eq3A_1256 = arith.cmpf oeq, %select_n3A_1251, %eq3A_1255 : vector<128x256xf32>
    %jit3A_1257 = arith.constant 1073741823 : i32
    %broadcast_in_dim3A_1258 = vector.broadcast %jit3A_1257 : i32 to vector<128x256xi32>
    %select_n3A_1259 = arith.select %eq3A_1256, %get3A_4, %broadcast_in_dim3A_1258 : vector<128x256xi1>, vector<128x256xi32>
    %reduce_min3A_1260 = arith.constant dense<2147483647> : vector<128xi32>
    %reduce_min3A_1261 = vector.multi_reduction <minsi>, %select_n3A_1259, %reduce_min3A_1260 [1] : vector<128x256xi32> to vector<128xi32>
    %broadcast_in_dim3A_1262 = vector.shape_cast %reduce_min3A_1261 : vector<128xi32> to vector<128x1xi32>
    %swap3A_1263 = arith.constant 0 : index
    %swap3A_1264 = arith.constant 57 : index
    %swap3A_1265 = vector.load %arg3[%swap3A_1263, %swap3A_1264] : memref<128x100xf32, #tpu.memory_space<vmem>>, vector<128x1xf32>
    tpu.vector_store %arg3[%swap3A_1263, %swap3A_1264], %broadcast_in_dim3A_1254 {strides = array<i32>} : memref<128x100xf32, #tpu.memory_space<vmem>>, vector<128x1xf32>,
    %swap3A_1266 = arith.constant 0 : index
    %swap3A_1267 = arith.constant 57 : index
    %swap3A_1268 = vector.load %arg4[%swap3A_1266, %swap3A_1267] : memref<128x100xi32, #tpu.memory_space<vmem>>, vector<128x1xi32>
    tpu.vector_store %arg4[%swap3A_1266, %swap3A_1267], %broadcast_in_dim3A_1262 {strides = array<i32>} : memref<128x100xi32, #tpu.memory_space<vmem>>, vector<128x1xi32>,
    %eq3A_1269 = vector.broadcast %broadcast_in_dim3A_1262 : vector<128x1xi32> to vector<128x256xi32>
    %eq3A_1270 = arith.cmpi eq, %get3A_4, %eq3A_1269 : vector<128x256xi32>
    %jit3A_1271 = arith.constant -3.400000e+38 : f32
    %broadcast_in_dim3A_1272 = vector.broadcast %jit3A_1271 : f32 to vector<128x256xf32>
    %select_n3A_1273 = arith.select %eq3A_1270, %broadcast_in_dim3A_1272, %select_n3A_1251 : vector<128x256xi1>, vector<128x256xf32>
    %reduce_max3A_1274 = arith.constant dense<0xFF800000> : vector<128xf32>
    %reduce_max3A_1275 = vector.multi_reduction <maximumf>, %select_n3A_1273, %reduce_max3A_1274 [1] : vector<128x256xf32> to vector<128xf32>
    %broadcast_in_dim3A_1276 = vector.shape_cast %reduce_max3A_1275 : vector<128xf32> to vector<128x1xf32>
    %eq3A_1277 = vector.broadcast %broadcast_in_dim3A_1276 : vector<128x1xf32> to vector<128x256xf32>
    %eq3A_1278 = arith.cmpf oeq, %select_n3A_1273, %eq3A_1277 : vector<128x256xf32>
    %jit3A_1279 = arith.constant 1073741823 : i32
    %broadcast_in_dim3A_1280 = vector.broadcast %jit3A_1279 : i32 to vector<128x256xi32>
    %select_n3A_1281 = arith.select %eq3A_1278, %get3A_4, %broadcast_in_dim3A_1280 : vector<128x256xi1>, vector<128x256xi32>
    %reduce_min3A_1282 = arith.constant dense<2147483647> : vector<128xi32>
    %reduce_min3A_1283 = vector.multi_reduction <minsi>, %select_n3A_1281, %reduce_min3A_1282 [1] : vector<128x256xi32> to vector<128xi32>
    %broadcast_in_dim3A_1284 = vector.shape_cast %reduce_min3A_1283 : vector<128xi32> to vector<128x1xi32>
    %swap3A_1285 = arith.constant 0 : index
    %swap3A_1286 = arith.constant 58 : index
    %swap3A_1287 = vector.load %arg3[%swap3A_1285, %swap3A_1286] : memref<128x100xf32, #tpu.memory_space<vmem>>, vector<128x1xf32>
    tpu.vector_store %arg3[%swap3A_1285, %swap3A_1286], %broadcast_in_dim3A_1276 {strides = array<i32>} : memref<128x100xf32, #tpu.memory_space<vmem>>, vector<128x1xf32>,
    %swap3A_1288 = arith.constant 0 : index
    %swap3A_1289 = arith.constant 58 : index
    %swap3A_1290 = vector.load %arg4[%swap3A_1288, %swap3A_1289] : memref<128x100xi32, #tpu.memory_space<vmem>>, vector<128x1xi32>
    tpu.vector_store %arg4[%swap3A_1288, %swap3A_1289], %broadcast_in_dim3A_1284 {strides = array<i32>} : memref<128x100xi32, #tpu.memory_space<vmem>>, vector<128x1xi32>,
    %eq3A_1291 = vector.broadcast %broadcast_in_dim3A_1284 : vector<128x1xi32> to vector<128x256xi32>
    %eq3A_1292 = arith.cmpi eq, %get3A_4, %eq3A_1291 : vector<128x256xi32>
    %jit3A_1293 = arith.constant -3.400000e+38 : f32
    %broadcast_in_dim3A_1294 = vector.broadcast %jit3A_1293 : f32 to vector<128x256xf32>
    %select_n3A_1295 = arith.select %eq3A_1292, %broadcast_in_dim3A_1294, %select_n3A_1273 : vector<128x256xi1>, vector<128x256xf32>
    %reduce_max3A_1296 = arith.constant dense<0xFF800000> : vector<128xf32>
    %reduce_max3A_1297 = vector.multi_reduction <maximumf>, %select_n3A_1295, %reduce_max3A_1296 [1] : vector<128x256xf32> to vector<128xf32>
    %broadcast_in_dim3A_1298 = vector.shape_cast %reduce_max3A_1297 : vector<128xf32> to vector<128x1xf32>
    %eq3A_1299 = vector.broadcast %broadcast_in_dim3A_1298 : vector<128x1xf32> to vector<128x256xf32>
    %eq3A_1300 = arith.cmpf oeq, %select_n3A_1295, %eq3A_1299 : vector<128x256xf32>
    %jit3A_1301 = arith.constant 1073741823 : i32
    %broadcast_in_dim3A_1302 = vector.broadcast %jit3A_1301 : i32 to vector<128x256xi32>
    %select_n3A_1303 = arith.select %eq3A_1300, %get3A_4, %broadcast_in_dim3A_1302 : vector<128x256xi1>, vector<128x256xi32>
    %reduce_min3A_1304 = arith.constant dense<2147483647> : vector<128xi32>
    %reduce_min3A_1305 = vector.multi_reduction <minsi>, %select_n3A_1303, %reduce_min3A_1304 [1] : vector<128x256xi32> to vector<128xi32>
    %broadcast_in_dim3A_1306 = vector.shape_cast %reduce_min3A_1305 : vector<128xi32> to vector<128x1xi32>
    %swap3A_1307 = arith.constant 0 : index
    %swap3A_1308 = arith.constant 59 : index
    %swap3A_1309 = vector.load %arg3[%swap3A_1307, %swap3A_1308] : memref<128x100xf32, #tpu.memory_space<vmem>>, vector<128x1xf32>
    tpu.vector_store %arg3[%swap3A_1307, %swap3A_1308], %broadcast_in_dim3A_1298 {strides = array<i32>} : memref<128x100xf32, #tpu.memory_space<vmem>>, vector<128x1xf32>,
    %swap3A_1310 = arith.constant 0 : index
    %swap3A_1311 = arith.constant 59 : index
    %swap3A_1312 = vector.load %arg4[%swap3A_1310, %swap3A_1311] : memref<128x100xi32, #tpu.memory_space<vmem>>, vector<128x1xi32>
    tpu.vector_store %arg4[%swap3A_1310, %swap3A_1311], %broadcast_in_dim3A_1306 {strides = array<i32>} : memref<128x100xi32, #tpu.memory_space<vmem>>, vector<128x1xi32>,
    %eq3A_1313 = vector.broadcast %broadcast_in_dim3A_1306 : vector<128x1xi32> to vector<128x256xi32>
    %eq3A_1314 = arith.cmpi eq, %get3A_4, %eq3A_1313 : vector<128x256xi32>
    %jit3A_1315 = arith.constant -3.400000e+38 : f32
    %broadcast_in_dim3A_1316 = vector.broadcast %jit3A_1315 : f32 to vector<128x256xf32>
    %select_n3A_1317 = arith.select %eq3A_1314, %broadcast_in_dim3A_1316, %select_n3A_1295 : vector<128x256xi1>, vector<128x256xf32>
    %reduce_max3A_1318 = arith.constant dense<0xFF800000> : vector<128xf32>
    %reduce_max3A_1319 = vector.multi_reduction <maximumf>, %select_n3A_1317, %reduce_max3A_1318 [1] : vector<128x256xf32> to vector<128xf32>
    %broadcast_in_dim3A_1320 = vector.shape_cast %reduce_max3A_1319 : vector<128xf32> to vector<128x1xf32>
    %eq3A_1321 = vector.broadcast %broadcast_in_dim3A_1320 : vector<128x1xf32> to vector<128x256xf32>
    %eq3A_1322 = arith.cmpf oeq, %select_n3A_1317, %eq3A_1321 : vector<128x256xf32>
    %jit3A_1323 = arith.constant 1073741823 : i32
    %broadcast_in_dim3A_1324 = vector.broadcast %jit3A_1323 : i32 to vector<128x256xi32>
    %select_n3A_1325 = arith.select %eq3A_1322, %get3A_4, %broadcast_in_dim3A_1324 : vector<128x256xi1>, vector<128x256xi32>
    %reduce_min3A_1326 = arith.constant dense<2147483647> : vector<128xi32>
    %reduce_min3A_1327 = vector.multi_reduction <minsi>, %select_n3A_1325, %reduce_min3A_1326 [1] : vector<128x256xi32> to vector<128xi32>
    %broadcast_in_dim3A_1328 = vector.shape_cast %reduce_min3A_1327 : vector<128xi32> to vector<128x1xi32>
    %swap3A_1329 = arith.constant 0 : index
    %swap3A_1330 = arith.constant 60 : index
    %swap3A_1331 = vector.load %arg3[%swap3A_1329, %swap3A_1330] : memref<128x100xf32, #tpu.memory_space<vmem>>, vector<128x1xf32>
    tpu.vector_store %arg3[%swap3A_1329, %swap3A_1330], %broadcast_in_dim3A_1320 {strides = array<i32>} : memref<128x100xf32, #tpu.memory_space<vmem>>, vector<128x1xf32>,
    %swap3A_1332 = arith.constant 0 : index
    %swap3A_1333 = arith.constant 60 : index
    %swap3A_1334 = vector.load %arg4[%swap3A_1332, %swap3A_1333] : memref<128x100xi32, #tpu.memory_space<vmem>>, vector<128x1xi32>
    tpu.vector_store %arg4[%swap3A_1332, %swap3A_1333], %broadcast_in_dim3A_1328 {strides = array<i32>} : memref<128x100xi32, #tpu.memory_space<vmem>>, vector<128x1xi32>,
    %eq3A_1335 = vector.broadcast %broadcast_in_dim3A_1328 : vector<128x1xi32> to vector<128x256xi32>
    %eq3A_1336 = arith.cmpi eq, %get3A_4, %eq3A_1335 : vector<128x256xi32>
    %jit3A_1337 = arith.constant -3.400000e+38 : f32
    %broadcast_in_dim3A_1338 = vector.broadcast %jit3A_1337 : f32 to vector<128x256xf32>
    %select_n3A_1339 = arith.select %eq3A_1336, %broadcast_in_dim3A_1338, %select_n3A_1317 : vector<128x256xi1>, vector<128x256xf32>
    %reduce_max3A_1340 = arith.constant dense<0xFF800000> : vector<128xf32>
    %reduce_max3A_1341 = vector.multi_reduction <maximumf>, %select_n3A_1339, %reduce_max3A_1340 [1] : vector<128x256xf32> to vector<128xf32>
    %broadcast_in_dim3A_1342 = vector.shape_cast %reduce_max3A_1341 : vector<128xf32> to vector<128x1xf32>
    %eq3A_1343 = vector.broadcast %broadcast_in_dim3A_1342 : vector<128x1xf32> to vector<128x256xf32>
    %eq3A_1344 = arith.cmpf oeq, %select_n3A_1339, %eq3A_1343 : vector<128x256xf32>
    %jit3A_1345 = arith.constant 1073741823 : i32
    %broadcast_in_dim3A_1346 = vector.broadcast %jit3A_1345 : i32 to vector<128x256xi32>
    %select_n3A_1347 = arith.select %eq3A_1344, %get3A_4, %broadcast_in_dim3A_1346 : vector<128x256xi1>, vector<128x256xi32>
    %reduce_min3A_1348 = arith.constant dense<2147483647> : vector<128xi32>
    %reduce_min3A_1349 = vector.multi_reduction <minsi>, %select_n3A_1347, %reduce_min3A_1348 [1] : vector<128x256xi32> to vector<128xi32>
    %broadcast_in_dim3A_1350 = vector.shape_cast %reduce_min3A_1349 : vector<128xi32> to vector<128x1xi32>
    %swap3A_1351 = arith.constant 0 : index
    %swap3A_1352 = arith.constant 61 : index
    %swap3A_1353 = vector.load %arg3[%swap3A_1351, %swap3A_1352] : memref<128x100xf32, #tpu.memory_space<vmem>>, vector<128x1xf32>
    tpu.vector_store %arg3[%swap3A_1351, %swap3A_1352], %broadcast_in_dim3A_1342 {strides = array<i32>} : memref<128x100xf32, #tpu.memory_space<vmem>>, vector<128x1xf32>,
    %swap3A_1354 = arith.constant 0 : index
    %swap3A_1355 = arith.constant 61 : index
    %swap3A_1356 = vector.load %arg4[%swap3A_1354, %swap3A_1355] : memref<128x100xi32, #tpu.memory_space<vmem>>, vector<128x1xi32>
    tpu.vector_store %arg4[%swap3A_1354, %swap3A_1355], %broadcast_in_dim3A_1350 {strides = array<i32>} : memref<128x100xi32, #tpu.memory_space<vmem>>, vector<128x1xi32>,
    %eq3A_1357 = vector.broadcast %broadcast_in_dim3A_1350 : vector<128x1xi32> to vector<128x256xi32>
    %eq3A_1358 = arith.cmpi eq, %get3A_4, %eq3A_1357 : vector<128x256xi32>
    %jit3A_1359 = arith.constant -3.400000e+38 : f32
    %broadcast_in_dim3A_1360 = vector.broadcast %jit3A_1359 : f32 to vector<128x256xf32>
    %select_n3A_1361 = arith.select %eq3A_1358, %broadcast_in_dim3A_1360, %select_n3A_1339 : vector<128x256xi1>, vector<128x256xf32>
    %reduce_max3A_1362 = arith.constant dense<0xFF800000> : vector<128xf32>
    %reduce_max3A_1363 = vector.multi_reduction <maximumf>, %select_n3A_1361, %reduce_max3A_1362 [1] : vector<128x256xf32> to vector<128xf32>
    %broadcast_in_dim3A_1364 = vector.shape_cast %reduce_max3A_1363 : vector<128xf32> to vector<128x1xf32>
    %eq3A_1365 = vector.broadcast %broadcast_in_dim3A_1364 : vector<128x1xf32> to vector<128x256xf32>
    %eq3A_1366 = arith.cmpf oeq, %select_n3A_1361, %eq3A_1365 : vector<128x256xf32>
    %jit3A_1367 = arith.constant 1073741823 : i32
    %broadcast_in_dim3A_1368 = vector.broadcast %jit3A_1367 : i32 to vector<128x256xi32>
    %select_n3A_1369 = arith.select %eq3A_1366, %get3A_4, %broadcast_in_dim3A_1368 : vector<128x256xi1>, vector<128x256xi32>
    %reduce_min3A_1370 = arith.constant dense<2147483647> : vector<128xi32>
    %reduce_min3A_1371 = vector.multi_reduction <minsi>, %select_n3A_1369, %reduce_min3A_1370 [1] : vector<128x256xi32> to vector<128xi32>
    %broadcast_in_dim3A_1372 = vector.shape_cast %reduce_min3A_1371 : vector<128xi32> to vector<128x1xi32>
    %swap3A_1373 = arith.constant 0 : index
    %swap3A_1374 = arith.constant 62 : index
    %swap3A_1375 = vector.load %arg3[%swap3A_1373, %swap3A_1374] : memref<128x100xf32, #tpu.memory_space<vmem>>, vector<128x1xf32>
    tpu.vector_store %arg3[%swap3A_1373, %swap3A_1374], %broadcast_in_dim3A_1364 {strides = array<i32>} : memref<128x100xf32, #tpu.memory_space<vmem>>, vector<128x1xf32>,
    %swap3A_1376 = arith.constant 0 : index
    %swap3A_1377 = arith.constant 62 : index
    %swap3A_1378 = vector.load %arg4[%swap3A_1376, %swap3A_1377] : memref<128x100xi32, #tpu.memory_space<vmem>>, vector<128x1xi32>
    tpu.vector_store %arg4[%swap3A_1376, %swap3A_1377], %broadcast_in_dim3A_1372 {strides = array<i32>} : memref<128x100xi32, #tpu.memory_space<vmem>>, vector<128x1xi32>,
    %eq3A_1379 = vector.broadcast %broadcast_in_dim3A_1372 : vector<128x1xi32> to vector<128x256xi32>
    %eq3A_1380 = arith.cmpi eq, %get3A_4, %eq3A_1379 : vector<128x256xi32>
    %jit3A_1381 = arith.constant -3.400000e+38 : f32
    %broadcast_in_dim3A_1382 = vector.broadcast %jit3A_1381 : f32 to vector<128x256xf32>
    %select_n3A_1383 = arith.select %eq3A_1380, %broadcast_in_dim3A_1382, %select_n3A_1361 : vector<128x256xi1>, vector<128x256xf32>
    %reduce_max3A_1384 = arith.constant dense<0xFF800000> : vector<128xf32>
    %reduce_max3A_1385 = vector.multi_reduction <maximumf>, %select_n3A_1383, %reduce_max3A_1384 [1] : vector<128x256xf32> to vector<128xf32>
    %broadcast_in_dim3A_1386 = vector.shape_cast %reduce_max3A_1385 : vector<128xf32> to vector<128x1xf32>
    %eq3A_1387 = vector.broadcast %broadcast_in_dim3A_1386 : vector<128x1xf32> to vector<128x256xf32>
    %eq3A_1388 = arith.cmpf oeq, %select_n3A_1383, %eq3A_1387 : vector<128x256xf32>
    %jit3A_1389 = arith.constant 1073741823 : i32
    %broadcast_in_dim3A_1390 = vector.broadcast %jit3A_1389 : i32 to vector<128x256xi32>
    %select_n3A_1391 = arith.select %eq3A_1388, %get3A_4, %broadcast_in_dim3A_1390 : vector<128x256xi1>, vector<128x256xi32>
    %reduce_min3A_1392 = arith.constant dense<2147483647> : vector<128xi32>
    %reduce_min3A_1393 = vector.multi_reduction <minsi>, %select_n3A_1391, %reduce_min3A_1392 [1] : vector<128x256xi32> to vector<128xi32>
    %broadcast_in_dim3A_1394 = vector.shape_cast %reduce_min3A_1393 : vector<128xi32> to vector<128x1xi32>
    %swap3A_1395 = arith.constant 0 : index
    %swap3A_1396 = arith.constant 63 : index
    %swap3A_1397 = vector.load %arg3[%swap3A_1395, %swap3A_1396] : memref<128x100xf32, #tpu.memory_space<vmem>>, vector<128x1xf32>
    tpu.vector_store %arg3[%swap3A_1395, %swap3A_1396], %broadcast_in_dim3A_1386 {strides = array<i32>} : memref<128x100xf32, #tpu.memory_space<vmem>>, vector<128x1xf32>,
    %swap3A_1398 = arith.constant 0 : index
    %swap3A_1399 = arith.constant 63 : index
    %swap3A_1400 = vector.load %arg4[%swap3A_1398, %swap3A_1399] : memref<128x100xi32, #tpu.memory_space<vmem>>, vector<128x1xi32>
    tpu.vector_store %arg4[%swap3A_1398, %swap3A_1399], %broadcast_in_dim3A_1394 {strides = array<i32>} : memref<128x100xi32, #tpu.memory_space<vmem>>, vector<128x1xi32>,
    %eq3A_1401 = vector.broadcast %broadcast_in_dim3A_1394 : vector<128x1xi32> to vector<128x256xi32>
    %eq3A_1402 = arith.cmpi eq, %get3A_4, %eq3A_1401 : vector<128x256xi32>
    %jit3A_1403 = arith.constant -3.400000e+38 : f32
    %broadcast_in_dim3A_1404 = vector.broadcast %jit3A_1403 : f32 to vector<128x256xf32>
    %select_n3A_1405 = arith.select %eq3A_1402, %broadcast_in_dim3A_1404, %select_n3A_1383 : vector<128x256xi1>, vector<128x256xf32>
    %reduce_max3A_1406 = arith.constant dense<0xFF800000> : vector<128xf32>
    %reduce_max3A_1407 = vector.multi_reduction <maximumf>, %select_n3A_1405, %reduce_max3A_1406 [1] : vector<128x256xf32> to vector<128xf32>
    %broadcast_in_dim3A_1408 = vector.shape_cast %reduce_max3A_1407 : vector<128xf32> to vector<128x1xf32>
    %eq3A_1409 = vector.broadcast %broadcast_in_dim3A_1408 : vector<128x1xf32> to vector<128x256xf32>
    %eq3A_1410 = arith.cmpf oeq, %select_n3A_1405, %eq3A_1409 : vector<128x256xf32>
    %jit3A_1411 = arith.constant 1073741823 : i32
    %broadcast_in_dim3A_1412 = vector.broadcast %jit3A_1411 : i32 to vector<128x256xi32>
    %select_n3A_1413 = arith.select %eq3A_1410, %get3A_4, %broadcast_in_dim3A_1412 : vector<128x256xi1>, vector<128x256xi32>
    %reduce_min3A_1414 = arith.constant dense<2147483647> : vector<128xi32>
    %reduce_min3A_1415 = vector.multi_reduction <minsi>, %select_n3A_1413, %reduce_min3A_1414 [1] : vector<128x256xi32> to vector<128xi32>
    %broadcast_in_dim3A_1416 = vector.shape_cast %reduce_min3A_1415 : vector<128xi32> to vector<128x1xi32>
    %swap3A_1417 = arith.constant 0 : index
    %swap3A_1418 = arith.constant 64 : index
    %swap3A_1419 = vector.load %arg3[%swap3A_1417, %swap3A_1418] : memref<128x100xf32, #tpu.memory_space<vmem>>, vector<128x1xf32>
    tpu.vector_store %arg3[%swap3A_1417, %swap3A_1418], %broadcast_in_dim3A_1408 {strides = array<i32>} : memref<128x100xf32, #tpu.memory_space<vmem>>, vector<128x1xf32>,
    %swap3A_1420 = arith.constant 0 : index
    %swap3A_1421 = arith.constant 64 : index
    %swap3A_1422 = vector.load %arg4[%swap3A_1420, %swap3A_1421] : memref<128x100xi32, #tpu.memory_space<vmem>>, vector<128x1xi32>
    tpu.vector_store %arg4[%swap3A_1420, %swap3A_1421], %broadcast_in_dim3A_1416 {strides = array<i32>} : memref<128x100xi32, #tpu.memory_space<vmem>>, vector<128x1xi32>,
    %eq3A_1423 = vector.broadcast %broadcast_in_dim3A_1416 : vector<128x1xi32> to vector<128x256xi32>
    %eq3A_1424 = arith.cmpi eq, %get3A_4, %eq3A_1423 : vector<128x256xi32>
    %jit3A_1425 = arith.constant -3.400000e+38 : f32
    %broadcast_in_dim3A_1426 = vector.broadcast %jit3A_1425 : f32 to vector<128x256xf32>
    %select_n3A_1427 = arith.select %eq3A_1424, %broadcast_in_dim3A_1426, %select_n3A_1405 : vector<128x256xi1>, vector<128x256xf32>
    %reduce_max3A_1428 = arith.constant dense<0xFF800000> : vector<128xf32>
    %reduce_max3A_1429 = vector.multi_reduction <maximumf>, %select_n3A_1427, %reduce_max3A_1428 [1] : vector<128x256xf32> to vector<128xf32>
    %broadcast_in_dim3A_1430 = vector.shape_cast %reduce_max3A_1429 : vector<128xf32> to vector<128x1xf32>
    %eq3A_1431 = vector.broadcast %broadcast_in_dim3A_1430 : vector<128x1xf32> to vector<128x256xf32>
    %eq3A_1432 = arith.cmpf oeq, %select_n3A_1427, %eq3A_1431 : vector<128x256xf32>
    %jit3A_1433 = arith.constant 1073741823 : i32
    %broadcast_in_dim3A_1434 = vector.broadcast %jit3A_1433 : i32 to vector<128x256xi32>
    %select_n3A_1435 = arith.select %eq3A_1432, %get3A_4, %broadcast_in_dim3A_1434 : vector<128x256xi1>, vector<128x256xi32>
    %reduce_min3A_1436 = arith.constant dense<2147483647> : vector<128xi32>
    %reduce_min3A_1437 = vector.multi_reduction <minsi>, %select_n3A_1435, %reduce_min3A_1436 [1] : vector<128x256xi32> to vector<128xi32>
    %broadcast_in_dim3A_1438 = vector.shape_cast %reduce_min3A_1437 : vector<128xi32> to vector<128x1xi32>
    %swap3A_1439 = arith.constant 0 : index
    %swap3A_1440 = arith.constant 65 : index
    %swap3A_1441 = vector.load %arg3[%swap3A_1439, %swap3A_1440] : memref<128x100xf32, #tpu.memory_space<vmem>>, vector<128x1xf32>
    tpu.vector_store %arg3[%swap3A_1439, %swap3A_1440], %broadcast_in_dim3A_1430 {strides = array<i32>} : memref<128x100xf32, #tpu.memory_space<vmem>>, vector<128x1xf32>,
    %swap3A_1442 = arith.constant 0 : index
    %swap3A_1443 = arith.constant 65 : index
    %swap3A_1444 = vector.load %arg4[%swap3A_1442, %swap3A_1443] : memref<128x100xi32, #tpu.memory_space<vmem>>, vector<128x1xi32>
    tpu.vector_store %arg4[%swap3A_1442, %swap3A_1443], %broadcast_in_dim3A_1438 {strides = array<i32>} : memref<128x100xi32, #tpu.memory_space<vmem>>, vector<128x1xi32>,
    %eq3A_1445 = vector.broadcast %broadcast_in_dim3A_1438 : vector<128x1xi32> to vector<128x256xi32>
    %eq3A_1446 = arith.cmpi eq, %get3A_4, %eq3A_1445 : vector<128x256xi32>
    %jit3A_1447 = arith.constant -3.400000e+38 : f32
    %broadcast_in_dim3A_1448 = vector.broadcast %jit3A_1447 : f32 to vector<128x256xf32>
    %select_n3A_1449 = arith.select %eq3A_1446, %broadcast_in_dim3A_1448, %select_n3A_1427 : vector<128x256xi1>, vector<128x256xf32>
    %reduce_max3A_1450 = arith.constant dense<0xFF800000> : vector<128xf32>
    %reduce_max3A_1451 = vector.multi_reduction <maximumf>, %select_n3A_1449, %reduce_max3A_1450 [1] : vector<128x256xf32> to vector<128xf32>
    %broadcast_in_dim3A_1452 = vector.shape_cast %reduce_max3A_1451 : vector<128xf32> to vector<128x1xf32>
    %eq3A_1453 = vector.broadcast %broadcast_in_dim3A_1452 : vector<128x1xf32> to vector<128x256xf32>
    %eq3A_1454 = arith.cmpf oeq, %select_n3A_1449, %eq3A_1453 : vector<128x256xf32>
    %jit3A_1455 = arith.constant 1073741823 : i32
    %broadcast_in_dim3A_1456 = vector.broadcast %jit3A_1455 : i32 to vector<128x256xi32>
    %select_n3A_1457 = arith.select %eq3A_1454, %get3A_4, %broadcast_in_dim3A_1456 : vector<128x256xi1>, vector<128x256xi32>
    %reduce_min3A_1458 = arith.constant dense<2147483647> : vector<128xi32>
    %reduce_min3A_1459 = vector.multi_reduction <minsi>, %select_n3A_1457, %reduce_min3A_1458 [1] : vector<128x256xi32> to vector<128xi32>
    %broadcast_in_dim3A_1460 = vector.shape_cast %reduce_min3A_1459 : vector<128xi32> to vector<128x1xi32>
    %swap3A_1461 = arith.constant 0 : index
    %swap3A_1462 = arith.constant 66 : index
    %swap3A_1463 = vector.load %arg3[%swap3A_1461, %swap3A_1462] : memref<128x100xf32, #tpu.memory_space<vmem>>, vector<128x1xf32>
    tpu.vector_store %arg3[%swap3A_1461, %swap3A_1462], %broadcast_in_dim3A_1452 {strides = array<i32>} : memref<128x100xf32, #tpu.memory_space<vmem>>, vector<128x1xf32>,
    %swap3A_1464 = arith.constant 0 : index
    %swap3A_1465 = arith.constant 66 : index
    %swap3A_1466 = vector.load %arg4[%swap3A_1464, %swap3A_1465] : memref<128x100xi32, #tpu.memory_space<vmem>>, vector<128x1xi32>
    tpu.vector_store %arg4[%swap3A_1464, %swap3A_1465], %broadcast_in_dim3A_1460 {strides = array<i32>} : memref<128x100xi32, #tpu.memory_space<vmem>>, vector<128x1xi32>,
    %eq3A_1467 = vector.broadcast %broadcast_in_dim3A_1460 : vector<128x1xi32> to vector<128x256xi32>
    %eq3A_1468 = arith.cmpi eq, %get3A_4, %eq3A_1467 : vector<128x256xi32>
    %jit3A_1469 = arith.constant -3.400000e+38 : f32
    %broadcast_in_dim3A_1470 = vector.broadcast %jit3A_1469 : f32 to vector<128x256xf32>
    %select_n3A_1471 = arith.select %eq3A_1468, %broadcast_in_dim3A_1470, %select_n3A_1449 : vector<128x256xi1>, vector<128x256xf32>
    %reduce_max3A_1472 = arith.constant dense<0xFF800000> : vector<128xf32>
    %reduce_max3A_1473 = vector.multi_reduction <maximumf>, %select_n3A_1471, %reduce_max3A_1472 [1] : vector<128x256xf32> to vector<128xf32>
    %broadcast_in_dim3A_1474 = vector.shape_cast %reduce_max3A_1473 : vector<128xf32> to vector<128x1xf32>
    %eq3A_1475 = vector.broadcast %broadcast_in_dim3A_1474 : vector<128x1xf32> to vector<128x256xf32>
    %eq3A_1476 = arith.cmpf oeq, %select_n3A_1471, %eq3A_1475 : vector<128x256xf32>
    %jit3A_1477 = arith.constant 1073741823 : i32
    %broadcast_in_dim3A_1478 = vector.broadcast %jit3A_1477 : i32 to vector<128x256xi32>
    %select_n3A_1479 = arith.select %eq3A_1476, %get3A_4, %broadcast_in_dim3A_1478 : vector<128x256xi1>, vector<128x256xi32>
    %reduce_min3A_1480 = arith.constant dense<2147483647> : vector<128xi32>
    %reduce_min3A_1481 = vector.multi_reduction <minsi>, %select_n3A_1479, %reduce_min3A_1480 [1] : vector<128x256xi32> to vector<128xi32>
    %broadcast_in_dim3A_1482 = vector.shape_cast %reduce_min3A_1481 : vector<128xi32> to vector<128x1xi32>
    %swap3A_1483 = arith.constant 0 : index
    %swap3A_1484 = arith.constant 67 : index
    %swap3A_1485 = vector.load %arg3[%swap3A_1483, %swap3A_1484] : memref<128x100xf32, #tpu.memory_space<vmem>>, vector<128x1xf32>
    tpu.vector_store %arg3[%swap3A_1483, %swap3A_1484], %broadcast_in_dim3A_1474 {strides = array<i32>} : memref<128x100xf32, #tpu.memory_space<vmem>>, vector<128x1xf32>,
    %swap3A_1486 = arith.constant 0 : index
    %swap3A_1487 = arith.constant 67 : index
    %swap3A_1488 = vector.load %arg4[%swap3A_1486, %swap3A_1487] : memref<128x100xi32, #tpu.memory_space<vmem>>, vector<128x1xi32>
    tpu.vector_store %arg4[%swap3A_1486, %swap3A_1487], %broadcast_in_dim3A_1482 {strides = array<i32>} : memref<128x100xi32, #tpu.memory_space<vmem>>, vector<128x1xi32>,
    %eq3A_1489 = vector.broadcast %broadcast_in_dim3A_1482 : vector<128x1xi32> to vector<128x256xi32>
    %eq3A_1490 = arith.cmpi eq, %get3A_4, %eq3A_1489 : vector<128x256xi32>
    %jit3A_1491 = arith.constant -3.400000e+38 : f32
    %broadcast_in_dim3A_1492 = vector.broadcast %jit3A_1491 : f32 to vector<128x256xf32>
    %select_n3A_1493 = arith.select %eq3A_1490, %broadcast_in_dim3A_1492, %select_n3A_1471 : vector<128x256xi1>, vector<128x256xf32>
    %reduce_max3A_1494 = arith.constant dense<0xFF800000> : vector<128xf32>
    %reduce_max3A_1495 = vector.multi_reduction <maximumf>, %select_n3A_1493, %reduce_max3A_1494 [1] : vector<128x256xf32> to vector<128xf32>
    %broadcast_in_dim3A_1496 = vector.shape_cast %reduce_max3A_1495 : vector<128xf32> to vector<128x1xf32>
    %eq3A_1497 = vector.broadcast %broadcast_in_dim3A_1496 : vector<128x1xf32> to vector<128x256xf32>
    %eq3A_1498 = arith.cmpf oeq, %select_n3A_1493, %eq3A_1497 : vector<128x256xf32>
    %jit3A_1499 = arith.constant 1073741823 : i32
    %broadcast_in_dim3A_1500 = vector.broadcast %jit3A_1499 : i32 to vector<128x256xi32>
    %select_n3A_1501 = arith.select %eq3A_1498, %get3A_4, %broadcast_in_dim3A_1500 : vector<128x256xi1>, vector<128x256xi32>
    %reduce_min3A_1502 = arith.constant dense<2147483647> : vector<128xi32>
    %reduce_min3A_1503 = vector.multi_reduction <minsi>, %select_n3A_1501, %reduce_min3A_1502 [1] : vector<128x256xi32> to vector<128xi32>
    %broadcast_in_dim3A_1504 = vector.shape_cast %reduce_min3A_1503 : vector<128xi32> to vector<128x1xi32>
    %swap3A_1505 = arith.constant 0 : index
    %swap3A_1506 = arith.constant 68 : index
    %swap3A_1507 = vector.load %arg3[%swap3A_1505, %swap3A_1506] : memref<128x100xf32, #tpu.memory_space<vmem>>, vector<128x1xf32>
    tpu.vector_store %arg3[%swap3A_1505, %swap3A_1506], %broadcast_in_dim3A_1496 {strides = array<i32>} : memref<128x100xf32, #tpu.memory_space<vmem>>, vector<128x1xf32>,
    %swap3A_1508 = arith.constant 0 : index
    %swap3A_1509 = arith.constant 68 : index
    %swap3A_1510 = vector.load %arg4[%swap3A_1508, %swap3A_1509] : memref<128x100xi32, #tpu.memory_space<vmem>>, vector<128x1xi32>
    tpu.vector_store %arg4[%swap3A_1508, %swap3A_1509], %broadcast_in_dim3A_1504 {strides = array<i32>} : memref<128x100xi32, #tpu.memory_space<vmem>>, vector<128x1xi32>,
    %eq3A_1511 = vector.broadcast %broadcast_in_dim3A_1504 : vector<128x1xi32> to vector<128x256xi32>
    %eq3A_1512 = arith.cmpi eq, %get3A_4, %eq3A_1511 : vector<128x256xi32>
    %jit3A_1513 = arith.constant -3.400000e+38 : f32
    %broadcast_in_dim3A_1514 = vector.broadcast %jit3A_1513 : f32 to vector<128x256xf32>
    %select_n3A_1515 = arith.select %eq3A_1512, %broadcast_in_dim3A_1514, %select_n3A_1493 : vector<128x256xi1>, vector<128x256xf32>
    %reduce_max3A_1516 = arith.constant dense<0xFF800000> : vector<128xf32>
    %reduce_max3A_1517 = vector.multi_reduction <maximumf>, %select_n3A_1515, %reduce_max3A_1516 [1] : vector<128x256xf32> to vector<128xf32>
    %broadcast_in_dim3A_1518 = vector.shape_cast %reduce_max3A_1517 : vector<128xf32> to vector<128x1xf32>
    %eq3A_1519 = vector.broadcast %broadcast_in_dim3A_1518 : vector<128x1xf32> to vector<128x256xf32>
    %eq3A_1520 = arith.cmpf oeq, %select_n3A_1515, %eq3A_1519 : vector<128x256xf32>
    %jit3A_1521 = arith.constant 1073741823 : i32
    %broadcast_in_dim3A_1522 = vector.broadcast %jit3A_1521 : i32 to vector<128x256xi32>
    %select_n3A_1523 = arith.select %eq3A_1520, %get3A_4, %broadcast_in_dim3A_1522 : vector<128x256xi1>, vector<128x256xi32>
    %reduce_min3A_1524 = arith.constant dense<2147483647> : vector<128xi32>
    %reduce_min3A_1525 = vector.multi_reduction <minsi>, %select_n3A_1523, %reduce_min3A_1524 [1] : vector<128x256xi32> to vector<128xi32>
    %broadcast_in_dim3A_1526 = vector.shape_cast %reduce_min3A_1525 : vector<128xi32> to vector<128x1xi32>
    %swap3A_1527 = arith.constant 0 : index
    %swap3A_1528 = arith.constant 69 : index
    %swap3A_1529 = vector.load %arg3[%swap3A_1527, %swap3A_1528] : memref<128x100xf32, #tpu.memory_space<vmem>>, vector<128x1xf32>
    tpu.vector_store %arg3[%swap3A_1527, %swap3A_1528], %broadcast_in_dim3A_1518 {strides = array<i32>} : memref<128x100xf32, #tpu.memory_space<vmem>>, vector<128x1xf32>,
    %swap3A_1530 = arith.constant 0 : index
    %swap3A_1531 = arith.constant 69 : index
    %swap3A_1532 = vector.load %arg4[%swap3A_1530, %swap3A_1531] : memref<128x100xi32, #tpu.memory_space<vmem>>, vector<128x1xi32>
    tpu.vector_store %arg4[%swap3A_1530, %swap3A_1531], %broadcast_in_dim3A_1526 {strides = array<i32>} : memref<128x100xi32, #tpu.memory_space<vmem>>, vector<128x1xi32>,
    %eq3A_1533 = vector.broadcast %broadcast_in_dim3A_1526 : vector<128x1xi32> to vector<128x256xi32>
    %eq3A_1534 = arith.cmpi eq, %get3A_4, %eq3A_1533 : vector<128x256xi32>
    %jit3A_1535 = arith.constant -3.400000e+38 : f32
    %broadcast_in_dim3A_1536 = vector.broadcast %jit3A_1535 : f32 to vector<128x256xf32>
    %select_n3A_1537 = arith.select %eq3A_1534, %broadcast_in_dim3A_1536, %select_n3A_1515 : vector<128x256xi1>, vector<128x256xf32>
    %reduce_max3A_1538 = arith.constant dense<0xFF800000> : vector<128xf32>
    %reduce_max3A_1539 = vector.multi_reduction <maximumf>, %select_n3A_1537, %reduce_max3A_1538 [1] : vector<128x256xf32> to vector<128xf32>
    %broadcast_in_dim3A_1540 = vector.shape_cast %reduce_max3A_1539 : vector<128xf32> to vector<128x1xf32>
    %eq3A_1541 = vector.broadcast %broadcast_in_dim3A_1540 : vector<128x1xf32> to vector<128x256xf32>
    %eq3A_1542 = arith.cmpf oeq, %select_n3A_1537, %eq3A_1541 : vector<128x256xf32>
    %jit3A_1543 = arith.constant 1073741823 : i32
    %broadcast_in_dim3A_1544 = vector.broadcast %jit3A_1543 : i32 to vector<128x256xi32>
    %select_n3A_1545 = arith.select %eq3A_1542, %get3A_4, %broadcast_in_dim3A_1544 : vector<128x256xi1>, vector<128x256xi32>
    %reduce_min3A_1546 = arith.constant dense<2147483647> : vector<128xi32>
    %reduce_min3A_1547 = vector.multi_reduction <minsi>, %select_n3A_1545, %reduce_min3A_1546 [1] : vector<128x256xi32> to vector<128xi32>
    %broadcast_in_dim3A_1548 = vector.shape_cast %reduce_min3A_1547 : vector<128xi32> to vector<128x1xi32>
    %swap3A_1549 = arith.constant 0 : index
    %swap3A_1550 = arith.constant 70 : index
    %swap3A_1551 = vector.load %arg3[%swap3A_1549, %swap3A_1550] : memref<128x100xf32, #tpu.memory_space<vmem>>, vector<128x1xf32>
    tpu.vector_store %arg3[%swap3A_1549, %swap3A_1550], %broadcast_in_dim3A_1540 {strides = array<i32>} : memref<128x100xf32, #tpu.memory_space<vmem>>, vector<128x1xf32>,
    %swap3A_1552 = arith.constant 0 : index
    %swap3A_1553 = arith.constant 70 : index
    %swap3A_1554 = vector.load %arg4[%swap3A_1552, %swap3A_1553] : memref<128x100xi32, #tpu.memory_space<vmem>>, vector<128x1xi32>
    tpu.vector_store %arg4[%swap3A_1552, %swap3A_1553], %broadcast_in_dim3A_1548 {strides = array<i32>} : memref<128x100xi32, #tpu.memory_space<vmem>>, vector<128x1xi32>,
    %eq3A_1555 = vector.broadcast %broadcast_in_dim3A_1548 : vector<128x1xi32> to vector<128x256xi32>
    %eq3A_1556 = arith.cmpi eq, %get3A_4, %eq3A_1555 : vector<128x256xi32>
    %jit3A_1557 = arith.constant -3.400000e+38 : f32
    %broadcast_in_dim3A_1558 = vector.broadcast %jit3A_1557 : f32 to vector<128x256xf32>
    %select_n3A_1559 = arith.select %eq3A_1556, %broadcast_in_dim3A_1558, %select_n3A_1537 : vector<128x256xi1>, vector<128x256xf32>
    %reduce_max3A_1560 = arith.constant dense<0xFF800000> : vector<128xf32>
    %reduce_max3A_1561 = vector.multi_reduction <maximumf>, %select_n3A_1559, %reduce_max3A_1560 [1] : vector<128x256xf32> to vector<128xf32>
    %broadcast_in_dim3A_1562 = vector.shape_cast %reduce_max3A_1561 : vector<128xf32> to vector<128x1xf32>
    %eq3A_1563 = vector.broadcast %broadcast_in_dim3A_1562 : vector<128x1xf32> to vector<128x256xf32>
    %eq3A_1564 = arith.cmpf oeq, %select_n3A_1559, %eq3A_1563 : vector<128x256xf32>
    %jit3A_1565 = arith.constant 1073741823 : i32
    %broadcast_in_dim3A_1566 = vector.broadcast %jit3A_1565 : i32 to vector<128x256xi32>
    %select_n3A_1567 = arith.select %eq3A_1564, %get3A_4, %broadcast_in_dim3A_1566 : vector<128x256xi1>, vector<128x256xi32>
    %reduce_min3A_1568 = arith.constant dense<2147483647> : vector<128xi32>
    %reduce_min3A_1569 = vector.multi_reduction <minsi>, %select_n3A_1567, %reduce_min3A_1568 [1] : vector<128x256xi32> to vector<128xi32>
    %broadcast_in_dim3A_1570 = vector.shape_cast %reduce_min3A_1569 : vector<128xi32> to vector<128x1xi32>
    %swap3A_1571 = arith.constant 0 : index
    %swap3A_1572 = arith.constant 71 : index
    %swap3A_1573 = vector.load %arg3[%swap3A_1571, %swap3A_1572] : memref<128x100xf32, #tpu.memory_space<vmem>>, vector<128x1xf32>
    tpu.vector_store %arg3[%swap3A_1571, %swap3A_1572], %broadcast_in_dim3A_1562 {strides = array<i32>} : memref<128x100xf32, #tpu.memory_space<vmem>>, vector<128x1xf32>,
    %swap3A_1574 = arith.constant 0 : index
    %swap3A_1575 = arith.constant 71 : index
    %swap3A_1576 = vector.load %arg4[%swap3A_1574, %swap3A_1575] : memref<128x100xi32, #tpu.memory_space<vmem>>, vector<128x1xi32>
    tpu.vector_store %arg4[%swap3A_1574, %swap3A_1575], %broadcast_in_dim3A_1570 {strides = array<i32>} : memref<128x100xi32, #tpu.memory_space<vmem>>, vector<128x1xi32>,
    %eq3A_1577 = vector.broadcast %broadcast_in_dim3A_1570 : vector<128x1xi32> to vector<128x256xi32>
    %eq3A_1578 = arith.cmpi eq, %get3A_4, %eq3A_1577 : vector<128x256xi32>
    %jit3A_1579 = arith.constant -3.400000e+38 : f32
    %broadcast_in_dim3A_1580 = vector.broadcast %jit3A_1579 : f32 to vector<128x256xf32>
    %select_n3A_1581 = arith.select %eq3A_1578, %broadcast_in_dim3A_1580, %select_n3A_1559 : vector<128x256xi1>, vector<128x256xf32>
    %reduce_max3A_1582 = arith.constant dense<0xFF800000> : vector<128xf32>
    %reduce_max3A_1583 = vector.multi_reduction <maximumf>, %select_n3A_1581, %reduce_max3A_1582 [1] : vector<128x256xf32> to vector<128xf32>
    %broadcast_in_dim3A_1584 = vector.shape_cast %reduce_max3A_1583 : vector<128xf32> to vector<128x1xf32>
    %eq3A_1585 = vector.broadcast %broadcast_in_dim3A_1584 : vector<128x1xf32> to vector<128x256xf32>
    %eq3A_1586 = arith.cmpf oeq, %select_n3A_1581, %eq3A_1585 : vector<128x256xf32>
    %jit3A_1587 = arith.constant 1073741823 : i32
    %broadcast_in_dim3A_1588 = vector.broadcast %jit3A_1587 : i32 to vector<128x256xi32>
    %select_n3A_1589 = arith.select %eq3A_1586, %get3A_4, %broadcast_in_dim3A_1588 : vector<128x256xi1>, vector<128x256xi32>
    %reduce_min3A_1590 = arith.constant dense<2147483647> : vector<128xi32>
    %reduce_min3A_1591 = vector.multi_reduction <minsi>, %select_n3A_1589, %reduce_min3A_1590 [1] : vector<128x256xi32> to vector<128xi32>
    %broadcast_in_dim3A_1592 = vector.shape_cast %reduce_min3A_1591 : vector<128xi32> to vector<128x1xi32>
    %swap3A_1593 = arith.constant 0 : index
    %swap3A_1594 = arith.constant 72 : index
    %swap3A_1595 = vector.load %arg3[%swap3A_1593, %swap3A_1594] : memref<128x100xf32, #tpu.memory_space<vmem>>, vector<128x1xf32>
    tpu.vector_store %arg3[%swap3A_1593, %swap3A_1594], %broadcast_in_dim3A_1584 {strides = array<i32>} : memref<128x100xf32, #tpu.memory_space<vmem>>, vector<128x1xf32>,
    %swap3A_1596 = arith.constant 0 : index
    %swap3A_1597 = arith.constant 72 : index
    %swap3A_1598 = vector.load %arg4[%swap3A_1596, %swap3A_1597] : memref<128x100xi32, #tpu.memory_space<vmem>>, vector<128x1xi32>
    tpu.vector_store %arg4[%swap3A_1596, %swap3A_1597], %broadcast_in_dim3A_1592 {strides = array<i32>} : memref<128x100xi32, #tpu.memory_space<vmem>>, vector<128x1xi32>,
    %eq3A_1599 = vector.broadcast %broadcast_in_dim3A_1592 : vector<128x1xi32> to vector<128x256xi32>
    %eq3A_1600 = arith.cmpi eq, %get3A_4, %eq3A_1599 : vector<128x256xi32>
    %jit3A_1601 = arith.constant -3.400000e+38 : f32
    %broadcast_in_dim3A_1602 = vector.broadcast %jit3A_1601 : f32 to vector<128x256xf32>
    %select_n3A_1603 = arith.select %eq3A_1600, %broadcast_in_dim3A_1602, %select_n3A_1581 : vector<128x256xi1>, vector<128x256xf32>
    %reduce_max3A_1604 = arith.constant dense<0xFF800000> : vector<128xf32>
    %reduce_max3A_1605 = vector.multi_reduction <maximumf>, %select_n3A_1603, %reduce_max3A_1604 [1] : vector<128x256xf32> to vector<128xf32>
    %broadcast_in_dim3A_1606 = vector.shape_cast %reduce_max3A_1605 : vector<128xf32> to vector<128x1xf32>
    %eq3A_1607 = vector.broadcast %broadcast_in_dim3A_1606 : vector<128x1xf32> to vector<128x256xf32>
    %eq3A_1608 = arith.cmpf oeq, %select_n3A_1603, %eq3A_1607 : vector<128x256xf32>
    %jit3A_1609 = arith.constant 1073741823 : i32
    %broadcast_in_dim3A_1610 = vector.broadcast %jit3A_1609 : i32 to vector<128x256xi32>
    %select_n3A_1611 = arith.select %eq3A_1608, %get3A_4, %broadcast_in_dim3A_1610 : vector<128x256xi1>, vector<128x256xi32>
    %reduce_min3A_1612 = arith.constant dense<2147483647> : vector<128xi32>
    %reduce_min3A_1613 = vector.multi_reduction <minsi>, %select_n3A_1611, %reduce_min3A_1612 [1] : vector<128x256xi32> to vector<128xi32>
    %broadcast_in_dim3A_1614 = vector.shape_cast %reduce_min3A_1613 : vector<128xi32> to vector<128x1xi32>
    %swap3A_1615 = arith.constant 0 : index
    %swap3A_1616 = arith.constant 73 : index
    %swap3A_1617 = vector.load %arg3[%swap3A_1615, %swap3A_1616] : memref<128x100xf32, #tpu.memory_space<vmem>>, vector<128x1xf32>
    tpu.vector_store %arg3[%swap3A_1615, %swap3A_1616], %broadcast_in_dim3A_1606 {strides = array<i32>} : memref<128x100xf32, #tpu.memory_space<vmem>>, vector<128x1xf32>,
    %swap3A_1618 = arith.constant 0 : index
    %swap3A_1619 = arith.constant 73 : index
    %swap3A_1620 = vector.load %arg4[%swap3A_1618, %swap3A_1619] : memref<128x100xi32, #tpu.memory_space<vmem>>, vector<128x1xi32>
    tpu.vector_store %arg4[%swap3A_1618, %swap3A_1619], %broadcast_in_dim3A_1614 {strides = array<i32>} : memref<128x100xi32, #tpu.memory_space<vmem>>, vector<128x1xi32>,
    %eq3A_1621 = vector.broadcast %broadcast_in_dim3A_1614 : vector<128x1xi32> to vector<128x256xi32>
    %eq3A_1622 = arith.cmpi eq, %get3A_4, %eq3A_1621 : vector<128x256xi32>
    %jit3A_1623 = arith.constant -3.400000e+38 : f32
    %broadcast_in_dim3A_1624 = vector.broadcast %jit3A_1623 : f32 to vector<128x256xf32>
    %select_n3A_1625 = arith.select %eq3A_1622, %broadcast_in_dim3A_1624, %select_n3A_1603 : vector<128x256xi1>, vector<128x256xf32>
    %reduce_max3A_1626 = arith.constant dense<0xFF800000> : vector<128xf32>
    %reduce_max3A_1627 = vector.multi_reduction <maximumf>, %select_n3A_1625, %reduce_max3A_1626 [1] : vector<128x256xf32> to vector<128xf32>
    %broadcast_in_dim3A_1628 = vector.shape_cast %reduce_max3A_1627 : vector<128xf32> to vector<128x1xf32>
    %eq3A_1629 = vector.broadcast %broadcast_in_dim3A_1628 : vector<128x1xf32> to vector<128x256xf32>
    %eq3A_1630 = arith.cmpf oeq, %select_n3A_1625, %eq3A_1629 : vector<128x256xf32>
    %jit3A_1631 = arith.constant 1073741823 : i32
    %broadcast_in_dim3A_1632 = vector.broadcast %jit3A_1631 : i32 to vector<128x256xi32>
    %select_n3A_1633 = arith.select %eq3A_1630, %get3A_4, %broadcast_in_dim3A_1632 : vector<128x256xi1>, vector<128x256xi32>
    %reduce_min3A_1634 = arith.constant dense<2147483647> : vector<128xi32>
    %reduce_min3A_1635 = vector.multi_reduction <minsi>, %select_n3A_1633, %reduce_min3A_1634 [1] : vector<128x256xi32> to vector<128xi32>
    %broadcast_in_dim3A_1636 = vector.shape_cast %reduce_min3A_1635 : vector<128xi32> to vector<128x1xi32>
    %swap3A_1637 = arith.constant 0 : index
    %swap3A_1638 = arith.constant 74 : index
    %swap3A_1639 = vector.load %arg3[%swap3A_1637, %swap3A_1638] : memref<128x100xf32, #tpu.memory_space<vmem>>, vector<128x1xf32>
    tpu.vector_store %arg3[%swap3A_1637, %swap3A_1638], %broadcast_in_dim3A_1628 {strides = array<i32>} : memref<128x100xf32, #tpu.memory_space<vmem>>, vector<128x1xf32>,
    %swap3A_1640 = arith.constant 0 : index
    %swap3A_1641 = arith.constant 74 : index
    %swap3A_1642 = vector.load %arg4[%swap3A_1640, %swap3A_1641] : memref<128x100xi32, #tpu.memory_space<vmem>>, vector<128x1xi32>
    tpu.vector_store %arg4[%swap3A_1640, %swap3A_1641], %broadcast_in_dim3A_1636 {strides = array<i32>} : memref<128x100xi32, #tpu.memory_space<vmem>>, vector<128x1xi32>,
    %eq3A_1643 = vector.broadcast %broadcast_in_dim3A_1636 : vector<128x1xi32> to vector<128x256xi32>
    %eq3A_1644 = arith.cmpi eq, %get3A_4, %eq3A_1643 : vector<128x256xi32>
    %jit3A_1645 = arith.constant -3.400000e+38 : f32
    %broadcast_in_dim3A_1646 = vector.broadcast %jit3A_1645 : f32 to vector<128x256xf32>
    %select_n3A_1647 = arith.select %eq3A_1644, %broadcast_in_dim3A_1646, %select_n3A_1625 : vector<128x256xi1>, vector<128x256xf32>
    %reduce_max3A_1648 = arith.constant dense<0xFF800000> : vector<128xf32>
    %reduce_max3A_1649 = vector.multi_reduction <maximumf>, %select_n3A_1647, %reduce_max3A_1648 [1] : vector<128x256xf32> to vector<128xf32>
    %broadcast_in_dim3A_1650 = vector.shape_cast %reduce_max3A_1649 : vector<128xf32> to vector<128x1xf32>
    %eq3A_1651 = vector.broadcast %broadcast_in_dim3A_1650 : vector<128x1xf32> to vector<128x256xf32>
    %eq3A_1652 = arith.cmpf oeq, %select_n3A_1647, %eq3A_1651 : vector<128x256xf32>
    %jit3A_1653 = arith.constant 1073741823 : i32
    %broadcast_in_dim3A_1654 = vector.broadcast %jit3A_1653 : i32 to vector<128x256xi32>
    %select_n3A_1655 = arith.select %eq3A_1652, %get3A_4, %broadcast_in_dim3A_1654 : vector<128x256xi1>, vector<128x256xi32>
    %reduce_min3A_1656 = arith.constant dense<2147483647> : vector<128xi32>
    %reduce_min3A_1657 = vector.multi_reduction <minsi>, %select_n3A_1655, %reduce_min3A_1656 [1] : vector<128x256xi32> to vector<128xi32>
    %broadcast_in_dim3A_1658 = vector.shape_cast %reduce_min3A_1657 : vector<128xi32> to vector<128x1xi32>
    %swap3A_1659 = arith.constant 0 : index
    %swap3A_1660 = arith.constant 75 : index
    %swap3A_1661 = vector.load %arg3[%swap3A_1659, %swap3A_1660] : memref<128x100xf32, #tpu.memory_space<vmem>>, vector<128x1xf32>
    tpu.vector_store %arg3[%swap3A_1659, %swap3A_1660], %broadcast_in_dim3A_1650 {strides = array<i32>} : memref<128x100xf32, #tpu.memory_space<vmem>>, vector<128x1xf32>,
    %swap3A_1662 = arith.constant 0 : index
    %swap3A_1663 = arith.constant 75 : index
    %swap3A_1664 = vector.load %arg4[%swap3A_1662, %swap3A_1663] : memref<128x100xi32, #tpu.memory_space<vmem>>, vector<128x1xi32>
    tpu.vector_store %arg4[%swap3A_1662, %swap3A_1663], %broadcast_in_dim3A_1658 {strides = array<i32>} : memref<128x100xi32, #tpu.memory_space<vmem>>, vector<128x1xi32>,
    %eq3A_1665 = vector.broadcast %broadcast_in_dim3A_1658 : vector<128x1xi32> to vector<128x256xi32>
    %eq3A_1666 = arith.cmpi eq, %get3A_4, %eq3A_1665 : vector<128x256xi32>
    %jit3A_1667 = arith.constant -3.400000e+38 : f32
    %broadcast_in_dim3A_1668 = vector.broadcast %jit3A_1667 : f32 to vector<128x256xf32>
    %select_n3A_1669 = arith.select %eq3A_1666, %broadcast_in_dim3A_1668, %select_n3A_1647 : vector<128x256xi1>, vector<128x256xf32>
    %reduce_max3A_1670 = arith.constant dense<0xFF800000> : vector<128xf32>
    %reduce_max3A_1671 = vector.multi_reduction <maximumf>, %select_n3A_1669, %reduce_max3A_1670 [1] : vector<128x256xf32> to vector<128xf32>
    %broadcast_in_dim3A_1672 = vector.shape_cast %reduce_max3A_1671 : vector<128xf32> to vector<128x1xf32>
    %eq3A_1673 = vector.broadcast %broadcast_in_dim3A_1672 : vector<128x1xf32> to vector<128x256xf32>
    %eq3A_1674 = arith.cmpf oeq, %select_n3A_1669, %eq3A_1673 : vector<128x256xf32>
    %jit3A_1675 = arith.constant 1073741823 : i32
    %broadcast_in_dim3A_1676 = vector.broadcast %jit3A_1675 : i32 to vector<128x256xi32>
    %select_n3A_1677 = arith.select %eq3A_1674, %get3A_4, %broadcast_in_dim3A_1676 : vector<128x256xi1>, vector<128x256xi32>
    %reduce_min3A_1678 = arith.constant dense<2147483647> : vector<128xi32>
    %reduce_min3A_1679 = vector.multi_reduction <minsi>, %select_n3A_1677, %reduce_min3A_1678 [1] : vector<128x256xi32> to vector<128xi32>
    %broadcast_in_dim3A_1680 = vector.shape_cast %reduce_min3A_1679 : vector<128xi32> to vector<128x1xi32>
    %swap3A_1681 = arith.constant 0 : index
    %swap3A_1682 = arith.constant 76 : index
    %swap3A_1683 = vector.load %arg3[%swap3A_1681, %swap3A_1682] : memref<128x100xf32, #tpu.memory_space<vmem>>, vector<128x1xf32>
    tpu.vector_store %arg3[%swap3A_1681, %swap3A_1682], %broadcast_in_dim3A_1672 {strides = array<i32>} : memref<128x100xf32, #tpu.memory_space<vmem>>, vector<128x1xf32>,
    %swap3A_1684 = arith.constant 0 : index
    %swap3A_1685 = arith.constant 76 : index
    %swap3A_1686 = vector.load %arg4[%swap3A_1684, %swap3A_1685] : memref<128x100xi32, #tpu.memory_space<vmem>>, vector<128x1xi32>
    tpu.vector_store %arg4[%swap3A_1684, %swap3A_1685], %broadcast_in_dim3A_1680 {strides = array<i32>} : memref<128x100xi32, #tpu.memory_space<vmem>>, vector<128x1xi32>,
    %eq3A_1687 = vector.broadcast %broadcast_in_dim3A_1680 : vector<128x1xi32> to vector<128x256xi32>
    %eq3A_1688 = arith.cmpi eq, %get3A_4, %eq3A_1687 : vector<128x256xi32>
    %jit3A_1689 = arith.constant -3.400000e+38 : f32
    %broadcast_in_dim3A_1690 = vector.broadcast %jit3A_1689 : f32 to vector<128x256xf32>
    %select_n3A_1691 = arith.select %eq3A_1688, %broadcast_in_dim3A_1690, %select_n3A_1669 : vector<128x256xi1>, vector<128x256xf32>
    %reduce_max3A_1692 = arith.constant dense<0xFF800000> : vector<128xf32>
    %reduce_max3A_1693 = vector.multi_reduction <maximumf>, %select_n3A_1691, %reduce_max3A_1692 [1] : vector<128x256xf32> to vector<128xf32>
    %broadcast_in_dim3A_1694 = vector.shape_cast %reduce_max3A_1693 : vector<128xf32> to vector<128x1xf32>
    %eq3A_1695 = vector.broadcast %broadcast_in_dim3A_1694 : vector<128x1xf32> to vector<128x256xf32>
    %eq3A_1696 = arith.cmpf oeq, %select_n3A_1691, %eq3A_1695 : vector<128x256xf32>
    %jit3A_1697 = arith.constant 1073741823 : i32
    %broadcast_in_dim3A_1698 = vector.broadcast %jit3A_1697 : i32 to vector<128x256xi32>
    %select_n3A_1699 = arith.select %eq3A_1696, %get3A_4, %broadcast_in_dim3A_1698 : vector<128x256xi1>, vector<128x256xi32>
    %reduce_min3A_1700 = arith.constant dense<2147483647> : vector<128xi32>
    %reduce_min3A_1701 = vector.multi_reduction <minsi>, %select_n3A_1699, %reduce_min3A_1700 [1] : vector<128x256xi32> to vector<128xi32>
    %broadcast_in_dim3A_1702 = vector.shape_cast %reduce_min3A_1701 : vector<128xi32> to vector<128x1xi32>
    %swap3A_1703 = arith.constant 0 : index
    %swap3A_1704 = arith.constant 77 : index
    %swap3A_1705 = vector.load %arg3[%swap3A_1703, %swap3A_1704] : memref<128x100xf32, #tpu.memory_space<vmem>>, vector<128x1xf32>
    tpu.vector_store %arg3[%swap3A_1703, %swap3A_1704], %broadcast_in_dim3A_1694 {strides = array<i32>} : memref<128x100xf32, #tpu.memory_space<vmem>>, vector<128x1xf32>,
    %swap3A_1706 = arith.constant 0 : index
    %swap3A_1707 = arith.constant 77 : index
    %swap3A_1708 = vector.load %arg4[%swap3A_1706, %swap3A_1707] : memref<128x100xi32, #tpu.memory_space<vmem>>, vector<128x1xi32>
    tpu.vector_store %arg4[%swap3A_1706, %swap3A_1707], %broadcast_in_dim3A_1702 {strides = array<i32>} : memref<128x100xi32, #tpu.memory_space<vmem>>, vector<128x1xi32>,
    %eq3A_1709 = vector.broadcast %broadcast_in_dim3A_1702 : vector<128x1xi32> to vector<128x256xi32>
    %eq3A_1710 = arith.cmpi eq, %get3A_4, %eq3A_1709 : vector<128x256xi32>
    %jit3A_1711 = arith.constant -3.400000e+38 : f32
    %broadcast_in_dim3A_1712 = vector.broadcast %jit3A_1711 : f32 to vector<128x256xf32>
    %select_n3A_1713 = arith.select %eq3A_1710, %broadcast_in_dim3A_1712, %select_n3A_1691 : vector<128x256xi1>, vector<128x256xf32>
    %reduce_max3A_1714 = arith.constant dense<0xFF800000> : vector<128xf32>
    %reduce_max3A_1715 = vector.multi_reduction <maximumf>, %select_n3A_1713, %reduce_max3A_1714 [1] : vector<128x256xf32> to vector<128xf32>
    %broadcast_in_dim3A_1716 = vector.shape_cast %reduce_max3A_1715 : vector<128xf32> to vector<128x1xf32>
    %eq3A_1717 = vector.broadcast %broadcast_in_dim3A_1716 : vector<128x1xf32> to vector<128x256xf32>
    %eq3A_1718 = arith.cmpf oeq, %select_n3A_1713, %eq3A_1717 : vector<128x256xf32>
    %jit3A_1719 = arith.constant 1073741823 : i32
    %broadcast_in_dim3A_1720 = vector.broadcast %jit3A_1719 : i32 to vector<128x256xi32>
    %select_n3A_1721 = arith.select %eq3A_1718, %get3A_4, %broadcast_in_dim3A_1720 : vector<128x256xi1>, vector<128x256xi32>
    %reduce_min3A_1722 = arith.constant dense<2147483647> : vector<128xi32>
    %reduce_min3A_1723 = vector.multi_reduction <minsi>, %select_n3A_1721, %reduce_min3A_1722 [1] : vector<128x256xi32> to vector<128xi32>
    %broadcast_in_dim3A_1724 = vector.shape_cast %reduce_min3A_1723 : vector<128xi32> to vector<128x1xi32>
    %swap3A_1725 = arith.constant 0 : index
    %swap3A_1726 = arith.constant 78 : index
    %swap3A_1727 = vector.load %arg3[%swap3A_1725, %swap3A_1726] : memref<128x100xf32, #tpu.memory_space<vmem>>, vector<128x1xf32>
    tpu.vector_store %arg3[%swap3A_1725, %swap3A_1726], %broadcast_in_dim3A_1716 {strides = array<i32>} : memref<128x100xf32, #tpu.memory_space<vmem>>, vector<128x1xf32>,
    %swap3A_1728 = arith.constant 0 : index
    %swap3A_1729 = arith.constant 78 : index
    %swap3A_1730 = vector.load %arg4[%swap3A_1728, %swap3A_1729] : memref<128x100xi32, #tpu.memory_space<vmem>>, vector<128x1xi32>
    tpu.vector_store %arg4[%swap3A_1728, %swap3A_1729], %broadcast_in_dim3A_1724 {strides = array<i32>} : memref<128x100xi32, #tpu.memory_space<vmem>>, vector<128x1xi32>,
    %eq3A_1731 = vector.broadcast %broadcast_in_dim3A_1724 : vector<128x1xi32> to vector<128x256xi32>
    %eq3A_1732 = arith.cmpi eq, %get3A_4, %eq3A_1731 : vector<128x256xi32>
    %jit3A_1733 = arith.constant -3.400000e+38 : f32
    %broadcast_in_dim3A_1734 = vector.broadcast %jit3A_1733 : f32 to vector<128x256xf32>
    %select_n3A_1735 = arith.select %eq3A_1732, %broadcast_in_dim3A_1734, %select_n3A_1713 : vector<128x256xi1>, vector<128x256xf32>
    %reduce_max3A_1736 = arith.constant dense<0xFF800000> : vector<128xf32>
    %reduce_max3A_1737 = vector.multi_reduction <maximumf>, %select_n3A_1735, %reduce_max3A_1736 [1] : vector<128x256xf32> to vector<128xf32>
    %broadcast_in_dim3A_1738 = vector.shape_cast %reduce_max3A_1737 : vector<128xf32> to vector<128x1xf32>
    %eq3A_1739 = vector.broadcast %broadcast_in_dim3A_1738 : vector<128x1xf32> to vector<128x256xf32>
    %eq3A_1740 = arith.cmpf oeq, %select_n3A_1735, %eq3A_1739 : vector<128x256xf32>
    %jit3A_1741 = arith.constant 1073741823 : i32
    %broadcast_in_dim3A_1742 = vector.broadcast %jit3A_1741 : i32 to vector<128x256xi32>
    %select_n3A_1743 = arith.select %eq3A_1740, %get3A_4, %broadcast_in_dim3A_1742 : vector<128x256xi1>, vector<128x256xi32>
    %reduce_min3A_1744 = arith.constant dense<2147483647> : vector<128xi32>
    %reduce_min3A_1745 = vector.multi_reduction <minsi>, %select_n3A_1743, %reduce_min3A_1744 [1] : vector<128x256xi32> to vector<128xi32>
    %broadcast_in_dim3A_1746 = vector.shape_cast %reduce_min3A_1745 : vector<128xi32> to vector<128x1xi32>
    %swap3A_1747 = arith.constant 0 : index
    %swap3A_1748 = arith.constant 79 : index
    %swap3A_1749 = vector.load %arg3[%swap3A_1747, %swap3A_1748] : memref<128x100xf32, #tpu.memory_space<vmem>>, vector<128x1xf32>
    tpu.vector_store %arg3[%swap3A_1747, %swap3A_1748], %broadcast_in_dim3A_1738 {strides = array<i32>} : memref<128x100xf32, #tpu.memory_space<vmem>>, vector<128x1xf32>,
    %swap3A_1750 = arith.constant 0 : index
    %swap3A_1751 = arith.constant 79 : index
    %swap3A_1752 = vector.load %arg4[%swap3A_1750, %swap3A_1751] : memref<128x100xi32, #tpu.memory_space<vmem>>, vector<128x1xi32>
    tpu.vector_store %arg4[%swap3A_1750, %swap3A_1751], %broadcast_in_dim3A_1746 {strides = array<i32>} : memref<128x100xi32, #tpu.memory_space<vmem>>, vector<128x1xi32>,
    %eq3A_1753 = vector.broadcast %broadcast_in_dim3A_1746 : vector<128x1xi32> to vector<128x256xi32>
    %eq3A_1754 = arith.cmpi eq, %get3A_4, %eq3A_1753 : vector<128x256xi32>
    %jit3A_1755 = arith.constant -3.400000e+38 : f32
    %broadcast_in_dim3A_1756 = vector.broadcast %jit3A_1755 : f32 to vector<128x256xf32>
    %select_n3A_1757 = arith.select %eq3A_1754, %broadcast_in_dim3A_1756, %select_n3A_1735 : vector<128x256xi1>, vector<128x256xf32>
    %reduce_max3A_1758 = arith.constant dense<0xFF800000> : vector<128xf32>
    %reduce_max3A_1759 = vector.multi_reduction <maximumf>, %select_n3A_1757, %reduce_max3A_1758 [1] : vector<128x256xf32> to vector<128xf32>
    %broadcast_in_dim3A_1760 = vector.shape_cast %reduce_max3A_1759 : vector<128xf32> to vector<128x1xf32>
    %eq3A_1761 = vector.broadcast %broadcast_in_dim3A_1760 : vector<128x1xf32> to vector<128x256xf32>
    %eq3A_1762 = arith.cmpf oeq, %select_n3A_1757, %eq3A_1761 : vector<128x256xf32>
    %jit3A_1763 = arith.constant 1073741823 : i32
    %broadcast_in_dim3A_1764 = vector.broadcast %jit3A_1763 : i32 to vector<128x256xi32>
    %select_n3A_1765 = arith.select %eq3A_1762, %get3A_4, %broadcast_in_dim3A_1764 : vector<128x256xi1>, vector<128x256xi32>
    %reduce_min3A_1766 = arith.constant dense<2147483647> : vector<128xi32>
    %reduce_min3A_1767 = vector.multi_reduction <minsi>, %select_n3A_1765, %reduce_min3A_1766 [1] : vector<128x256xi32> to vector<128xi32>
    %broadcast_in_dim3A_1768 = vector.shape_cast %reduce_min3A_1767 : vector<128xi32> to vector<128x1xi32>
    %swap3A_1769 = arith.constant 0 : index
    %swap3A_1770 = arith.constant 80 : index
    %swap3A_1771 = vector.load %arg3[%swap3A_1769, %swap3A_1770] : memref<128x100xf32, #tpu.memory_space<vmem>>, vector<128x1xf32>
    tpu.vector_store %arg3[%swap3A_1769, %swap3A_1770], %broadcast_in_dim3A_1760 {strides = array<i32>} : memref<128x100xf32, #tpu.memory_space<vmem>>, vector<128x1xf32>,
    %swap3A_1772 = arith.constant 0 : index
    %swap3A_1773 = arith.constant 80 : index
    %swap3A_1774 = vector.load %arg4[%swap3A_1772, %swap3A_1773] : memref<128x100xi32, #tpu.memory_space<vmem>>, vector<128x1xi32>
    tpu.vector_store %arg4[%swap3A_1772, %swap3A_1773], %broadcast_in_dim3A_1768 {strides = array<i32>} : memref<128x100xi32, #tpu.memory_space<vmem>>, vector<128x1xi32>,
    %eq3A_1775 = vector.broadcast %broadcast_in_dim3A_1768 : vector<128x1xi32> to vector<128x256xi32>
    %eq3A_1776 = arith.cmpi eq, %get3A_4, %eq3A_1775 : vector<128x256xi32>
    %jit3A_1777 = arith.constant -3.400000e+38 : f32
    %broadcast_in_dim3A_1778 = vector.broadcast %jit3A_1777 : f32 to vector<128x256xf32>
    %select_n3A_1779 = arith.select %eq3A_1776, %broadcast_in_dim3A_1778, %select_n3A_1757 : vector<128x256xi1>, vector<128x256xf32>
    %reduce_max3A_1780 = arith.constant dense<0xFF800000> : vector<128xf32>
    %reduce_max3A_1781 = vector.multi_reduction <maximumf>, %select_n3A_1779, %reduce_max3A_1780 [1] : vector<128x256xf32> to vector<128xf32>
    %broadcast_in_dim3A_1782 = vector.shape_cast %reduce_max3A_1781 : vector<128xf32> to vector<128x1xf32>
    %eq3A_1783 = vector.broadcast %broadcast_in_dim3A_1782 : vector<128x1xf32> to vector<128x256xf32>
    %eq3A_1784 = arith.cmpf oeq, %select_n3A_1779, %eq3A_1783 : vector<128x256xf32>
    %jit3A_1785 = arith.constant 1073741823 : i32
    %broadcast_in_dim3A_1786 = vector.broadcast %jit3A_1785 : i32 to vector<128x256xi32>
    %select_n3A_1787 = arith.select %eq3A_1784, %get3A_4, %broadcast_in_dim3A_1786 : vector<128x256xi1>, vector<128x256xi32>
    %reduce_min3A_1788 = arith.constant dense<2147483647> : vector<128xi32>
    %reduce_min3A_1789 = vector.multi_reduction <minsi>, %select_n3A_1787, %reduce_min3A_1788 [1] : vector<128x256xi32> to vector<128xi32>
    %broadcast_in_dim3A_1790 = vector.shape_cast %reduce_min3A_1789 : vector<128xi32> to vector<128x1xi32>
    %swap3A_1791 = arith.constant 0 : index
    %swap3A_1792 = arith.constant 81 : index
    %swap3A_1793 = vector.load %arg3[%swap3A_1791, %swap3A_1792] : memref<128x100xf32, #tpu.memory_space<vmem>>, vector<128x1xf32>
    tpu.vector_store %arg3[%swap3A_1791, %swap3A_1792], %broadcast_in_dim3A_1782 {strides = array<i32>} : memref<128x100xf32, #tpu.memory_space<vmem>>, vector<128x1xf32>,
    %swap3A_1794 = arith.constant 0 : index
    %swap3A_1795 = arith.constant 81 : index
    %swap3A_1796 = vector.load %arg4[%swap3A_1794, %swap3A_1795] : memref<128x100xi32, #tpu.memory_space<vmem>>, vector<128x1xi32>
    tpu.vector_store %arg4[%swap3A_1794, %swap3A_1795], %broadcast_in_dim3A_1790 {strides = array<i32>} : memref<128x100xi32, #tpu.memory_space<vmem>>, vector<128x1xi32>,
    %eq3A_1797 = vector.broadcast %broadcast_in_dim3A_1790 : vector<128x1xi32> to vector<128x256xi32>
    %eq3A_1798 = arith.cmpi eq, %get3A_4, %eq3A_1797 : vector<128x256xi32>
    %jit3A_1799 = arith.constant -3.400000e+38 : f32
    %broadcast_in_dim3A_1800 = vector.broadcast %jit3A_1799 : f32 to vector<128x256xf32>
    %select_n3A_1801 = arith.select %eq3A_1798, %broadcast_in_dim3A_1800, %select_n3A_1779 : vector<128x256xi1>, vector<128x256xf32>
    %reduce_max3A_1802 = arith.constant dense<0xFF800000> : vector<128xf32>
    %reduce_max3A_1803 = vector.multi_reduction <maximumf>, %select_n3A_1801, %reduce_max3A_1802 [1] : vector<128x256xf32> to vector<128xf32>
    %broadcast_in_dim3A_1804 = vector.shape_cast %reduce_max3A_1803 : vector<128xf32> to vector<128x1xf32>
    %eq3A_1805 = vector.broadcast %broadcast_in_dim3A_1804 : vector<128x1xf32> to vector<128x256xf32>
    %eq3A_1806 = arith.cmpf oeq, %select_n3A_1801, %eq3A_1805 : vector<128x256xf32>
    %jit3A_1807 = arith.constant 1073741823 : i32
    %broadcast_in_dim3A_1808 = vector.broadcast %jit3A_1807 : i32 to vector<128x256xi32>
    %select_n3A_1809 = arith.select %eq3A_1806, %get3A_4, %broadcast_in_dim3A_1808 : vector<128x256xi1>, vector<128x256xi32>
    %reduce_min3A_1810 = arith.constant dense<2147483647> : vector<128xi32>
    %reduce_min3A_1811 = vector.multi_reduction <minsi>, %select_n3A_1809, %reduce_min3A_1810 [1] : vector<128x256xi32> to vector<128xi32>
    %broadcast_in_dim3A_1812 = vector.shape_cast %reduce_min3A_1811 : vector<128xi32> to vector<128x1xi32>
    %swap3A_1813 = arith.constant 0 : index
    %swap3A_1814 = arith.constant 82 : index
    %swap3A_1815 = vector.load %arg3[%swap3A_1813, %swap3A_1814] : memref<128x100xf32, #tpu.memory_space<vmem>>, vector<128x1xf32>
    tpu.vector_store %arg3[%swap3A_1813, %swap3A_1814], %broadcast_in_dim3A_1804 {strides = array<i32>} : memref<128x100xf32, #tpu.memory_space<vmem>>, vector<128x1xf32>,
    %swap3A_1816 = arith.constant 0 : index
    %swap3A_1817 = arith.constant 82 : index
    %swap3A_1818 = vector.load %arg4[%swap3A_1816, %swap3A_1817] : memref<128x100xi32, #tpu.memory_space<vmem>>, vector<128x1xi32>
    tpu.vector_store %arg4[%swap3A_1816, %swap3A_1817], %broadcast_in_dim3A_1812 {strides = array<i32>} : memref<128x100xi32, #tpu.memory_space<vmem>>, vector<128x1xi32>,
    %eq3A_1819 = vector.broadcast %broadcast_in_dim3A_1812 : vector<128x1xi32> to vector<128x256xi32>
    %eq3A_1820 = arith.cmpi eq, %get3A_4, %eq3A_1819 : vector<128x256xi32>
    %jit3A_1821 = arith.constant -3.400000e+38 : f32
    %broadcast_in_dim3A_1822 = vector.broadcast %jit3A_1821 : f32 to vector<128x256xf32>
    %select_n3A_1823 = arith.select %eq3A_1820, %broadcast_in_dim3A_1822, %select_n3A_1801 : vector<128x256xi1>, vector<128x256xf32>
    %reduce_max3A_1824 = arith.constant dense<0xFF800000> : vector<128xf32>
    %reduce_max3A_1825 = vector.multi_reduction <maximumf>, %select_n3A_1823, %reduce_max3A_1824 [1] : vector<128x256xf32> to vector<128xf32>
    %broadcast_in_dim3A_1826 = vector.shape_cast %reduce_max3A_1825 : vector<128xf32> to vector<128x1xf32>
    %eq3A_1827 = vector.broadcast %broadcast_in_dim3A_1826 : vector<128x1xf32> to vector<128x256xf32>
    %eq3A_1828 = arith.cmpf oeq, %select_n3A_1823, %eq3A_1827 : vector<128x256xf32>
    %jit3A_1829 = arith.constant 1073741823 : i32
    %broadcast_in_dim3A_1830 = vector.broadcast %jit3A_1829 : i32 to vector<128x256xi32>
    %select_n3A_1831 = arith.select %eq3A_1828, %get3A_4, %broadcast_in_dim3A_1830 : vector<128x256xi1>, vector<128x256xi32>
    %reduce_min3A_1832 = arith.constant dense<2147483647> : vector<128xi32>
    %reduce_min3A_1833 = vector.multi_reduction <minsi>, %select_n3A_1831, %reduce_min3A_1832 [1] : vector<128x256xi32> to vector<128xi32>
    %broadcast_in_dim3A_1834 = vector.shape_cast %reduce_min3A_1833 : vector<128xi32> to vector<128x1xi32>
    %swap3A_1835 = arith.constant 0 : index
    %swap3A_1836 = arith.constant 83 : index
    %swap3A_1837 = vector.load %arg3[%swap3A_1835, %swap3A_1836] : memref<128x100xf32, #tpu.memory_space<vmem>>, vector<128x1xf32>
    tpu.vector_store %arg3[%swap3A_1835, %swap3A_1836], %broadcast_in_dim3A_1826 {strides = array<i32>} : memref<128x100xf32, #tpu.memory_space<vmem>>, vector<128x1xf32>,
    %swap3A_1838 = arith.constant 0 : index
    %swap3A_1839 = arith.constant 83 : index
    %swap3A_1840 = vector.load %arg4[%swap3A_1838, %swap3A_1839] : memref<128x100xi32, #tpu.memory_space<vmem>>, vector<128x1xi32>
    tpu.vector_store %arg4[%swap3A_1838, %swap3A_1839], %broadcast_in_dim3A_1834 {strides = array<i32>} : memref<128x100xi32, #tpu.memory_space<vmem>>, vector<128x1xi32>,
    %eq3A_1841 = vector.broadcast %broadcast_in_dim3A_1834 : vector<128x1xi32> to vector<128x256xi32>
    %eq3A_1842 = arith.cmpi eq, %get3A_4, %eq3A_1841 : vector<128x256xi32>
    %jit3A_1843 = arith.constant -3.400000e+38 : f32
    %broadcast_in_dim3A_1844 = vector.broadcast %jit3A_1843 : f32 to vector<128x256xf32>
    %select_n3A_1845 = arith.select %eq3A_1842, %broadcast_in_dim3A_1844, %select_n3A_1823 : vector<128x256xi1>, vector<128x256xf32>
    %reduce_max3A_1846 = arith.constant dense<0xFF800000> : vector<128xf32>
    %reduce_max3A_1847 = vector.multi_reduction <maximumf>, %select_n3A_1845, %reduce_max3A_1846 [1] : vector<128x256xf32> to vector<128xf32>
    %broadcast_in_dim3A_1848 = vector.shape_cast %reduce_max3A_1847 : vector<128xf32> to vector<128x1xf32>
    %eq3A_1849 = vector.broadcast %broadcast_in_dim3A_1848 : vector<128x1xf32> to vector<128x256xf32>
    %eq3A_1850 = arith.cmpf oeq, %select_n3A_1845, %eq3A_1849 : vector<128x256xf32>
    %jit3A_1851 = arith.constant 1073741823 : i32
    %broadcast_in_dim3A_1852 = vector.broadcast %jit3A_1851 : i32 to vector<128x256xi32>
    %select_n3A_1853 = arith.select %eq3A_1850, %get3A_4, %broadcast_in_dim3A_1852 : vector<128x256xi1>, vector<128x256xi32>
    %reduce_min3A_1854 = arith.constant dense<2147483647> : vector<128xi32>
    %reduce_min3A_1855 = vector.multi_reduction <minsi>, %select_n3A_1853, %reduce_min3A_1854 [1] : vector<128x256xi32> to vector<128xi32>
    %broadcast_in_dim3A_1856 = vector.shape_cast %reduce_min3A_1855 : vector<128xi32> to vector<128x1xi32>
    %swap3A_1857 = arith.constant 0 : index
    %swap3A_1858 = arith.constant 84 : index
    %swap3A_1859 = vector.load %arg3[%swap3A_1857, %swap3A_1858] : memref<128x100xf32, #tpu.memory_space<vmem>>, vector<128x1xf32>
    tpu.vector_store %arg3[%swap3A_1857, %swap3A_1858], %broadcast_in_dim3A_1848 {strides = array<i32>} : memref<128x100xf32, #tpu.memory_space<vmem>>, vector<128x1xf32>,
    %swap3A_1860 = arith.constant 0 : index
    %swap3A_1861 = arith.constant 84 : index
    %swap3A_1862 = vector.load %arg4[%swap3A_1860, %swap3A_1861] : memref<128x100xi32, #tpu.memory_space<vmem>>, vector<128x1xi32>
    tpu.vector_store %arg4[%swap3A_1860, %swap3A_1861], %broadcast_in_dim3A_1856 {strides = array<i32>} : memref<128x100xi32, #tpu.memory_space<vmem>>, vector<128x1xi32>,
    %eq3A_1863 = vector.broadcast %broadcast_in_dim3A_1856 : vector<128x1xi32> to vector<128x256xi32>
    %eq3A_1864 = arith.cmpi eq, %get3A_4, %eq3A_1863 : vector<128x256xi32>
    %jit3A_1865 = arith.constant -3.400000e+38 : f32
    %broadcast_in_dim3A_1866 = vector.broadcast %jit3A_1865 : f32 to vector<128x256xf32>
    %select_n3A_1867 = arith.select %eq3A_1864, %broadcast_in_dim3A_1866, %select_n3A_1845 : vector<128x256xi1>, vector<128x256xf32>
    %reduce_max3A_1868 = arith.constant dense<0xFF800000> : vector<128xf32>
    %reduce_max3A_1869 = vector.multi_reduction <maximumf>, %select_n3A_1867, %reduce_max3A_1868 [1] : vector<128x256xf32> to vector<128xf32>
    %broadcast_in_dim3A_1870 = vector.shape_cast %reduce_max3A_1869 : vector<128xf32> to vector<128x1xf32>
    %eq3A_1871 = vector.broadcast %broadcast_in_dim3A_1870 : vector<128x1xf32> to vector<128x256xf32>
    %eq3A_1872 = arith.cmpf oeq, %select_n3A_1867, %eq3A_1871 : vector<128x256xf32>
    %jit3A_1873 = arith.constant 1073741823 : i32
    %broadcast_in_dim3A_1874 = vector.broadcast %jit3A_1873 : i32 to vector<128x256xi32>
    %select_n3A_1875 = arith.select %eq3A_1872, %get3A_4, %broadcast_in_dim3A_1874 : vector<128x256xi1>, vector<128x256xi32>
    %reduce_min3A_1876 = arith.constant dense<2147483647> : vector<128xi32>
    %reduce_min3A_1877 = vector.multi_reduction <minsi>, %select_n3A_1875, %reduce_min3A_1876 [1] : vector<128x256xi32> to vector<128xi32>
    %broadcast_in_dim3A_1878 = vector.shape_cast %reduce_min3A_1877 : vector<128xi32> to vector<128x1xi32>
    %swap3A_1879 = arith.constant 0 : index
    %swap3A_1880 = arith.constant 85 : index
    %swap3A_1881 = vector.load %arg3[%swap3A_1879, %swap3A_1880] : memref<128x100xf32, #tpu.memory_space<vmem>>, vector<128x1xf32>
    tpu.vector_store %arg3[%swap3A_1879, %swap3A_1880], %broadcast_in_dim3A_1870 {strides = array<i32>} : memref<128x100xf32, #tpu.memory_space<vmem>>, vector<128x1xf32>,
    %swap3A_1882 = arith.constant 0 : index
    %swap3A_1883 = arith.constant 85 : index
    %swap3A_1884 = vector.load %arg4[%swap3A_1882, %swap3A_1883] : memref<128x100xi32, #tpu.memory_space<vmem>>, vector<128x1xi32>
    tpu.vector_store %arg4[%swap3A_1882, %swap3A_1883], %broadcast_in_dim3A_1878 {strides = array<i32>} : memref<128x100xi32, #tpu.memory_space<vmem>>, vector<128x1xi32>,
    %eq3A_1885 = vector.broadcast %broadcast_in_dim3A_1878 : vector<128x1xi32> to vector<128x256xi32>
    %eq3A_1886 = arith.cmpi eq, %get3A_4, %eq3A_1885 : vector<128x256xi32>
    %jit3A_1887 = arith.constant -3.400000e+38 : f32
    %broadcast_in_dim3A_1888 = vector.broadcast %jit3A_1887 : f32 to vector<128x256xf32>
    %select_n3A_1889 = arith.select %eq3A_1886, %broadcast_in_dim3A_1888, %select_n3A_1867 : vector<128x256xi1>, vector<128x256xf32>
    %reduce_max3A_1890 = arith.constant dense<0xFF800000> : vector<128xf32>
    %reduce_max3A_1891 = vector.multi_reduction <maximumf>, %select_n3A_1889, %reduce_max3A_1890 [1] : vector<128x256xf32> to vector<128xf32>
    %broadcast_in_dim3A_1892 = vector.shape_cast %reduce_max3A_1891 : vector<128xf32> to vector<128x1xf32>
    %eq3A_1893 = vector.broadcast %broadcast_in_dim3A_1892 : vector<128x1xf32> to vector<128x256xf32>
    %eq3A_1894 = arith.cmpf oeq, %select_n3A_1889, %eq3A_1893 : vector<128x256xf32>
    %jit3A_1895 = arith.constant 1073741823 : i32
    %broadcast_in_dim3A_1896 = vector.broadcast %jit3A_1895 : i32 to vector<128x256xi32>
    %select_n3A_1897 = arith.select %eq3A_1894, %get3A_4, %broadcast_in_dim3A_1896 : vector<128x256xi1>, vector<128x256xi32>
    %reduce_min3A_1898 = arith.constant dense<2147483647> : vector<128xi32>
    %reduce_min3A_1899 = vector.multi_reduction <minsi>, %select_n3A_1897, %reduce_min3A_1898 [1] : vector<128x256xi32> to vector<128xi32>
    %broadcast_in_dim3A_1900 = vector.shape_cast %reduce_min3A_1899 : vector<128xi32> to vector<128x1xi32>
    %swap3A_1901 = arith.constant 0 : index
    %swap3A_1902 = arith.constant 86 : index
    %swap3A_1903 = vector.load %arg3[%swap3A_1901, %swap3A_1902] : memref<128x100xf32, #tpu.memory_space<vmem>>, vector<128x1xf32>
    tpu.vector_store %arg3[%swap3A_1901, %swap3A_1902], %broadcast_in_dim3A_1892 {strides = array<i32>} : memref<128x100xf32, #tpu.memory_space<vmem>>, vector<128x1xf32>,
    %swap3A_1904 = arith.constant 0 : index
    %swap3A_1905 = arith.constant 86 : index
    %swap3A_1906 = vector.load %arg4[%swap3A_1904, %swap3A_1905] : memref<128x100xi32, #tpu.memory_space<vmem>>, vector<128x1xi32>
    tpu.vector_store %arg4[%swap3A_1904, %swap3A_1905], %broadcast_in_dim3A_1900 {strides = array<i32>} : memref<128x100xi32, #tpu.memory_space<vmem>>, vector<128x1xi32>,
    %eq3A_1907 = vector.broadcast %broadcast_in_dim3A_1900 : vector<128x1xi32> to vector<128x256xi32>
    %eq3A_1908 = arith.cmpi eq, %get3A_4, %eq3A_1907 : vector<128x256xi32>
    %jit3A_1909 = arith.constant -3.400000e+38 : f32
    %broadcast_in_dim3A_1910 = vector.broadcast %jit3A_1909 : f32 to vector<128x256xf32>
    %select_n3A_1911 = arith.select %eq3A_1908, %broadcast_in_dim3A_1910, %select_n3A_1889 : vector<128x256xi1>, vector<128x256xf32>
    %reduce_max3A_1912 = arith.constant dense<0xFF800000> : vector<128xf32>
    %reduce_max3A_1913 = vector.multi_reduction <maximumf>, %select_n3A_1911, %reduce_max3A_1912 [1] : vector<128x256xf32> to vector<128xf32>
    %broadcast_in_dim3A_1914 = vector.shape_cast %reduce_max3A_1913 : vector<128xf32> to vector<128x1xf32>
    %eq3A_1915 = vector.broadcast %broadcast_in_dim3A_1914 : vector<128x1xf32> to vector<128x256xf32>
    %eq3A_1916 = arith.cmpf oeq, %select_n3A_1911, %eq3A_1915 : vector<128x256xf32>
    %jit3A_1917 = arith.constant 1073741823 : i32
    %broadcast_in_dim3A_1918 = vector.broadcast %jit3A_1917 : i32 to vector<128x256xi32>
    %select_n3A_1919 = arith.select %eq3A_1916, %get3A_4, %broadcast_in_dim3A_1918 : vector<128x256xi1>, vector<128x256xi32>
    %reduce_min3A_1920 = arith.constant dense<2147483647> : vector<128xi32>
    %reduce_min3A_1921 = vector.multi_reduction <minsi>, %select_n3A_1919, %reduce_min3A_1920 [1] : vector<128x256xi32> to vector<128xi32>
    %broadcast_in_dim3A_1922 = vector.shape_cast %reduce_min3A_1921 : vector<128xi32> to vector<128x1xi32>
    %swap3A_1923 = arith.constant 0 : index
    %swap3A_1924 = arith.constant 87 : index
    %swap3A_1925 = vector.load %arg3[%swap3A_1923, %swap3A_1924] : memref<128x100xf32, #tpu.memory_space<vmem>>, vector<128x1xf32>
    tpu.vector_store %arg3[%swap3A_1923, %swap3A_1924], %broadcast_in_dim3A_1914 {strides = array<i32>} : memref<128x100xf32, #tpu.memory_space<vmem>>, vector<128x1xf32>,
    %swap3A_1926 = arith.constant 0 : index
    %swap3A_1927 = arith.constant 87 : index
    %swap3A_1928 = vector.load %arg4[%swap3A_1926, %swap3A_1927] : memref<128x100xi32, #tpu.memory_space<vmem>>, vector<128x1xi32>
    tpu.vector_store %arg4[%swap3A_1926, %swap3A_1927], %broadcast_in_dim3A_1922 {strides = array<i32>} : memref<128x100xi32, #tpu.memory_space<vmem>>, vector<128x1xi32>,
    %eq3A_1929 = vector.broadcast %broadcast_in_dim3A_1922 : vector<128x1xi32> to vector<128x256xi32>
    %eq3A_1930 = arith.cmpi eq, %get3A_4, %eq3A_1929 : vector<128x256xi32>
    %jit3A_1931 = arith.constant -3.400000e+38 : f32
    %broadcast_in_dim3A_1932 = vector.broadcast %jit3A_1931 : f32 to vector<128x256xf32>
    %select_n3A_1933 = arith.select %eq3A_1930, %broadcast_in_dim3A_1932, %select_n3A_1911 : vector<128x256xi1>, vector<128x256xf32>
    %reduce_max3A_1934 = arith.constant dense<0xFF800000> : vector<128xf32>
    %reduce_max3A_1935 = vector.multi_reduction <maximumf>, %select_n3A_1933, %reduce_max3A_1934 [1] : vector<128x256xf32> to vector<128xf32>
    %broadcast_in_dim3A_1936 = vector.shape_cast %reduce_max3A_1935 : vector<128xf32> to vector<128x1xf32>
    %eq3A_1937 = vector.broadcast %broadcast_in_dim3A_1936 : vector<128x1xf32> to vector<128x256xf32>
    %eq3A_1938 = arith.cmpf oeq, %select_n3A_1933, %eq3A_1937 : vector<128x256xf32>
    %jit3A_1939 = arith.constant 1073741823 : i32
    %broadcast_in_dim3A_1940 = vector.broadcast %jit3A_1939 : i32 to vector<128x256xi32>
    %select_n3A_1941 = arith.select %eq3A_1938, %get3A_4, %broadcast_in_dim3A_1940 : vector<128x256xi1>, vector<128x256xi32>
    %reduce_min3A_1942 = arith.constant dense<2147483647> : vector<128xi32>
    %reduce_min3A_1943 = vector.multi_reduction <minsi>, %select_n3A_1941, %reduce_min3A_1942 [1] : vector<128x256xi32> to vector<128xi32>
    %broadcast_in_dim3A_1944 = vector.shape_cast %reduce_min3A_1943 : vector<128xi32> to vector<128x1xi32>
    %swap3A_1945 = arith.constant 0 : index
    %swap3A_1946 = arith.constant 88 : index
    %swap3A_1947 = vector.load %arg3[%swap3A_1945, %swap3A_1946] : memref<128x100xf32, #tpu.memory_space<vmem>>, vector<128x1xf32>
    tpu.vector_store %arg3[%swap3A_1945, %swap3A_1946], %broadcast_in_dim3A_1936 {strides = array<i32>} : memref<128x100xf32, #tpu.memory_space<vmem>>, vector<128x1xf32>,
    %swap3A_1948 = arith.constant 0 : index
    %swap3A_1949 = arith.constant 88 : index
    %swap3A_1950 = vector.load %arg4[%swap3A_1948, %swap3A_1949] : memref<128x100xi32, #tpu.memory_space<vmem>>, vector<128x1xi32>
    tpu.vector_store %arg4[%swap3A_1948, %swap3A_1949], %broadcast_in_dim3A_1944 {strides = array<i32>} : memref<128x100xi32, #tpu.memory_space<vmem>>, vector<128x1xi32>,
    %eq3A_1951 = vector.broadcast %broadcast_in_dim3A_1944 : vector<128x1xi32> to vector<128x256xi32>
    %eq3A_1952 = arith.cmpi eq, %get3A_4, %eq3A_1951 : vector<128x256xi32>
    %jit3A_1953 = arith.constant -3.400000e+38 : f32
    %broadcast_in_dim3A_1954 = vector.broadcast %jit3A_1953 : f32 to vector<128x256xf32>
    %select_n3A_1955 = arith.select %eq3A_1952, %broadcast_in_dim3A_1954, %select_n3A_1933 : vector<128x256xi1>, vector<128x256xf32>
    %reduce_max3A_1956 = arith.constant dense<0xFF800000> : vector<128xf32>
    %reduce_max3A_1957 = vector.multi_reduction <maximumf>, %select_n3A_1955, %reduce_max3A_1956 [1] : vector<128x256xf32> to vector<128xf32>
    %broadcast_in_dim3A_1958 = vector.shape_cast %reduce_max3A_1957 : vector<128xf32> to vector<128x1xf32>
    %eq3A_1959 = vector.broadcast %broadcast_in_dim3A_1958 : vector<128x1xf32> to vector<128x256xf32>
    %eq3A_1960 = arith.cmpf oeq, %select_n3A_1955, %eq3A_1959 : vector<128x256xf32>
    %jit3A_1961 = arith.constant 1073741823 : i32
    %broadcast_in_dim3A_1962 = vector.broadcast %jit3A_1961 : i32 to vector<128x256xi32>
    %select_n3A_1963 = arith.select %eq3A_1960, %get3A_4, %broadcast_in_dim3A_1962 : vector<128x256xi1>, vector<128x256xi32>
    %reduce_min3A_1964 = arith.constant dense<2147483647> : vector<128xi32>
    %reduce_min3A_1965 = vector.multi_reduction <minsi>, %select_n3A_1963, %reduce_min3A_1964 [1] : vector<128x256xi32> to vector<128xi32>
    %broadcast_in_dim3A_1966 = vector.shape_cast %reduce_min3A_1965 : vector<128xi32> to vector<128x1xi32>
    %swap3A_1967 = arith.constant 0 : index
    %swap3A_1968 = arith.constant 89 : index
    %swap3A_1969 = vector.load %arg3[%swap3A_1967, %swap3A_1968] : memref<128x100xf32, #tpu.memory_space<vmem>>, vector<128x1xf32>
    tpu.vector_store %arg3[%swap3A_1967, %swap3A_1968], %broadcast_in_dim3A_1958 {strides = array<i32>} : memref<128x100xf32, #tpu.memory_space<vmem>>, vector<128x1xf32>,
    %swap3A_1970 = arith.constant 0 : index
    %swap3A_1971 = arith.constant 89 : index
    %swap3A_1972 = vector.load %arg4[%swap3A_1970, %swap3A_1971] : memref<128x100xi32, #tpu.memory_space<vmem>>, vector<128x1xi32>
    tpu.vector_store %arg4[%swap3A_1970, %swap3A_1971], %broadcast_in_dim3A_1966 {strides = array<i32>} : memref<128x100xi32, #tpu.memory_space<vmem>>, vector<128x1xi32>,
    %eq3A_1973 = vector.broadcast %broadcast_in_dim3A_1966 : vector<128x1xi32> to vector<128x256xi32>
    %eq3A_1974 = arith.cmpi eq, %get3A_4, %eq3A_1973 : vector<128x256xi32>
    %jit3A_1975 = arith.constant -3.400000e+38 : f32
    %broadcast_in_dim3A_1976 = vector.broadcast %jit3A_1975 : f32 to vector<128x256xf32>
    %select_n3A_1977 = arith.select %eq3A_1974, %broadcast_in_dim3A_1976, %select_n3A_1955 : vector<128x256xi1>, vector<128x256xf32>
    %reduce_max3A_1978 = arith.constant dense<0xFF800000> : vector<128xf32>
    %reduce_max3A_1979 = vector.multi_reduction <maximumf>, %select_n3A_1977, %reduce_max3A_1978 [1] : vector<128x256xf32> to vector<128xf32>
    %broadcast_in_dim3A_1980 = vector.shape_cast %reduce_max3A_1979 : vector<128xf32> to vector<128x1xf32>
    %eq3A_1981 = vector.broadcast %broadcast_in_dim3A_1980 : vector<128x1xf32> to vector<128x256xf32>
    %eq3A_1982 = arith.cmpf oeq, %select_n3A_1977, %eq3A_1981 : vector<128x256xf32>
    %jit3A_1983 = arith.constant 1073741823 : i32
    %broadcast_in_dim3A_1984 = vector.broadcast %jit3A_1983 : i32 to vector<128x256xi32>
    %select_n3A_1985 = arith.select %eq3A_1982, %get3A_4, %broadcast_in_dim3A_1984 : vector<128x256xi1>, vector<128x256xi32>
    %reduce_min3A_1986 = arith.constant dense<2147483647> : vector<128xi32>
    %reduce_min3A_1987 = vector.multi_reduction <minsi>, %select_n3A_1985, %reduce_min3A_1986 [1] : vector<128x256xi32> to vector<128xi32>
    %broadcast_in_dim3A_1988 = vector.shape_cast %reduce_min3A_1987 : vector<128xi32> to vector<128x1xi32>
    %swap3A_1989 = arith.constant 0 : index
    %swap3A_1990 = arith.constant 90 : index
    %swap3A_1991 = vector.load %arg3[%swap3A_1989, %swap3A_1990] : memref<128x100xf32, #tpu.memory_space<vmem>>, vector<128x1xf32>
    tpu.vector_store %arg3[%swap3A_1989, %swap3A_1990], %broadcast_in_dim3A_1980 {strides = array<i32>} : memref<128x100xf32, #tpu.memory_space<vmem>>, vector<128x1xf32>,
    %swap3A_1992 = arith.constant 0 : index
    %swap3A_1993 = arith.constant 90 : index
    %swap3A_1994 = vector.load %arg4[%swap3A_1992, %swap3A_1993] : memref<128x100xi32, #tpu.memory_space<vmem>>, vector<128x1xi32>
    tpu.vector_store %arg4[%swap3A_1992, %swap3A_1993], %broadcast_in_dim3A_1988 {strides = array<i32>} : memref<128x100xi32, #tpu.memory_space<vmem>>, vector<128x1xi32>,
    %eq3A_1995 = vector.broadcast %broadcast_in_dim3A_1988 : vector<128x1xi32> to vector<128x256xi32>
    %eq3A_1996 = arith.cmpi eq, %get3A_4, %eq3A_1995 : vector<128x256xi32>
    %jit3A_1997 = arith.constant -3.400000e+38 : f32
    %broadcast_in_dim3A_1998 = vector.broadcast %jit3A_1997 : f32 to vector<128x256xf32>
    %select_n3A_1999 = arith.select %eq3A_1996, %broadcast_in_dim3A_1998, %select_n3A_1977 : vector<128x256xi1>, vector<128x256xf32>
    %reduce_max3A_2000 = arith.constant dense<0xFF800000> : vector<128xf32>
    %reduce_max3A_2001 = vector.multi_reduction <maximumf>, %select_n3A_1999, %reduce_max3A_2000 [1] : vector<128x256xf32> to vector<128xf32>
    %broadcast_in_dim3A_2002 = vector.shape_cast %reduce_max3A_2001 : vector<128xf32> to vector<128x1xf32>
    %eq3A_2003 = vector.broadcast %broadcast_in_dim3A_2002 : vector<128x1xf32> to vector<128x256xf32>
    %eq3A_2004 = arith.cmpf oeq, %select_n3A_1999, %eq3A_2003 : vector<128x256xf32>
    %jit3A_2005 = arith.constant 1073741823 : i32
    %broadcast_in_dim3A_2006 = vector.broadcast %jit3A_2005 : i32 to vector<128x256xi32>
    %select_n3A_2007 = arith.select %eq3A_2004, %get3A_4, %broadcast_in_dim3A_2006 : vector<128x256xi1>, vector<128x256xi32>
    %reduce_min3A_2008 = arith.constant dense<2147483647> : vector<128xi32>
    %reduce_min3A_2009 = vector.multi_reduction <minsi>, %select_n3A_2007, %reduce_min3A_2008 [1] : vector<128x256xi32> to vector<128xi32>
    %broadcast_in_dim3A_2010 = vector.shape_cast %reduce_min3A_2009 : vector<128xi32> to vector<128x1xi32>
    %swap3A_2011 = arith.constant 0 : index
    %swap3A_2012 = arith.constant 91 : index
    %swap3A_2013 = vector.load %arg3[%swap3A_2011, %swap3A_2012] : memref<128x100xf32, #tpu.memory_space<vmem>>, vector<128x1xf32>
    tpu.vector_store %arg3[%swap3A_2011, %swap3A_2012], %broadcast_in_dim3A_2002 {strides = array<i32>} : memref<128x100xf32, #tpu.memory_space<vmem>>, vector<128x1xf32>,
    %swap3A_2014 = arith.constant 0 : index
    %swap3A_2015 = arith.constant 91 : index
    %swap3A_2016 = vector.load %arg4[%swap3A_2014, %swap3A_2015] : memref<128x100xi32, #tpu.memory_space<vmem>>, vector<128x1xi32>
    tpu.vector_store %arg4[%swap3A_2014, %swap3A_2015], %broadcast_in_dim3A_2010 {strides = array<i32>} : memref<128x100xi32, #tpu.memory_space<vmem>>, vector<128x1xi32>,
    %eq3A_2017 = vector.broadcast %broadcast_in_dim3A_2010 : vector<128x1xi32> to vector<128x256xi32>
    %eq3A_2018 = arith.cmpi eq, %get3A_4, %eq3A_2017 : vector<128x256xi32>
    %jit3A_2019 = arith.constant -3.400000e+38 : f32
    %broadcast_in_dim3A_2020 = vector.broadcast %jit3A_2019 : f32 to vector<128x256xf32>
    %select_n3A_2021 = arith.select %eq3A_2018, %broadcast_in_dim3A_2020, %select_n3A_1999 : vector<128x256xi1>, vector<128x256xf32>
    %reduce_max3A_2022 = arith.constant dense<0xFF800000> : vector<128xf32>
    %reduce_max3A_2023 = vector.multi_reduction <maximumf>, %select_n3A_2021, %reduce_max3A_2022 [1] : vector<128x256xf32> to vector<128xf32>
    %broadcast_in_dim3A_2024 = vector.shape_cast %reduce_max3A_2023 : vector<128xf32> to vector<128x1xf32>
    %eq3A_2025 = vector.broadcast %broadcast_in_dim3A_2024 : vector<128x1xf32> to vector<128x256xf32>
    %eq3A_2026 = arith.cmpf oeq, %select_n3A_2021, %eq3A_2025 : vector<128x256xf32>
    %jit3A_2027 = arith.constant 1073741823 : i32
    %broadcast_in_dim3A_2028 = vector.broadcast %jit3A_2027 : i32 to vector<128x256xi32>
    %select_n3A_2029 = arith.select %eq3A_2026, %get3A_4, %broadcast_in_dim3A_2028 : vector<128x256xi1>, vector<128x256xi32>
    %reduce_min3A_2030 = arith.constant dense<2147483647> : vector<128xi32>
    %reduce_min3A_2031 = vector.multi_reduction <minsi>, %select_n3A_2029, %reduce_min3A_2030 [1] : vector<128x256xi32> to vector<128xi32>
    %broadcast_in_dim3A_2032 = vector.shape_cast %reduce_min3A_2031 : vector<128xi32> to vector<128x1xi32>
    %swap3A_2033 = arith.constant 0 : index
    %swap3A_2034 = arith.constant 92 : index
    %swap3A_2035 = vector.load %arg3[%swap3A_2033, %swap3A_2034] : memref<128x100xf32, #tpu.memory_space<vmem>>, vector<128x1xf32>
    tpu.vector_store %arg3[%swap3A_2033, %swap3A_2034], %broadcast_in_dim3A_2024 {strides = array<i32>} : memref<128x100xf32, #tpu.memory_space<vmem>>, vector<128x1xf32>,
    %swap3A_2036 = arith.constant 0 : index
    %swap3A_2037 = arith.constant 92 : index
    %swap3A_2038 = vector.load %arg4[%swap3A_2036, %swap3A_2037] : memref<128x100xi32, #tpu.memory_space<vmem>>, vector<128x1xi32>
    tpu.vector_store %arg4[%swap3A_2036, %swap3A_2037], %broadcast_in_dim3A_2032 {strides = array<i32>} : memref<128x100xi32, #tpu.memory_space<vmem>>, vector<128x1xi32>,
    %eq3A_2039 = vector.broadcast %broadcast_in_dim3A_2032 : vector<128x1xi32> to vector<128x256xi32>
    %eq3A_2040 = arith.cmpi eq, %get3A_4, %eq3A_2039 : vector<128x256xi32>
    %jit3A_2041 = arith.constant -3.400000e+38 : f32
    %broadcast_in_dim3A_2042 = vector.broadcast %jit3A_2041 : f32 to vector<128x256xf32>
    %select_n3A_2043 = arith.select %eq3A_2040, %broadcast_in_dim3A_2042, %select_n3A_2021 : vector<128x256xi1>, vector<128x256xf32>
    %reduce_max3A_2044 = arith.constant dense<0xFF800000> : vector<128xf32>
    %reduce_max3A_2045 = vector.multi_reduction <maximumf>, %select_n3A_2043, %reduce_max3A_2044 [1] : vector<128x256xf32> to vector<128xf32>
    %broadcast_in_dim3A_2046 = vector.shape_cast %reduce_max3A_2045 : vector<128xf32> to vector<128x1xf32>
    %eq3A_2047 = vector.broadcast %broadcast_in_dim3A_2046 : vector<128x1xf32> to vector<128x256xf32>
    %eq3A_2048 = arith.cmpf oeq, %select_n3A_2043, %eq3A_2047 : vector<128x256xf32>
    %jit3A_2049 = arith.constant 1073741823 : i32
    %broadcast_in_dim3A_2050 = vector.broadcast %jit3A_2049 : i32 to vector<128x256xi32>
    %select_n3A_2051 = arith.select %eq3A_2048, %get3A_4, %broadcast_in_dim3A_2050 : vector<128x256xi1>, vector<128x256xi32>
    %reduce_min3A_2052 = arith.constant dense<2147483647> : vector<128xi32>
    %reduce_min3A_2053 = vector.multi_reduction <minsi>, %select_n3A_2051, %reduce_min3A_2052 [1] : vector<128x256xi32> to vector<128xi32>
    %broadcast_in_dim3A_2054 = vector.shape_cast %reduce_min3A_2053 : vector<128xi32> to vector<128x1xi32>
    %swap3A_2055 = arith.constant 0 : index
    %swap3A_2056 = arith.constant 93 : index
    %swap3A_2057 = vector.load %arg3[%swap3A_2055, %swap3A_2056] : memref<128x100xf32, #tpu.memory_space<vmem>>, vector<128x1xf32>
    tpu.vector_store %arg3[%swap3A_2055, %swap3A_2056], %broadcast_in_dim3A_2046 {strides = array<i32>} : memref<128x100xf32, #tpu.memory_space<vmem>>, vector<128x1xf32>,
    %swap3A_2058 = arith.constant 0 : index
    %swap3A_2059 = arith.constant 93 : index
    %swap3A_2060 = vector.load %arg4[%swap3A_2058, %swap3A_2059] : memref<128x100xi32, #tpu.memory_space<vmem>>, vector<128x1xi32>
    tpu.vector_store %arg4[%swap3A_2058, %swap3A_2059], %broadcast_in_dim3A_2054 {strides = array<i32>} : memref<128x100xi32, #tpu.memory_space<vmem>>, vector<128x1xi32>,
    %eq3A_2061 = vector.broadcast %broadcast_in_dim3A_2054 : vector<128x1xi32> to vector<128x256xi32>
    %eq3A_2062 = arith.cmpi eq, %get3A_4, %eq3A_2061 : vector<128x256xi32>
    %jit3A_2063 = arith.constant -3.400000e+38 : f32
    %broadcast_in_dim3A_2064 = vector.broadcast %jit3A_2063 : f32 to vector<128x256xf32>
    %select_n3A_2065 = arith.select %eq3A_2062, %broadcast_in_dim3A_2064, %select_n3A_2043 : vector<128x256xi1>, vector<128x256xf32>
    %reduce_max3A_2066 = arith.constant dense<0xFF800000> : vector<128xf32>
    %reduce_max3A_2067 = vector.multi_reduction <maximumf>, %select_n3A_2065, %reduce_max3A_2066 [1] : vector<128x256xf32> to vector<128xf32>
    %broadcast_in_dim3A_2068 = vector.shape_cast %reduce_max3A_2067 : vector<128xf32> to vector<128x1xf32>
    %eq3A_2069 = vector.broadcast %broadcast_in_dim3A_2068 : vector<128x1xf32> to vector<128x256xf32>
    %eq3A_2070 = arith.cmpf oeq, %select_n3A_2065, %eq3A_2069 : vector<128x256xf32>
    %jit3A_2071 = arith.constant 1073741823 : i32
    %broadcast_in_dim3A_2072 = vector.broadcast %jit3A_2071 : i32 to vector<128x256xi32>
    %select_n3A_2073 = arith.select %eq3A_2070, %get3A_4, %broadcast_in_dim3A_2072 : vector<128x256xi1>, vector<128x256xi32>
    %reduce_min3A_2074 = arith.constant dense<2147483647> : vector<128xi32>
    %reduce_min3A_2075 = vector.multi_reduction <minsi>, %select_n3A_2073, %reduce_min3A_2074 [1] : vector<128x256xi32> to vector<128xi32>
    %broadcast_in_dim3A_2076 = vector.shape_cast %reduce_min3A_2075 : vector<128xi32> to vector<128x1xi32>
    %swap3A_2077 = arith.constant 0 : index
    %swap3A_2078 = arith.constant 94 : index
    %swap3A_2079 = vector.load %arg3[%swap3A_2077, %swap3A_2078] : memref<128x100xf32, #tpu.memory_space<vmem>>, vector<128x1xf32>
    tpu.vector_store %arg3[%swap3A_2077, %swap3A_2078], %broadcast_in_dim3A_2068 {strides = array<i32>} : memref<128x100xf32, #tpu.memory_space<vmem>>, vector<128x1xf32>,
    %swap3A_2080 = arith.constant 0 : index
    %swap3A_2081 = arith.constant 94 : index
    %swap3A_2082 = vector.load %arg4[%swap3A_2080, %swap3A_2081] : memref<128x100xi32, #tpu.memory_space<vmem>>, vector<128x1xi32>
    tpu.vector_store %arg4[%swap3A_2080, %swap3A_2081], %broadcast_in_dim3A_2076 {strides = array<i32>} : memref<128x100xi32, #tpu.memory_space<vmem>>, vector<128x1xi32>,
    %eq3A_2083 = vector.broadcast %broadcast_in_dim3A_2076 : vector<128x1xi32> to vector<128x256xi32>
    %eq3A_2084 = arith.cmpi eq, %get3A_4, %eq3A_2083 : vector<128x256xi32>
    %jit3A_2085 = arith.constant -3.400000e+38 : f32
    %broadcast_in_dim3A_2086 = vector.broadcast %jit3A_2085 : f32 to vector<128x256xf32>
    %select_n3A_2087 = arith.select %eq3A_2084, %broadcast_in_dim3A_2086, %select_n3A_2065 : vector<128x256xi1>, vector<128x256xf32>
    %reduce_max3A_2088 = arith.constant dense<0xFF800000> : vector<128xf32>
    %reduce_max3A_2089 = vector.multi_reduction <maximumf>, %select_n3A_2087, %reduce_max3A_2088 [1] : vector<128x256xf32> to vector<128xf32>
    %broadcast_in_dim3A_2090 = vector.shape_cast %reduce_max3A_2089 : vector<128xf32> to vector<128x1xf32>
    %eq3A_2091 = vector.broadcast %broadcast_in_dim3A_2090 : vector<128x1xf32> to vector<128x256xf32>
    %eq3A_2092 = arith.cmpf oeq, %select_n3A_2087, %eq3A_2091 : vector<128x256xf32>
    %jit3A_2093 = arith.constant 1073741823 : i32
    %broadcast_in_dim3A_2094 = vector.broadcast %jit3A_2093 : i32 to vector<128x256xi32>
    %select_n3A_2095 = arith.select %eq3A_2092, %get3A_4, %broadcast_in_dim3A_2094 : vector<128x256xi1>, vector<128x256xi32>
    %reduce_min3A_2096 = arith.constant dense<2147483647> : vector<128xi32>
    %reduce_min3A_2097 = vector.multi_reduction <minsi>, %select_n3A_2095, %reduce_min3A_2096 [1] : vector<128x256xi32> to vector<128xi32>
    %broadcast_in_dim3A_2098 = vector.shape_cast %reduce_min3A_2097 : vector<128xi32> to vector<128x1xi32>
    %swap3A_2099 = arith.constant 0 : index
    %swap3A_2100 = arith.constant 95 : index
    %swap3A_2101 = vector.load %arg3[%swap3A_2099, %swap3A_2100] : memref<128x100xf32, #tpu.memory_space<vmem>>, vector<128x1xf32>
    tpu.vector_store %arg3[%swap3A_2099, %swap3A_2100], %broadcast_in_dim3A_2090 {strides = array<i32>} : memref<128x100xf32, #tpu.memory_space<vmem>>, vector<128x1xf32>,
    %swap3A_2102 = arith.constant 0 : index
    %swap3A_2103 = arith.constant 95 : index
    %swap3A_2104 = vector.load %arg4[%swap3A_2102, %swap3A_2103] : memref<128x100xi32, #tpu.memory_space<vmem>>, vector<128x1xi32>
    tpu.vector_store %arg4[%swap3A_2102, %swap3A_2103], %broadcast_in_dim3A_2098 {strides = array<i32>} : memref<128x100xi32, #tpu.memory_space<vmem>>, vector<128x1xi32>,
    %eq3A_2105 = vector.broadcast %broadcast_in_dim3A_2098 : vector<128x1xi32> to vector<128x256xi32>
    %eq3A_2106 = arith.cmpi eq, %get3A_4, %eq3A_2105 : vector<128x256xi32>
    %jit3A_2107 = arith.constant -3.400000e+38 : f32
    %broadcast_in_dim3A_2108 = vector.broadcast %jit3A_2107 : f32 to vector<128x256xf32>
    %select_n3A_2109 = arith.select %eq3A_2106, %broadcast_in_dim3A_2108, %select_n3A_2087 : vector<128x256xi1>, vector<128x256xf32>
    %reduce_max3A_2110 = arith.constant dense<0xFF800000> : vector<128xf32>
    %reduce_max3A_2111 = vector.multi_reduction <maximumf>, %select_n3A_2109, %reduce_max3A_2110 [1] : vector<128x256xf32> to vector<128xf32>
    %broadcast_in_dim3A_2112 = vector.shape_cast %reduce_max3A_2111 : vector<128xf32> to vector<128x1xf32>
    %eq3A_2113 = vector.broadcast %broadcast_in_dim3A_2112 : vector<128x1xf32> to vector<128x256xf32>
    %eq3A_2114 = arith.cmpf oeq, %select_n3A_2109, %eq3A_2113 : vector<128x256xf32>
    %jit3A_2115 = arith.constant 1073741823 : i32
    %broadcast_in_dim3A_2116 = vector.broadcast %jit3A_2115 : i32 to vector<128x256xi32>
    %select_n3A_2117 = arith.select %eq3A_2114, %get3A_4, %broadcast_in_dim3A_2116 : vector<128x256xi1>, vector<128x256xi32>
    %reduce_min3A_2118 = arith.constant dense<2147483647> : vector<128xi32>
    %reduce_min3A_2119 = vector.multi_reduction <minsi>, %select_n3A_2117, %reduce_min3A_2118 [1] : vector<128x256xi32> to vector<128xi32>
    %broadcast_in_dim3A_2120 = vector.shape_cast %reduce_min3A_2119 : vector<128xi32> to vector<128x1xi32>
    %swap3A_2121 = arith.constant 0 : index
    %swap3A_2122 = arith.constant 96 : index
    %swap3A_2123 = vector.load %arg3[%swap3A_2121, %swap3A_2122] : memref<128x100xf32, #tpu.memory_space<vmem>>, vector<128x1xf32>
    tpu.vector_store %arg3[%swap3A_2121, %swap3A_2122], %broadcast_in_dim3A_2112 {strides = array<i32>} : memref<128x100xf32, #tpu.memory_space<vmem>>, vector<128x1xf32>,
    %swap3A_2124 = arith.constant 0 : index
    %swap3A_2125 = arith.constant 96 : index
    %swap3A_2126 = vector.load %arg4[%swap3A_2124, %swap3A_2125] : memref<128x100xi32, #tpu.memory_space<vmem>>, vector<128x1xi32>
    tpu.vector_store %arg4[%swap3A_2124, %swap3A_2125], %broadcast_in_dim3A_2120 {strides = array<i32>} : memref<128x100xi32, #tpu.memory_space<vmem>>, vector<128x1xi32>,
    %eq3A_2127 = vector.broadcast %broadcast_in_dim3A_2120 : vector<128x1xi32> to vector<128x256xi32>
    %eq3A_2128 = arith.cmpi eq, %get3A_4, %eq3A_2127 : vector<128x256xi32>
    %jit3A_2129 = arith.constant -3.400000e+38 : f32
    %broadcast_in_dim3A_2130 = vector.broadcast %jit3A_2129 : f32 to vector<128x256xf32>
    %select_n3A_2131 = arith.select %eq3A_2128, %broadcast_in_dim3A_2130, %select_n3A_2109 : vector<128x256xi1>, vector<128x256xf32>
    %reduce_max3A_2132 = arith.constant dense<0xFF800000> : vector<128xf32>
    %reduce_max3A_2133 = vector.multi_reduction <maximumf>, %select_n3A_2131, %reduce_max3A_2132 [1] : vector<128x256xf32> to vector<128xf32>
    %broadcast_in_dim3A_2134 = vector.shape_cast %reduce_max3A_2133 : vector<128xf32> to vector<128x1xf32>
    %eq3A_2135 = vector.broadcast %broadcast_in_dim3A_2134 : vector<128x1xf32> to vector<128x256xf32>
    %eq3A_2136 = arith.cmpf oeq, %select_n3A_2131, %eq3A_2135 : vector<128x256xf32>
    %jit3A_2137 = arith.constant 1073741823 : i32
    %broadcast_in_dim3A_2138 = vector.broadcast %jit3A_2137 : i32 to vector<128x256xi32>
    %select_n3A_2139 = arith.select %eq3A_2136, %get3A_4, %broadcast_in_dim3A_2138 : vector<128x256xi1>, vector<128x256xi32>
    %reduce_min3A_2140 = arith.constant dense<2147483647> : vector<128xi32>
    %reduce_min3A_2141 = vector.multi_reduction <minsi>, %select_n3A_2139, %reduce_min3A_2140 [1] : vector<128x256xi32> to vector<128xi32>
    %broadcast_in_dim3A_2142 = vector.shape_cast %reduce_min3A_2141 : vector<128xi32> to vector<128x1xi32>
    %swap3A_2143 = arith.constant 0 : index
    %swap3A_2144 = arith.constant 97 : index
    %swap3A_2145 = vector.load %arg3[%swap3A_2143, %swap3A_2144] : memref<128x100xf32, #tpu.memory_space<vmem>>, vector<128x1xf32>
    tpu.vector_store %arg3[%swap3A_2143, %swap3A_2144], %broadcast_in_dim3A_2134 {strides = array<i32>} : memref<128x100xf32, #tpu.memory_space<vmem>>, vector<128x1xf32>,
    %swap3A_2146 = arith.constant 0 : index
    %swap3A_2147 = arith.constant 97 : index
    %swap3A_2148 = vector.load %arg4[%swap3A_2146, %swap3A_2147] : memref<128x100xi32, #tpu.memory_space<vmem>>, vector<128x1xi32>
    tpu.vector_store %arg4[%swap3A_2146, %swap3A_2147], %broadcast_in_dim3A_2142 {strides = array<i32>} : memref<128x100xi32, #tpu.memory_space<vmem>>, vector<128x1xi32>,
    %eq3A_2149 = vector.broadcast %broadcast_in_dim3A_2142 : vector<128x1xi32> to vector<128x256xi32>
    %eq3A_2150 = arith.cmpi eq, %get3A_4, %eq3A_2149 : vector<128x256xi32>
    %jit3A_2151 = arith.constant -3.400000e+38 : f32
    %broadcast_in_dim3A_2152 = vector.broadcast %jit3A_2151 : f32 to vector<128x256xf32>
    %select_n3A_2153 = arith.select %eq3A_2150, %broadcast_in_dim3A_2152, %select_n3A_2131 : vector<128x256xi1>, vector<128x256xf32>
    %reduce_max3A_2154 = arith.constant dense<0xFF800000> : vector<128xf32>
    %reduce_max3A_2155 = vector.multi_reduction <maximumf>, %select_n3A_2153, %reduce_max3A_2154 [1] : vector<128x256xf32> to vector<128xf32>
    %broadcast_in_dim3A_2156 = vector.shape_cast %reduce_max3A_2155 : vector<128xf32> to vector<128x1xf32>
    %eq3A_2157 = vector.broadcast %broadcast_in_dim3A_2156 : vector<128x1xf32> to vector<128x256xf32>
    %eq3A_2158 = arith.cmpf oeq, %select_n3A_2153, %eq3A_2157 : vector<128x256xf32>
    %jit3A_2159 = arith.constant 1073741823 : i32
    %broadcast_in_dim3A_2160 = vector.broadcast %jit3A_2159 : i32 to vector<128x256xi32>
    %select_n3A_2161 = arith.select %eq3A_2158, %get3A_4, %broadcast_in_dim3A_2160 : vector<128x256xi1>, vector<128x256xi32>
    %reduce_min3A_2162 = arith.constant dense<2147483647> : vector<128xi32>
    %reduce_min3A_2163 = vector.multi_reduction <minsi>, %select_n3A_2161, %reduce_min3A_2162 [1] : vector<128x256xi32> to vector<128xi32>
    %broadcast_in_dim3A_2164 = vector.shape_cast %reduce_min3A_2163 : vector<128xi32> to vector<128x1xi32>
    %swap3A_2165 = arith.constant 0 : index
    %swap3A_2166 = arith.constant 98 : index
    %swap3A_2167 = vector.load %arg3[%swap3A_2165, %swap3A_2166] : memref<128x100xf32, #tpu.memory_space<vmem>>, vector<128x1xf32>
    tpu.vector_store %arg3[%swap3A_2165, %swap3A_2166], %broadcast_in_dim3A_2156 {strides = array<i32>} : memref<128x100xf32, #tpu.memory_space<vmem>>, vector<128x1xf32>,
    %swap3A_2168 = arith.constant 0 : index
    %swap3A_2169 = arith.constant 98 : index
    %swap3A_2170 = vector.load %arg4[%swap3A_2168, %swap3A_2169] : memref<128x100xi32, #tpu.memory_space<vmem>>, vector<128x1xi32>
    tpu.vector_store %arg4[%swap3A_2168, %swap3A_2169], %broadcast_in_dim3A_2164 {strides = array<i32>} : memref<128x100xi32, #tpu.memory_space<vmem>>, vector<128x1xi32>,
    %eq3A_2171 = vector.broadcast %broadcast_in_dim3A_2164 : vector<128x1xi32> to vector<128x256xi32>
    %eq3A_2172 = arith.cmpi eq, %get3A_4, %eq3A_2171 : vector<128x256xi32>
    %jit3A_2173 = arith.constant -3.400000e+38 : f32
    %broadcast_in_dim3A_2174 = vector.broadcast %jit3A_2173 : f32 to vector<128x256xf32>
    %select_n3A_2175 = arith.select %eq3A_2172, %broadcast_in_dim3A_2174, %select_n3A_2153 : vector<128x256xi1>, vector<128x256xf32>
    %reduce_max3A_2176 = arith.constant dense<0xFF800000> : vector<128xf32>
    %reduce_max3A_2177 = vector.multi_reduction <maximumf>, %select_n3A_2175, %reduce_max3A_2176 [1] : vector<128x256xf32> to vector<128xf32>
    %broadcast_in_dim3A_2178 = vector.shape_cast %reduce_max3A_2177 : vector<128xf32> to vector<128x1xf32>
    %eq3A_2179 = vector.broadcast %broadcast_in_dim3A_2178 : vector<128x1xf32> to vector<128x256xf32>
    %eq3A_2180 = arith.cmpf oeq, %select_n3A_2175, %eq3A_2179 : vector<128x256xf32>
    %jit3A_2181 = arith.constant 1073741823 : i32
    %broadcast_in_dim3A_2182 = vector.broadcast %jit3A_2181 : i32 to vector<128x256xi32>
    %select_n3A_2183 = arith.select %eq3A_2180, %get3A_4, %broadcast_in_dim3A_2182 : vector<128x256xi1>, vector<128x256xi32>
    %reduce_min3A_2184 = arith.constant dense<2147483647> : vector<128xi32>
    %reduce_min3A_2185 = vector.multi_reduction <minsi>, %select_n3A_2183, %reduce_min3A_2184 [1] : vector<128x256xi32> to vector<128xi32>
    %broadcast_in_dim3A_2186 = vector.shape_cast %reduce_min3A_2185 : vector<128xi32> to vector<128x1xi32>
    %swap3A_2187 = arith.constant 0 : index
    %swap3A_2188 = arith.constant 99 : index
    %swap3A_2189 = vector.load %arg3[%swap3A_2187, %swap3A_2188] : memref<128x100xf32, #tpu.memory_space<vmem>>, vector<128x1xf32>
    tpu.vector_store %arg3[%swap3A_2187, %swap3A_2188], %broadcast_in_dim3A_2178 {strides = array<i32>} : memref<128x100xf32, #tpu.memory_space<vmem>>, vector<128x1xf32>,
    %swap3A_2190 = arith.constant 0 : index
    %swap3A_2191 = arith.constant 99 : index
    %swap3A_2192 = vector.load %arg4[%swap3A_2190, %swap3A_2191] : memref<128x100xi32, #tpu.memory_space<vmem>>, vector<128x1xi32>
    tpu.vector_store %arg4[%swap3A_2190, %swap3A_2191], %broadcast_in_dim3A_2186 {strides = array<i32>} : memref<128x100xi32, #tpu.memory_space<vmem>>, vector<128x1xi32>,
    return
  }
  func.func @transform_0(%arg0: i32) -> (i32, i32) {
    %c0_i32 = arith.constant 0 : i32
    %c0_i32_0 = arith.constant 0 : i32
    return %arg0, %c0_i32 : i32, i32
  }
  func.func @transform_1(%arg0: i32) -> (i32, i32) {
    %c0_i32 = arith.constant 0 : i32
    %c0_i32_0 = arith.constant 0 : i32
    return %arg0, %c0_i32 : i32, i32
  }
  func.func @transform_2(%arg0: i32) -> (i32, i32) {
    %c0_i32 = arith.constant 0 : i32
    %c0_i32_0 = arith.constant 0 : i32
    return %arg0, %c0_i32 : i32, i32
  }
  func.func @transform_3(%arg0: i32) -> (i32, i32) {
    %c0_i32 = arith.constant 0 : i32
    %c0_i32_0 = arith.constant 0 : i32
    return %arg0, %c0_i32 : i32, i32
  }
}

</mosaic_0001>

<sc_bundles>
// kernel: _pipeline.6.cloned.1.call-start
scs
__scs_entry_jumppad:
0x0: {  	(pc) =	sbr.rel $0x88, $3  }
0x1: {  	(tag) =	ssettag $0x0;
	lr =	simm.s32 $0x1  }
0x2: {  	[smem:$0x3F9F] =	sst lr;
	_ =	strace $0xD0000000  }
0x3: {  	_ = 	snop  }
0x4: {  	_ = 	snop  }
0x5: {  	_ = 	snop  }
0x6: {  	_ = 	snop  }
0x7: {  	_ = 	snop  }
__scs_overlays_trampoline_lowered:
0x8: {  	[smem:$0x3FAE] =	sst s0  }
0x9: {  	[smem:$0x3FAF] =	sst s1  }
0xa: {  	[smem:$0x3FB0] =	sst s2  }
0xb: {  	[smem:$0x3FB1] =	sst s3  }
0xc: {  	[smem:$0x3FB2] =	sst s4  }
0xd: {  	[smem:$0x3FB3] =	sst s5  }
0xe: {  	[smem:$0x3FB4] =	sst s6  }
0xf: {  	[smem:$0x3FB5] =	sst s7  }
0x10: {  	[smem:$0x3FB6] =	sst s8  }
0x11: {  	[smem:$0x3FB7] =	sst s9;
	s0 =	simm.s32 @!p0 $0x0  }
0x12: {  	s1 =	sld [smem:$0x3F9D];
	s0 =	simm.s32 @p0 $0x1  }
0x13: {  	[smem:$0x3FB8] =	sst s0;
	s0 =	simm.s32 @!p1 $0x0  }
0x14: {  	s2 =	sld [smem:$0x3F9C];
	s0 =	simm.s32 @p1 $0x1  }
0x15: {  	[smem:$0x3FB9] =	sst s0;
	s0 =	simm.s32 @!p2 $0x0  }
0x16: {  	s3 =	sld [smem:$0x3FDB];
	s0 =	simm.s32 @p2 $0x1  }
0x17: {  	s4 =	simm.s32 $0x1BF5;
	[smem:$0x3FBB] =	sst s0  }
0x18: {  	s0 =	sld [smem:$0x3F9E];
	_ =	swait.ge [sflag:s4], $0x0  }
0x19: {  	s7 =	sld [smem:$0x3F9F]  }
0x1a: {  	s8 =	sadd.s32 $0xFFFFE003, lr  }
0x1b: {  	s9 =	sadd.s32 $0xFFFFFEF7, lr;
	s5 =	simm.s32 $0xFFFFFFFF;
	p2 =	slt.u32 s8, $0xFFFFF086  }
0x1c: {  	p1 =	slt.u32 s9, $0xF7A;
	s5 =	simm.s32 @!p2 $0x0  }
0x1d: {  	s5 =	simm.s32 @p1 $0x1;
	p0 =	seq.s32 s7, s2  }
0x1e: {  	s7 =	smul.u32 @!p0 $0xF7A, s2;
	p2 =	seq.s32 @!p0 s5, $0x0  }
0x1f: {  	s9 =	smul.u32 $0xF7A, s1;
	s8 =	simm.s32 @!p0 $0x1BF5;
	p2 =	por !p2, p0  }
0x20: {  	[sflag:s8] =	ssyncset.s32 @!p0 $0xFFFFF086;
	s6 =	sadd.s32 @!p0 s3, s7;
	s7 =	simm.s32 @!p0 $0x108  }
0x21: {  	s3 =	sadd.s32 s3, s9;
	s6 =	sadd.s32 @!p0 $0x88, s6;
	s7 =	simm.s32 @p2 $0x1082  }
0x22: {  	[simem:s7], [sflag:s8] =	dma.local @!p0 [hbm:s6], $0xF7A  }
0x23: {  	s9 =	sor.u32 $0xD0000000, s2;
	s6 =	simm.s32 $0x108;
	_ =	swait.ge @!p0 [sflag:s8], $0x0  }
0x24: {  	s3 =	sadd.s32 $0x88, s3;
	s6 =	simm.s32 @!p1 $0x1082;
	[sflag:s4] =	ssyncset.s32 $0xFFFFF086  }
0x25: {  	[simem:s6], [sflag:s4] =	dma.local [hbm:s3], $0xF7A  }
0x26: {  	[smem:$0x3F9F] =	sst s1;
	(tag) =	ssettag s2;
	_ =	strace s9  }
0x27: {  	s1 =	sld [smem:$0x3FAF]  }
0x28: {  	s2 =	sld [smem:$0x3FB0]  }
0x29: {  	s4 =	sld [smem:$0x3FB2]  }
0x2a: {  	p0 =	seq.s32 s5, $0x0;
	s5 =	sld [smem:$0x3FB3]  }
0x2b: {  	s6 =	sld [smem:$0x3FB4]  }
0x2c: {  	s7 =	sld [smem:$0x3FB5]  }
0x2d: {  	s3 =	simm.s32 $0x108;
	s8 =	sld [smem:$0x3FB6]  }
0x2e: {  	s3 =	simm.s32 @!p0 $0x1082;
	s9 =	sld [smem:$0x3FB7]  }
0x2f: {  	lr =	sadd.s32 s0, s3;
	s0 =	sld [smem:$0x3FAE]  }
0x30: {  	s3 =	sld [smem:$0x3FB1]  }
0x31: {  	[smem:$0x3FBA] =	sst s10  }
0x32: {  	s10 =	sld [smem:$0x3FB8];
	_ =	sdelay $0x3  }
0x33: {  	p0 =	seq.s32 s10, $0x1;
	s10 =	sld [smem:$0x3FBA];
	_ =	sdelay $0x3  }
0x34: {  	[smem:$0x3FBA] =	sst s10  }
0x35: {  	s10 =	sld [smem:$0x3FB9];
	_ =	sdelay $0x3  }
0x36: {  	p1 =	seq.s32 s10, $0x1;
	s10 =	sld [smem:$0x3FBA];
	_ =	sdelay $0x3  }
0x37: {  	[smem:$0x3FBA] =	sst s10  }
0x38: {  	s10 =	sld [smem:$0x3FBB]  }
0x39: {  	_ = 	snop;
	(pc) =	sbr.ind lr, $3  }
0x3a: {  	_ = 	snop  }
0x3b: {  	_ = 	snop  }
0x3c: {  	p2 =	seq.s32 s10, $0x1;
	s10 =	sld [smem:$0x3FBA]  }
0x3d: {  	_ =	shalt  }
0x3e: {  	_ =	shalt  }
0x3f: {  	_ =	shalt  }
0x40: {  	_ =	shalt  }
0x41: {  	_ =	shalt  }
0x42: {  	_ =	shalt  }
0x43: {  	_ =	shalt  }
0x44: {  	_ =	shalt  }
0x45: {  	_ =	shalt  }
0x46: {  	_ =	shalt  }
0x47: {  	_ =	shalt  }
0x48: {  	_ =	shalt  }
0x49: {  	_ =	shalt  }
0x4a: {  	_ =	shalt  }
0x4b: {  	_ =	shalt  }
0x4c: {  	_ =	shalt  }
0x4d: {  	_ =	shalt  }
0x4e: {  	_ =	shalt  }
0x4f: {  	_ =	shalt  }
0x50: {  	_ =	shalt  }
0x51: {  	_ =	shalt  }
0x52: {  	_ =	shalt  }
0x53: {  	_ =	shalt  }
0x54: {  	_ =	shalt  }
0x55: {  	_ =	shalt  }
0x56: {  	_ =	shalt  }
0x57: {  	_ =	shalt  }
0x58: {  	_ =	shalt  }
0x59: {  	_ =	shalt  }
0x5a: {  	_ =	shalt  }
0x5b: {  	_ =	shalt  }
0x5c: {  	_ =	shalt  }
0x5d: {  	_ =	shalt  }
0x5e: {  	_ =	shalt  }
0x5f: {  	_ =	shalt  }
0x60: {  	_ =	shalt  }
0x61: {  	_ =	shalt  }
0x62: {  	_ =	shalt  }
0x63: {  	_ =	shalt  }
0x64: {  	_ =	shalt  }
0x65: {  	_ =	shalt  }
0x66: {  	_ =	shalt  }
0x67: {  	_ =	shalt  }
0x68: {  	_ =	shalt  }
0x69: {  	_ =	shalt  }
0x6a: {  	_ =	shalt  }
0x6b: {  	_ =	shalt  }
0x6c: {  	_ =	shalt  }
0x6d: {  	_ =	shalt  }
0x6e: {  	_ =	shalt  }
0x6f: {  	_ =	shalt  }
0x70: {  	_ =	shalt  }
0x71: {  	_ =	shalt  }
0x72: {  	_ =	shalt  }
0x73: {  	_ =	shalt  }
0x74: {  	_ =	shalt  }
0x75: {  	_ =	shalt  }
0x76: {  	_ =	shalt  }
0x77: {  	_ =	shalt  }
0x78: {  	_ =	shalt  }
0x79: {  	_ =	shalt  }
0x7a: {  	_ =	shalt  }
0x7b: {  	_ =	shalt  }
0x7c: {  	_ =	shalt  }
0x7d: {  	_ =	shalt  }
0x7e: {  	_ =	shalt  }
0x7f: {  	_ =	shalt  }
0x80: {  	_ =	shalt  }
0x81: {  	_ =	shalt  }
0x82: {  	_ =	shalt  }
0x83: {  	_ =	shalt  }
0x84: {  	_ =	shalt  }
0x85: {  	_ =	shalt  }
0x86: {  	_ =	shalt  }
0x87: {  	_ =	shalt  }
.Lfunc_end0:
.L_simem_size_0:
called_computation_lowered:
.L_overlay_start_0:
0x88: {  	s2 =	sld [smem:$0x3FD9]  }
0x89: {  	s3 =	sld [smem:$0x3FFE];
	_ =	sdelay $0x1  }
0x8a: {  	s1 =	srdreg.scid  }
0x8b: {  	s0 =	sand.u32 $0x1, s1  }
0x8c: {  	s14 =	sshll.u32 s0, $0xA;
	s2 =	sadd.s32 s3, s2  }
0x8d: {  	s2 =	sadd.s32 s2, s14  }
0x8e: {  	[smem:$0x3FC6] =	sst s2  }
0x8f: {  	_ = 	snop  }
0x90: {  	s2 =	sld [smem:$0x3FD0];
	_ =	sdelay $0x2  }
0x91: {  	s15 =	simm.s32 $0xA;
	s4 =	simm.s32 $0x10  }
0x92: {  	[smem:s4], [sflag:s15] =	dma.local [hbm:s2], $0x1  }
0x93: {  	_ =	swait.eq [sflag:s15], $0x1  }
0x94: {  	[sflag:s15] =	ssyncset.done $0x0  }
0x95: {  	[sflag:s15] =	ssyncadd.s32 $0xFFFFFFFF  }
0x96: {  	s16 =	sld [smem:$0x11];
	(tm) =	ssettm $0x1  }
0x97: {  	s17 =	sld [smem:$0x3FFB];
	_ =	sdelay $0x3  }
0x98: {  	_ =	strace s17  }
0x99: {  	s3 =	sld [smem:$0x3FFC];
	_ =	sdelay $0x3  }
0x9a: {  	_ =	strace s3  }
0x9b: {  	s3 =	sld [smem:$0x3FFD];
	_ =	sdelay $0x3  }
0x9c: {  	_ =	strace s3  }
0x9d: {  	_ =	strace $0x8FFFFFFF  }
0x9e: {  	s18 =	sld [smem:$0x3FDB];
	_ =	sdelay $0x1  }
0x9f: {  	s19 =	simm.s32 $_scs_section_size  }
0xa0: {  	s5 =	simm.s32 $_size__tile_overlayer_lowered;
	s6 =	simm.s32 $_tile_overlayer_lowered  }
0xa1: {  	s22 =	simm.s32 $0x1BFF;
	s21 =	sshll.u32 s6, $0x1;
	s3 =	sadd.s32 s19, s18  }
0xa2: {  	s7 =	simm.s32 $0x0;
	s20 =	sshll.u32 s5, $0x1;
	s5 =	sadd.s32 s21, s3  }
0xa3: {  	[timem:s7], [sflag:s22] =	dma.local [hbm:s5], s20  }
0xa4: {  	_ =	swait.ge [sflag:s22], s20  }
0xa5: {  	s4 =	ssub.s32 $0x0, s20;
	[sflag:s22] =	ssyncset.done $0x0  }
0xa6: {  	[sflag:s22] =	ssyncadd.s32 s4;
	_ =	sdelay $0x1  }
0xa7: {  	s23 =	simm.s32 $0x1B8B  }
0xa8: {  	_ =	swait.ge [sflag:s23], $0x1  }
0xa9: {  	[sflag:s23] =	ssyncset.done $0x0  }
0xaa: {  	s25 =	simm.s32 $0x1B8E;
	s24 =	sld [smem:$0x3FFE];
	[sflag:s23] =	ssyncadd.s32 $0xFFFFFFFF  }
0xab: {  	s26 =	simm.s32 $execute0_lowered;
	[smem:$0x3FD2] =	sst s25  }
0xac: {  	s5 =	sshll.u32 s26, $0x1;
	_ =	strace $0x80000046;
	[dreg:$0x1] =	wrdreg $0xFFFFFFFF  }
0xad: {  	s28 =	simm.s32 $_size_execute0_lowered;
	s3 =	sadd.s32 s3, s5;
	[dreg:$0x0] =	wrdreg $0x0  }
0xae: {  	s5 =	sshll.u32 s28, $0x1;
	[dreg:$0x2] =	wrdreg s3  }
0xaf: {  	[dreg:$0x3] =	wrdreg s5  }
0xb0: {  	[dreg:$0x4] =	wrdreg $0xC0  }
0xb1: {  	_ =	task [dreg:s7], $0x5FFFF  }
0xb2: {  	[dreg:$0x1] =	wrdreg $0xFFFFFFFF  }
0xb3: {  	[dreg:$0x0] =	wrdreg $0x60  }
0xb4: {  	[dreg:$0x2] =	wrdreg s24  }
0xb5: {  	[dreg:$0x3] =	wrdreg s16  }
0xb6: {  	[dreg:$0x4] =	wrdreg $0x9  }
0xb7: {  	_ =	task.clear_ibuf [dreg:s7], $0x5FFFF;
	_ =	strace $0x90000046  }
0xb8: {  	s29 =	simm.s32 $0x9;
	_ =	strace $0x80000048  }
0xb9: {  	_ =	swait.ge [sflag:s29], $0x1  }
0xba: {  	[sflag:s29] =	ssyncadd.s32 $0xFFFFFFFF  }
0xbb: {  	_ =	strace $0x90000048  }
0xbc: {  	_ =	sfence  }
0xbd: {  	s30 =	sld [smem:$0x0];
	_ =	sdelay $0x2  }
0xbe: {  	s31 =	sshll.u32 s1, $0xD;
	s1 =	sshrl.u32 s1, $0x2  }
0xbf: {  	s3 =	sand.u32 $0x4000, s31;
	s1 =	sadd.s32 s1, s30  }
0xc0: {  	s0 =	sor.u32 s3, s0;
	s1 =	sshll.u32 s1, $0x11  }
0xc1: {  	s0 =	sor.u32 s1, s0  }
0xc2: {  	s0 =	sadd.s32 $0x8F2B, s0  }
0xc3: {  	[sflag:s0] =	ssyncadd.remote.s32 $0x1  }
0xc4: {  	_ =	sfence.sel $0xFFFF  }
0xc5: {  	[dreg:$0x0] =	wrdreg $0xFFFFFFFF;
	(pc) =	sbr.abs _section_cstart, $3  }
0xc6: {  	[dreg:$0x1] =	wrdreg $0xFFFFFFFF  }
0xc7: {  	_ =	task.clear_ibuf [dreg:s7], $0x2FFFF;
	_ =	strace $0x9FFFFFFF  }
0xc8: {  	(tm) =	ssettm $0x7FFFFFFF  }
0xc9: {  	_ =	shalt  }
tec
execute0_lowered:
.L_overlay_start_1:
0x0: {  	(tag) =	ssettag $0x1  }
0x1: {  	s1 =	srdreg.scid  }
0x2: {  	s0 =	stileid.u32;
	s7 =	rddreg [dreg:$0x0];
	s11 =	simm.s32 $0x2  }
0x3: {  	s12 =	simm.s32 $0x80;
	s13 =	simm.s32 $0x7600;
	s14 =	simm.s32 $0x7780  }
0x4: {  	s15 =	simm.s32 $0x1;
	s16 =	simm.s32 $0x400;
	s1 =	sand.u32 $0x1, s1  }
0x5: {  	s17 =	simm.s32 $0xF780;
	s3 =	sshll.u32 s0, $0x6;
	s4 =	sshll.u32 s1, $0x5  }
0x6: {  	s18 =	simm.s32 $0xF900;
	s19 =	simm.s32 $0x0;
	s3 =	sor.u32 s4, s3  }
.Ltmp0:
0x7: {  	s1 =	ssub.s32 $0x2, s1;
	s5 =	sshrl.u32 s3, $0x3;
	(pc) =	sbr.rel .LBB2_1-.Ltmp0, $4  }
0x8: {  	s4 =	simm.s32 $0x0;
	s9 =	sshrl.u32 s1, $0x1;
	s5 =	smul.u32 $0x380, s5  }
0x9: {  	s6 =	sadd.s32 $0x1CE00, s7;
	[smem:$0x7FF] =	sst s4;
	s1 =	ssub.s32 s1, s9  }
0xa: {  	v0 =	vlaneseq.u32;
	v1 =	vimm.f32 $-3.399999950e+38;
	_ =	strace $0x80000047;
	s9 =	smax.u32 s1, $0x1;
	s8 =	sadd.s32 s5, s7  }
0xb: {  	v2 =	vimm.s32 $0x3FFFFFFF;
	vm0 =	vmxor vm0, vm0;
	v3 =	vimm.s32 $0x0;
	s5 =	sadd.s32 $0x24A5E00, s7;
	s7 =	sadd.s32 $0x24E00, s7;
	s8 =	sadd.s32 $0xE00, s8  }
.LBB2_13:
0xc: {  	s19 =	sadd.s32 $0x1, s19  }
0xd: {  	p0 =	sne.s32 s19, s9  }
.Ltmp1:
0xe: {  	_ = 	snop;
	(pc) =	sbr.rel @!p0 .LBB2_14-.Ltmp1, $1  }
0xf: {  	_ =	sdelay $0x3  }
.LBB2_1:
0x10: {  	s0 =	rddreg [dreg:$0x1];
	s1 =	simm.s32 $0x7000  }
0x11: {  	[tilespmem:s1], [sflag:$0x2] =	stream.linear.gather [hbm4b:s0+s4], $0x400, $0x38;
	[tilespmem:$0xFA80] =	vst v63  }
0x12: {  	_ =	swait.ge [sflag:s11], $0x400  }
0x13: {  	[sflag:s11] =	ssyncset.done $0x0  }
.Ltmp2:
0x14: {  	[sflag:s11] =	ssyncadd.s32 $0xFFFFFC00;
	(pc) =	sbr.rel .LBB2_2-.Ltmp2, $4  }
0x15: {  	[tilespmem:s4], [sflag:$0x2] =	stream.linear.gather [hbm4b:s8+s4], $0x7000, $0x38;
	[tilespmem:$0xFA80] =	vst v63  }
0x16: {  	_ =	swait.ge [sflag:s11], $0x7000  }
0x17: {  	[sflag:s11] =	ssyncset.done $0x0  }
0x18: {  	s20 =	simm.s32 $0x0;
	[sflag:s11] =	ssyncadd.s32 $0xFFFF9000  }
.LBB2_8:
0x19: {  	_ = 	snop  }
.LBB2_11:
0x1a: {  	s0 =	sadd.s32 @p0 s1, s26  }
0x1b: {  	s23 =	smov.u32 @p0 s0  }
0x1c: {  	vm1 =	vmmov vm0;
	p0 =	slt.s32 s23, $0x100  }
0x1d: {  	vm2 =	vge.f32 v5, v4;
	vm1 =	vmneg @p0 vm1  }
0x1e: {  	vm1 =	vmand vm1, vm2  }
0x1f: {  	v6 =	vsel vm1, $0x1, v3  }
0x20: {  	(xrf0) =	vadd.scan.msk.s32 $0xffff, v6;
	_ =	sdelay $0x5  }
0x21: {  	v6, _, _ =	vpop (xrf0)  }
0x22: {  	(v2sf) =	vpush v6, $0xF;
	_ =	sdelay $0x8  }
0x23: {  	s24 =	spop (v2sf)  }
0x24: {  	s24 =	sshll.u32 s24, $0x7  }
0x25: {  	v51 =	vor.u32 s24, v0;
	[tilespmem:s23+$0xF780] =	vst.msk vm1, v5  }
0x26: {  	[tilespmem:s23+$0xF900] =	vst.msk vm1, v51  }
0x27: {  	v5 =	vld [tilespmem:s22+$0xFFFFFFD0];
	_ =	sdelay $0x1  }
0x28: {  	s25 =	spop (v2sf)  }
0x29: {  	s0 =	sadd.s32 s23, s25  }
0x2a: {  	vm1 =	vmmov vm0;
	p0 =	slt.s32 s0, $0x100  }
0x2b: {  	vm2 =	vge.f32 v5, v4;
	vm1 =	vmneg @p0 vm1  }
0x2c: {  	vm1 =	vmand vm2, vm1  }
0x2d: {  	v52 =	vsel vm1, $0x1, v3  }
0x2e: {  	(xrf0) =	vadd.scan.msk.s32 $0xffff, v52;
	_ =	sdelay $0x5  }
0x2f: {  	v6, _, _ =	vpop (xrf0)  }
0x30: {  	(v2sf) =	vpush v6, $0xF;
	_ =	sdelay $0x9  }
0x31: {  	s26 =	sor.u32 $0x10, s24  }
0x32: {  	v53 =	vor.u32 s26, v0;
	[tilespmem:s0+$0xF780] =	vst.msk vm1, v5  }
0x33: {  	[tilespmem:s0+$0xF900] =	vst.msk vm1, v53  }
0x34: {  	v5 =	vld [tilespmem:s22+$0xFFFFFFE0];
	_ =	sdelay $0x1  }
0x35: {  	s28 =	spop (v2sf)  }
0x36: {  	s0 =	sadd.s32 s0, s28  }
0x37: {  	vm1 =	vmmov vm0;
	p0 =	slt.s32 s0, $0x100  }
0x38: {  	vm2 =	vge.f32 v5, v4;
	vm1 =	vmneg @p0 vm1  }
0x39: {  	vm1 =	vmand vm2, vm1  }
0x3a: {  	v54 =	vsel vm1, $0x1, v3  }
0x3b: {  	(xrf0) =	vadd.scan.msk.s32 $0xffff, v54;
	_ =	sdelay $0x5  }
0x3c: {  	v6, _, _ =	vpop (xrf0)  }
0x3d: {  	(v2sf) =	vpush v6, $0xF;
	_ =	sdelay $0x9  }
0x3e: {  	s29 =	sor.u32 $0x20, s24  }
0x3f: {  	v55 =	vor.u32 s29, v0;
	[tilespmem:s0+$0xF780] =	vst.msk vm1, v5  }
0x40: {  	[tilespmem:s0+$0xF900] =	vst.msk vm1, v55  }
0x41: {  	v5 =	vld [tilespmem:s22+$0xFFFFFFF0];
	_ =	sdelay $0x1  }
0x42: {  	s30 =	spop (v2sf)  }
0x43: {  	s0 =	sadd.s32 s0, s30  }
0x44: {  	vm1 =	vmmov vm0;
	p0 =	slt.s32 s0, $0x100  }
0x45: {  	vm2 =	vge.f32 v5, v4;
	vm1 =	vmneg @p0 vm1  }
0x46: {  	vm1 =	vmand vm2, vm1  }
0x47: {  	v56 =	vsel vm1, $0x1, v3  }
0x48: {  	(xrf0) =	vadd.scan.msk.s32 $0xffff, v56;
	_ =	sdelay $0x5  }
0x49: {  	v6, _, _ =	vpop (xrf0)  }
0x4a: {  	(v2sf) =	vpush v6, $0xF;
	_ =	sdelay $0x9  }
0x4b: {  	s31 =	sor.u32 $0x30, s24  }
0x4c: {  	v57 =	vor.u32 s31, v0;
	[tilespmem:s0+$0xF780] =	vst.msk vm1, v5  }
0x4d: {  	[tilespmem:s0+$0xF900] =	vst.msk vm1, v57  }
0x4e: {  	v5 =	vld [tilespmem:s22+$0x0];
	_ =	sdelay $0x1  }
0x4f: {  	s2 =	spop (v2sf)  }
0x50: {  	s0 =	sadd.s32 s0, s2  }
0x51: {  	vm1 =	vmmov vm0;
	p0 =	slt.s32 s0, $0x100  }
0x52: {  	vm2 =	vge.f32 v5, v4;
	vm1 =	vmneg @p0 vm1  }
0x53: {  	vm1 =	vmand vm2, vm1  }
0x54: {  	v58 =	vsel vm1, $0x1, v3  }
0x55: {  	(xrf0) =	vadd.scan.msk.s32 $0xffff, v58;
	_ =	sdelay $0x5  }
0x56: {  	v6, _, _ =	vpop (xrf0)  }
0x57: {  	(v2sf) =	vpush v6, $0xF;
	_ =	sdelay $0x9  }
0x58: {  	s10 =	sor.u32 $0x40, s24  }
0x59: {  	v59 =	vor.u32 s10, v0;
	[tilespmem:s0+$0xF780] =	vst.msk vm1, v5  }
0x5a: {  	[tilespmem:s0+$0xF900] =	vst.msk vm1, v59  }
0x5b: {  	v5 =	vld [tilespmem:s22+$0x10];
	_ =	sdelay $0x1  }
0x5c: {  	s23 =	spop (v2sf)  }
0x5d: {  	s0 =	sadd.s32 s0, s23  }
0x5e: {  	vm1 =	vmmov vm0;
	p0 =	slt.s32 s0, $0x100  }
0x5f: {  	vm2 =	vge.f32 v5, v4;
	vm1 =	vmneg @p0 vm1  }
0x60: {  	vm1 =	vmand vm2, vm1  }
0x61: {  	v60 =	vsel vm1, $0x1, v3  }
0x62: {  	(xrf0) =	vadd.scan.msk.s32 $0xffff, v60;
	_ =	sdelay $0x5  }
0x63: {  	v6, _, _ =	vpop (xrf0)  }
0x64: {  	(v2sf) =	vpush v6, $0xF;
	_ =	sdelay $0x9  }
0x65: {  	s25 =	sor.u32 $0x50, s24  }
0x66: {  	v61 =	vor.u32 s25, v0;
	[tilespmem:s0+$0xF780] =	vst.msk vm1, v5  }
0x67: {  	[tilespmem:s0+$0xF900] =	vst.msk vm1, v61  }
0x68: {  	v5 =	vld [tilespmem:s22+$0x20];
	_ =	sdelay $0x1  }
0x69: {  	s26 =	spop (v2sf)  }
0x6a: {  	s0 =	sadd.s32 s0, s26  }
0x6b: {  	vm1 =	vmmov vm0;
	p0 =	slt.s32 s0, $0x100  }
0x6c: {  	vm2 =	vge.f32 v5, v4;
	vm1 =	vmneg @p0 vm1  }
0x6d: {  	vm1 =	vmand vm2, vm1  }
0x6e: {  	v62 =	vsel vm1, $0x1, v3  }
0x6f: {  	(xrf0) =	vadd.scan.msk.s32 $0xffff, v62;
	_ =	sdelay $0x5  }
0x70: {  	v6, _, _ =	vpop (xrf0)  }
0x71: {  	(v2sf) =	vpush v6, $0xF;
	_ =	sdelay $0x9  }
0x72: {  	s28 =	sor.u32 $0x60, s24  }
0x73: {  	v63 =	vor.u32 s28, v0;
	[tilespmem:s0+$0xF780] =	vst.msk vm1, v5  }
0x74: {  	[tilespmem:s0+$0xF900] =	vst.msk vm1, v63  }
0x75: {  	v5 =	vld [tilespmem:s22+$0x30];
	_ =	sdelay $0x1  }
0x76: {  	s29 =	spop (v2sf)  }
0x77: {  	s0 =	sadd.s32 s0, s29  }
0x78: {  	vm1 =	vmmov vm0;
	p0 =	slt.s32 s0, $0x100  }
0x79: {  	vm2 =	vge.f32 v5, v4;
	vm1 =	vmneg @p0 vm1  }
0x7a: {  	vm1 =	vmand vm2, vm1  }
0x7b: {  	v4 =	vsel vm1, $0x1, v3  }
0x7c: {  	(xrf0) =	vadd.scan.msk.s32 $0xffff, v4;
	_ =	sdelay $0x5  }
0x7d: {  	v4, _, _ =	vpop (xrf0)  }
0x7e: {  	(v2sf) =	vpush v4, $0xF;
	_ =	sdelay $0xc  }
0x7f: {  	s30 =	sor.u32 $0x70, s24  }
0x80: {  	[tilespmem:s0+$0xF780] =	vst.msk vm1, v5;
	v4 =	vor.u32 s30, v0  }
0x81: {  	[tilespmem:s0+$0xF900] =	vst.msk vm1, v4;
	s31 =	spop (v2sf)  }
.LBB2_12:
0x82: {  	s0 =	sshll.u32 s21, $0x5;
	s1 =	sshll.u32 s20, $0x4  }
0x83: {  	s0 =	sand.u32 $0x7F00, s0;
	s1 =	sand.u32 $0x70, s1  }
0x84: {  	s0 =	sor.u32 s1, s0  }
0x85: {  	s1 =	sadd.s32 s6, s0  }
0x86: {  	[hbm4b:s1+s12] =	stream.strided.scatter [tilespmem:s17], [sflag:$0x2], $0x100, s16, s12, $0x38;
	[tilespmem:$0xFA80] =	vst v63  }
0x87: {  	s20 =	sadd.s32 $0x1, s20;
	_ =	swait.ge [sflag:s11], $0x100  }
0x88: {  	p0 =	sne.s32 s20, $0x20;
	[sflag:s11] =	ssyncset.done $0x0  }
.Ltmp3:
0x89: {  	s0 =	sadd.s32 s7, s0;
	[sflag:s11] =	ssyncadd.s32 $0xFFFFFF00;
	(pc) =	sbr.rel @!p0 .LBB2_13-.Ltmp3, $4  }
0x8a: {  	[hbm4b:s0+s12] =	stream.strided.scatter [tilespmem:s18], [sflag:$0x2], $0x100, s16, s12, $0x38;
	[tilespmem:$0xFA80] =	vst v63  }
0x8b: {  	_ =	swait.ge [sflag:s11], $0x100  }
0x8c: {  	[sflag:s11] =	ssyncset.done $0x0  }
0x8d: {  	[sflag:s11] =	ssyncadd.s32 $0xFFFFFF00  }
.LBB2_2:
0x8e: {  	s24 =	simm.s32 $0x0  }
0x8f: {  	s21 =	sor.u32 s3, s20;
	s1 =	simm.s32 $0x7480;
	v5 =	vor.u32 s24, v0  }
0x90: {  	s22 =	simm.s32 $0xF780;
	v4 =	vld [tilespmem:s21+$0x7000];
	[tilespmem:s1+$0x0] =	vst v5  }
0x91: {  	s23 =	simm.s32 $0xF900;
	[tilespmem:s22+$0x0] =	vst v1  }
0x92: {  	s24 =	simm.s32 $0x10;
	[tilespmem:s23+$0x0] =	vst v2  }
.LBB2_3:
0x93: {  	p0 =	seq.s32 s24, $0x110  }
.Ltmp4:
0x94: {  	_ = 	snop;
	(pc) =	sbr.rel @!p0 .LBB2_3-.Ltmp4, $4  }
0x95: {  	v5 =	vor.u32 s24, v0;
	s1 =	sadd.s32 $0x10, s1  }
0x96: {  	s22 =	sadd.s32 $0x10, s22;
	[tilespmem:s1+$0x0] =	vst v5  }
0x97: {  	s23 =	sadd.s32 $0x10, s23;
	[tilespmem:s22+$0x0] =	vst v1  }
0x98: {  	s24 =	sadd.s32 $0x10, s24;
	[tilespmem:s23+$0x0] =	vst v2  }
0x99: {  	s1 =	sshrl.u32 s20, $0x3  }
0x9a: {  	s1 =	smul.u32 $0x7000, s1  }
0x9b: {  	s22 =	sshll.u32 s20, $0x7  }
0x9c: {  	s22 =	sand.u32 $0x380, s22;
	s1 =	sshra.s32 s1, $0x2  }
0x9d: {  	s22 =	sor.u32 s22, s1;
	s1 =	simm.s32 $0x0  }
0x9e: {  	s23 =	sand.u32 $0x1C00, s1  }
0x9f: {  	s24 =	sand.u32 $0x70, s1;
	s23 =	sadd.s32 s23, s22  }
0xa0: {  	s23 =	sadd.s32 s24, s23  }
0xa1: {  	v5 =	vld [tilespmem:s23+$0x0];
	_ =	sdelay $0x2  }
0xa2: {  	v4 =	vbroadcast v4, $0x0  }
0xa3: {  	p0 =	por $0x1, $0x1;
	vm1 =	vmmov vm0  }
0xa4: {  	vm1 =	vmneg @p0 vm1;
	vm2 =	vge.f32 v5, v4  }
0xa5: {  	vm1 =	vmand vm1, vm2  }
0xa6: {  	v5 =	vsel vm1, $0x1, v3  }
0xa7: {  	(xrf0) =	vadd.scan.msk.s32 $0xffff, v5;
	_ =	sdelay $0x5  }
0xa8: {  	v6, _, _ =	vpop (xrf0)  }
0xa9: {  	(v2sf) =	vpush v6, $0xF;
	_ =	sdelay $0x8  }
0xaa: {  	s24 =	simm.s32 $0x80;
	v5 =	vor.u32 s1, v0  }
0xab: {  	s25 =	simm.s32 $0x20;
	s23 =	simm.s32 $0x10;
	s26 =	sand.u32 $0x1C00, s24;
	[tilespmem:s1+$0x7480] =	vst.msk vm1, v5  }
.LBB2_5:
0xac: {  	p0 =	seq.s32 s25, $0x370;
	s28 =	sand.u32 $0x70, s23;
	s26 =	sadd.s32 s26, s22  }
0xad: {  	s26 =	sadd.s32 s28, s26  }
0xae: {  	v5 =	vld [tilespmem:s26+$0x0];
	_ =	sdelay $0x1  }
0xaf: {  	s26 =	spop (v2sf)  }
0xb0: {  	s1 =	sadd.s32 s1, s26  }
0xb1: {  	vm2 =	vmmov vm0;
	p1 =	slt.s32 s1, $0x100  }
0xb2: {  	vm1 =	vge.f32 v5, v4;
	vm2 =	vmneg @p1 vm2  }
0xb3: {  	v5 =	vor.u32 s23, v0;
	s23 =	smov.u32 s25;
	vm1 =	vmand vm2, vm1  }
0xb4: {  	[tilespmem:s1+$0x7480] =	vst.msk vm1, v5;
	v5 =	vsel vm1, $0x1, v3  }
0xb5: {  	(xrf0) =	vadd.scan.msk.s32 $0xffff, v5;
	_ =	sdelay $0x5  }
0xb6: {  	v5, _, _ =	vpop (xrf0)  }
0xb7: {  	(v2sf) =	vpush v5, $0xF;
	_ =	sdelay $0x5  }
.Ltmp5:
0xb8: {  	(pc) =	sbr.rel @!p0 .LBB2_5-.Ltmp5, $3  }
0xb9: {  	_ =	sdelay $0x1  }
0xba: {  	s24 =	sadd.s32 $0x80, s24  }
0xbb: {  	s26 =	sand.u32 $0x1C00, s24;
	s25 =	sadd.s32 $0x10, s25  }
0xbc: {  	s24 =	sand.u32 $0x70, s23;
	s22 =	sadd.s32 s26, s22  }
0xbd: {  	s22 =	sadd.s32 s24, s22  }
0xbe: {  	v5 =	vld [tilespmem:s22+$0x0];
	_ =	sdelay $0x1  }
0xbf: {  	s29 =	spop (v2sf)  }
0xc0: {  	s1 =	sadd.s32 s1, s29  }
0xc1: {  	vm1 =	vmmov vm0;
	p0 =	slt.s32 s1, $0x100  }
0xc2: {  	vm2 =	vge.f32 v5, v4;
	vm1 =	vmneg @p0 vm1  }
0xc3: {  	vm1 =	vmand vm1, vm2  }
0xc4: {  	v5 =	vsel vm1, $0x1, v3  }
0xc5: {  	(xrf0) =	vadd.scan.msk.s32 $0xffff, v5;
	_ =	sdelay $0x5  }
0xc6: {  	v5, _, _ =	vpop (xrf0)  }
0xc7: {  	(v2sf) =	vpush v5, $0xF;
	v5 =	vor.u32 s23, v0  }
0xc8: {  	[tilespmem:s1+$0x7480] =	vst.msk vm1, v5  }
0xc9: {  	v5 =	vld [tilespmem:$0x7480]  }
0xca: {  	v6 =	vld [tilespmem:$0x7490]  }
0xcb: {  	v7 =	vld [tilespmem:$0x74A0]  }
0xcc: {  	s31 =	smul.u32 $0x380, s21;
	v8 =	vld [tilespmem:$0x74B0]  }
0xcd: {  	v9 =	vld [tilespmem:$0x74C0]  }
0xce: {  	v10 =	vld [tilespmem:$0x74D0];
	v5 =	vadd.s32 s31, v5  }
0xcf: {  	[tilespmem:$0x7600] =	vst v5;
	v5 =	vadd.s32 s31, v6;
	v6 =	vld [tilespmem:$0x74E0]  }
0xd0: {  	[tilespmem:$0x7610] =	vst v5;
	v5 =	vadd.s32 s31, v7;
	v7 =	vld [tilespmem:$0x74F0]  }
0xd1: {  	v58 =	vld [tilespmem:$0x7500];
	[tilespmem:$0x7620] =	vst v5;
	v5 =	vadd.s32 s31, v8  }
0xd2: {  	v59 =	vld [tilespmem:$0x7510];
	[tilespmem:$0x7630] =	vst v5;
	v5 =	vadd.s32 s31, v9  }
0xd3: {  	v60 =	vld [tilespmem:$0x7520];
	[tilespmem:$0x7640] =	vst v5;
	v5 =	vadd.s32 s31, v10  }
0xd4: {  	[tilespmem:$0x7650] =	vst v5;
	v5 =	vadd.s32 s31, v6;
	v6 =	vld [tilespmem:$0x7530]  }
0xd5: {  	[tilespmem:$0x7660] =	vst v5;
	v5 =	vadd.s32 s31, v7;
	v7 =	vld [tilespmem:$0x7540]  }
0xd6: {  	v61 =	vld [tilespmem:$0x7550];
	[tilespmem:$0x7670] =	vst v5;
	v5 =	vadd.s32 s31, v58  }
0xd7: {  	v62 =	vld [tilespmem:$0x7560];
	[tilespmem:$0x7680] =	vst v5;
	v5 =	vadd.s32 s31, v59  }
0xd8: {  	v63 =	vld [tilespmem:$0x7570];
	[tilespmem:$0x7690] =	vst v5;
	v5 =	vadd.s32 s31, v60  }
0xd9: {  	s30 =	spop (v2sf);
	[tilespmem:$0x76A0] =	vst v5;
	v5 =	vadd.s32 s31, v6;
	v6 =	vld [tilespmem:$0x7580]  }
0xda: {  	s1 =	sadd.s32 s1, s30;
	[tilespmem:$0x76B0] =	vst v5;
	v5 =	vadd.s32 s31, v7;
	v7 =	vld [tilespmem:$0x7590]  }
0xdb: {  	p0 =	sgt.s32 s1, $0x0;
	[tilespmem:$0x76C0] =	vst v5;
	v5 =	vadd.s32 s31, v61  }
.Ltmp6:
0xdc: {  	[tilespmem:$0x76D0] =	vst v5;
	v5 =	vadd.s32 s31, v62;
	(pc) =	sbr.rel @!p0 .LBB2_12-.Ltmp6, $4  }
0xdd: {  	[tilespmem:$0x76E0] =	vst v5;
	v5 =	vadd.s32 s31, v63  }
0xde: {  	[tilespmem:$0x76F0] =	vst v5;
	v5 =	vadd.s32 s31, v6  }
0xdf: {  	[tilespmem:$0x7700] =	vst v5;
	v5 =	vadd.s32 s31, v7  }
0xe0: {  	[tilespmem:$0x7710] =	vst v5  }
0xe1: {  	[tilespmem:s14], [sflag:$0x1] =	stream.indirect.gather [hbm4b:s5+s12], $0x80, s13, s12, $0xb8;
	[tilespmem:$0xFA80] =	vst v63  }
0xe2: {  	p0 =	slt.u32 s1, $0x81;
	_ =	swait.ge [sflag:s15], $0x4000  }
0xe3: {  	s22 =	simm.s32 @!p0 $0x80;
	[sflag:s15] =	ssyncset.done $0x0  }
0xe4: {  	s23 =	simm.s32 @!p0 $0x7680;
	s24 =	simm.s32 @!p0 $0xB780;
	[sflag:s15] =	ssyncadd.s32 $0xFFFFC000  }
0xe5: {  	[tilespmem:s24], [sflag:$0x1] =	stream.indirect.gather @!p0 [hbm4b:s5+s22], $0x80, s23, s22, $0xb8;
	[tilespmem:$0xFA80] =	vst v63  }
0xe6: {  	s22 =	simm.s32 @!p0 $0x1  }
0xe7: {  	_ =	swait.ge @!p0 [sflag:s22], $0x4000  }
0xe8: {  	[sflag:s22] =	ssyncset.done @!p0 $0x0  }
0xe9: {  	s31 =	simm.s32 $0x7480;
	[sflag:s22] =	ssyncadd.s32 @!p0 $0xFFFFC000  }
0xea: {  	v5 =	vld [tilespmem:s31+$0x0]  }
0xeb: {  	p1 =	sne.s32 s1, $0x1  }
.Ltmp7:
0xec: {  	_ = 	snop;
	(pc) =	sbr.rel @!p1 .LBB2_8-.Ltmp7, $4  }
0xed: {  	_ = 	snop  }
0xee: {  	s22 =	simm.s32 $0x77C0  }
0xef: {  	(v2sf) =	vpush v5, $0x0;
	v5 =	vld [tilespmem:s22+$0xFFFFFFC0]  }
0xf0: {  	s25 =	sadd.s32 $0xFFFFFFFF, s1;
	s23 =	simm.s32 $0x0;
	p0 =	por $0x0, $0x0  }
0xf1: {  	_ =	sdelay $0x1  }
0xf2: {  	p0 =	por $0x1, $0x1;
	vm1 =	vmmov vm0  }
0xf3: {  	vm1 =	vmneg @p0 vm1;
	vm2 =	vge.f32 v5, v4  }
0xf4: {  	vm1 =	vmand vm1, vm2  }
0xf5: {  	v6 =	vsel vm1, $0x1, v3  }
0xf6: {  	(xrf0) =	vadd.scan.msk.s32 $0xffff, v6;
	_ =	sdelay $0x5  }
0xf7: {  	v6, _, _ =	vpop (xrf0)  }
0xf8: {  	(v2sf) =	vpush v6, $0xF;
	_ =	sdelay $0x8  }
0xf9: {  	s1 =	spop (v2sf)  }
0xfa: {  	s24 =	sshll.u32 s1, $0x7  }
0xfb: {  	[tilespmem:s23+$0xF780] =	vst.msk vm1, v5;
	v6 =	vor.u32 s24, v0  }
0xfc: {  	[tilespmem:s23+$0xF900] =	vst.msk vm1, v6  }
0xfd: {  	v5 =	vld [tilespmem:s22+$0xFFFFFFD0];
	_ =	sdelay $0x1  }
0xfe: {  	s2 =	spop (v2sf)  }
0xff: {  	s1 =	sadd.s32 $0x0, s2  }
0x100: {  	vm1 =	vmmov vm0;
	p0 =	slt.s32 s1, $0x100  }
0x101: {  	vm2 =	vge.f32 v5, v4;
	vm1 =	vmneg @p0 vm1  }
0x102: {  	vm1 =	vmand vm2, vm1  }
0x103: {  	v6 =	vsel vm1, $0x1, v3  }
0x104: {  	(xrf0) =	vadd.scan.msk.s32 $0xffff, v6;
	_ =	sdelay $0x5  }
0x105: {  	v6, _, _ =	vpop (xrf0)  }
0x106: {  	(v2sf) =	vpush v6, $0xF;
	_ =	sdelay $0x9  }
0x107: {  	s26 =	sor.u32 $0x10, s24  }
0x108: {  	[tilespmem:s1+$0xF780] =	vst.msk vm1, v5;
	v6 =	vor.u32 s26, v0  }
0x109: {  	[tilespmem:s1+$0xF900] =	vst.msk vm1, v6  }
0x10a: {  	v5 =	vld [tilespmem:s22+$0xFFFFFFE0];
	_ =	sdelay $0x1  }
0x10b: {  	s10 =	spop (v2sf)  }
0x10c: {  	s1 =	sadd.s32 s1, s10  }
0x10d: {  	vm1 =	vmmov vm0;
	p0 =	slt.s32 s1, $0x100  }
0x10e: {  	vm2 =	vge.f32 v5, v4;
	vm1 =	vmneg @p0 vm1  }
0x10f: {  	vm1 =	vmand vm2, vm1  }
0x110: {  	v6 =	vsel vm1, $0x1, v3  }
0x111: {  	(xrf0) =	vadd.scan.msk.s32 $0xffff, v6;
	_ =	sdelay $0x5  }
0x112: {  	v6, _, _ =	vpop (xrf0)  }
0x113: {  	(v2sf) =	vpush v6, $0xF;
	_ =	sdelay $0x9  }
0x114: {  	s28 =	sor.u32 $0x20, s24  }
0x115: {  	[tilespmem:s1+$0xF780] =	vst.msk vm1, v5;
	v6 =	vor.u32 s28, v0  }
0x116: {  	[tilespmem:s1+$0xF900] =	vst.msk vm1, v6  }
0x117: {  	v5 =	vld [tilespmem:s22+$0xFFFFFFF0];
	_ =	sdelay $0x1  }
0x118: {  	s29 =	spop (v2sf)  }
0x119: {  	s1 =	sadd.s32 s1, s29  }
0x11a: {  	vm1 =	vmmov vm0;
	p0 =	slt.s32 s1, $0x100  }
0x11b: {  	vm2 =	vge.f32 v5, v4;
	vm1 =	vmneg @p0 vm1  }
0x11c: {  	vm1 =	vmand vm2, vm1  }
0x11d: {  	v6 =	vsel vm1, $0x1, v3  }
0x11e: {  	(xrf0) =	vadd.scan.msk.s32 $0xffff, v6;
	_ =	sdelay $0x5  }
0x11f: {  	v6, _, _ =	vpop (xrf0)  }
0x120: {  	(v2sf) =	vpush v6, $0xF;
	_ =	sdelay $0x9  }
0x121: {  	s30 =	sor.u32 $0x30, s24  }
0x122: {  	[tilespmem:s1+$0xF780] =	vst.msk vm1, v5;
	v6 =	vor.u32 s30, v0  }
0x123: {  	[tilespmem:s1+$0xF900] =	vst.msk vm1, v6  }
0x124: {  	v5 =	vld [tilespmem:s22+$0x0];
	_ =	sdelay $0x1  }
0x125: {  	s31 =	spop (v2sf)  }
0x126: {  	s1 =	sadd.s32 s1, s31  }
0x127: {  	vm1 =	vmmov vm0;
	p0 =	slt.s32 s1, $0x100  }
0x128: {  	vm2 =	vge.f32 v5, v4;
	vm1 =	vmneg @p0 vm1  }
0x129: {  	vm1 =	vmand vm2, vm1  }
0x12a: {  	v6 =	vsel vm1, $0x1, v3  }
0x12b: {  	(xrf0) =	vadd.scan.msk.s32 $0xffff, v6;
	_ =	sdelay $0x5  }
0x12c: {  	v6, _, _ =	vpop (xrf0)  }
0x12d: {  	(v2sf) =	vpush v6, $0xF;
	_ =	sdelay $0x9  }
0x12e: {  	s0 =	sor.u32 $0x40, s24  }
0x12f: {  	[tilespmem:s1+$0xF780] =	vst.msk vm1, v5;
	v6 =	vor.u32 s0, v0  }
0x130: {  	[tilespmem:s1+$0xF900] =	vst.msk vm1, v6  }
0x131: {  	v5 =	vld [tilespmem:s22+$0x10];
	_ =	sdelay $0x1  }
0x132: {  	s2 =	spop (v2sf)  }
0x133: {  	s1 =	sadd.s32 s1, s2  }
0x134: {  	vm1 =	vmmov vm0;
	p0 =	slt.s32 s1, $0x100  }
0x135: {  	vm2 =	vge.f32 v5, v4;
	vm1 =	vmneg @p0 vm1  }
0x136: {  	vm1 =	vmand vm2, vm1  }
0x137: {  	v6 =	vsel vm1, $0x1, v3  }
0x138: {  	(xrf0) =	vadd.scan.msk.s32 $0xffff, v6;
	_ =	sdelay $0x5  }
0x139: {  	v6, _, _ =	vpop (xrf0)  }
0x13a: {  	(v2sf) =	vpush v6, $0xF;
	_ =	sdelay $0x9  }
0x13b: {  	s10 =	sor.u32 $0x50, s24  }
0x13c: {  	[tilespmem:s1+$0xF780] =	vst.msk vm1, v5;
	v6 =	vor.u32 s10, v0  }
0x13d: {  	[tilespmem:s1+$0xF900] =	vst.msk vm1, v6  }
0x13e: {  	v5 =	vld [tilespmem:s22+$0x20];
	_ =	sdelay $0x1  }
0x13f: {  	s28 =	spop (v2sf)  }
0x140: {  	s1 =	sadd.s32 s1, s28  }
0x141: {  	vm1 =	vmmov vm0;
	p0 =	slt.s32 s1, $0x100  }
0x142: {  	vm2 =	vge.f32 v5, v4;
	vm1 =	vmneg @p0 vm1  }
0x143: {  	vm1 =	vmand vm2, vm1  }
0x144: {  	v6 =	vsel vm1, $0x1, v3  }
0x145: {  	(xrf0) =	vadd.scan.msk.s32 $0xffff, v6;
	_ =	sdelay $0x5  }
0x146: {  	v6, _, _ =	vpop (xrf0)  }
0x147: {  	(v2sf) =	vpush v6, $0xF;
	_ =	sdelay $0x9  }
0x148: {  	s29 =	sor.u32 $0x60, s24  }
0x149: {  	[tilespmem:s1+$0xF780] =	vst.msk vm1, v5;
	v6 =	vor.u32 s29, v0  }
0x14a: {  	[tilespmem:s1+$0xF900] =	vst.msk vm1, v6  }
0x14b: {  	v5 =	vld [tilespmem:s22+$0x30];
	_ =	sdelay $0x1  }
0x14c: {  	s30 =	spop (v2sf)  }
0x14d: {  	s1 =	sadd.s32 s1, s30  }
0x14e: {  	vm1 =	vmmov vm0;
	p0 =	slt.s32 s1, $0x100  }
0x14f: {  	vm2 =	vge.f32 v5, v4;
	vm1 =	vmneg @p0 vm1  }
0x150: {  	vm1 =	vmand vm2, vm1  }
0x151: {  	v6 =	vsel vm1, $0x1, v3  }
0x152: {  	(xrf0) =	vadd.scan.msk.s32 $0xffff, v6;
	_ =	sdelay $0x5  }
0x153: {  	s31 =	sor.u32 $0x70, s24;
	v6, _, _ =	vpop (xrf0)  }
0x154: {  	[tilespmem:s1+$0xF780] =	vst.msk vm1, v5;
	(v2sf) =	vpush v6, $0xF;
	v6 =	vor.u32 s31, v0  }
0x155: {  	s24 =	simm.s32 $0x7481;
	[tilespmem:s1+$0xF900] =	vst.msk vm1, v6  }
0x156: {  	v5 =	vld [tilespmem:s24+$0x0];
	_ =	sdelay $0x4  }
0x157: {  	(v2sf) =	vpush v5, $0x0;
	_ =	sdelay $0x6  }
0x158: {  	p1 =	sne.s32 s25, $0x1  }
.Ltmp8:
0x159: {  	_ = 	snop;
	(pc) =	sbr.rel @!p1 .LBB2_11-.Ltmp8, $3  }
0x15a: {  	s22 =	simm.s32 $0x7840  }
0x15b: {  	v5 =	vld [tilespmem:s22+$0xFFFFFFC0];
	_ =	sdelay $0x1  }
0x15c: {  	s25 =	sadd.s32 $0xFFFFFFFF, s25;
	p0 =	por $0x1, $0x1;
	s26 =	spop (v2sf)  }
.LBB2_10:
0x15d: {  	p1 =	sne.s32 s25, $0x1;
	s25 =	sadd.s32 $0xFFFFFFFF, s25;
	s0 =	sadd.s32 s1, s26  }
0x15e: {  	vm2 =	vmmov vm0;
	p2 =	slt.s32 s0, $0x100  }
0x15f: {  	vm1 =	vge.f32 v5, v4;
	vm2 =	vmneg @p2 vm2;
	s1 =	spop (v2sf)  }
0x160: {  	s26 =	sshll.u32 s1, $0x7;
	vm1 =	vmand vm2, vm1  }
0x161: {  	v6 =	vor.u32 s26, v0;
	[tilespmem:s0+$0xF780] =	vst.msk vm1, v5;
	v5 =	vsel vm1, $0x1, v3;
	s2 =	sor.u32 $0x10, s26;
	s1 =	sor.u32 $0x20, s26;
	s31 =	sor.u32 $0x30, s26  }
0x162: {  	s30 =	sor.u32 $0x40, s26;
	s29 =	sor.u32 $0x50, s26;
	s28 =	sor.u32 $0x60, s26;
	[tilespmem:s0+$0xF900] =	vst.msk vm1, v6;
	(xrf0) =	vadd.scan.msk.s32 $0xffff, v5  }
0x163: {  	s26 =	sor.u32 $0x70, s26;
	v5 =	vld [tilespmem:s22+$0xFFFFFFD0];
	_ =	sdelay $0x4  }
0x164: {  	v6, _, _ =	vpop (xrf0)  }
0x165: {  	(v2sf) =	vpush v6, $0xF;
	_ =	sdelay $0xe  }
0x166: {  	s10 =	spop (v2sf)  }
0x167: {  	s0 =	sadd.s32 s0, s10  }
0x168: {  	vm2 =	vmmov vm0;
	p2 =	slt.s32 s0, $0x100  }
0x169: {  	vm1 =	vge.f32 v5, v4;
	vm2 =	vmneg @p2 vm2  }
0x16a: {  	vm1 =	vmand vm1, vm2  }
0x16b: {  	v6 =	vor.u32 s2, v0;
	[tilespmem:s0+$0xF780] =	vst.msk vm1, v5;
	v5 =	vsel vm1, $0x1, v3  }
0x16c: {  	[tilespmem:s0+$0xF900] =	vst.msk vm1, v6;
	(xrf0) =	vadd.scan.msk.s32 $0xffff, v5  }
0x16d: {  	v5 =	vld [tilespmem:s22+$0xFFFFFFE0];
	_ =	sdelay $0x4  }
0x16e: {  	v6, _, _ =	vpop (xrf0)  }
0x16f: {  	(v2sf) =	vpush v6, $0xF;
	_ =	sdelay $0xe  }
0x170: {  	s2 =	spop (v2sf)  }
0x171: {  	s0 =	sadd.s32 s0, s2  }
0x172: {  	vm2 =	vmmov vm0;
	p2 =	slt.s32 s0, $0x100  }
0x173: {  	vm1 =	vge.f32 v5, v4;
	vm2 =	vmneg @p2 vm2  }
0x174: {  	vm1 =	vmand vm1, vm2  }
0x175: {  	v6 =	vor.u32 s1, v0;
	[tilespmem:s0+$0xF780] =	vst.msk vm1, v5;
	v5 =	vsel vm1, $0x1, v3  }
0x176: {  	[tilespmem:s0+$0xF900] =	vst.msk vm1, v6;
	(xrf0) =	vadd.scan.msk.s32 $0xffff, v5  }
0x177: {  	v5 =	vld [tilespmem:s22+$0xFFFFFFF0];
	_ =	sdelay $0x4  }
0x178: {  	v6, _, _ =	vpop (xrf0)  }
0x179: {  	(v2sf) =	vpush v6, $0xF;
	_ =	sdelay $0xe  }
0x17a: {  	s1 =	spop (v2sf)  }
0x17b: {  	s0 =	sadd.s32 s0, s1  }
0x17c: {  	vm2 =	vmmov vm0;
	p2 =	slt.s32 s0, $0x100  }
0x17d: {  	vm1 =	vge.f32 v5, v4;
	vm2 =	vmneg @p2 vm2  }
0x17e: {  	vm1 =	vmand vm1, vm2  }
0x17f: {  	v6 =	vor.u32 s31, v0;
	[tilespmem:s0+$0xF780] =	vst.msk vm1, v5;
	v5 =	vsel vm1, $0x1, v3  }
0x180: {  	[tilespmem:s0+$0xF900] =	vst.msk vm1, v6;
	(xrf0) =	vadd.scan.msk.s32 $0xffff, v5  }
0x181: {  	v5 =	vld [tilespmem:s22+$0x0];
	_ =	sdelay $0x4  }
0x182: {  	v6, _, _ =	vpop (xrf0)  }
0x183: {  	(v2sf) =	vpush v6, $0xF;
	_ =	sdelay $0xe  }
0x184: {  	s1 =	spop (v2sf)  }
0x185: {  	s0 =	sadd.s32 s0, s1  }
0x186: {  	vm2 =	vmmov vm0;
	p2 =	slt.s32 s0, $0x100  }
0x187: {  	vm1 =	vge.f32 v5, v4;
	vm2 =	vmneg @p2 vm2  }
0x188: {  	vm1 =	vmand vm1, vm2  }
0x189: {  	v6 =	vor.u32 s30, v0;
	[tilespmem:s0+$0xF780] =	vst.msk vm1, v5;
	v5 =	vsel vm1, $0x1, v3  }
0x18a: {  	[tilespmem:s0+$0xF900] =	vst.msk vm1, v6;
	(xrf0) =	vadd.scan.msk.s32 $0xffff, v5  }
0x18b: {  	v5 =	vld [tilespmem:s22+$0x10];
	_ =	sdelay $0x4  }
0x18c: {  	v6, _, _ =	vpop (xrf0)  }
0x18d: {  	(v2sf) =	vpush v6, $0xF;
	_ =	sdelay $0xe  }
0x18e: {  	s1 =	spop (v2sf)  }
0x18f: {  	s0 =	sadd.s32 s0, s1  }
0x190: {  	vm2 =	vmmov vm0;
	p2 =	slt.s32 s0, $0x100  }
0x191: {  	vm1 =	vge.f32 v5, v4;
	vm2 =	vmneg @p2 vm2  }
0x192: {  	vm1 =	vmand vm1, vm2  }
0x193: {  	v6 =	vor.u32 s29, v0;
	[tilespmem:s0+$0xF780] =	vst.msk vm1, v5;
	v5 =	vsel vm1, $0x1, v3  }
0x194: {  	[tilespmem:s0+$0xF900] =	vst.msk vm1, v6;
	(xrf0) =	vadd.scan.msk.s32 $0xffff, v5  }
0x195: {  	v5 =	vld [tilespmem:s22+$0x20];
	_ =	sdelay $0x4  }
0x196: {  	v6, _, _ =	vpop (xrf0)  }
0x197: {  	(v2sf) =	vpush v6, $0xF;
	_ =	sdelay $0xe  }
0x198: {  	s1 =	spop (v2sf)  }
0x199: {  	s0 =	sadd.s32 s0, s1  }
0x19a: {  	vm2 =	vmmov vm0;
	p2 =	slt.s32 s0, $0x100  }
0x19b: {  	vm1 =	vge.f32 v5, v4;
	vm2 =	vmneg @p2 vm2  }
0x19c: {  	vm1 =	vmand vm1, vm2  }
0x19d: {  	v6 =	vor.u32 s28, v0;
	[tilespmem:s0+$0xF780] =	vst.msk vm1, v5;
	v5 =	vsel vm1, $0x1, v3  }
0x19e: {  	[tilespmem:s0+$0xF900] =	vst.msk vm1, v6;
	(xrf0) =	vadd.scan.msk.s32 $0xffff, v5  }
0x19f: {  	v5 =	vld [tilespmem:s22+$0x30];
	_ =	sdelay $0x4  }
0x1a0: {  	v6, _, _ =	vpop (xrf0)  }
0x1a1: {  	(v2sf) =	vpush v6, $0xF;
	_ =	sdelay $0xe  }
0x1a2: {  	s1 =	spop (v2sf)  }
0x1a3: {  	s1 =	sadd.s32 s0, s1  }
0x1a4: {  	vm2 =	vmmov vm0;
	p2 =	slt.s32 s1, $0x100  }
0x1a5: {  	vm1 =	vge.f32 v5, v4;
	vm2 =	vmneg @p2 vm2  }
0x1a6: {  	vm1 =	vmand vm1, vm2  }
0x1a7: {  	v6 =	vor.u32 s26, v0;
	[tilespmem:s1+$0xF780] =	vst.msk vm1, v5;
	v5 =	vsel vm1, $0x1, v3  }
0x1a8: {  	[tilespmem:s1+$0xF900] =	vst.msk vm1, v6;
	(xrf0) =	vadd.scan.msk.s32 $0xffff, v5;
	_ =	sdelay $0x3  }
0x1a9: {  	s24 =	sadd.s32 $0x1, s24  }
0x1aa: {  	v5 =	vld [tilespmem:s24+$0x0]  }
0x1ab: {  	v6, _, _ =	vpop (xrf0)  }
0x1ac: {  	(v2sf) =	vpush v6, $0xF;
	_ =	sdelay $0x2  }
0x1ad: {  	(v2sf) =	vpush v5, $0x0;
	_ =	sdelay $0x7  }
.Ltmp9:
0x1ae: {  	(pc) =	sbr.rel @p1 .LBB2_10-.Ltmp9, $3  }
0x1af: {  	s22 =	sadd.s32 $0x80, s22  }
0x1b0: {  	v5 =	vld [tilespmem:s22+$0xFFFFFFC0];
	_ =	sdelay $0x1  }
0x1b1: {  	s26 =	spop (v2sf)  }
.Ltmp10:
0x1b2: {  	_ = 	snop;
	(pc) =	sbr.rel .LBB2_11-.Ltmp10, $1  }
0x1b3: {  	_ =	sdelay $0x3  }
.LBB2_14:
0x1b4: {  	_ =	sfence.sel $0x180000  }
0x1b5: {  	[bflag:$0x0] =	sbarrier.arrive $0xFFFF  }
0x1b6: {  	_ =	strace $0x90000047  }
0x1b7: {  	s0 =	stileid.u32;
	[bflag:$0x2] =	sbarrier.arrive $0xFFFF  }
0x1b8: {  	p0 =	sne.s32 s0, $0x0;
	s0 =	rddreg [dreg:$0x2]  }
0x1b9: {  	s0 =	sadd.s32 @!p0 $0x100000, s0  }
0x1ba: {  	[sflag:s0] =	ssyncadd.tile.s32 @!p0 $0x1;
	_ =	shalt  }
.Lfunc_end2:
_tile_overlayer_lowered:
.L_overlay_start_2:
0x1bb: {  	(tag) =	ssettag $0x2  }
0x1bc: {  	s0 =	rddreg [dreg:$0x0];
	s2 =	stileid.u32  }
0x1bd: {  	s1 =	rddreg [dreg:$0x1];
	p0 =	sne.s32 s2, $0x0  }
0x1be: {  	s3 =	rddreg [dreg:$0x2];
	[bflag:$0x3] =	sbarrier.arrive $0xFFFF;
	s2 =	simm.s32 @!p0 $0x1C02  }
0x1bf: {  	[timem:s3], [sflag:s2] =	dma.local @!p0 [hbm:s0], s1  }
0x1c0: {  	s0 =	simm.s32 @!p0 $0x2  }
0x1c1: {  	_ =	swait.ge @!p0 [sflag:s0], s1  }
0x1c2: {  	s1 =	ssub.s32 @!p0 $0x0, s1;
	[sflag:s0] =	ssyncset.done @!p0 $0x0  }
0x1c3: {  	[sflag:s0] =	ssyncadd.s32 @!p0 s1  }
0x1c4: {  	[bflag:$0x3] =	sbarrier.arrive $0xFFFF  }
0x1c5: {  	_ =	shalt  }

</sc_bundles>
